<compile_context>
chip_gen: v7x
topology: tpu7x:2x2x1
jax: 0.10.2.dev20260603
libtpu: 0.0.44.dev20260713+nightly
codegen_flags: <defaults>
</compile_context>

<pallas_src>
import functools

import jax
import jax.numpy as jnp
from jax import lax
from jax.experimental import pallas as pl
from jax.experimental.pallas import tpu as pltpu
from jax.experimental.pallas import tpu_sc as plsc

D = 32
K = 10
LANES = 16
NC, NS = 2, 16
NW = NC * NS
NOUT = K + 1


def _sc_body(users_hbm, pos_hbm, neg_hbm, utab_hbm, itab_hbm, out_hbm,
             uidx_v, pidx_v, nidx_v, urows_v, prows_v, nrows_v, out_v, sem,
             *, bpw):
    wid = lax.axis_index("s") * NC + lax.axis_index("c")
    base = wid * bpw

    pltpu.sync_copy(users_hbm.at[pl.ds(base, bpw)], uidx_v)
    pltpu.sync_copy(pos_hbm.at[pl.ds(base, bpw)], pidx_v)
    pltpu.sync_copy(neg_hbm.at[pl.ds(wid * K, K)], nidx_v)

    cps = [pltpu.async_copy(utab_hbm.at[uidx_v], urows_v, sem),
           pltpu.async_copy(itab_hbm.at[pidx_v], prows_v, sem)]
    for j in range(K):
        cps.append(pltpu.async_copy(itab_hbm.at[nidx_v.at[j]],
                                    nrows_v.at[j], sem))
    for cp in cps:
        cp.wait()

    for g in range(bpw // LANES):
        b_idx = lax.iota(jnp.int32, LANES) + g * LANES
        sh = (bpw - 1).bit_length()
        nj = [((b_idx * K + k) >> sh, (b_idx * K + k) & (bpw - 1))
              for k in range(K)]

        def dim_step(d, accs, nj=nj, b_idx=b_idx):
            dspl = jnp.full((LANES,), d, jnp.int32)
            u = plsc.load_gather(urows_v, [b_idx, dspl])
            p = plsc.load_gather(prows_v, [b_idx, dspl])
            new = [accs[0] + u * p]
            for k in range(K):
                n = plsc.load_gather(nrows_v, [nj[k][0], nj[k][1], dspl])
                new.append(accs[k + 1] + u * n)
            return tuple(new)

        zeros = tuple(jnp.zeros((LANES,), jnp.float32) for _ in range(NOUT))
        accs = lax.fori_loop(0, D, dim_step, zeros)
        for k in range(NOUT):
            plsc.store_scatter(out_v, [b_idx, jnp.full((LANES,), k, jnp.int32)],
                               accs[k])

    pltpu.sync_copy(out_v, out_hbm.at[pl.ds(base, bpw)])


def kernel(users, pos_items, neg_items, user_table, item_table):
    batch = users.shape[0]
    bpw = batch // NW
    neg2d = neg_items.reshape(batch * K // bpw, bpw)

    mesh = plsc.VectorSubcoreMesh(core_axis_name="c", subcore_axis_name="s")
    run = functools.partial(
        pl.kernel,
        mesh=mesh,
        compiler_params=pltpu.CompilerParams(
            needs_layout_passes=False, use_tc_tiling_on_sc=False),
        out_type=jax.ShapeDtypeStruct((batch, NOUT), jnp.float32),
        scratch_types=[
            pltpu.VMEM((bpw,), jnp.int32),
            pltpu.VMEM((bpw,), jnp.int32),
            pltpu.VMEM((K, bpw), jnp.int32),
            pltpu.VMEM((bpw, D), jnp.float32),
            pltpu.VMEM((bpw, D), jnp.float32),
            pltpu.VMEM((K, bpw, D), jnp.float32),
            pltpu.VMEM((bpw, NOUT), jnp.float32),
            pltpu.SemaphoreType.DMA,
        ],
    )(functools.partial(_sc_body, bpw=bpw))
    return run(users, pos_items, neg2d, user_table, item_table)

# --- scband reference (transcript-rebuilt; emitter-appended) ---
"""Pipeline reference for scband-ultra-gcn-4131758539321 (READ-ONLY COPY).

The authoritative reference and input builder live on the scoring server;
editing this copy changes nothing except your own understanding.
"""

import jax, jax.numpy as jnp
import numpy as np

N_USERS = 1000000
N_ITEMS = 1000000
EMBED_DIM = 32
BATCH = 4096
NEG_NUM = 10

def setup_inputs(seed: int = 0) -> dict:
    key = jax.random.key(seed)
    k1, k2, k3, k4, k5 = jax.random.split(key, 5)
    users = jax.random.randint(k1, (BATCH,), 0, N_USERS, dtype=jnp.int64 if jax.config.jax_enable_x64 else jnp.int32).astype(jnp.int32)
    pos_items = jax.random.randint(k2, (BATCH,), 0, N_ITEMS).astype(jnp.int32)
    neg_items = jax.random.randint(k3, (BATCH, NEG_NUM), 0, N_ITEMS).astype(jnp.int32)
    user_table = (jax.random.normal(k4, (N_USERS, EMBED_DIM), dtype=jnp.float32) * 0.1)
    item_table = (jax.random.normal(k5, (N_ITEMS, EMBED_DIM), dtype=jnp.float32) * 0.1)
    return {"users": users, "pos_items": pos_items, "neg_items": neg_items, "user_table": user_table, "item_table": item_table}

def reference(users, pos_items, neg_items, user_table, item_table):
    # UltraGCN scoring forward (core of cal_loss_L / training step):
    # embedding lookups for users, positive items, and sampled negative items,
    # followed by per-pair dot-product scores.
    user_embeds = jnp.take(user_table, users, axis=0)            # [B, D]
    pos_embeds = jnp.take(item_table, pos_items, axis=0)         # [B, D]
    neg_embeds = jnp.take(item_table, neg_items, axis=0)         # [B, K, D]
    pos_scores = jnp.sum(user_embeds * pos_embeds, axis=-1)      # [B]
    neg_scores = jnp.sum(user_embeds[:, None, :] * neg_embeds, axis=-1)  # [B, K]
    scores = jnp.concatenate([pos_scores[:, None], neg_scores], axis=1)  # [B, 1+K]
    return scores

if __name__ == "__main__":
    import jax
    _d = setup_inputs()
    print(jax.jit(kernel)(*tuple(_d.values())))

</pallas_src>

<mosaic_0001>
#map = affine_map<(d0, d1) -> (0)>
#map1 = affine_map<(d0, d1) -> (0, 0)>
module attributes {stable_mosaic.version = 14 : i64} {
  func.func @_sc_body(%arg0: i32, %arg1: i32, %arg2: memref<4096xi32, #tpu.memory_space<hbm>>, %arg3: memref<4096xi32, #tpu.memory_space<hbm>>, %arg4: memref<320x128xi32, #tpu.memory_space<hbm>>, %arg5: memref<1000000x32xf32, #tpu.memory_space<hbm>>, %arg6: memref<1000000x32xf32, #tpu.memory_space<hbm>>, %arg7: memref<4096x11xf32, #tpu.memory_space<hbm>>, %arg8: memref<128xi32, #tpu.memory_space<vmem>>, %arg9: memref<128xi32, #tpu.memory_space<vmem>>, %arg10: memref<10x128xi32, #tpu.memory_space<vmem>>, %arg11: memref<128x32xf32, #tpu.memory_space<vmem>>, %arg12: memref<128x32xf32, #tpu.memory_space<vmem>>, %arg13: memref<10x128x32xf32, #tpu.memory_space<vmem>>, %arg14: memref<128x11xf32, #tpu.memory_space<vmem>>, %arg15: memref<!tpu.dma_semaphore, #tpu.memory_space<semaphore_mem>>) attributes {dimension_semantics = [#tpu.dimension_semantics<core_parallel>, #tpu.dimension_semantics<subcore_parallel>], iteration_bounds = array<i64: 2, 16>, scalar_prefetch = 0 : i64, scratch_operands = 8 : i64, tpu.core_type = #tpu.core_type<sc_vector_subcore>, window_params = [{transform_indices = #map}, {transform_indices = #map}, {transform_indices = #map1}, {transform_indices = #map1}, {transform_indices = #map1}, {transform_indices = #map1}]} {
    %mul3A = arith.constant 2 : i32
    %mul3A_0 = arith.muli %arg1, %mul3A : i32
    %add3A = arith.addi %mul3A_0, %arg0 : i32
    %mul3A_1 = arith.constant 128 : i32
    %mul3A_2 = arith.muli %add3A, %mul3A_1 : i32
    "tpu.region"() ({
      %run_scoped3A = tpu.sem_alloc : memref<!tpu.dma_semaphore, #tpu.memory_space<semaphore_mem>>
      %dma_start3A_2122 = tpu.memref_slice %arg2[%mul3A_2] : memref<4096xi32, #tpu.memory_space<hbm>> -> memref<128xi32, #tpu.memory_space<hbm>>
      %dma_start3A_2123 = tpu.memref_slice %arg2[%mul3A_2] : memref<4096xi32, #tpu.memory_space<hbm>> -> memref<128xi32, #tpu.memory_space<hbm>>
      tpu.enqueue_dma source(%dma_start3A_2123 : memref<128xi32, #tpu.memory_space<hbm>>) target(%arg8 : memref<128xi32, #tpu.memory_space<vmem>>) target_semaphore(%run_scoped3A : memref<!tpu.dma_semaphore, #tpu.memory_space<semaphore_mem>>)
      %dma_wait3A_2124 = tpu.memref_slice %arg2[%mul3A_2] : memref<4096xi32, #tpu.memory_space<hbm>> -> memref<128xi32, #tpu.memory_space<hbm>>
      %dma_wait3A_2125 = tpu.memref_slice %arg2[%mul3A_2] : memref<4096xi32, #tpu.memory_space<hbm>> -> memref<128xi32, #tpu.memory_space<hbm>>
      tpu.wait_dma2 semaphore(%run_scoped3A : memref<!tpu.dma_semaphore, #tpu.memory_space<semaphore_mem>>) src(%dma_wait3A_2125 : memref<128xi32, #tpu.memory_space<hbm>>) dst(%arg8 : memref<128xi32, #tpu.memory_space<vmem>>)
      tpu.yield
    }) : () -> ()
    "tpu.region"() ({
      %run_scoped3A = tpu.sem_alloc : memref<!tpu.dma_semaphore, #tpu.memory_space<semaphore_mem>>
      %dma_start3A_2122 = tpu.memref_slice %arg3[%mul3A_2] : memref<4096xi32, #tpu.memory_space<hbm>> -> memref<128xi32, #tpu.memory_space<hbm>>
      %dma_start3A_2123 = tpu.memref_slice %arg3[%mul3A_2] : memref<4096xi32, #tpu.memory_space<hbm>> -> memref<128xi32, #tpu.memory_space<hbm>>
      tpu.enqueue_dma source(%dma_start3A_2123 : memref<128xi32, #tpu.memory_space<hbm>>) target(%arg9 : memref<128xi32, #tpu.memory_space<vmem>>) target_semaphore(%run_scoped3A : memref<!tpu.dma_semaphore, #tpu.memory_space<semaphore_mem>>)
      %dma_wait3A_2124 = tpu.memref_slice %arg3[%mul3A_2] : memref<4096xi32, #tpu.memory_space<hbm>> -> memref<128xi32, #tpu.memory_space<hbm>>
      %dma_wait3A_2125 = tpu.memref_slice %arg3[%mul3A_2] : memref<4096xi32, #tpu.memory_space<hbm>> -> memref<128xi32, #tpu.memory_space<hbm>>
      tpu.wait_dma2 semaphore(%run_scoped3A : memref<!tpu.dma_semaphore, #tpu.memory_space<semaphore_mem>>) src(%dma_wait3A_2125 : memref<128xi32, #tpu.memory_space<hbm>>) dst(%arg9 : memref<128xi32, #tpu.memory_space<vmem>>)
      tpu.yield
    }) : () -> ()
    %mul3A_3 = arith.constant 10 : i32
    %mul3A_4 = arith.muli %add3A, %mul3A_3 : i32
    "tpu.region"() ({
      %run_scoped3A = tpu.sem_alloc : memref<!tpu.dma_semaphore, #tpu.memory_space<semaphore_mem>>
      %dma_start3A_2122 = arith.constant 0 : i32
      %dma_start3A_2123 = tpu.memref_slice %arg4[%mul3A_4, %dma_start3A_2122] : memref<320x128xi32, #tpu.memory_space<hbm>> -> memref<10x128xi32, #tpu.memory_space<hbm>>
      %dma_start3A_2124 = arith.constant 0 : i32
      %dma_start3A_2125 = tpu.memref_slice %arg4[%mul3A_4, %dma_start3A_2124] : memref<320x128xi32, #tpu.memory_space<hbm>> -> memref<10x128xi32, #tpu.memory_space<hbm>>
      tpu.enqueue_dma source(%dma_start3A_2125 : memref<10x128xi32, #tpu.memory_space<hbm>>) target(%arg10 : memref<10x128xi32, #tpu.memory_space<vmem>>) target_semaphore(%run_scoped3A : memref<!tpu.dma_semaphore, #tpu.memory_space<semaphore_mem>>)
      %dma_wait3A_2126 = arith.constant 0 : i32
      %dma_wait3A_2127 = tpu.memref_slice %arg4[%mul3A_4, %dma_wait3A_2126] : memref<320x128xi32, #tpu.memory_space<hbm>> -> memref<10x128xi32, #tpu.memory_space<hbm>>
      %dma_wait3A_2128 = arith.constant 0 : i32
      %dma_wait3A_2129 = tpu.memref_slice %arg4[%mul3A_4, %dma_wait3A_2128] : memref<320x128xi32, #tpu.memory_space<hbm>> -> memref<10x128xi32, #tpu.memory_space<hbm>>
      tpu.wait_dma2 semaphore(%run_scoped3A : memref<!tpu.dma_semaphore, #tpu.memory_space<semaphore_mem>>) src(%dma_wait3A_2129 : memref<10x128xi32, #tpu.memory_space<hbm>>) dst(%arg10 : memref<10x128xi32, #tpu.memory_space<vmem>>)
      tpu.yield
    }) : () -> ()
    %dma_start3A = arith.constant 0 : i32
    %dma_start3A_5 = arith.constant 0 : i32
    %dma_start3A_6 = tpu.memref_slice %arg5[%dma_start3A, %dma_start3A_5] : memref<1000000x32xf32, #tpu.memory_space<hbm>> -> memref<1000000x32xf32, #tpu.memory_space<hbm>>
    tpu.enqueue_indirect_dma source(%dma_start3A_6 : memref<1000000x32xf32, #tpu.memory_space<hbm>>) target(%arg11 : memref<128x32xf32, #tpu.memory_space<vmem>>) offsets(%arg8 : memref<128xi32, #tpu.memory_space<vmem>>) semaphore(%arg15 : memref<!tpu.dma_semaphore, #tpu.memory_space<semaphore_mem>>)
    %dma_start3A_7 = arith.constant 0 : i32
    %dma_start3A_8 = arith.constant 0 : i32
    %dma_start3A_9 = tpu.memref_slice %arg6[%dma_start3A_7, %dma_start3A_8] : memref<1000000x32xf32, #tpu.memory_space<hbm>> -> memref<1000000x32xf32, #tpu.memory_space<hbm>>
    tpu.enqueue_indirect_dma source(%dma_start3A_9 : memref<1000000x32xf32, #tpu.memory_space<hbm>>) target(%arg12 : memref<128x32xf32, #tpu.memory_space<vmem>>) offsets(%arg9 : memref<128xi32, #tpu.memory_space<vmem>>) semaphore(%arg15 : memref<!tpu.dma_semaphore, #tpu.memory_space<semaphore_mem>>)
    %dma_start3A_10 = arith.constant 0 : i32
    %dma_start3A_11 = arith.constant 0 : i32
    %dma_start3A_12 = arith.constant 0 : i32
    %dma_start3A_13 = arith.constant 0 : i32
    %dma_start3A_14 = tpu.memref_slice %arg13[%dma_start3A_11, %dma_start3A_12, %dma_start3A_13] : memref<10x128x32xf32, #tpu.memory_space<vmem>> -> memref<1x128x32xf32, #tpu.memory_space<vmem>>
    %dma_start3A_15 = tpu.memref_squeeze %dma_start3A_14 : memref<1x128x32xf32, #tpu.memory_space<vmem>> -> memref<128x32xf32, #tpu.memory_space<vmem>>
    %dma_start3A_16 = arith.constant 0 : i32
    %dma_start3A_17 = tpu.memref_slice %arg10[%dma_start3A_10, %dma_start3A_16] : memref<10x128xi32, #tpu.memory_space<vmem>> -> memref<1x128xi32, #tpu.memory_space<vmem>>
    %dma_start3A_18 = tpu.memref_squeeze %dma_start3A_17 : memref<1x128xi32, #tpu.memory_space<vmem>> -> memref<128xi32, #tpu.memory_space<vmem>>
    %dma_start3A_19 = arith.constant 0 : i32
    %dma_start3A_20 = arith.constant 0 : i32
    %dma_start3A_21 = tpu.memref_slice %arg6[%dma_start3A_19, %dma_start3A_20] : memref<1000000x32xf32, #tpu.memory_space<hbm>> -> memref<1000000x32xf32, #tpu.memory_space<hbm>>
    tpu.enqueue_indirect_dma source(%dma_start3A_21 : memref<1000000x32xf32, #tpu.memory_space<hbm>>) target(%dma_start3A_15 : memref<128x32xf32, #tpu.memory_space<vmem>>) offsets(%dma_start3A_18 : memref<128xi32, #tpu.memory_space<vmem>>) semaphore(%arg15 : memref<!tpu.dma_semaphore, #tpu.memory_space<semaphore_mem>>)
    %dma_start3A_22 = arith.constant 1 : i32
    %dma_start3A_23 = arith.constant 1 : i32
    %dma_start3A_24 = arith.constant 0 : i32
    %dma_start3A_25 = arith.constant 0 : i32
    %dma_start3A_26 = tpu.memref_slice %arg13[%dma_start3A_23, %dma_start3A_24, %dma_start3A_25] : memref<10x128x32xf32, #tpu.memory_space<vmem>> -> memref<1x128x32xf32, #tpu.memory_space<vmem>>
    %dma_start3A_27 = tpu.memref_squeeze %dma_start3A_26 : memref<1x128x32xf32, #tpu.memory_space<vmem>> -> memref<128x32xf32, #tpu.memory_space<vmem>>
    %dma_start3A_28 = arith.constant 0 : i32
    %dma_start3A_29 = tpu.memref_slice %arg10[%dma_start3A_22, %dma_start3A_28] : memref<10x128xi32, #tpu.memory_space<vmem>> -> memref<1x128xi32, #tpu.memory_space<vmem>>
    %dma_start3A_30 = tpu.memref_squeeze %dma_start3A_29 : memref<1x128xi32, #tpu.memory_space<vmem>> -> memref<128xi32, #tpu.memory_space<vmem>>
    %dma_start3A_31 = arith.constant 0 : i32
    %dma_start3A_32 = arith.constant 0 : i32
    %dma_start3A_33 = tpu.memref_slice %arg6[%dma_start3A_31, %dma_start3A_32] : memref<1000000x32xf32, #tpu.memory_space<hbm>> -> memref<1000000x32xf32, #tpu.memory_space<hbm>>
    tpu.enqueue_indirect_dma source(%dma_start3A_33 : memref<1000000x32xf32, #tpu.memory_space<hbm>>) target(%dma_start3A_27 : memref<128x32xf32, #tpu.memory_space<vmem>>) offsets(%dma_start3A_30 : memref<128xi32, #tpu.memory_space<vmem>>) semaphore(%arg15 : memref<!tpu.dma_semaphore, #tpu.memory_space<semaphore_mem>>)
    %dma_start3A_34 = arith.constant 2 : i32
    %dma_start3A_35 = arith.constant 2 : i32
    %dma_start3A_36 = arith.constant 0 : i32
    %dma_start3A_37 = arith.constant 0 : i32
    %dma_start3A_38 = tpu.memref_slice %arg13[%dma_start3A_35, %dma_start3A_36, %dma_start3A_37] : memref<10x128x32xf32, #tpu.memory_space<vmem>> -> memref<1x128x32xf32, #tpu.memory_space<vmem>>
    %dma_start3A_39 = tpu.memref_squeeze %dma_start3A_38 : memref<1x128x32xf32, #tpu.memory_space<vmem>> -> memref<128x32xf32, #tpu.memory_space<vmem>>
    %dma_start3A_40 = arith.constant 0 : i32
    %dma_start3A_41 = tpu.memref_slice %arg10[%dma_start3A_34, %dma_start3A_40] : memref<10x128xi32, #tpu.memory_space<vmem>> -> memref<1x128xi32, #tpu.memory_space<vmem>>
    %dma_start3A_42 = tpu.memref_squeeze %dma_start3A_41 : memref<1x128xi32, #tpu.memory_space<vmem>> -> memref<128xi32, #tpu.memory_space<vmem>>
    %dma_start3A_43 = arith.constant 0 : i32
    %dma_start3A_44 = arith.constant 0 : i32
    %dma_start3A_45 = tpu.memref_slice %arg6[%dma_start3A_43, %dma_start3A_44] : memref<1000000x32xf32, #tpu.memory_space<hbm>> -> memref<1000000x32xf32, #tpu.memory_space<hbm>>
    tpu.enqueue_indirect_dma source(%dma_start3A_45 : memref<1000000x32xf32, #tpu.memory_space<hbm>>) target(%dma_start3A_39 : memref<128x32xf32, #tpu.memory_space<vmem>>) offsets(%dma_start3A_42 : memref<128xi32, #tpu.memory_space<vmem>>) semaphore(%arg15 : memref<!tpu.dma_semaphore, #tpu.memory_space<semaphore_mem>>)
    %dma_start3A_46 = arith.constant 3 : i32
    %dma_start3A_47 = arith.constant 3 : i32
    %dma_start3A_48 = arith.constant 0 : i32
    %dma_start3A_49 = arith.constant 0 : i32
    %dma_start3A_50 = tpu.memref_slice %arg13[%dma_start3A_47, %dma_start3A_48, %dma_start3A_49] : memref<10x128x32xf32, #tpu.memory_space<vmem>> -> memref<1x128x32xf32, #tpu.memory_space<vmem>>
    %dma_start3A_51 = tpu.memref_squeeze %dma_start3A_50 : memref<1x128x32xf32, #tpu.memory_space<vmem>> -> memref<128x32xf32, #tpu.memory_space<vmem>>
    %dma_start3A_52 = arith.constant 0 : i32
    %dma_start3A_53 = tpu.memref_slice %arg10[%dma_start3A_46, %dma_start3A_52] : memref<10x128xi32, #tpu.memory_space<vmem>> -> memref<1x128xi32, #tpu.memory_space<vmem>>
    %dma_start3A_54 = tpu.memref_squeeze %dma_start3A_53 : memref<1x128xi32, #tpu.memory_space<vmem>> -> memref<128xi32, #tpu.memory_space<vmem>>
    %dma_start3A_55 = arith.constant 0 : i32
    %dma_start3A_56 = arith.constant 0 : i32
    %dma_start3A_57 = tpu.memref_slice %arg6[%dma_start3A_55, %dma_start3A_56] : memref<1000000x32xf32, #tpu.memory_space<hbm>> -> memref<1000000x32xf32, #tpu.memory_space<hbm>>
    tpu.enqueue_indirect_dma source(%dma_start3A_57 : memref<1000000x32xf32, #tpu.memory_space<hbm>>) target(%dma_start3A_51 : memref<128x32xf32, #tpu.memory_space<vmem>>) offsets(%dma_start3A_54 : memref<128xi32, #tpu.memory_space<vmem>>) semaphore(%arg15 : memref<!tpu.dma_semaphore, #tpu.memory_space<semaphore_mem>>)
    %dma_start3A_58 = arith.constant 4 : i32
    %dma_start3A_59 = arith.constant 4 : i32
    %dma_start3A_60 = arith.constant 0 : i32
    %dma_start3A_61 = arith.constant 0 : i32
    %dma_start3A_62 = tpu.memref_slice %arg13[%dma_start3A_59, %dma_start3A_60, %dma_start3A_61] : memref<10x128x32xf32, #tpu.memory_space<vmem>> -> memref<1x128x32xf32, #tpu.memory_space<vmem>>
    %dma_start3A_63 = tpu.memref_squeeze %dma_start3A_62 : memref<1x128x32xf32, #tpu.memory_space<vmem>> -> memref<128x32xf32, #tpu.memory_space<vmem>>
    %dma_start3A_64 = arith.constant 0 : i32
    %dma_start3A_65 = tpu.memref_slice %arg10[%dma_start3A_58, %dma_start3A_64] : memref<10x128xi32, #tpu.memory_space<vmem>> -> memref<1x128xi32, #tpu.memory_space<vmem>>
    %dma_start3A_66 = tpu.memref_squeeze %dma_start3A_65 : memref<1x128xi32, #tpu.memory_space<vmem>> -> memref<128xi32, #tpu.memory_space<vmem>>
    %dma_start3A_67 = arith.constant 0 : i32
    %dma_start3A_68 = arith.constant 0 : i32
    %dma_start3A_69 = tpu.memref_slice %arg6[%dma_start3A_67, %dma_start3A_68] : memref<1000000x32xf32, #tpu.memory_space<hbm>> -> memref<1000000x32xf32, #tpu.memory_space<hbm>>
    tpu.enqueue_indirect_dma source(%dma_start3A_69 : memref<1000000x32xf32, #tpu.memory_space<hbm>>) target(%dma_start3A_63 : memref<128x32xf32, #tpu.memory_space<vmem>>) offsets(%dma_start3A_66 : memref<128xi32, #tpu.memory_space<vmem>>) semaphore(%arg15 : memref<!tpu.dma_semaphore, #tpu.memory_space<semaphore_mem>>)
    %dma_start3A_70 = arith.constant 5 : i32
    %dma_start3A_71 = arith.constant 5 : i32
    %dma_start3A_72 = arith.constant 0 : i32
    %dma_start3A_73 = arith.constant 0 : i32
    %dma_start3A_74 = tpu.memref_slice %arg13[%dma_start3A_71, %dma_start3A_72, %dma_start3A_73] : memref<10x128x32xf32, #tpu.memory_space<vmem>> -> memref<1x128x32xf32, #tpu.memory_space<vmem>>
    %dma_start3A_75 = tpu.memref_squeeze %dma_start3A_74 : memref<1x128x32xf32, #tpu.memory_space<vmem>> -> memref<128x32xf32, #tpu.memory_space<vmem>>
    %dma_start3A_76 = arith.constant 0 : i32
    %dma_start3A_77 = tpu.memref_slice %arg10[%dma_start3A_70, %dma_start3A_76] : memref<10x128xi32, #tpu.memory_space<vmem>> -> memref<1x128xi32, #tpu.memory_space<vmem>>
    %dma_start3A_78 = tpu.memref_squeeze %dma_start3A_77 : memref<1x128xi32, #tpu.memory_space<vmem>> -> memref<128xi32, #tpu.memory_space<vmem>>
    %dma_start3A_79 = arith.constant 0 : i32
    %dma_start3A_80 = arith.constant 0 : i32
    %dma_start3A_81 = tpu.memref_slice %arg6[%dma_start3A_79, %dma_start3A_80] : memref<1000000x32xf32, #tpu.memory_space<hbm>> -> memref<1000000x32xf32, #tpu.memory_space<hbm>>
    tpu.enqueue_indirect_dma source(%dma_start3A_81 : memref<1000000x32xf32, #tpu.memory_space<hbm>>) target(%dma_start3A_75 : memref<128x32xf32, #tpu.memory_space<vmem>>) offsets(%dma_start3A_78 : memref<128xi32, #tpu.memory_space<vmem>>) semaphore(%arg15 : memref<!tpu.dma_semaphore, #tpu.memory_space<semaphore_mem>>)
    %dma_start3A_82 = arith.constant 6 : i32
    %dma_start3A_83 = arith.constant 6 : i32
    %dma_start3A_84 = arith.constant 0 : i32
    %dma_start3A_85 = arith.constant 0 : i32
    %dma_start3A_86 = tpu.memref_slice %arg13[%dma_start3A_83, %dma_start3A_84, %dma_start3A_85] : memref<10x128x32xf32, #tpu.memory_space<vmem>> -> memref<1x128x32xf32, #tpu.memory_space<vmem>>
    %dma_start3A_87 = tpu.memref_squeeze %dma_start3A_86 : memref<1x128x32xf32, #tpu.memory_space<vmem>> -> memref<128x32xf32, #tpu.memory_space<vmem>>
    %dma_start3A_88 = arith.constant 0 : i32
    %dma_start3A_89 = tpu.memref_slice %arg10[%dma_start3A_82, %dma_start3A_88] : memref<10x128xi32, #tpu.memory_space<vmem>> -> memref<1x128xi32, #tpu.memory_space<vmem>>
    %dma_start3A_90 = tpu.memref_squeeze %dma_start3A_89 : memref<1x128xi32, #tpu.memory_space<vmem>> -> memref<128xi32, #tpu.memory_space<vmem>>
    %dma_start3A_91 = arith.constant 0 : i32
    %dma_start3A_92 = arith.constant 0 : i32
    %dma_start3A_93 = tpu.memref_slice %arg6[%dma_start3A_91, %dma_start3A_92] : memref<1000000x32xf32, #tpu.memory_space<hbm>> -> memref<1000000x32xf32, #tpu.memory_space<hbm>>
    tpu.enqueue_indirect_dma source(%dma_start3A_93 : memref<1000000x32xf32, #tpu.memory_space<hbm>>) target(%dma_start3A_87 : memref<128x32xf32, #tpu.memory_space<vmem>>) offsets(%dma_start3A_90 : memref<128xi32, #tpu.memory_space<vmem>>) semaphore(%arg15 : memref<!tpu.dma_semaphore, #tpu.memory_space<semaphore_mem>>)
    %dma_start3A_94 = arith.constant 7 : i32
    %dma_start3A_95 = arith.constant 7 : i32
    %dma_start3A_96 = arith.constant 0 : i32
    %dma_start3A_97 = arith.constant 0 : i32
    %dma_start3A_98 = tpu.memref_slice %arg13[%dma_start3A_95, %dma_start3A_96, %dma_start3A_97] : memref<10x128x32xf32, #tpu.memory_space<vmem>> -> memref<1x128x32xf32, #tpu.memory_space<vmem>>
    %dma_start3A_99 = tpu.memref_squeeze %dma_start3A_98 : memref<1x128x32xf32, #tpu.memory_space<vmem>> -> memref<128x32xf32, #tpu.memory_space<vmem>>
    %dma_start3A_100 = arith.constant 0 : i32
    %dma_start3A_101 = tpu.memref_slice %arg10[%dma_start3A_94, %dma_start3A_100] : memref<10x128xi32, #tpu.memory_space<vmem>> -> memref<1x128xi32, #tpu.memory_space<vmem>>
    %dma_start3A_102 = tpu.memref_squeeze %dma_start3A_101 : memref<1x128xi32, #tpu.memory_space<vmem>> -> memref<128xi32, #tpu.memory_space<vmem>>
    %dma_start3A_103 = arith.constant 0 : i32
    %dma_start3A_104 = arith.constant 0 : i32
    %dma_start3A_105 = tpu.memref_slice %arg6[%dma_start3A_103, %dma_start3A_104] : memref<1000000x32xf32, #tpu.memory_space<hbm>> -> memref<1000000x32xf32, #tpu.memory_space<hbm>>
    tpu.enqueue_indirect_dma source(%dma_start3A_105 : memref<1000000x32xf32, #tpu.memory_space<hbm>>) target(%dma_start3A_99 : memref<128x32xf32, #tpu.memory_space<vmem>>) offsets(%dma_start3A_102 : memref<128xi32, #tpu.memory_space<vmem>>) semaphore(%arg15 : memref<!tpu.dma_semaphore, #tpu.memory_space<semaphore_mem>>)
    %dma_start3A_106 = arith.constant 8 : i32
    %dma_start3A_107 = arith.constant 8 : i32
    %dma_start3A_108 = arith.constant 0 : i32
    %dma_start3A_109 = arith.constant 0 : i32
    %dma_start3A_110 = tpu.memref_slice %arg13[%dma_start3A_107, %dma_start3A_108, %dma_start3A_109] : memref<10x128x32xf32, #tpu.memory_space<vmem>> -> memref<1x128x32xf32, #tpu.memory_space<vmem>>
    %dma_start3A_111 = tpu.memref_squeeze %dma_start3A_110 : memref<1x128x32xf32, #tpu.memory_space<vmem>> -> memref<128x32xf32, #tpu.memory_space<vmem>>
    %dma_start3A_112 = arith.constant 0 : i32
    %dma_start3A_113 = tpu.memref_slice %arg10[%dma_start3A_106, %dma_start3A_112] : memref<10x128xi32, #tpu.memory_space<vmem>> -> memref<1x128xi32, #tpu.memory_space<vmem>>
    %dma_start3A_114 = tpu.memref_squeeze %dma_start3A_113 : memref<1x128xi32, #tpu.memory_space<vmem>> -> memref<128xi32, #tpu.memory_space<vmem>>
    %dma_start3A_115 = arith.constant 0 : i32
    %dma_start3A_116 = arith.constant 0 : i32
    %dma_start3A_117 = tpu.memref_slice %arg6[%dma_start3A_115, %dma_start3A_116] : memref<1000000x32xf32, #tpu.memory_space<hbm>> -> memref<1000000x32xf32, #tpu.memory_space<hbm>>
    tpu.enqueue_indirect_dma source(%dma_start3A_117 : memref<1000000x32xf32, #tpu.memory_space<hbm>>) target(%dma_start3A_111 : memref<128x32xf32, #tpu.memory_space<vmem>>) offsets(%dma_start3A_114 : memref<128xi32, #tpu.memory_space<vmem>>) semaphore(%arg15 : memref<!tpu.dma_semaphore, #tpu.memory_space<semaphore_mem>>)
    %dma_start3A_118 = arith.constant 9 : i32
    %dma_start3A_119 = arith.constant 9 : i32
    %dma_start3A_120 = arith.constant 0 : i32
    %dma_start3A_121 = arith.constant 0 : i32
    %dma_start3A_122 = tpu.memref_slice %arg13[%dma_start3A_119, %dma_start3A_120, %dma_start3A_121] : memref<10x128x32xf32, #tpu.memory_space<vmem>> -> memref<1x128x32xf32, #tpu.memory_space<vmem>>
    %dma_start3A_123 = tpu.memref_squeeze %dma_start3A_122 : memref<1x128x32xf32, #tpu.memory_space<vmem>> -> memref<128x32xf32, #tpu.memory_space<vmem>>
    %dma_start3A_124 = arith.constant 0 : i32
    %dma_start3A_125 = tpu.memref_slice %arg10[%dma_start3A_118, %dma_start3A_124] : memref<10x128xi32, #tpu.memory_space<vmem>> -> memref<1x128xi32, #tpu.memory_space<vmem>>
    %dma_start3A_126 = tpu.memref_squeeze %dma_start3A_125 : memref<1x128xi32, #tpu.memory_space<vmem>> -> memref<128xi32, #tpu.memory_space<vmem>>
    %dma_start3A_127 = arith.constant 0 : i32
    %dma_start3A_128 = arith.constant 0 : i32
    %dma_start3A_129 = tpu.memref_slice %arg6[%dma_start3A_127, %dma_start3A_128] : memref<1000000x32xf32, #tpu.memory_space<hbm>> -> memref<1000000x32xf32, #tpu.memory_space<hbm>>
    tpu.enqueue_indirect_dma source(%dma_start3A_129 : memref<1000000x32xf32, #tpu.memory_space<hbm>>) target(%dma_start3A_123 : memref<128x32xf32, #tpu.memory_space<vmem>>) offsets(%dma_start3A_126 : memref<128xi32, #tpu.memory_space<vmem>>) semaphore(%arg15 : memref<!tpu.dma_semaphore, #tpu.memory_space<semaphore_mem>>)
    %dma_wait3A = arith.constant 0 : i32
    %dma_wait3A_130 = arith.constant 0 : i32
    %dma_wait3A_131 = tpu.memref_slice %arg5[%dma_wait3A, %dma_wait3A_130] : memref<1000000x32xf32, #tpu.memory_space<hbm>> -> memref<1000000x32xf32, #tpu.memory_space<hbm>>
    tpu.wait_indirect_dma semaphore(%arg15 : memref<!tpu.dma_semaphore, #tpu.memory_space<semaphore_mem>>) src(%dma_wait3A_131 : memref<1000000x32xf32, #tpu.memory_space<hbm>>) dst(%arg11 : memref<128x32xf32, #tpu.memory_space<vmem>>)
    %dma_wait3A_132 = arith.constant 0 : i32
    %dma_wait3A_133 = arith.constant 0 : i32
    %dma_wait3A_134 = tpu.memref_slice %arg6[%dma_wait3A_132, %dma_wait3A_133] : memref<1000000x32xf32, #tpu.memory_space<hbm>> -> memref<1000000x32xf32, #tpu.memory_space<hbm>>
    tpu.wait_indirect_dma semaphore(%arg15 : memref<!tpu.dma_semaphore, #tpu.memory_space<semaphore_mem>>) src(%dma_wait3A_134 : memref<1000000x32xf32, #tpu.memory_space<hbm>>) dst(%arg12 : memref<128x32xf32, #tpu.memory_space<vmem>>)
    %dma_wait3A_135 = arith.constant 0 : i32
    %dma_wait3A_136 = arith.constant 0 : i32
    %dma_wait3A_137 = arith.constant 0 : i32
    %dma_wait3A_138 = arith.constant 0 : i32
    %dma_wait3A_139 = tpu.memref_slice %arg13[%dma_wait3A_136, %dma_wait3A_137, %dma_wait3A_138] : memref<10x128x32xf32, #tpu.memory_space<vmem>> -> memref<1x128x32xf32, #tpu.memory_space<vmem>>
    %dma_wait3A_140 = tpu.memref_squeeze %dma_wait3A_139 : memref<1x128x32xf32, #tpu.memory_space<vmem>> -> memref<128x32xf32, #tpu.memory_space<vmem>>
    %dma_wait3A_141 = arith.constant 0 : i32
    %dma_wait3A_142 = tpu.memref_slice %arg10[%dma_wait3A_135, %dma_wait3A_141] : memref<10x128xi32, #tpu.memory_space<vmem>> -> memref<1x128xi32, #tpu.memory_space<vmem>>
    %dma_wait3A_143 = tpu.memref_squeeze %dma_wait3A_142 : memref<1x128xi32, #tpu.memory_space<vmem>> -> memref<128xi32, #tpu.memory_space<vmem>>
    %dma_wait3A_144 = arith.constant 0 : i32
    %dma_wait3A_145 = arith.constant 0 : i32
    %dma_wait3A_146 = tpu.memref_slice %arg6[%dma_wait3A_144, %dma_wait3A_145] : memref<1000000x32xf32, #tpu.memory_space<hbm>> -> memref<1000000x32xf32, #tpu.memory_space<hbm>>
    tpu.wait_indirect_dma semaphore(%arg15 : memref<!tpu.dma_semaphore, #tpu.memory_space<semaphore_mem>>) src(%dma_wait3A_146 : memref<1000000x32xf32, #tpu.memory_space<hbm>>) dst(%dma_wait3A_140 : memref<128x32xf32, #tpu.memory_space<vmem>>)
    %dma_wait3A_147 = arith.constant 1 : i32
    %dma_wait3A_148 = arith.constant 1 : i32
    %dma_wait3A_149 = arith.constant 0 : i32
    %dma_wait3A_150 = arith.constant 0 : i32
    %dma_wait3A_151 = tpu.memref_slice %arg13[%dma_wait3A_148, %dma_wait3A_149, %dma_wait3A_150] : memref<10x128x32xf32, #tpu.memory_space<vmem>> -> memref<1x128x32xf32, #tpu.memory_space<vmem>>
    %dma_wait3A_152 = tpu.memref_squeeze %dma_wait3A_151 : memref<1x128x32xf32, #tpu.memory_space<vmem>> -> memref<128x32xf32, #tpu.memory_space<vmem>>
    %dma_wait3A_153 = arith.constant 0 : i32
    %dma_wait3A_154 = tpu.memref_slice %arg10[%dma_wait3A_147, %dma_wait3A_153] : memref<10x128xi32, #tpu.memory_space<vmem>> -> memref<1x128xi32, #tpu.memory_space<vmem>>
    %dma_wait3A_155 = tpu.memref_squeeze %dma_wait3A_154 : memref<1x128xi32, #tpu.memory_space<vmem>> -> memref<128xi32, #tpu.memory_space<vmem>>
    %dma_wait3A_156 = arith.constant 0 : i32
    %dma_wait3A_157 = arith.constant 0 : i32
    %dma_wait3A_158 = tpu.memref_slice %arg6[%dma_wait3A_156, %dma_wait3A_157] : memref<1000000x32xf32, #tpu.memory_space<hbm>> -> memref<1000000x32xf32, #tpu.memory_space<hbm>>
    tpu.wait_indirect_dma semaphore(%arg15 : memref<!tpu.dma_semaphore, #tpu.memory_space<semaphore_mem>>) src(%dma_wait3A_158 : memref<1000000x32xf32, #tpu.memory_space<hbm>>) dst(%dma_wait3A_152 : memref<128x32xf32, #tpu.memory_space<vmem>>)
    %dma_wait3A_159 = arith.constant 2 : i32
    %dma_wait3A_160 = arith.constant 2 : i32
    %dma_wait3A_161 = arith.constant 0 : i32
    %dma_wait3A_162 = arith.constant 0 : i32
    %dma_wait3A_163 = tpu.memref_slice %arg13[%dma_wait3A_160, %dma_wait3A_161, %dma_wait3A_162] : memref<10x128x32xf32, #tpu.memory_space<vmem>> -> memref<1x128x32xf32, #tpu.memory_space<vmem>>
    %dma_wait3A_164 = tpu.memref_squeeze %dma_wait3A_163 : memref<1x128x32xf32, #tpu.memory_space<vmem>> -> memref<128x32xf32, #tpu.memory_space<vmem>>
    %dma_wait3A_165 = arith.constant 0 : i32
    %dma_wait3A_166 = tpu.memref_slice %arg10[%dma_wait3A_159, %dma_wait3A_165] : memref<10x128xi32, #tpu.memory_space<vmem>> -> memref<1x128xi32, #tpu.memory_space<vmem>>
    %dma_wait3A_167 = tpu.memref_squeeze %dma_wait3A_166 : memref<1x128xi32, #tpu.memory_space<vmem>> -> memref<128xi32, #tpu.memory_space<vmem>>
    %dma_wait3A_168 = arith.constant 0 : i32
    %dma_wait3A_169 = arith.constant 0 : i32
    %dma_wait3A_170 = tpu.memref_slice %arg6[%dma_wait3A_168, %dma_wait3A_169] : memref<1000000x32xf32, #tpu.memory_space<hbm>> -> memref<1000000x32xf32, #tpu.memory_space<hbm>>
    tpu.wait_indirect_dma semaphore(%arg15 : memref<!tpu.dma_semaphore, #tpu.memory_space<semaphore_mem>>) src(%dma_wait3A_170 : memref<1000000x32xf32, #tpu.memory_space<hbm>>) dst(%dma_wait3A_164 : memref<128x32xf32, #tpu.memory_space<vmem>>)
    %dma_wait3A_171 = arith.constant 3 : i32
    %dma_wait3A_172 = arith.constant 3 : i32
    %dma_wait3A_173 = arith.constant 0 : i32
    %dma_wait3A_174 = arith.constant 0 : i32
    %dma_wait3A_175 = tpu.memref_slice %arg13[%dma_wait3A_172, %dma_wait3A_173, %dma_wait3A_174] : memref<10x128x32xf32, #tpu.memory_space<vmem>> -> memref<1x128x32xf32, #tpu.memory_space<vmem>>
    %dma_wait3A_176 = tpu.memref_squeeze %dma_wait3A_175 : memref<1x128x32xf32, #tpu.memory_space<vmem>> -> memref<128x32xf32, #tpu.memory_space<vmem>>
    %dma_wait3A_177 = arith.constant 0 : i32
    %dma_wait3A_178 = tpu.memref_slice %arg10[%dma_wait3A_171, %dma_wait3A_177] : memref<10x128xi32, #tpu.memory_space<vmem>> -> memref<1x128xi32, #tpu.memory_space<vmem>>
    %dma_wait3A_179 = tpu.memref_squeeze %dma_wait3A_178 : memref<1x128xi32, #tpu.memory_space<vmem>> -> memref<128xi32, #tpu.memory_space<vmem>>
    %dma_wait3A_180 = arith.constant 0 : i32
    %dma_wait3A_181 = arith.constant 0 : i32
    %dma_wait3A_182 = tpu.memref_slice %arg6[%dma_wait3A_180, %dma_wait3A_181] : memref<1000000x32xf32, #tpu.memory_space<hbm>> -> memref<1000000x32xf32, #tpu.memory_space<hbm>>
    tpu.wait_indirect_dma semaphore(%arg15 : memref<!tpu.dma_semaphore, #tpu.memory_space<semaphore_mem>>) src(%dma_wait3A_182 : memref<1000000x32xf32, #tpu.memory_space<hbm>>) dst(%dma_wait3A_176 : memref<128x32xf32, #tpu.memory_space<vmem>>)
    %dma_wait3A_183 = arith.constant 4 : i32
    %dma_wait3A_184 = arith.constant 4 : i32
    %dma_wait3A_185 = arith.constant 0 : i32
    %dma_wait3A_186 = arith.constant 0 : i32
    %dma_wait3A_187 = tpu.memref_slice %arg13[%dma_wait3A_184, %dma_wait3A_185, %dma_wait3A_186] : memref<10x128x32xf32, #tpu.memory_space<vmem>> -> memref<1x128x32xf32, #tpu.memory_space<vmem>>
    %dma_wait3A_188 = tpu.memref_squeeze %dma_wait3A_187 : memref<1x128x32xf32, #tpu.memory_space<vmem>> -> memref<128x32xf32, #tpu.memory_space<vmem>>
    %dma_wait3A_189 = arith.constant 0 : i32
    %dma_wait3A_190 = tpu.memref_slice %arg10[%dma_wait3A_183, %dma_wait3A_189] : memref<10x128xi32, #tpu.memory_space<vmem>> -> memref<1x128xi32, #tpu.memory_space<vmem>>
    %dma_wait3A_191 = tpu.memref_squeeze %dma_wait3A_190 : memref<1x128xi32, #tpu.memory_space<vmem>> -> memref<128xi32, #tpu.memory_space<vmem>>
    %dma_wait3A_192 = arith.constant 0 : i32
    %dma_wait3A_193 = arith.constant 0 : i32
    %dma_wait3A_194 = tpu.memref_slice %arg6[%dma_wait3A_192, %dma_wait3A_193] : memref<1000000x32xf32, #tpu.memory_space<hbm>> -> memref<1000000x32xf32, #tpu.memory_space<hbm>>
    tpu.wait_indirect_dma semaphore(%arg15 : memref<!tpu.dma_semaphore, #tpu.memory_space<semaphore_mem>>) src(%dma_wait3A_194 : memref<1000000x32xf32, #tpu.memory_space<hbm>>) dst(%dma_wait3A_188 : memref<128x32xf32, #tpu.memory_space<vmem>>)
    %dma_wait3A_195 = arith.constant 5 : i32
    %dma_wait3A_196 = arith.constant 5 : i32
    %dma_wait3A_197 = arith.constant 0 : i32
    %dma_wait3A_198 = arith.constant 0 : i32
    %dma_wait3A_199 = tpu.memref_slice %arg13[%dma_wait3A_196, %dma_wait3A_197, %dma_wait3A_198] : memref<10x128x32xf32, #tpu.memory_space<vmem>> -> memref<1x128x32xf32, #tpu.memory_space<vmem>>
    %dma_wait3A_200 = tpu.memref_squeeze %dma_wait3A_199 : memref<1x128x32xf32, #tpu.memory_space<vmem>> -> memref<128x32xf32, #tpu.memory_space<vmem>>
    %dma_wait3A_201 = arith.constant 0 : i32
    %dma_wait3A_202 = tpu.memref_slice %arg10[%dma_wait3A_195, %dma_wait3A_201] : memref<10x128xi32, #tpu.memory_space<vmem>> -> memref<1x128xi32, #tpu.memory_space<vmem>>
    %dma_wait3A_203 = tpu.memref_squeeze %dma_wait3A_202 : memref<1x128xi32, #tpu.memory_space<vmem>> -> memref<128xi32, #tpu.memory_space<vmem>>
    %dma_wait3A_204 = arith.constant 0 : i32
    %dma_wait3A_205 = arith.constant 0 : i32
    %dma_wait3A_206 = tpu.memref_slice %arg6[%dma_wait3A_204, %dma_wait3A_205] : memref<1000000x32xf32, #tpu.memory_space<hbm>> -> memref<1000000x32xf32, #tpu.memory_space<hbm>>
    tpu.wait_indirect_dma semaphore(%arg15 : memref<!tpu.dma_semaphore, #tpu.memory_space<semaphore_mem>>) src(%dma_wait3A_206 : memref<1000000x32xf32, #tpu.memory_space<hbm>>) dst(%dma_wait3A_200 : memref<128x32xf32, #tpu.memory_space<vmem>>)
    %dma_wait3A_207 = arith.constant 6 : i32
    %dma_wait3A_208 = arith.constant 6 : i32
    %dma_wait3A_209 = arith.constant 0 : i32
    %dma_wait3A_210 = arith.constant 0 : i32
    %dma_wait3A_211 = tpu.memref_slice %arg13[%dma_wait3A_208, %dma_wait3A_209, %dma_wait3A_210] : memref<10x128x32xf32, #tpu.memory_space<vmem>> -> memref<1x128x32xf32, #tpu.memory_space<vmem>>
    %dma_wait3A_212 = tpu.memref_squeeze %dma_wait3A_211 : memref<1x128x32xf32, #tpu.memory_space<vmem>> -> memref<128x32xf32, #tpu.memory_space<vmem>>
    %dma_wait3A_213 = arith.constant 0 : i32
    %dma_wait3A_214 = tpu.memref_slice %arg10[%dma_wait3A_207, %dma_wait3A_213] : memref<10x128xi32, #tpu.memory_space<vmem>> -> memref<1x128xi32, #tpu.memory_space<vmem>>
    %dma_wait3A_215 = tpu.memref_squeeze %dma_wait3A_214 : memref<1x128xi32, #tpu.memory_space<vmem>> -> memref<128xi32, #tpu.memory_space<vmem>>
    %dma_wait3A_216 = arith.constant 0 : i32
    %dma_wait3A_217 = arith.constant 0 : i32
    %dma_wait3A_218 = tpu.memref_slice %arg6[%dma_wait3A_216, %dma_wait3A_217] : memref<1000000x32xf32, #tpu.memory_space<hbm>> -> memref<1000000x32xf32, #tpu.memory_space<hbm>>
    tpu.wait_indirect_dma semaphore(%arg15 : memref<!tpu.dma_semaphore, #tpu.memory_space<semaphore_mem>>) src(%dma_wait3A_218 : memref<1000000x32xf32, #tpu.memory_space<hbm>>) dst(%dma_wait3A_212 : memref<128x32xf32, #tpu.memory_space<vmem>>)
    %dma_wait3A_219 = arith.constant 7 : i32
    %dma_wait3A_220 = arith.constant 7 : i32
    %dma_wait3A_221 = arith.constant 0 : i32
    %dma_wait3A_222 = arith.constant 0 : i32
    %dma_wait3A_223 = tpu.memref_slice %arg13[%dma_wait3A_220, %dma_wait3A_221, %dma_wait3A_222] : memref<10x128x32xf32, #tpu.memory_space<vmem>> -> memref<1x128x32xf32, #tpu.memory_space<vmem>>
    %dma_wait3A_224 = tpu.memref_squeeze %dma_wait3A_223 : memref<1x128x32xf32, #tpu.memory_space<vmem>> -> memref<128x32xf32, #tpu.memory_space<vmem>>
    %dma_wait3A_225 = arith.constant 0 : i32
    %dma_wait3A_226 = tpu.memref_slice %arg10[%dma_wait3A_219, %dma_wait3A_225] : memref<10x128xi32, #tpu.memory_space<vmem>> -> memref<1x128xi32, #tpu.memory_space<vmem>>
    %dma_wait3A_227 = tpu.memref_squeeze %dma_wait3A_226 : memref<1x128xi32, #tpu.memory_space<vmem>> -> memref<128xi32, #tpu.memory_space<vmem>>
    %dma_wait3A_228 = arith.constant 0 : i32
    %dma_wait3A_229 = arith.constant 0 : i32
    %dma_wait3A_230 = tpu.memref_slice %arg6[%dma_wait3A_228, %dma_wait3A_229] : memref<1000000x32xf32, #tpu.memory_space<hbm>> -> memref<1000000x32xf32, #tpu.memory_space<hbm>>
    tpu.wait_indirect_dma semaphore(%arg15 : memref<!tpu.dma_semaphore, #tpu.memory_space<semaphore_mem>>) src(%dma_wait3A_230 : memref<1000000x32xf32, #tpu.memory_space<hbm>>) dst(%dma_wait3A_224 : memref<128x32xf32, #tpu.memory_space<vmem>>)
    %dma_wait3A_231 = arith.constant 8 : i32
    %dma_wait3A_232 = arith.constant 8 : i32
    %dma_wait3A_233 = arith.constant 0 : i32
    %dma_wait3A_234 = arith.constant 0 : i32
    %dma_wait3A_235 = tpu.memref_slice %arg13[%dma_wait3A_232, %dma_wait3A_233, %dma_wait3A_234] : memref<10x128x32xf32, #tpu.memory_space<vmem>> -> memref<1x128x32xf32, #tpu.memory_space<vmem>>
    %dma_wait3A_236 = tpu.memref_squeeze %dma_wait3A_235 : memref<1x128x32xf32, #tpu.memory_space<vmem>> -> memref<128x32xf32, #tpu.memory_space<vmem>>
    %dma_wait3A_237 = arith.constant 0 : i32
    %dma_wait3A_238 = tpu.memref_slice %arg10[%dma_wait3A_231, %dma_wait3A_237] : memref<10x128xi32, #tpu.memory_space<vmem>> -> memref<1x128xi32, #tpu.memory_space<vmem>>
    %dma_wait3A_239 = tpu.memref_squeeze %dma_wait3A_238 : memref<1x128xi32, #tpu.memory_space<vmem>> -> memref<128xi32, #tpu.memory_space<vmem>>
    %dma_wait3A_240 = arith.constant 0 : i32
    %dma_wait3A_241 = arith.constant 0 : i32
    %dma_wait3A_242 = tpu.memref_slice %arg6[%dma_wait3A_240, %dma_wait3A_241] : memref<1000000x32xf32, #tpu.memory_space<hbm>> -> memref<1000000x32xf32, #tpu.memory_space<hbm>>
    tpu.wait_indirect_dma semaphore(%arg15 : memref<!tpu.dma_semaphore, #tpu.memory_space<semaphore_mem>>) src(%dma_wait3A_242 : memref<1000000x32xf32, #tpu.memory_space<hbm>>) dst(%dma_wait3A_236 : memref<128x32xf32, #tpu.memory_space<vmem>>)
    %dma_wait3A_243 = arith.constant 9 : i32
    %dma_wait3A_244 = arith.constant 9 : i32
    %dma_wait3A_245 = arith.constant 0 : i32
    %dma_wait3A_246 = arith.constant 0 : i32
    %dma_wait3A_247 = tpu.memref_slice %arg13[%dma_wait3A_244, %dma_wait3A_245, %dma_wait3A_246] : memref<10x128x32xf32, #tpu.memory_space<vmem>> -> memref<1x128x32xf32, #tpu.memory_space<vmem>>
    %dma_wait3A_248 = tpu.memref_squeeze %dma_wait3A_247 : memref<1x128x32xf32, #tpu.memory_space<vmem>> -> memref<128x32xf32, #tpu.memory_space<vmem>>
    %dma_wait3A_249 = arith.constant 0 : i32
    %dma_wait3A_250 = tpu.memref_slice %arg10[%dma_wait3A_243, %dma_wait3A_249] : memref<10x128xi32, #tpu.memory_space<vmem>> -> memref<1x128xi32, #tpu.memory_space<vmem>>
    %dma_wait3A_251 = tpu.memref_squeeze %dma_wait3A_250 : memref<1x128xi32, #tpu.memory_space<vmem>> -> memref<128xi32, #tpu.memory_space<vmem>>
    %dma_wait3A_252 = arith.constant 0 : i32
    %dma_wait3A_253 = arith.constant 0 : i32
    %dma_wait3A_254 = tpu.memref_slice %arg6[%dma_wait3A_252, %dma_wait3A_253] : memref<1000000x32xf32, #tpu.memory_space<hbm>> -> memref<1000000x32xf32, #tpu.memory_space<hbm>>
    tpu.wait_indirect_dma semaphore(%arg15 : memref<!tpu.dma_semaphore, #tpu.memory_space<semaphore_mem>>) src(%dma_wait3A_254 : memref<1000000x32xf32, #tpu.memory_space<hbm>>) dst(%dma_wait3A_248 : memref<128x32xf32, #tpu.memory_space<vmem>>)
    %iota3A = tpu.iota {dimensions = array<i32: 0>} : vector<16xi32>
    %add3A_255 = arith.constant 0 : i32
    %add3A_256 = vector.broadcast %add3A_255 : i32 to vector<16xi32>
    %add3A_257 = arith.addi %iota3A, %add3A_256 : vector<16xi32>
    %mul3A_258 = arith.constant 10 : i32
    %mul3A_259 = vector.broadcast %mul3A_258 : i32 to vector<16xi32>
    %mul3A_260 = arith.muli %add3A_257, %mul3A_259 : vector<16xi32>
    %add3A_261 = arith.constant 0 : i32
    %add3A_262 = vector.broadcast %add3A_261 : i32 to vector<16xi32>
    %add3A_263 = arith.addi %mul3A_260, %add3A_262 : vector<16xi32>
    %shift_right_arithmetic3A = arith.constant 7 : i32
    %shift_right_arithmetic3A_264 = vector.broadcast %shift_right_arithmetic3A : i32 to vector<16xi32>
    %shift_right_arithmetic3A_265 = arith.shrsi %add3A_263, %shift_right_arithmetic3A_264 : vector<16xi32>
    %mul3A_266 = arith.constant 10 : i32
    %mul3A_267 = vector.broadcast %mul3A_266 : i32 to vector<16xi32>
    %mul3A_268 = arith.muli %add3A_257, %mul3A_267 : vector<16xi32>
    %add3A_269 = arith.constant 0 : i32
    %add3A_270 = vector.broadcast %add3A_269 : i32 to vector<16xi32>
    %add3A_271 = arith.addi %mul3A_268, %add3A_270 : vector<16xi32>
    %and3A = arith.constant 127 : i32
    %and3A_272 = vector.broadcast %and3A : i32 to vector<16xi32>
    %and3A_273 = arith.andi %add3A_271, %and3A_272 : vector<16xi32>
    %mul3A_274 = arith.constant 10 : i32
    %mul3A_275 = vector.broadcast %mul3A_274 : i32 to vector<16xi32>
    %mul3A_276 = arith.muli %add3A_257, %mul3A_275 : vector<16xi32>
    %add3A_277 = arith.constant 1 : i32
    %add3A_278 = vector.broadcast %add3A_277 : i32 to vector<16xi32>
    %add3A_279 = arith.addi %mul3A_276, %add3A_278 : vector<16xi32>
    %shift_right_arithmetic3A_280 = arith.constant 7 : i32
    %shift_right_arithmetic3A_281 = vector.broadcast %shift_right_arithmetic3A_280 : i32 to vector<16xi32>
    %shift_right_arithmetic3A_282 = arith.shrsi %add3A_279, %shift_right_arithmetic3A_281 : vector<16xi32>
    %mul3A_283 = arith.constant 10 : i32
    %mul3A_284 = vector.broadcast %mul3A_283 : i32 to vector<16xi32>
    %mul3A_285 = arith.muli %add3A_257, %mul3A_284 : vector<16xi32>
    %add3A_286 = arith.constant 1 : i32
    %add3A_287 = vector.broadcast %add3A_286 : i32 to vector<16xi32>
    %add3A_288 = arith.addi %mul3A_285, %add3A_287 : vector<16xi32>
    %and3A_289 = arith.constant 127 : i32
    %and3A_290 = vector.broadcast %and3A_289 : i32 to vector<16xi32>
    %and3A_291 = arith.andi %add3A_288, %and3A_290 : vector<16xi32>
    %mul3A_292 = arith.constant 10 : i32
    %mul3A_293 = vector.broadcast %mul3A_292 : i32 to vector<16xi32>
    %mul3A_294 = arith.muli %add3A_257, %mul3A_293 : vector<16xi32>
    %add3A_295 = arith.constant 2 : i32
    %add3A_296 = vector.broadcast %add3A_295 : i32 to vector<16xi32>
    %add3A_297 = arith.addi %mul3A_294, %add3A_296 : vector<16xi32>
    %shift_right_arithmetic3A_298 = arith.constant 7 : i32
    %shift_right_arithmetic3A_299 = vector.broadcast %shift_right_arithmetic3A_298 : i32 to vector<16xi32>
    %shift_right_arithmetic3A_300 = arith.shrsi %add3A_297, %shift_right_arithmetic3A_299 : vector<16xi32>
    %mul3A_301 = arith.constant 10 : i32
    %mul3A_302 = vector.broadcast %mul3A_301 : i32 to vector<16xi32>
    %mul3A_303 = arith.muli %add3A_257, %mul3A_302 : vector<16xi32>
    %add3A_304 = arith.constant 2 : i32
    %add3A_305 = vector.broadcast %add3A_304 : i32 to vector<16xi32>
    %add3A_306 = arith.addi %mul3A_303, %add3A_305 : vector<16xi32>
    %and3A_307 = arith.constant 127 : i32
    %and3A_308 = vector.broadcast %and3A_307 : i32 to vector<16xi32>
    %and3A_309 = arith.andi %add3A_306, %and3A_308 : vector<16xi32>
    %mul3A_310 = arith.constant 10 : i32
    %mul3A_311 = vector.broadcast %mul3A_310 : i32 to vector<16xi32>
    %mul3A_312 = arith.muli %add3A_257, %mul3A_311 : vector<16xi32>
    %add3A_313 = arith.constant 3 : i32
    %add3A_314 = vector.broadcast %add3A_313 : i32 to vector<16xi32>
    %add3A_315 = arith.addi %mul3A_312, %add3A_314 : vector<16xi32>
    %shift_right_arithmetic3A_316 = arith.constant 7 : i32
    %shift_right_arithmetic3A_317 = vector.broadcast %shift_right_arithmetic3A_316 : i32 to vector<16xi32>
    %shift_right_arithmetic3A_318 = arith.shrsi %add3A_315, %shift_right_arithmetic3A_317 : vector<16xi32>
    %mul3A_319 = arith.constant 10 : i32
    %mul3A_320 = vector.broadcast %mul3A_319 : i32 to vector<16xi32>
    %mul3A_321 = arith.muli %add3A_257, %mul3A_320 : vector<16xi32>
    %add3A_322 = arith.constant 3 : i32
    %add3A_323 = vector.broadcast %add3A_322 : i32 to vector<16xi32>
    %add3A_324 = arith.addi %mul3A_321, %add3A_323 : vector<16xi32>
    %and3A_325 = arith.constant 127 : i32
    %and3A_326 = vector.broadcast %and3A_325 : i32 to vector<16xi32>
    %and3A_327 = arith.andi %add3A_324, %and3A_326 : vector<16xi32>
    %mul3A_328 = arith.constant 10 : i32
    %mul3A_329 = vector.broadcast %mul3A_328 : i32 to vector<16xi32>
    %mul3A_330 = arith.muli %add3A_257, %mul3A_329 : vector<16xi32>
    %add3A_331 = arith.constant 4 : i32
    %add3A_332 = vector.broadcast %add3A_331 : i32 to vector<16xi32>
    %add3A_333 = arith.addi %mul3A_330, %add3A_332 : vector<16xi32>
    %shift_right_arithmetic3A_334 = arith.constant 7 : i32
    %shift_right_arithmetic3A_335 = vector.broadcast %shift_right_arithmetic3A_334 : i32 to vector<16xi32>
    %shift_right_arithmetic3A_336 = arith.shrsi %add3A_333, %shift_right_arithmetic3A_335 : vector<16xi32>
    %mul3A_337 = arith.constant 10 : i32
    %mul3A_338 = vector.broadcast %mul3A_337 : i32 to vector<16xi32>
    %mul3A_339 = arith.muli %add3A_257, %mul3A_338 : vector<16xi32>
    %add3A_340 = arith.constant 4 : i32
    %add3A_341 = vector.broadcast %add3A_340 : i32 to vector<16xi32>
    %add3A_342 = arith.addi %mul3A_339, %add3A_341 : vector<16xi32>
    %and3A_343 = arith.constant 127 : i32
    %and3A_344 = vector.broadcast %and3A_343 : i32 to vector<16xi32>
    %and3A_345 = arith.andi %add3A_342, %and3A_344 : vector<16xi32>
    %mul3A_346 = arith.constant 10 : i32
    %mul3A_347 = vector.broadcast %mul3A_346 : i32 to vector<16xi32>
    %mul3A_348 = arith.muli %add3A_257, %mul3A_347 : vector<16xi32>
    %add3A_349 = arith.constant 5 : i32
    %add3A_350 = vector.broadcast %add3A_349 : i32 to vector<16xi32>
    %add3A_351 = arith.addi %mul3A_348, %add3A_350 : vector<16xi32>
    %shift_right_arithmetic3A_352 = arith.constant 7 : i32
    %shift_right_arithmetic3A_353 = vector.broadcast %shift_right_arithmetic3A_352 : i32 to vector<16xi32>
    %shift_right_arithmetic3A_354 = arith.shrsi %add3A_351, %shift_right_arithmetic3A_353 : vector<16xi32>
    %mul3A_355 = arith.constant 10 : i32
    %mul3A_356 = vector.broadcast %mul3A_355 : i32 to vector<16xi32>
    %mul3A_357 = arith.muli %add3A_257, %mul3A_356 : vector<16xi32>
    %add3A_358 = arith.constant 5 : i32
    %add3A_359 = vector.broadcast %add3A_358 : i32 to vector<16xi32>
    %add3A_360 = arith.addi %mul3A_357, %add3A_359 : vector<16xi32>
    %and3A_361 = arith.constant 127 : i32
    %and3A_362 = vector.broadcast %and3A_361 : i32 to vector<16xi32>
    %and3A_363 = arith.andi %add3A_360, %and3A_362 : vector<16xi32>
    %mul3A_364 = arith.constant 10 : i32
    %mul3A_365 = vector.broadcast %mul3A_364 : i32 to vector<16xi32>
    %mul3A_366 = arith.muli %add3A_257, %mul3A_365 : vector<16xi32>
    %add3A_367 = arith.constant 6 : i32
    %add3A_368 = vector.broadcast %add3A_367 : i32 to vector<16xi32>
    %add3A_369 = arith.addi %mul3A_366, %add3A_368 : vector<16xi32>
    %shift_right_arithmetic3A_370 = arith.constant 7 : i32
    %shift_right_arithmetic3A_371 = vector.broadcast %shift_right_arithmetic3A_370 : i32 to vector<16xi32>
    %shift_right_arithmetic3A_372 = arith.shrsi %add3A_369, %shift_right_arithmetic3A_371 : vector<16xi32>
    %mul3A_373 = arith.constant 10 : i32
    %mul3A_374 = vector.broadcast %mul3A_373 : i32 to vector<16xi32>
    %mul3A_375 = arith.muli %add3A_257, %mul3A_374 : vector<16xi32>
    %add3A_376 = arith.constant 6 : i32
    %add3A_377 = vector.broadcast %add3A_376 : i32 to vector<16xi32>
    %add3A_378 = arith.addi %mul3A_375, %add3A_377 : vector<16xi32>
    %and3A_379 = arith.constant 127 : i32
    %and3A_380 = vector.broadcast %and3A_379 : i32 to vector<16xi32>
    %and3A_381 = arith.andi %add3A_378, %and3A_380 : vector<16xi32>
    %mul3A_382 = arith.constant 10 : i32
    %mul3A_383 = vector.broadcast %mul3A_382 : i32 to vector<16xi32>
    %mul3A_384 = arith.muli %add3A_257, %mul3A_383 : vector<16xi32>
    %add3A_385 = arith.constant 7 : i32
    %add3A_386 = vector.broadcast %add3A_385 : i32 to vector<16xi32>
    %add3A_387 = arith.addi %mul3A_384, %add3A_386 : vector<16xi32>
    %shift_right_arithmetic3A_388 = arith.constant 7 : i32
    %shift_right_arithmetic3A_389 = vector.broadcast %shift_right_arithmetic3A_388 : i32 to vector<16xi32>
    %shift_right_arithmetic3A_390 = arith.shrsi %add3A_387, %shift_right_arithmetic3A_389 : vector<16xi32>
    %mul3A_391 = arith.constant 10 : i32
    %mul3A_392 = vector.broadcast %mul3A_391 : i32 to vector<16xi32>
    %mul3A_393 = arith.muli %add3A_257, %mul3A_392 : vector<16xi32>
    %add3A_394 = arith.constant 7 : i32
    %add3A_395 = vector.broadcast %add3A_394 : i32 to vector<16xi32>
    %add3A_396 = arith.addi %mul3A_393, %add3A_395 : vector<16xi32>
    %and3A_397 = arith.constant 127 : i32
    %and3A_398 = vector.broadcast %and3A_397 : i32 to vector<16xi32>
    %and3A_399 = arith.andi %add3A_396, %and3A_398 : vector<16xi32>
    %mul3A_400 = arith.constant 10 : i32
    %mul3A_401 = vector.broadcast %mul3A_400 : i32 to vector<16xi32>
    %mul3A_402 = arith.muli %add3A_257, %mul3A_401 : vector<16xi32>
    %add3A_403 = arith.constant 8 : i32
    %add3A_404 = vector.broadcast %add3A_403 : i32 to vector<16xi32>
    %add3A_405 = arith.addi %mul3A_402, %add3A_404 : vector<16xi32>
    %shift_right_arithmetic3A_406 = arith.constant 7 : i32
    %shift_right_arithmetic3A_407 = vector.broadcast %shift_right_arithmetic3A_406 : i32 to vector<16xi32>
    %shift_right_arithmetic3A_408 = arith.shrsi %add3A_405, %shift_right_arithmetic3A_407 : vector<16xi32>
    %mul3A_409 = arith.constant 10 : i32
    %mul3A_410 = vector.broadcast %mul3A_409 : i32 to vector<16xi32>
    %mul3A_411 = arith.muli %add3A_257, %mul3A_410 : vector<16xi32>
    %add3A_412 = arith.constant 8 : i32
    %add3A_413 = vector.broadcast %add3A_412 : i32 to vector<16xi32>
    %add3A_414 = arith.addi %mul3A_411, %add3A_413 : vector<16xi32>
    %and3A_415 = arith.constant 127 : i32
    %and3A_416 = vector.broadcast %and3A_415 : i32 to vector<16xi32>
    %and3A_417 = arith.andi %add3A_414, %and3A_416 : vector<16xi32>
    %mul3A_418 = arith.constant 10 : i32
    %mul3A_419 = vector.broadcast %mul3A_418 : i32 to vector<16xi32>
    %mul3A_420 = arith.muli %add3A_257, %mul3A_419 : vector<16xi32>
    %add3A_421 = arith.constant 9 : i32
    %add3A_422 = vector.broadcast %add3A_421 : i32 to vector<16xi32>
    %add3A_423 = arith.addi %mul3A_420, %add3A_422 : vector<16xi32>
    %shift_right_arithmetic3A_424 = arith.constant 7 : i32
    %shift_right_arithmetic3A_425 = vector.broadcast %shift_right_arithmetic3A_424 : i32 to vector<16xi32>
    %shift_right_arithmetic3A_426 = arith.shrsi %add3A_423, %shift_right_arithmetic3A_425 : vector<16xi32>
    %mul3A_427 = arith.constant 10 : i32
    %mul3A_428 = vector.broadcast %mul3A_427 : i32 to vector<16xi32>
    %mul3A_429 = arith.muli %add3A_257, %mul3A_428 : vector<16xi32>
    %add3A_430 = arith.constant 9 : i32
    %add3A_431 = vector.broadcast %add3A_430 : i32 to vector<16xi32>
    %add3A_432 = arith.addi %mul3A_429, %add3A_431 : vector<16xi32>
    %and3A_433 = arith.constant 127 : i32
    %and3A_434 = vector.broadcast %and3A_433 : i32 to vector<16xi32>
    %and3A_435 = arith.andi %add3A_432, %and3A_434 : vector<16xi32>
    %broadcast_in_dim3A = arith.constant 0.000000e+00 : f32
    %broadcast_in_dim3A_436 = vector.broadcast %broadcast_in_dim3A : f32 to vector<16xf32>
    %broadcast_in_dim3A_437 = arith.constant 0.000000e+00 : f32
    %broadcast_in_dim3A_438 = vector.broadcast %broadcast_in_dim3A_437 : f32 to vector<16xf32>
    %broadcast_in_dim3A_439 = arith.constant 0.000000e+00 : f32
    %broadcast_in_dim3A_440 = vector.broadcast %broadcast_in_dim3A_439 : f32 to vector<16xf32>
    %broadcast_in_dim3A_441 = arith.constant 0.000000e+00 : f32
    %broadcast_in_dim3A_442 = vector.broadcast %broadcast_in_dim3A_441 : f32 to vector<16xf32>
    %broadcast_in_dim3A_443 = arith.constant 0.000000e+00 : f32
    %broadcast_in_dim3A_444 = vector.broadcast %broadcast_in_dim3A_443 : f32 to vector<16xf32>
    %broadcast_in_dim3A_445 = arith.constant 0.000000e+00 : f32
    %broadcast_in_dim3A_446 = vector.broadcast %broadcast_in_dim3A_445 : f32 to vector<16xf32>
    %broadcast_in_dim3A_447 = arith.constant 0.000000e+00 : f32
    %broadcast_in_dim3A_448 = vector.broadcast %broadcast_in_dim3A_447 : f32 to vector<16xf32>
    %broadcast_in_dim3A_449 = arith.constant 0.000000e+00 : f32
    %broadcast_in_dim3A_450 = vector.broadcast %broadcast_in_dim3A_449 : f32 to vector<16xf32>
    %broadcast_in_dim3A_451 = arith.constant 0.000000e+00 : f32
    %broadcast_in_dim3A_452 = vector.broadcast %broadcast_in_dim3A_451 : f32 to vector<16xf32>
    %broadcast_in_dim3A_453 = arith.constant 0.000000e+00 : f32
    %broadcast_in_dim3A_454 = vector.broadcast %broadcast_in_dim3A_453 : f32 to vector<16xf32>
    %broadcast_in_dim3A_455 = arith.constant 0.000000e+00 : f32
    %broadcast_in_dim3A_456 = vector.broadcast %broadcast_in_dim3A_455 : f32 to vector<16xf32>
    %scan3A = arith.constant 0 : i32
    %scan3A_457 = arith.constant 32 : i32
    %scan3A_458 = arith.addi %scan3A, %scan3A_457 : i32
    %scan3A_459 = arith.constant 1 : i32
    %scan3A_460:11 = scf.for %scan3A_2122 = %scan3A to %scan3A_458 step %scan3A_459 iter_args(%scan3A_2123 = %broadcast_in_dim3A_436, %scan3A_2124 = %broadcast_in_dim3A_438, %scan3A_2125 = %broadcast_in_dim3A_440, %scan3A_2126 = %broadcast_in_dim3A_442, %scan3A_2127 = %broadcast_in_dim3A_444, %scan3A_2128 = %broadcast_in_dim3A_446, %scan3A_2129 = %broadcast_in_dim3A_448, %scan3A_2130 = %broadcast_in_dim3A_450, %scan3A_2131 = %broadcast_in_dim3A_452, %scan3A_2132 = %broadcast_in_dim3A_454, %scan3A_2133 = %broadcast_in_dim3A_456) -> (vector<16xf32>, vector<16xf32>, vector<16xf32>, vector<16xf32>, vector<16xf32>, vector<16xf32>, vector<16xf32>, vector<16xf32>, vector<16xf32>, vector<16xf32>, vector<16xf32>)  : i32 {
      %broadcast_in_dim3A_2134 = vector.broadcast %scan3A_2122 : i32 to vector<16xi32>
      %gather3A = tpu.vector_load_idx %arg11[%add3A_257, %broadcast_in_dim3A_2134] : memref<128x32xf32, #tpu.memory_space<vmem>>[vector<16xi32>, vector<16xi32>], vector<16xf32>,
      %gather3A_2135 = tpu.vector_load_idx %arg12[%add3A_257, %broadcast_in_dim3A_2134] : memref<128x32xf32, #tpu.memory_space<vmem>>[vector<16xi32>, vector<16xi32>], vector<16xf32>,
      %mul3A_2136 = arith.mulf %gather3A, %gather3A_2135 : vector<16xf32>
      %add3A_2137 = arith.addf %scan3A_2123, %mul3A_2136 : vector<16xf32>
      %gather3A_2138 = tpu.vector_load_idx %arg13[%shift_right_arithmetic3A_265, %and3A_273, %broadcast_in_dim3A_2134] : memref<10x128x32xf32, #tpu.memory_space<vmem>>[vector<16xi32>, vector<16xi32>, vector<16xi32>], vector<16xf32>,
      %mul3A_2139 = arith.mulf %gather3A, %gather3A_2138 : vector<16xf32>
      %add3A_2140 = arith.addf %scan3A_2124, %mul3A_2139 : vector<16xf32>
      %gather3A_2141 = tpu.vector_load_idx %arg13[%shift_right_arithmetic3A_282, %and3A_291, %broadcast_in_dim3A_2134] : memref<10x128x32xf32, #tpu.memory_space<vmem>>[vector<16xi32>, vector<16xi32>, vector<16xi32>], vector<16xf32>,
      %mul3A_2142 = arith.mulf %gather3A, %gather3A_2141 : vector<16xf32>
      %add3A_2143 = arith.addf %scan3A_2125, %mul3A_2142 : vector<16xf32>
      %gather3A_2144 = tpu.vector_load_idx %arg13[%shift_right_arithmetic3A_300, %and3A_309, %broadcast_in_dim3A_2134] : memref<10x128x32xf32, #tpu.memory_space<vmem>>[vector<16xi32>, vector<16xi32>, vector<16xi32>], vector<16xf32>,
      %mul3A_2145 = arith.mulf %gather3A, %gather3A_2144 : vector<16xf32>
      %add3A_2146 = arith.addf %scan3A_2126, %mul3A_2145 : vector<16xf32>
      %gather3A_2147 = tpu.vector_load_idx %arg13[%shift_right_arithmetic3A_318, %and3A_327, %broadcast_in_dim3A_2134] : memref<10x128x32xf32, #tpu.memory_space<vmem>>[vector<16xi32>, vector<16xi32>, vector<16xi32>], vector<16xf32>,
      %mul3A_2148 = arith.mulf %gather3A, %gather3A_2147 : vector<16xf32>
      %add3A_2149 = arith.addf %scan3A_2127, %mul3A_2148 : vector<16xf32>
      %gather3A_2150 = tpu.vector_load_idx %arg13[%shift_right_arithmetic3A_336, %and3A_345, %broadcast_in_dim3A_2134] : memref<10x128x32xf32, #tpu.memory_space<vmem>>[vector<16xi32>, vector<16xi32>, vector<16xi32>], vector<16xf32>,
      %mul3A_2151 = arith.mulf %gather3A, %gather3A_2150 : vector<16xf32>
      %add3A_2152 = arith.addf %scan3A_2128, %mul3A_2151 : vector<16xf32>
      %gather3A_2153 = tpu.vector_load_idx %arg13[%shift_right_arithmetic3A_354, %and3A_363, %broadcast_in_dim3A_2134] : memref<10x128x32xf32, #tpu.memory_space<vmem>>[vector<16xi32>, vector<16xi32>, vector<16xi32>], vector<16xf32>,
      %mul3A_2154 = arith.mulf %gather3A, %gather3A_2153 : vector<16xf32>
      %add3A_2155 = arith.addf %scan3A_2129, %mul3A_2154 : vector<16xf32>
      %gather3A_2156 = tpu.vector_load_idx %arg13[%shift_right_arithmetic3A_372, %and3A_381, %broadcast_in_dim3A_2134] : memref<10x128x32xf32, #tpu.memory_space<vmem>>[vector<16xi32>, vector<16xi32>, vector<16xi32>], vector<16xf32>,
      %mul3A_2157 = arith.mulf %gather3A, %gather3A_2156 : vector<16xf32>
      %add3A_2158 = arith.addf %scan3A_2130, %mul3A_2157 : vector<16xf32>
      %gather3A_2159 = tpu.vector_load_idx %arg13[%shift_right_arithmetic3A_390, %and3A_399, %broadcast_in_dim3A_2134] : memref<10x128x32xf32, #tpu.memory_space<vmem>>[vector<16xi32>, vector<16xi32>, vector<16xi32>], vector<16xf32>,
      %mul3A_2160 = arith.mulf %gather3A, %gather3A_2159 : vector<16xf32>
      %add3A_2161 = arith.addf %scan3A_2131, %mul3A_2160 : vector<16xf32>
      %gather3A_2162 = tpu.vector_load_idx %arg13[%shift_right_arithmetic3A_408, %and3A_417, %broadcast_in_dim3A_2134] : memref<10x128x32xf32, #tpu.memory_space<vmem>>[vector<16xi32>, vector<16xi32>, vector<16xi32>], vector<16xf32>,
      %mul3A_2163 = arith.mulf %gather3A, %gather3A_2162 : vector<16xf32>
      %add3A_2164 = arith.addf %scan3A_2132, %mul3A_2163 : vector<16xf32>
      %gather3A_2165 = tpu.vector_load_idx %arg13[%shift_right_arithmetic3A_426, %and3A_435, %broadcast_in_dim3A_2134] : memref<10x128x32xf32, #tpu.memory_space<vmem>>[vector<16xi32>, vector<16xi32>, vector<16xi32>], vector<16xf32>,
      %mul3A_2166 = arith.mulf %gather3A, %gather3A_2165 : vector<16xf32>
      %add3A_2167 = arith.addf %scan3A_2133, %mul3A_2166 : vector<16xf32>
      scf.yield %add3A_2137, %add3A_2140, %add3A_2143, %add3A_2146, %add3A_2149, %add3A_2152, %add3A_2155, %add3A_2158, %add3A_2161, %add3A_2164, %add3A_2167 : vector<16xf32>, vector<16xf32>, vector<16xf32>, vector<16xf32>, vector<16xf32>, vector<16xf32>, vector<16xf32>, vector<16xf32>, vector<16xf32>, vector<16xf32>, vector<16xf32>
    }
    %scan3A_461 = arith.constant 32 : i32
    %broadcast_in_dim3A_462 = arith.constant 0 : i32
    %broadcast_in_dim3A_463 = vector.broadcast %broadcast_in_dim3A_462 : i32 to vector<16xi32>
    tpu.vector_store_idx %arg14[%add3A_257, %broadcast_in_dim3A_463], %scan3A_460#0 : memref<128x11xf32, #tpu.memory_space<vmem>>[vector<16xi32>, vector<16xi32>], vector<16xf32>,
    %broadcast_in_dim3A_464 = arith.constant 1 : i32
    %broadcast_in_dim3A_465 = vector.broadcast %broadcast_in_dim3A_464 : i32 to vector<16xi32>
    tpu.vector_store_idx %arg14[%add3A_257, %broadcast_in_dim3A_465], %scan3A_460#1 : memref<128x11xf32, #tpu.memory_space<vmem>>[vector<16xi32>, vector<16xi32>], vector<16xf32>,
    %broadcast_in_dim3A_466 = arith.constant 2 : i32
    %broadcast_in_dim3A_467 = vector.broadcast %broadcast_in_dim3A_466 : i32 to vector<16xi32>
    tpu.vector_store_idx %arg14[%add3A_257, %broadcast_in_dim3A_467], %scan3A_460#2 : memref<128x11xf32, #tpu.memory_space<vmem>>[vector<16xi32>, vector<16xi32>], vector<16xf32>,
    %broadcast_in_dim3A_468 = arith.constant 3 : i32
    %broadcast_in_dim3A_469 = vector.broadcast %broadcast_in_dim3A_468 : i32 to vector<16xi32>
    tpu.vector_store_idx %arg14[%add3A_257, %broadcast_in_dim3A_469], %scan3A_460#3 : memref<128x11xf32, #tpu.memory_space<vmem>>[vector<16xi32>, vector<16xi32>], vector<16xf32>,
    %broadcast_in_dim3A_470 = arith.constant 4 : i32
    %broadcast_in_dim3A_471 = vector.broadcast %broadcast_in_dim3A_470 : i32 to vector<16xi32>
    tpu.vector_store_idx %arg14[%add3A_257, %broadcast_in_dim3A_471], %scan3A_460#4 : memref<128x11xf32, #tpu.memory_space<vmem>>[vector<16xi32>, vector<16xi32>], vector<16xf32>,
    %broadcast_in_dim3A_472 = arith.constant 5 : i32
    %broadcast_in_dim3A_473 = vector.broadcast %broadcast_in_dim3A_472 : i32 to vector<16xi32>
    tpu.vector_store_idx %arg14[%add3A_257, %broadcast_in_dim3A_473], %scan3A_460#5 : memref<128x11xf32, #tpu.memory_space<vmem>>[vector<16xi32>, vector<16xi32>], vector<16xf32>,
    %broadcast_in_dim3A_474 = arith.constant 6 : i32
    %broadcast_in_dim3A_475 = vector.broadcast %broadcast_in_dim3A_474 : i32 to vector<16xi32>
    tpu.vector_store_idx %arg14[%add3A_257, %broadcast_in_dim3A_475], %scan3A_460#6 : memref<128x11xf32, #tpu.memory_space<vmem>>[vector<16xi32>, vector<16xi32>], vector<16xf32>,
    %broadcast_in_dim3A_476 = arith.constant 7 : i32
    %broadcast_in_dim3A_477 = vector.broadcast %broadcast_in_dim3A_476 : i32 to vector<16xi32>
    tpu.vector_store_idx %arg14[%add3A_257, %broadcast_in_dim3A_477], %scan3A_460#7 : memref<128x11xf32, #tpu.memory_space<vmem>>[vector<16xi32>, vector<16xi32>], vector<16xf32>,
    %broadcast_in_dim3A_478 = arith.constant 8 : i32
    %broadcast_in_dim3A_479 = vector.broadcast %broadcast_in_dim3A_478 : i32 to vector<16xi32>
    tpu.vector_store_idx %arg14[%add3A_257, %broadcast_in_dim3A_479], %scan3A_460#8 : memref<128x11xf32, #tpu.memory_space<vmem>>[vector<16xi32>, vector<16xi32>], vector<16xf32>,
    %broadcast_in_dim3A_480 = arith.constant 9 : i32
    %broadcast_in_dim3A_481 = vector.broadcast %broadcast_in_dim3A_480 : i32 to vector<16xi32>
    tpu.vector_store_idx %arg14[%add3A_257, %broadcast_in_dim3A_481], %scan3A_460#9 : memref<128x11xf32, #tpu.memory_space<vmem>>[vector<16xi32>, vector<16xi32>], vector<16xf32>,
    %broadcast_in_dim3A_482 = arith.constant 10 : i32
    %broadcast_in_dim3A_483 = vector.broadcast %broadcast_in_dim3A_482 : i32 to vector<16xi32>
    tpu.vector_store_idx %arg14[%add3A_257, %broadcast_in_dim3A_483], %scan3A_460#10 : memref<128x11xf32, #tpu.memory_space<vmem>>[vector<16xi32>, vector<16xi32>], vector<16xf32>,
    %iota3A_484 = tpu.iota {dimensions = array<i32: 0>} : vector<16xi32>
    %add3A_485 = arith.constant 16 : i32
    %add3A_486 = vector.broadcast %add3A_485 : i32 to vector<16xi32>
    %add3A_487 = arith.addi %iota3A_484, %add3A_486 : vector<16xi32>
    %mul3A_488 = arith.constant 10 : i32
    %mul3A_489 = vector.broadcast %mul3A_488 : i32 to vector<16xi32>
    %mul3A_490 = arith.muli %add3A_487, %mul3A_489 : vector<16xi32>
    %add3A_491 = arith.constant 0 : i32
    %add3A_492 = vector.broadcast %add3A_491 : i32 to vector<16xi32>
    %add3A_493 = arith.addi %mul3A_490, %add3A_492 : vector<16xi32>
    %shift_right_arithmetic3A_494 = arith.constant 7 : i32
    %shift_right_arithmetic3A_495 = vector.broadcast %shift_right_arithmetic3A_494 : i32 to vector<16xi32>
    %shift_right_arithmetic3A_496 = arith.shrsi %add3A_493, %shift_right_arithmetic3A_495 : vector<16xi32>
    %mul3A_497 = arith.constant 10 : i32
    %mul3A_498 = vector.broadcast %mul3A_497 : i32 to vector<16xi32>
    %mul3A_499 = arith.muli %add3A_487, %mul3A_498 : vector<16xi32>
    %add3A_500 = arith.constant 0 : i32
    %add3A_501 = vector.broadcast %add3A_500 : i32 to vector<16xi32>
    %add3A_502 = arith.addi %mul3A_499, %add3A_501 : vector<16xi32>
    %and3A_503 = arith.constant 127 : i32
    %and3A_504 = vector.broadcast %and3A_503 : i32 to vector<16xi32>
    %and3A_505 = arith.andi %add3A_502, %and3A_504 : vector<16xi32>
    %mul3A_506 = arith.constant 10 : i32
    %mul3A_507 = vector.broadcast %mul3A_506 : i32 to vector<16xi32>
    %mul3A_508 = arith.muli %add3A_487, %mul3A_507 : vector<16xi32>
    %add3A_509 = arith.constant 1 : i32
    %add3A_510 = vector.broadcast %add3A_509 : i32 to vector<16xi32>
    %add3A_511 = arith.addi %mul3A_508, %add3A_510 : vector<16xi32>
    %shift_right_arithmetic3A_512 = arith.constant 7 : i32
    %shift_right_arithmetic3A_513 = vector.broadcast %shift_right_arithmetic3A_512 : i32 to vector<16xi32>
    %shift_right_arithmetic3A_514 = arith.shrsi %add3A_511, %shift_right_arithmetic3A_513 : vector<16xi32>
    %mul3A_515 = arith.constant 10 : i32
    %mul3A_516 = vector.broadcast %mul3A_515 : i32 to vector<16xi32>
    %mul3A_517 = arith.muli %add3A_487, %mul3A_516 : vector<16xi32>
    %add3A_518 = arith.constant 1 : i32
    %add3A_519 = vector.broadcast %add3A_518 : i32 to vector<16xi32>
    %add3A_520 = arith.addi %mul3A_517, %add3A_519 : vector<16xi32>
    %and3A_521 = arith.constant 127 : i32
    %and3A_522 = vector.broadcast %and3A_521 : i32 to vector<16xi32>
    %and3A_523 = arith.andi %add3A_520, %and3A_522 : vector<16xi32>
    %mul3A_524 = arith.constant 10 : i32
    %mul3A_525 = vector.broadcast %mul3A_524 : i32 to vector<16xi32>
    %mul3A_526 = arith.muli %add3A_487, %mul3A_525 : vector<16xi32>
    %add3A_527 = arith.constant 2 : i32
    %add3A_528 = vector.broadcast %add3A_527 : i32 to vector<16xi32>
    %add3A_529 = arith.addi %mul3A_526, %add3A_528 : vector<16xi32>
    %shift_right_arithmetic3A_530 = arith.constant 7 : i32
    %shift_right_arithmetic3A_531 = vector.broadcast %shift_right_arithmetic3A_530 : i32 to vector<16xi32>
    %shift_right_arithmetic3A_532 = arith.shrsi %add3A_529, %shift_right_arithmetic3A_531 : vector<16xi32>
    %mul3A_533 = arith.constant 10 : i32
    %mul3A_534 = vector.broadcast %mul3A_533 : i32 to vector<16xi32>
    %mul3A_535 = arith.muli %add3A_487, %mul3A_534 : vector<16xi32>
    %add3A_536 = arith.constant 2 : i32
    %add3A_537 = vector.broadcast %add3A_536 : i32 to vector<16xi32>
    %add3A_538 = arith.addi %mul3A_535, %add3A_537 : vector<16xi32>
    %and3A_539 = arith.constant 127 : i32
    %and3A_540 = vector.broadcast %and3A_539 : i32 to vector<16xi32>
    %and3A_541 = arith.andi %add3A_538, %and3A_540 : vector<16xi32>
    %mul3A_542 = arith.constant 10 : i32
    %mul3A_543 = vector.broadcast %mul3A_542 : i32 to vector<16xi32>
    %mul3A_544 = arith.muli %add3A_487, %mul3A_543 : vector<16xi32>
    %add3A_545 = arith.constant 3 : i32
    %add3A_546 = vector.broadcast %add3A_545 : i32 to vector<16xi32>
    %add3A_547 = arith.addi %mul3A_544, %add3A_546 : vector<16xi32>
    %shift_right_arithmetic3A_548 = arith.constant 7 : i32
    %shift_right_arithmetic3A_549 = vector.broadcast %shift_right_arithmetic3A_548 : i32 to vector<16xi32>
    %shift_right_arithmetic3A_550 = arith.shrsi %add3A_547, %shift_right_arithmetic3A_549 : vector<16xi32>
    %mul3A_551 = arith.constant 10 : i32
    %mul3A_552 = vector.broadcast %mul3A_551 : i32 to vector<16xi32>
    %mul3A_553 = arith.muli %add3A_487, %mul3A_552 : vector<16xi32>
    %add3A_554 = arith.constant 3 : i32
    %add3A_555 = vector.broadcast %add3A_554 : i32 to vector<16xi32>
    %add3A_556 = arith.addi %mul3A_553, %add3A_555 : vector<16xi32>
    %and3A_557 = arith.constant 127 : i32
    %and3A_558 = vector.broadcast %and3A_557 : i32 to vector<16xi32>
    %and3A_559 = arith.andi %add3A_556, %and3A_558 : vector<16xi32>
    %mul3A_560 = arith.constant 10 : i32
    %mul3A_561 = vector.broadcast %mul3A_560 : i32 to vector<16xi32>
    %mul3A_562 = arith.muli %add3A_487, %mul3A_561 : vector<16xi32>
    %add3A_563 = arith.constant 4 : i32
    %add3A_564 = vector.broadcast %add3A_563 : i32 to vector<16xi32>
    %add3A_565 = arith.addi %mul3A_562, %add3A_564 : vector<16xi32>
    %shift_right_arithmetic3A_566 = arith.constant 7 : i32
    %shift_right_arithmetic3A_567 = vector.broadcast %shift_right_arithmetic3A_566 : i32 to vector<16xi32>
    %shift_right_arithmetic3A_568 = arith.shrsi %add3A_565, %shift_right_arithmetic3A_567 : vector<16xi32>
    %mul3A_569 = arith.constant 10 : i32
    %mul3A_570 = vector.broadcast %mul3A_569 : i32 to vector<16xi32>
    %mul3A_571 = arith.muli %add3A_487, %mul3A_570 : vector<16xi32>
    %add3A_572 = arith.constant 4 : i32
    %add3A_573 = vector.broadcast %add3A_572 : i32 to vector<16xi32>
    %add3A_574 = arith.addi %mul3A_571, %add3A_573 : vector<16xi32>
    %and3A_575 = arith.constant 127 : i32
    %and3A_576 = vector.broadcast %and3A_575 : i32 to vector<16xi32>
    %and3A_577 = arith.andi %add3A_574, %and3A_576 : vector<16xi32>
    %mul3A_578 = arith.constant 10 : i32
    %mul3A_579 = vector.broadcast %mul3A_578 : i32 to vector<16xi32>
    %mul3A_580 = arith.muli %add3A_487, %mul3A_579 : vector<16xi32>
    %add3A_581 = arith.constant 5 : i32
    %add3A_582 = vector.broadcast %add3A_581 : i32 to vector<16xi32>
    %add3A_583 = arith.addi %mul3A_580, %add3A_582 : vector<16xi32>
    %shift_right_arithmetic3A_584 = arith.constant 7 : i32
    %shift_right_arithmetic3A_585 = vector.broadcast %shift_right_arithmetic3A_584 : i32 to vector<16xi32>
    %shift_right_arithmetic3A_586 = arith.shrsi %add3A_583, %shift_right_arithmetic3A_585 : vector<16xi32>
    %mul3A_587 = arith.constant 10 : i32
    %mul3A_588 = vector.broadcast %mul3A_587 : i32 to vector<16xi32>
    %mul3A_589 = arith.muli %add3A_487, %mul3A_588 : vector<16xi32>
    %add3A_590 = arith.constant 5 : i32
    %add3A_591 = vector.broadcast %add3A_590 : i32 to vector<16xi32>
    %add3A_592 = arith.addi %mul3A_589, %add3A_591 : vector<16xi32>
    %and3A_593 = arith.constant 127 : i32
    %and3A_594 = vector.broadcast %and3A_593 : i32 to vector<16xi32>
    %and3A_595 = arith.andi %add3A_592, %and3A_594 : vector<16xi32>
    %mul3A_596 = arith.constant 10 : i32
    %mul3A_597 = vector.broadcast %mul3A_596 : i32 to vector<16xi32>
    %mul3A_598 = arith.muli %add3A_487, %mul3A_597 : vector<16xi32>
    %add3A_599 = arith.constant 6 : i32
    %add3A_600 = vector.broadcast %add3A_599 : i32 to vector<16xi32>
    %add3A_601 = arith.addi %mul3A_598, %add3A_600 : vector<16xi32>
    %shift_right_arithmetic3A_602 = arith.constant 7 : i32
    %shift_right_arithmetic3A_603 = vector.broadcast %shift_right_arithmetic3A_602 : i32 to vector<16xi32>
    %shift_right_arithmetic3A_604 = arith.shrsi %add3A_601, %shift_right_arithmetic3A_603 : vector<16xi32>
    %mul3A_605 = arith.constant 10 : i32
    %mul3A_606 = vector.broadcast %mul3A_605 : i32 to vector<16xi32>
    %mul3A_607 = arith.muli %add3A_487, %mul3A_606 : vector<16xi32>
    %add3A_608 = arith.constant 6 : i32
    %add3A_609 = vector.broadcast %add3A_608 : i32 to vector<16xi32>
    %add3A_610 = arith.addi %mul3A_607, %add3A_609 : vector<16xi32>
    %and3A_611 = arith.constant 127 : i32
    %and3A_612 = vector.broadcast %and3A_611 : i32 to vector<16xi32>
    %and3A_613 = arith.andi %add3A_610, %and3A_612 : vector<16xi32>
    %mul3A_614 = arith.constant 10 : i32
    %mul3A_615 = vector.broadcast %mul3A_614 : i32 to vector<16xi32>
    %mul3A_616 = arith.muli %add3A_487, %mul3A_615 : vector<16xi32>
    %add3A_617 = arith.constant 7 : i32
    %add3A_618 = vector.broadcast %add3A_617 : i32 to vector<16xi32>
    %add3A_619 = arith.addi %mul3A_616, %add3A_618 : vector<16xi32>
    %shift_right_arithmetic3A_620 = arith.constant 7 : i32
    %shift_right_arithmetic3A_621 = vector.broadcast %shift_right_arithmetic3A_620 : i32 to vector<16xi32>
    %shift_right_arithmetic3A_622 = arith.shrsi %add3A_619, %shift_right_arithmetic3A_621 : vector<16xi32>
    %mul3A_623 = arith.constant 10 : i32
    %mul3A_624 = vector.broadcast %mul3A_623 : i32 to vector<16xi32>
    %mul3A_625 = arith.muli %add3A_487, %mul3A_624 : vector<16xi32>
    %add3A_626 = arith.constant 7 : i32
    %add3A_627 = vector.broadcast %add3A_626 : i32 to vector<16xi32>
    %add3A_628 = arith.addi %mul3A_625, %add3A_627 : vector<16xi32>
    %and3A_629 = arith.constant 127 : i32
    %and3A_630 = vector.broadcast %and3A_629 : i32 to vector<16xi32>
    %and3A_631 = arith.andi %add3A_628, %and3A_630 : vector<16xi32>
    %mul3A_632 = arith.constant 10 : i32
    %mul3A_633 = vector.broadcast %mul3A_632 : i32 to vector<16xi32>
    %mul3A_634 = arith.muli %add3A_487, %mul3A_633 : vector<16xi32>
    %add3A_635 = arith.constant 8 : i32
    %add3A_636 = vector.broadcast %add3A_635 : i32 to vector<16xi32>
    %add3A_637 = arith.addi %mul3A_634, %add3A_636 : vector<16xi32>
    %shift_right_arithmetic3A_638 = arith.constant 7 : i32
    %shift_right_arithmetic3A_639 = vector.broadcast %shift_right_arithmetic3A_638 : i32 to vector<16xi32>
    %shift_right_arithmetic3A_640 = arith.shrsi %add3A_637, %shift_right_arithmetic3A_639 : vector<16xi32>
    %mul3A_641 = arith.constant 10 : i32
    %mul3A_642 = vector.broadcast %mul3A_641 : i32 to vector<16xi32>
    %mul3A_643 = arith.muli %add3A_487, %mul3A_642 : vector<16xi32>
    %add3A_644 = arith.constant 8 : i32
    %add3A_645 = vector.broadcast %add3A_644 : i32 to vector<16xi32>
    %add3A_646 = arith.addi %mul3A_643, %add3A_645 : vector<16xi32>
    %and3A_647 = arith.constant 127 : i32
    %and3A_648 = vector.broadcast %and3A_647 : i32 to vector<16xi32>
    %and3A_649 = arith.andi %add3A_646, %and3A_648 : vector<16xi32>
    %mul3A_650 = arith.constant 10 : i32
    %mul3A_651 = vector.broadcast %mul3A_650 : i32 to vector<16xi32>
    %mul3A_652 = arith.muli %add3A_487, %mul3A_651 : vector<16xi32>
    %add3A_653 = arith.constant 9 : i32
    %add3A_654 = vector.broadcast %add3A_653 : i32 to vector<16xi32>
    %add3A_655 = arith.addi %mul3A_652, %add3A_654 : vector<16xi32>
    %shift_right_arithmetic3A_656 = arith.constant 7 : i32
    %shift_right_arithmetic3A_657 = vector.broadcast %shift_right_arithmetic3A_656 : i32 to vector<16xi32>
    %shift_right_arithmetic3A_658 = arith.shrsi %add3A_655, %shift_right_arithmetic3A_657 : vector<16xi32>
    %mul3A_659 = arith.constant 10 : i32
    %mul3A_660 = vector.broadcast %mul3A_659 : i32 to vector<16xi32>
    %mul3A_661 = arith.muli %add3A_487, %mul3A_660 : vector<16xi32>
    %add3A_662 = arith.constant 9 : i32
    %add3A_663 = vector.broadcast %add3A_662 : i32 to vector<16xi32>
    %add3A_664 = arith.addi %mul3A_661, %add3A_663 : vector<16xi32>
    %and3A_665 = arith.constant 127 : i32
    %and3A_666 = vector.broadcast %and3A_665 : i32 to vector<16xi32>
    %and3A_667 = arith.andi %add3A_664, %and3A_666 : vector<16xi32>
    %broadcast_in_dim3A_668 = arith.constant 0.000000e+00 : f32
    %broadcast_in_dim3A_669 = vector.broadcast %broadcast_in_dim3A_668 : f32 to vector<16xf32>
    %broadcast_in_dim3A_670 = arith.constant 0.000000e+00 : f32
    %broadcast_in_dim3A_671 = vector.broadcast %broadcast_in_dim3A_670 : f32 to vector<16xf32>
    %broadcast_in_dim3A_672 = arith.constant 0.000000e+00 : f32
    %broadcast_in_dim3A_673 = vector.broadcast %broadcast_in_dim3A_672 : f32 to vector<16xf32>
    %broadcast_in_dim3A_674 = arith.constant 0.000000e+00 : f32
    %broadcast_in_dim3A_675 = vector.broadcast %broadcast_in_dim3A_674 : f32 to vector<16xf32>
    %broadcast_in_dim3A_676 = arith.constant 0.000000e+00 : f32
    %broadcast_in_dim3A_677 = vector.broadcast %broadcast_in_dim3A_676 : f32 to vector<16xf32>
    %broadcast_in_dim3A_678 = arith.constant 0.000000e+00 : f32
    %broadcast_in_dim3A_679 = vector.broadcast %broadcast_in_dim3A_678 : f32 to vector<16xf32>
    %broadcast_in_dim3A_680 = arith.constant 0.000000e+00 : f32
    %broadcast_in_dim3A_681 = vector.broadcast %broadcast_in_dim3A_680 : f32 to vector<16xf32>
    %broadcast_in_dim3A_682 = arith.constant 0.000000e+00 : f32
    %broadcast_in_dim3A_683 = vector.broadcast %broadcast_in_dim3A_682 : f32 to vector<16xf32>
    %broadcast_in_dim3A_684 = arith.constant 0.000000e+00 : f32
    %broadcast_in_dim3A_685 = vector.broadcast %broadcast_in_dim3A_684 : f32 to vector<16xf32>
    %broadcast_in_dim3A_686 = arith.constant 0.000000e+00 : f32
    %broadcast_in_dim3A_687 = vector.broadcast %broadcast_in_dim3A_686 : f32 to vector<16xf32>
    %broadcast_in_dim3A_688 = arith.constant 0.000000e+00 : f32
    %broadcast_in_dim3A_689 = vector.broadcast %broadcast_in_dim3A_688 : f32 to vector<16xf32>
    %scan3A_690 = arith.constant 0 : i32
    %scan3A_691 = arith.constant 32 : i32
    %scan3A_692 = arith.addi %scan3A_690, %scan3A_691 : i32
    %scan3A_693 = arith.constant 1 : i32
    %scan3A_694:11 = scf.for %scan3A_2122 = %scan3A_690 to %scan3A_692 step %scan3A_693 iter_args(%scan3A_2123 = %broadcast_in_dim3A_669, %scan3A_2124 = %broadcast_in_dim3A_671, %scan3A_2125 = %broadcast_in_dim3A_673, %scan3A_2126 = %broadcast_in_dim3A_675, %scan3A_2127 = %broadcast_in_dim3A_677, %scan3A_2128 = %broadcast_in_dim3A_679, %scan3A_2129 = %broadcast_in_dim3A_681, %scan3A_2130 = %broadcast_in_dim3A_683, %scan3A_2131 = %broadcast_in_dim3A_685, %scan3A_2132 = %broadcast_in_dim3A_687, %scan3A_2133 = %broadcast_in_dim3A_689) -> (vector<16xf32>, vector<16xf32>, vector<16xf32>, vector<16xf32>, vector<16xf32>, vector<16xf32>, vector<16xf32>, vector<16xf32>, vector<16xf32>, vector<16xf32>, vector<16xf32>)  : i32 {
      %broadcast_in_dim3A_2134 = vector.broadcast %scan3A_2122 : i32 to vector<16xi32>
      %gather3A = tpu.vector_load_idx %arg11[%add3A_487, %broadcast_in_dim3A_2134] : memref<128x32xf32, #tpu.memory_space<vmem>>[vector<16xi32>, vector<16xi32>], vector<16xf32>,
      %gather3A_2135 = tpu.vector_load_idx %arg12[%add3A_487, %broadcast_in_dim3A_2134] : memref<128x32xf32, #tpu.memory_space<vmem>>[vector<16xi32>, vector<16xi32>], vector<16xf32>,
      %mul3A_2136 = arith.mulf %gather3A, %gather3A_2135 : vector<16xf32>
      %add3A_2137 = arith.addf %scan3A_2123, %mul3A_2136 : vector<16xf32>
      %gather3A_2138 = tpu.vector_load_idx %arg13[%shift_right_arithmetic3A_496, %and3A_505, %broadcast_in_dim3A_2134] : memref<10x128x32xf32, #tpu.memory_space<vmem>>[vector<16xi32>, vector<16xi32>, vector<16xi32>], vector<16xf32>,
      %mul3A_2139 = arith.mulf %gather3A, %gather3A_2138 : vector<16xf32>
      %add3A_2140 = arith.addf %scan3A_2124, %mul3A_2139 : vector<16xf32>
      %gather3A_2141 = tpu.vector_load_idx %arg13[%shift_right_arithmetic3A_514, %and3A_523, %broadcast_in_dim3A_2134] : memref<10x128x32xf32, #tpu.memory_space<vmem>>[vector<16xi32>, vector<16xi32>, vector<16xi32>], vector<16xf32>,
      %mul3A_2142 = arith.mulf %gather3A, %gather3A_2141 : vector<16xf32>
      %add3A_2143 = arith.addf %scan3A_2125, %mul3A_2142 : vector<16xf32>
      %gather3A_2144 = tpu.vector_load_idx %arg13[%shift_right_arithmetic3A_532, %and3A_541, %broadcast_in_dim3A_2134] : memref<10x128x32xf32, #tpu.memory_space<vmem>>[vector<16xi32>, vector<16xi32>, vector<16xi32>], vector<16xf32>,
      %mul3A_2145 = arith.mulf %gather3A, %gather3A_2144 : vector<16xf32>
      %add3A_2146 = arith.addf %scan3A_2126, %mul3A_2145 : vector<16xf32>
      %gather3A_2147 = tpu.vector_load_idx %arg13[%shift_right_arithmetic3A_550, %and3A_559, %broadcast_in_dim3A_2134] : memref<10x128x32xf32, #tpu.memory_space<vmem>>[vector<16xi32>, vector<16xi32>, vector<16xi32>], vector<16xf32>,
      %mul3A_2148 = arith.mulf %gather3A, %gather3A_2147 : vector<16xf32>
      %add3A_2149 = arith.addf %scan3A_2127, %mul3A_2148 : vector<16xf32>
      %gather3A_2150 = tpu.vector_load_idx %arg13[%shift_right_arithmetic3A_568, %and3A_577, %broadcast_in_dim3A_2134] : memref<10x128x32xf32, #tpu.memory_space<vmem>>[vector<16xi32>, vector<16xi32>, vector<16xi32>], vector<16xf32>,
      %mul3A_2151 = arith.mulf %gather3A, %gather3A_2150 : vector<16xf32>
      %add3A_2152 = arith.addf %scan3A_2128, %mul3A_2151 : vector<16xf32>
      %gather3A_2153 = tpu.vector_load_idx %arg13[%shift_right_arithmetic3A_586, %and3A_595, %broadcast_in_dim3A_2134] : memref<10x128x32xf32, #tpu.memory_space<vmem>>[vector<16xi32>, vector<16xi32>, vector<16xi32>], vector<16xf32>,
      %mul3A_2154 = arith.mulf %gather3A, %gather3A_2153 : vector<16xf32>
      %add3A_2155 = arith.addf %scan3A_2129, %mul3A_2154 : vector<16xf32>
      %gather3A_2156 = tpu.vector_load_idx %arg13[%shift_right_arithmetic3A_604, %and3A_613, %broadcast_in_dim3A_2134] : memref<10x128x32xf32, #tpu.memory_space<vmem>>[vector<16xi32>, vector<16xi32>, vector<16xi32>], vector<16xf32>,
      %mul3A_2157 = arith.mulf %gather3A, %gather3A_2156 : vector<16xf32>
      %add3A_2158 = arith.addf %scan3A_2130, %mul3A_2157 : vector<16xf32>
      %gather3A_2159 = tpu.vector_load_idx %arg13[%shift_right_arithmetic3A_622, %and3A_631, %broadcast_in_dim3A_2134] : memref<10x128x32xf32, #tpu.memory_space<vmem>>[vector<16xi32>, vector<16xi32>, vector<16xi32>], vector<16xf32>,
      %mul3A_2160 = arith.mulf %gather3A, %gather3A_2159 : vector<16xf32>
      %add3A_2161 = arith.addf %scan3A_2131, %mul3A_2160 : vector<16xf32>
      %gather3A_2162 = tpu.vector_load_idx %arg13[%shift_right_arithmetic3A_640, %and3A_649, %broadcast_in_dim3A_2134] : memref<10x128x32xf32, #tpu.memory_space<vmem>>[vector<16xi32>, vector<16xi32>, vector<16xi32>], vector<16xf32>,
      %mul3A_2163 = arith.mulf %gather3A, %gather3A_2162 : vector<16xf32>
      %add3A_2164 = arith.addf %scan3A_2132, %mul3A_2163 : vector<16xf32>
      %gather3A_2165 = tpu.vector_load_idx %arg13[%shift_right_arithmetic3A_658, %and3A_667, %broadcast_in_dim3A_2134] : memref<10x128x32xf32, #tpu.memory_space<vmem>>[vector<16xi32>, vector<16xi32>, vector<16xi32>], vector<16xf32>,
      %mul3A_2166 = arith.mulf %gather3A, %gather3A_2165 : vector<16xf32>
      %add3A_2167 = arith.addf %scan3A_2133, %mul3A_2166 : vector<16xf32>
      scf.yield %add3A_2137, %add3A_2140, %add3A_2143, %add3A_2146, %add3A_2149, %add3A_2152, %add3A_2155, %add3A_2158, %add3A_2161, %add3A_2164, %add3A_2167 : vector<16xf32>, vector<16xf32>, vector<16xf32>, vector<16xf32>, vector<16xf32>, vector<16xf32>, vector<16xf32>, vector<16xf32>, vector<16xf32>, vector<16xf32>, vector<16xf32>
    }
    %scan3A_695 = arith.constant 32 : i32
    %broadcast_in_dim3A_696 = arith.constant 0 : i32
    %broadcast_in_dim3A_697 = vector.broadcast %broadcast_in_dim3A_696 : i32 to vector<16xi32>
    tpu.vector_store_idx %arg14[%add3A_487, %broadcast_in_dim3A_697], %scan3A_694#0 : memref<128x11xf32, #tpu.memory_space<vmem>>[vector<16xi32>, vector<16xi32>], vector<16xf32>,
    %broadcast_in_dim3A_698 = arith.constant 1 : i32
    %broadcast_in_dim3A_699 = vector.broadcast %broadcast_in_dim3A_698 : i32 to vector<16xi32>
    tpu.vector_store_idx %arg14[%add3A_487, %broadcast_in_dim3A_699], %scan3A_694#1 : memref<128x11xf32, #tpu.memory_space<vmem>>[vector<16xi32>, vector<16xi32>], vector<16xf32>,
    %broadcast_in_dim3A_700 = arith.constant 2 : i32
    %broadcast_in_dim3A_701 = vector.broadcast %broadcast_in_dim3A_700 : i32 to vector<16xi32>
    tpu.vector_store_idx %arg14[%add3A_487, %broadcast_in_dim3A_701], %scan3A_694#2 : memref<128x11xf32, #tpu.memory_space<vmem>>[vector<16xi32>, vector<16xi32>], vector<16xf32>,
    %broadcast_in_dim3A_702 = arith.constant 3 : i32
    %broadcast_in_dim3A_703 = vector.broadcast %broadcast_in_dim3A_702 : i32 to vector<16xi32>
    tpu.vector_store_idx %arg14[%add3A_487, %broadcast_in_dim3A_703], %scan3A_694#3 : memref<128x11xf32, #tpu.memory_space<vmem>>[vector<16xi32>, vector<16xi32>], vector<16xf32>,
    %broadcast_in_dim3A_704 = arith.constant 4 : i32
    %broadcast_in_dim3A_705 = vector.broadcast %broadcast_in_dim3A_704 : i32 to vector<16xi32>
    tpu.vector_store_idx %arg14[%add3A_487, %broadcast_in_dim3A_705], %scan3A_694#4 : memref<128x11xf32, #tpu.memory_space<vmem>>[vector<16xi32>, vector<16xi32>], vector<16xf32>,
    %broadcast_in_dim3A_706 = arith.constant 5 : i32
    %broadcast_in_dim3A_707 = vector.broadcast %broadcast_in_dim3A_706 : i32 to vector<16xi32>
    tpu.vector_store_idx %arg14[%add3A_487, %broadcast_in_dim3A_707], %scan3A_694#5 : memref<128x11xf32, #tpu.memory_space<vmem>>[vector<16xi32>, vector<16xi32>], vector<16xf32>,
    %broadcast_in_dim3A_708 = arith.constant 6 : i32
    %broadcast_in_dim3A_709 = vector.broadcast %broadcast_in_dim3A_708 : i32 to vector<16xi32>
    tpu.vector_store_idx %arg14[%add3A_487, %broadcast_in_dim3A_709], %scan3A_694#6 : memref<128x11xf32, #tpu.memory_space<vmem>>[vector<16xi32>, vector<16xi32>], vector<16xf32>,
    %broadcast_in_dim3A_710 = arith.constant 7 : i32
    %broadcast_in_dim3A_711 = vector.broadcast %broadcast_in_dim3A_710 : i32 to vector<16xi32>
    tpu.vector_store_idx %arg14[%add3A_487, %broadcast_in_dim3A_711], %scan3A_694#7 : memref<128x11xf32, #tpu.memory_space<vmem>>[vector<16xi32>, vector<16xi32>], vector<16xf32>,
    %broadcast_in_dim3A_712 = arith.constant 8 : i32
    %broadcast_in_dim3A_713 = vector.broadcast %broadcast_in_dim3A_712 : i32 to vector<16xi32>
    tpu.vector_store_idx %arg14[%add3A_487, %broadcast_in_dim3A_713], %scan3A_694#8 : memref<128x11xf32, #tpu.memory_space<vmem>>[vector<16xi32>, vector<16xi32>], vector<16xf32>,
    %broadcast_in_dim3A_714 = arith.constant 9 : i32
    %broadcast_in_dim3A_715 = vector.broadcast %broadcast_in_dim3A_714 : i32 to vector<16xi32>
    tpu.vector_store_idx %arg14[%add3A_487, %broadcast_in_dim3A_715], %scan3A_694#9 : memref<128x11xf32, #tpu.memory_space<vmem>>[vector<16xi32>, vector<16xi32>], vector<16xf32>,
    %broadcast_in_dim3A_716 = arith.constant 10 : i32
    %broadcast_in_dim3A_717 = vector.broadcast %broadcast_in_dim3A_716 : i32 to vector<16xi32>
    tpu.vector_store_idx %arg14[%add3A_487, %broadcast_in_dim3A_717], %scan3A_694#10 : memref<128x11xf32, #tpu.memory_space<vmem>>[vector<16xi32>, vector<16xi32>], vector<16xf32>,
    %iota3A_718 = tpu.iota {dimensions = array<i32: 0>} : vector<16xi32>
    %add3A_719 = arith.constant 32 : i32
    %add3A_720 = vector.broadcast %add3A_719 : i32 to vector<16xi32>
    %add3A_721 = arith.addi %iota3A_718, %add3A_720 : vector<16xi32>
    %mul3A_722 = arith.constant 10 : i32
    %mul3A_723 = vector.broadcast %mul3A_722 : i32 to vector<16xi32>
    %mul3A_724 = arith.muli %add3A_721, %mul3A_723 : vector<16xi32>
    %add3A_725 = arith.constant 0 : i32
    %add3A_726 = vector.broadcast %add3A_725 : i32 to vector<16xi32>
    %add3A_727 = arith.addi %mul3A_724, %add3A_726 : vector<16xi32>
    %shift_right_arithmetic3A_728 = arith.constant 7 : i32
    %shift_right_arithmetic3A_729 = vector.broadcast %shift_right_arithmetic3A_728 : i32 to vector<16xi32>
    %shift_right_arithmetic3A_730 = arith.shrsi %add3A_727, %shift_right_arithmetic3A_729 : vector<16xi32>
    %mul3A_731 = arith.constant 10 : i32
    %mul3A_732 = vector.broadcast %mul3A_731 : i32 to vector<16xi32>
    %mul3A_733 = arith.muli %add3A_721, %mul3A_732 : vector<16xi32>
    %add3A_734 = arith.constant 0 : i32
    %add3A_735 = vector.broadcast %add3A_734 : i32 to vector<16xi32>
    %add3A_736 = arith.addi %mul3A_733, %add3A_735 : vector<16xi32>
    %and3A_737 = arith.constant 127 : i32
    %and3A_738 = vector.broadcast %and3A_737 : i32 to vector<16xi32>
    %and3A_739 = arith.andi %add3A_736, %and3A_738 : vector<16xi32>
    %mul3A_740 = arith.constant 10 : i32
    %mul3A_741 = vector.broadcast %mul3A_740 : i32 to vector<16xi32>
    %mul3A_742 = arith.muli %add3A_721, %mul3A_741 : vector<16xi32>
    %add3A_743 = arith.constant 1 : i32
    %add3A_744 = vector.broadcast %add3A_743 : i32 to vector<16xi32>
    %add3A_745 = arith.addi %mul3A_742, %add3A_744 : vector<16xi32>
    %shift_right_arithmetic3A_746 = arith.constant 7 : i32
    %shift_right_arithmetic3A_747 = vector.broadcast %shift_right_arithmetic3A_746 : i32 to vector<16xi32>
    %shift_right_arithmetic3A_748 = arith.shrsi %add3A_745, %shift_right_arithmetic3A_747 : vector<16xi32>
    %mul3A_749 = arith.constant 10 : i32
    %mul3A_750 = vector.broadcast %mul3A_749 : i32 to vector<16xi32>
    %mul3A_751 = arith.muli %add3A_721, %mul3A_750 : vector<16xi32>
    %add3A_752 = arith.constant 1 : i32
    %add3A_753 = vector.broadcast %add3A_752 : i32 to vector<16xi32>
    %add3A_754 = arith.addi %mul3A_751, %add3A_753 : vector<16xi32>
    %and3A_755 = arith.constant 127 : i32
    %and3A_756 = vector.broadcast %and3A_755 : i32 to vector<16xi32>
    %and3A_757 = arith.andi %add3A_754, %and3A_756 : vector<16xi32>
    %mul3A_758 = arith.constant 10 : i32
    %mul3A_759 = vector.broadcast %mul3A_758 : i32 to vector<16xi32>
    %mul3A_760 = arith.muli %add3A_721, %mul3A_759 : vector<16xi32>
    %add3A_761 = arith.constant 2 : i32
    %add3A_762 = vector.broadcast %add3A_761 : i32 to vector<16xi32>
    %add3A_763 = arith.addi %mul3A_760, %add3A_762 : vector<16xi32>
    %shift_right_arithmetic3A_764 = arith.constant 7 : i32
    %shift_right_arithmetic3A_765 = vector.broadcast %shift_right_arithmetic3A_764 : i32 to vector<16xi32>
    %shift_right_arithmetic3A_766 = arith.shrsi %add3A_763, %shift_right_arithmetic3A_765 : vector<16xi32>
    %mul3A_767 = arith.constant 10 : i32
    %mul3A_768 = vector.broadcast %mul3A_767 : i32 to vector<16xi32>
    %mul3A_769 = arith.muli %add3A_721, %mul3A_768 : vector<16xi32>
    %add3A_770 = arith.constant 2 : i32
    %add3A_771 = vector.broadcast %add3A_770 : i32 to vector<16xi32>
    %add3A_772 = arith.addi %mul3A_769, %add3A_771 : vector<16xi32>
    %and3A_773 = arith.constant 127 : i32
    %and3A_774 = vector.broadcast %and3A_773 : i32 to vector<16xi32>
    %and3A_775 = arith.andi %add3A_772, %and3A_774 : vector<16xi32>
    %mul3A_776 = arith.constant 10 : i32
    %mul3A_777 = vector.broadcast %mul3A_776 : i32 to vector<16xi32>
    %mul3A_778 = arith.muli %add3A_721, %mul3A_777 : vector<16xi32>
    %add3A_779 = arith.constant 3 : i32
    %add3A_780 = vector.broadcast %add3A_779 : i32 to vector<16xi32>
    %add3A_781 = arith.addi %mul3A_778, %add3A_780 : vector<16xi32>
    %shift_right_arithmetic3A_782 = arith.constant 7 : i32
    %shift_right_arithmetic3A_783 = vector.broadcast %shift_right_arithmetic3A_782 : i32 to vector<16xi32>
    %shift_right_arithmetic3A_784 = arith.shrsi %add3A_781, %shift_right_arithmetic3A_783 : vector<16xi32>
    %mul3A_785 = arith.constant 10 : i32
    %mul3A_786 = vector.broadcast %mul3A_785 : i32 to vector<16xi32>
    %mul3A_787 = arith.muli %add3A_721, %mul3A_786 : vector<16xi32>
    %add3A_788 = arith.constant 3 : i32
    %add3A_789 = vector.broadcast %add3A_788 : i32 to vector<16xi32>
    %add3A_790 = arith.addi %mul3A_787, %add3A_789 : vector<16xi32>
    %and3A_791 = arith.constant 127 : i32
    %and3A_792 = vector.broadcast %and3A_791 : i32 to vector<16xi32>
    %and3A_793 = arith.andi %add3A_790, %and3A_792 : vector<16xi32>
    %mul3A_794 = arith.constant 10 : i32
    %mul3A_795 = vector.broadcast %mul3A_794 : i32 to vector<16xi32>
    %mul3A_796 = arith.muli %add3A_721, %mul3A_795 : vector<16xi32>
    %add3A_797 = arith.constant 4 : i32
    %add3A_798 = vector.broadcast %add3A_797 : i32 to vector<16xi32>
    %add3A_799 = arith.addi %mul3A_796, %add3A_798 : vector<16xi32>
    %shift_right_arithmetic3A_800 = arith.constant 7 : i32
    %shift_right_arithmetic3A_801 = vector.broadcast %shift_right_arithmetic3A_800 : i32 to vector<16xi32>
    %shift_right_arithmetic3A_802 = arith.shrsi %add3A_799, %shift_right_arithmetic3A_801 : vector<16xi32>
    %mul3A_803 = arith.constant 10 : i32
    %mul3A_804 = vector.broadcast %mul3A_803 : i32 to vector<16xi32>
    %mul3A_805 = arith.muli %add3A_721, %mul3A_804 : vector<16xi32>
    %add3A_806 = arith.constant 4 : i32
    %add3A_807 = vector.broadcast %add3A_806 : i32 to vector<16xi32>
    %add3A_808 = arith.addi %mul3A_805, %add3A_807 : vector<16xi32>
    %and3A_809 = arith.constant 127 : i32
    %and3A_810 = vector.broadcast %and3A_809 : i32 to vector<16xi32>
    %and3A_811 = arith.andi %add3A_808, %and3A_810 : vector<16xi32>
    %mul3A_812 = arith.constant 10 : i32
    %mul3A_813 = vector.broadcast %mul3A_812 : i32 to vector<16xi32>
    %mul3A_814 = arith.muli %add3A_721, %mul3A_813 : vector<16xi32>
    %add3A_815 = arith.constant 5 : i32
    %add3A_816 = vector.broadcast %add3A_815 : i32 to vector<16xi32>
    %add3A_817 = arith.addi %mul3A_814, %add3A_816 : vector<16xi32>
    %shift_right_arithmetic3A_818 = arith.constant 7 : i32
    %shift_right_arithmetic3A_819 = vector.broadcast %shift_right_arithmetic3A_818 : i32 to vector<16xi32>
    %shift_right_arithmetic3A_820 = arith.shrsi %add3A_817, %shift_right_arithmetic3A_819 : vector<16xi32>
    %mul3A_821 = arith.constant 10 : i32
    %mul3A_822 = vector.broadcast %mul3A_821 : i32 to vector<16xi32>
    %mul3A_823 = arith.muli %add3A_721, %mul3A_822 : vector<16xi32>
    %add3A_824 = arith.constant 5 : i32
    %add3A_825 = vector.broadcast %add3A_824 : i32 to vector<16xi32>
    %add3A_826 = arith.addi %mul3A_823, %add3A_825 : vector<16xi32>
    %and3A_827 = arith.constant 127 : i32
    %and3A_828 = vector.broadcast %and3A_827 : i32 to vector<16xi32>
    %and3A_829 = arith.andi %add3A_826, %and3A_828 : vector<16xi32>
    %mul3A_830 = arith.constant 10 : i32
    %mul3A_831 = vector.broadcast %mul3A_830 : i32 to vector<16xi32>
    %mul3A_832 = arith.muli %add3A_721, %mul3A_831 : vector<16xi32>
    %add3A_833 = arith.constant 6 : i32
    %add3A_834 = vector.broadcast %add3A_833 : i32 to vector<16xi32>
    %add3A_835 = arith.addi %mul3A_832, %add3A_834 : vector<16xi32>
    %shift_right_arithmetic3A_836 = arith.constant 7 : i32
    %shift_right_arithmetic3A_837 = vector.broadcast %shift_right_arithmetic3A_836 : i32 to vector<16xi32>
    %shift_right_arithmetic3A_838 = arith.shrsi %add3A_835, %shift_right_arithmetic3A_837 : vector<16xi32>
    %mul3A_839 = arith.constant 10 : i32
    %mul3A_840 = vector.broadcast %mul3A_839 : i32 to vector<16xi32>
    %mul3A_841 = arith.muli %add3A_721, %mul3A_840 : vector<16xi32>
    %add3A_842 = arith.constant 6 : i32
    %add3A_843 = vector.broadcast %add3A_842 : i32 to vector<16xi32>
    %add3A_844 = arith.addi %mul3A_841, %add3A_843 : vector<16xi32>
    %and3A_845 = arith.constant 127 : i32
    %and3A_846 = vector.broadcast %and3A_845 : i32 to vector<16xi32>
    %and3A_847 = arith.andi %add3A_844, %and3A_846 : vector<16xi32>
    %mul3A_848 = arith.constant 10 : i32
    %mul3A_849 = vector.broadcast %mul3A_848 : i32 to vector<16xi32>
    %mul3A_850 = arith.muli %add3A_721, %mul3A_849 : vector<16xi32>
    %add3A_851 = arith.constant 7 : i32
    %add3A_852 = vector.broadcast %add3A_851 : i32 to vector<16xi32>
    %add3A_853 = arith.addi %mul3A_850, %add3A_852 : vector<16xi32>
    %shift_right_arithmetic3A_854 = arith.constant 7 : i32
    %shift_right_arithmetic3A_855 = vector.broadcast %shift_right_arithmetic3A_854 : i32 to vector<16xi32>
    %shift_right_arithmetic3A_856 = arith.shrsi %add3A_853, %shift_right_arithmetic3A_855 : vector<16xi32>
    %mul3A_857 = arith.constant 10 : i32
    %mul3A_858 = vector.broadcast %mul3A_857 : i32 to vector<16xi32>
    %mul3A_859 = arith.muli %add3A_721, %mul3A_858 : vector<16xi32>
    %add3A_860 = arith.constant 7 : i32
    %add3A_861 = vector.broadcast %add3A_860 : i32 to vector<16xi32>
    %add3A_862 = arith.addi %mul3A_859, %add3A_861 : vector<16xi32>
    %and3A_863 = arith.constant 127 : i32
    %and3A_864 = vector.broadcast %and3A_863 : i32 to vector<16xi32>
    %and3A_865 = arith.andi %add3A_862, %and3A_864 : vector<16xi32>
    %mul3A_866 = arith.constant 10 : i32
    %mul3A_867 = vector.broadcast %mul3A_866 : i32 to vector<16xi32>
    %mul3A_868 = arith.muli %add3A_721, %mul3A_867 : vector<16xi32>
    %add3A_869 = arith.constant 8 : i32
    %add3A_870 = vector.broadcast %add3A_869 : i32 to vector<16xi32>
    %add3A_871 = arith.addi %mul3A_868, %add3A_870 : vector<16xi32>
    %shift_right_arithmetic3A_872 = arith.constant 7 : i32
    %shift_right_arithmetic3A_873 = vector.broadcast %shift_right_arithmetic3A_872 : i32 to vector<16xi32>
    %shift_right_arithmetic3A_874 = arith.shrsi %add3A_871, %shift_right_arithmetic3A_873 : vector<16xi32>
    %mul3A_875 = arith.constant 10 : i32
    %mul3A_876 = vector.broadcast %mul3A_875 : i32 to vector<16xi32>
    %mul3A_877 = arith.muli %add3A_721, %mul3A_876 : vector<16xi32>
    %add3A_878 = arith.constant 8 : i32
    %add3A_879 = vector.broadcast %add3A_878 : i32 to vector<16xi32>
    %add3A_880 = arith.addi %mul3A_877, %add3A_879 : vector<16xi32>
    %and3A_881 = arith.constant 127 : i32
    %and3A_882 = vector.broadcast %and3A_881 : i32 to vector<16xi32>
    %and3A_883 = arith.andi %add3A_880, %and3A_882 : vector<16xi32>
    %mul3A_884 = arith.constant 10 : i32
    %mul3A_885 = vector.broadcast %mul3A_884 : i32 to vector<16xi32>
    %mul3A_886 = arith.muli %add3A_721, %mul3A_885 : vector<16xi32>
    %add3A_887 = arith.constant 9 : i32
    %add3A_888 = vector.broadcast %add3A_887 : i32 to vector<16xi32>
    %add3A_889 = arith.addi %mul3A_886, %add3A_888 : vector<16xi32>
    %shift_right_arithmetic3A_890 = arith.constant 7 : i32
    %shift_right_arithmetic3A_891 = vector.broadcast %shift_right_arithmetic3A_890 : i32 to vector<16xi32>
    %shift_right_arithmetic3A_892 = arith.shrsi %add3A_889, %shift_right_arithmetic3A_891 : vector<16xi32>
    %mul3A_893 = arith.constant 10 : i32
    %mul3A_894 = vector.broadcast %mul3A_893 : i32 to vector<16xi32>
    %mul3A_895 = arith.muli %add3A_721, %mul3A_894 : vector<16xi32>
    %add3A_896 = arith.constant 9 : i32
    %add3A_897 = vector.broadcast %add3A_896 : i32 to vector<16xi32>
    %add3A_898 = arith.addi %mul3A_895, %add3A_897 : vector<16xi32>
    %and3A_899 = arith.constant 127 : i32
    %and3A_900 = vector.broadcast %and3A_899 : i32 to vector<16xi32>
    %and3A_901 = arith.andi %add3A_898, %and3A_900 : vector<16xi32>
    %broadcast_in_dim3A_902 = arith.constant 0.000000e+00 : f32
    %broadcast_in_dim3A_903 = vector.broadcast %broadcast_in_dim3A_902 : f32 to vector<16xf32>
    %broadcast_in_dim3A_904 = arith.constant 0.000000e+00 : f32
    %broadcast_in_dim3A_905 = vector.broadcast %broadcast_in_dim3A_904 : f32 to vector<16xf32>
    %broadcast_in_dim3A_906 = arith.constant 0.000000e+00 : f32
    %broadcast_in_dim3A_907 = vector.broadcast %broadcast_in_dim3A_906 : f32 to vector<16xf32>
    %broadcast_in_dim3A_908 = arith.constant 0.000000e+00 : f32
    %broadcast_in_dim3A_909 = vector.broadcast %broadcast_in_dim3A_908 : f32 to vector<16xf32>
    %broadcast_in_dim3A_910 = arith.constant 0.000000e+00 : f32
    %broadcast_in_dim3A_911 = vector.broadcast %broadcast_in_dim3A_910 : f32 to vector<16xf32>
    %broadcast_in_dim3A_912 = arith.constant 0.000000e+00 : f32
    %broadcast_in_dim3A_913 = vector.broadcast %broadcast_in_dim3A_912 : f32 to vector<16xf32>
    %broadcast_in_dim3A_914 = arith.constant 0.000000e+00 : f32
    %broadcast_in_dim3A_915 = vector.broadcast %broadcast_in_dim3A_914 : f32 to vector<16xf32>
    %broadcast_in_dim3A_916 = arith.constant 0.000000e+00 : f32
    %broadcast_in_dim3A_917 = vector.broadcast %broadcast_in_dim3A_916 : f32 to vector<16xf32>
    %broadcast_in_dim3A_918 = arith.constant 0.000000e+00 : f32
    %broadcast_in_dim3A_919 = vector.broadcast %broadcast_in_dim3A_918 : f32 to vector<16xf32>
    %broadcast_in_dim3A_920 = arith.constant 0.000000e+00 : f32
    %broadcast_in_dim3A_921 = vector.broadcast %broadcast_in_dim3A_920 : f32 to vector<16xf32>
    %broadcast_in_dim3A_922 = arith.constant 0.000000e+00 : f32
    %broadcast_in_dim3A_923 = vector.broadcast %broadcast_in_dim3A_922 : f32 to vector<16xf32>
    %scan3A_924 = arith.constant 0 : i32
    %scan3A_925 = arith.constant 32 : i32
    %scan3A_926 = arith.addi %scan3A_924, %scan3A_925 : i32
    %scan3A_927 = arith.constant 1 : i32
    %scan3A_928:11 = scf.for %scan3A_2122 = %scan3A_924 to %scan3A_926 step %scan3A_927 iter_args(%scan3A_2123 = %broadcast_in_dim3A_903, %scan3A_2124 = %broadcast_in_dim3A_905, %scan3A_2125 = %broadcast_in_dim3A_907, %scan3A_2126 = %broadcast_in_dim3A_909, %scan3A_2127 = %broadcast_in_dim3A_911, %scan3A_2128 = %broadcast_in_dim3A_913, %scan3A_2129 = %broadcast_in_dim3A_915, %scan3A_2130 = %broadcast_in_dim3A_917, %scan3A_2131 = %broadcast_in_dim3A_919, %scan3A_2132 = %broadcast_in_dim3A_921, %scan3A_2133 = %broadcast_in_dim3A_923) -> (vector<16xf32>, vector<16xf32>, vector<16xf32>, vector<16xf32>, vector<16xf32>, vector<16xf32>, vector<16xf32>, vector<16xf32>, vector<16xf32>, vector<16xf32>, vector<16xf32>)  : i32 {
      %broadcast_in_dim3A_2134 = vector.broadcast %scan3A_2122 : i32 to vector<16xi32>
      %gather3A = tpu.vector_load_idx %arg11[%add3A_721, %broadcast_in_dim3A_2134] : memref<128x32xf32, #tpu.memory_space<vmem>>[vector<16xi32>, vector<16xi32>], vector<16xf32>,
      %gather3A_2135 = tpu.vector_load_idx %arg12[%add3A_721, %broadcast_in_dim3A_2134] : memref<128x32xf32, #tpu.memory_space<vmem>>[vector<16xi32>, vector<16xi32>], vector<16xf32>,
      %mul3A_2136 = arith.mulf %gather3A, %gather3A_2135 : vector<16xf32>
      %add3A_2137 = arith.addf %scan3A_2123, %mul3A_2136 : vector<16xf32>
      %gather3A_2138 = tpu.vector_load_idx %arg13[%shift_right_arithmetic3A_730, %and3A_739, %broadcast_in_dim3A_2134] : memref<10x128x32xf32, #tpu.memory_space<vmem>>[vector<16xi32>, vector<16xi32>, vector<16xi32>], vector<16xf32>,
      %mul3A_2139 = arith.mulf %gather3A, %gather3A_2138 : vector<16xf32>
      %add3A_2140 = arith.addf %scan3A_2124, %mul3A_2139 : vector<16xf32>
      %gather3A_2141 = tpu.vector_load_idx %arg13[%shift_right_arithmetic3A_748, %and3A_757, %broadcast_in_dim3A_2134] : memref<10x128x32xf32, #tpu.memory_space<vmem>>[vector<16xi32>, vector<16xi32>, vector<16xi32>], vector<16xf32>,
      %mul3A_2142 = arith.mulf %gather3A, %gather3A_2141 : vector<16xf32>
      %add3A_2143 = arith.addf %scan3A_2125, %mul3A_2142 : vector<16xf32>
      %gather3A_2144 = tpu.vector_load_idx %arg13[%shift_right_arithmetic3A_766, %and3A_775, %broadcast_in_dim3A_2134] : memref<10x128x32xf32, #tpu.memory_space<vmem>>[vector<16xi32>, vector<16xi32>, vector<16xi32>], vector<16xf32>,
      %mul3A_2145 = arith.mulf %gather3A, %gather3A_2144 : vector<16xf32>
      %add3A_2146 = arith.addf %scan3A_2126, %mul3A_2145 : vector<16xf32>
      %gather3A_2147 = tpu.vector_load_idx %arg13[%shift_right_arithmetic3A_784, %and3A_793, %broadcast_in_dim3A_2134] : memref<10x128x32xf32, #tpu.memory_space<vmem>>[vector<16xi32>, vector<16xi32>, vector<16xi32>], vector<16xf32>,
      %mul3A_2148 = arith.mulf %gather3A, %gather3A_2147 : vector<16xf32>
      %add3A_2149 = arith.addf %scan3A_2127, %mul3A_2148 : vector<16xf32>
      %gather3A_2150 = tpu.vector_load_idx %arg13[%shift_right_arithmetic3A_802, %and3A_811, %broadcast_in_dim3A_2134] : memref<10x128x32xf32, #tpu.memory_space<vmem>>[vector<16xi32>, vector<16xi32>, vector<16xi32>], vector<16xf32>,
      %mul3A_2151 = arith.mulf %gather3A, %gather3A_2150 : vector<16xf32>
      %add3A_2152 = arith.addf %scan3A_2128, %mul3A_2151 : vector<16xf32>
      %gather3A_2153 = tpu.vector_load_idx %arg13[%shift_right_arithmetic3A_820, %and3A_829, %broadcast_in_dim3A_2134] : memref<10x128x32xf32, #tpu.memory_space<vmem>>[vector<16xi32>, vector<16xi32>, vector<16xi32>], vector<16xf32>,
      %mul3A_2154 = arith.mulf %gather3A, %gather3A_2153 : vector<16xf32>
      %add3A_2155 = arith.addf %scan3A_2129, %mul3A_2154 : vector<16xf32>
      %gather3A_2156 = tpu.vector_load_idx %arg13[%shift_right_arithmetic3A_838, %and3A_847, %broadcast_in_dim3A_2134] : memref<10x128x32xf32, #tpu.memory_space<vmem>>[vector<16xi32>, vector<16xi32>, vector<16xi32>], vector<16xf32>,
      %mul3A_2157 = arith.mulf %gather3A, %gather3A_2156 : vector<16xf32>
      %add3A_2158 = arith.addf %scan3A_2130, %mul3A_2157 : vector<16xf32>
      %gather3A_2159 = tpu.vector_load_idx %arg13[%shift_right_arithmetic3A_856, %and3A_865, %broadcast_in_dim3A_2134] : memref<10x128x32xf32, #tpu.memory_space<vmem>>[vector<16xi32>, vector<16xi32>, vector<16xi32>], vector<16xf32>,
      %mul3A_2160 = arith.mulf %gather3A, %gather3A_2159 : vector<16xf32>
      %add3A_2161 = arith.addf %scan3A_2131, %mul3A_2160 : vector<16xf32>
      %gather3A_2162 = tpu.vector_load_idx %arg13[%shift_right_arithmetic3A_874, %and3A_883, %broadcast_in_dim3A_2134] : memref<10x128x32xf32, #tpu.memory_space<vmem>>[vector<16xi32>, vector<16xi32>, vector<16xi32>], vector<16xf32>,
      %mul3A_2163 = arith.mulf %gather3A, %gather3A_2162 : vector<16xf32>
      %add3A_2164 = arith.addf %scan3A_2132, %mul3A_2163 : vector<16xf32>
      %gather3A_2165 = tpu.vector_load_idx %arg13[%shift_right_arithmetic3A_892, %and3A_901, %broadcast_in_dim3A_2134] : memref<10x128x32xf32, #tpu.memory_space<vmem>>[vector<16xi32>, vector<16xi32>, vector<16xi32>], vector<16xf32>,
      %mul3A_2166 = arith.mulf %gather3A, %gather3A_2165 : vector<16xf32>
      %add3A_2167 = arith.addf %scan3A_2133, %mul3A_2166 : vector<16xf32>
      scf.yield %add3A_2137, %add3A_2140, %add3A_2143, %add3A_2146, %add3A_2149, %add3A_2152, %add3A_2155, %add3A_2158, %add3A_2161, %add3A_2164, %add3A_2167 : vector<16xf32>, vector<16xf32>, vector<16xf32>, vector<16xf32>, vector<16xf32>, vector<16xf32>, vector<16xf32>, vector<16xf32>, vector<16xf32>, vector<16xf32>, vector<16xf32>
    }
    %scan3A_929 = arith.constant 32 : i32
    %broadcast_in_dim3A_930 = arith.constant 0 : i32
    %broadcast_in_dim3A_931 = vector.broadcast %broadcast_in_dim3A_930 : i32 to vector<16xi32>
    tpu.vector_store_idx %arg14[%add3A_721, %broadcast_in_dim3A_931], %scan3A_928#0 : memref<128x11xf32, #tpu.memory_space<vmem>>[vector<16xi32>, vector<16xi32>], vector<16xf32>,
    %broadcast_in_dim3A_932 = arith.constant 1 : i32
    %broadcast_in_dim3A_933 = vector.broadcast %broadcast_in_dim3A_932 : i32 to vector<16xi32>
    tpu.vector_store_idx %arg14[%add3A_721, %broadcast_in_dim3A_933], %scan3A_928#1 : memref<128x11xf32, #tpu.memory_space<vmem>>[vector<16xi32>, vector<16xi32>], vector<16xf32>,
    %broadcast_in_dim3A_934 = arith.constant 2 : i32
    %broadcast_in_dim3A_935 = vector.broadcast %broadcast_in_dim3A_934 : i32 to vector<16xi32>
    tpu.vector_store_idx %arg14[%add3A_721, %broadcast_in_dim3A_935], %scan3A_928#2 : memref<128x11xf32, #tpu.memory_space<vmem>>[vector<16xi32>, vector<16xi32>], vector<16xf32>,
    %broadcast_in_dim3A_936 = arith.constant 3 : i32
    %broadcast_in_dim3A_937 = vector.broadcast %broadcast_in_dim3A_936 : i32 to vector<16xi32>
    tpu.vector_store_idx %arg14[%add3A_721, %broadcast_in_dim3A_937], %scan3A_928#3 : memref<128x11xf32, #tpu.memory_space<vmem>>[vector<16xi32>, vector<16xi32>], vector<16xf32>,
    %broadcast_in_dim3A_938 = arith.constant 4 : i32
    %broadcast_in_dim3A_939 = vector.broadcast %broadcast_in_dim3A_938 : i32 to vector<16xi32>
    tpu.vector_store_idx %arg14[%add3A_721, %broadcast_in_dim3A_939], %scan3A_928#4 : memref<128x11xf32, #tpu.memory_space<vmem>>[vector<16xi32>, vector<16xi32>], vector<16xf32>,
    %broadcast_in_dim3A_940 = arith.constant 5 : i32
    %broadcast_in_dim3A_941 = vector.broadcast %broadcast_in_dim3A_940 : i32 to vector<16xi32>
    tpu.vector_store_idx %arg14[%add3A_721, %broadcast_in_dim3A_941], %scan3A_928#5 : memref<128x11xf32, #tpu.memory_space<vmem>>[vector<16xi32>, vector<16xi32>], vector<16xf32>,
    %broadcast_in_dim3A_942 = arith.constant 6 : i32
    %broadcast_in_dim3A_943 = vector.broadcast %broadcast_in_dim3A_942 : i32 to vector<16xi32>
    tpu.vector_store_idx %arg14[%add3A_721, %broadcast_in_dim3A_943], %scan3A_928#6 : memref<128x11xf32, #tpu.memory_space<vmem>>[vector<16xi32>, vector<16xi32>], vector<16xf32>,
    %broadcast_in_dim3A_944 = arith.constant 7 : i32
    %broadcast_in_dim3A_945 = vector.broadcast %broadcast_in_dim3A_944 : i32 to vector<16xi32>
    tpu.vector_store_idx %arg14[%add3A_721, %broadcast_in_dim3A_945], %scan3A_928#7 : memref<128x11xf32, #tpu.memory_space<vmem>>[vector<16xi32>, vector<16xi32>], vector<16xf32>,
    %broadcast_in_dim3A_946 = arith.constant 8 : i32
    %broadcast_in_dim3A_947 = vector.broadcast %broadcast_in_dim3A_946 : i32 to vector<16xi32>
    tpu.vector_store_idx %arg14[%add3A_721, %broadcast_in_dim3A_947], %scan3A_928#8 : memref<128x11xf32, #tpu.memory_space<vmem>>[vector<16xi32>, vector<16xi32>], vector<16xf32>,
    %broadcast_in_dim3A_948 = arith.constant 9 : i32
    %broadcast_in_dim3A_949 = vector.broadcast %broadcast_in_dim3A_948 : i32 to vector<16xi32>
    tpu.vector_store_idx %arg14[%add3A_721, %broadcast_in_dim3A_949], %scan3A_928#9 : memref<128x11xf32, #tpu.memory_space<vmem>>[vector<16xi32>, vector<16xi32>], vector<16xf32>,
    %broadcast_in_dim3A_950 = arith.constant 10 : i32
    %broadcast_in_dim3A_951 = vector.broadcast %broadcast_in_dim3A_950 : i32 to vector<16xi32>
    tpu.vector_store_idx %arg14[%add3A_721, %broadcast_in_dim3A_951], %scan3A_928#10 : memref<128x11xf32, #tpu.memory_space<vmem>>[vector<16xi32>, vector<16xi32>], vector<16xf32>,
    %iota3A_952 = tpu.iota {dimensions = array<i32: 0>} : vector<16xi32>
    %add3A_953 = arith.constant 48 : i32
    %add3A_954 = vector.broadcast %add3A_953 : i32 to vector<16xi32>
    %add3A_955 = arith.addi %iota3A_952, %add3A_954 : vector<16xi32>
    %mul3A_956 = arith.constant 10 : i32
    %mul3A_957 = vector.broadcast %mul3A_956 : i32 to vector<16xi32>
    %mul3A_958 = arith.muli %add3A_955, %mul3A_957 : vector<16xi32>
    %add3A_959 = arith.constant 0 : i32
    %add3A_960 = vector.broadcast %add3A_959 : i32 to vector<16xi32>
    %add3A_961 = arith.addi %mul3A_958, %add3A_960 : vector<16xi32>
    %shift_right_arithmetic3A_962 = arith.constant 7 : i32
    %shift_right_arithmetic3A_963 = vector.broadcast %shift_right_arithmetic3A_962 : i32 to vector<16xi32>
    %shift_right_arithmetic3A_964 = arith.shrsi %add3A_961, %shift_right_arithmetic3A_963 : vector<16xi32>
    %mul3A_965 = arith.constant 10 : i32
    %mul3A_966 = vector.broadcast %mul3A_965 : i32 to vector<16xi32>
    %mul3A_967 = arith.muli %add3A_955, %mul3A_966 : vector<16xi32>
    %add3A_968 = arith.constant 0 : i32
    %add3A_969 = vector.broadcast %add3A_968 : i32 to vector<16xi32>
    %add3A_970 = arith.addi %mul3A_967, %add3A_969 : vector<16xi32>
    %and3A_971 = arith.constant 127 : i32
    %and3A_972 = vector.broadcast %and3A_971 : i32 to vector<16xi32>
    %and3A_973 = arith.andi %add3A_970, %and3A_972 : vector<16xi32>
    %mul3A_974 = arith.constant 10 : i32
    %mul3A_975 = vector.broadcast %mul3A_974 : i32 to vector<16xi32>
    %mul3A_976 = arith.muli %add3A_955, %mul3A_975 : vector<16xi32>
    %add3A_977 = arith.constant 1 : i32
    %add3A_978 = vector.broadcast %add3A_977 : i32 to vector<16xi32>
    %add3A_979 = arith.addi %mul3A_976, %add3A_978 : vector<16xi32>
    %shift_right_arithmetic3A_980 = arith.constant 7 : i32
    %shift_right_arithmetic3A_981 = vector.broadcast %shift_right_arithmetic3A_980 : i32 to vector<16xi32>
    %shift_right_arithmetic3A_982 = arith.shrsi %add3A_979, %shift_right_arithmetic3A_981 : vector<16xi32>
    %mul3A_983 = arith.constant 10 : i32
    %mul3A_984 = vector.broadcast %mul3A_983 : i32 to vector<16xi32>
    %mul3A_985 = arith.muli %add3A_955, %mul3A_984 : vector<16xi32>
    %add3A_986 = arith.constant 1 : i32
    %add3A_987 = vector.broadcast %add3A_986 : i32 to vector<16xi32>
    %add3A_988 = arith.addi %mul3A_985, %add3A_987 : vector<16xi32>
    %and3A_989 = arith.constant 127 : i32
    %and3A_990 = vector.broadcast %and3A_989 : i32 to vector<16xi32>
    %and3A_991 = arith.andi %add3A_988, %and3A_990 : vector<16xi32>
    %mul3A_992 = arith.constant 10 : i32
    %mul3A_993 = vector.broadcast %mul3A_992 : i32 to vector<16xi32>
    %mul3A_994 = arith.muli %add3A_955, %mul3A_993 : vector<16xi32>
    %add3A_995 = arith.constant 2 : i32
    %add3A_996 = vector.broadcast %add3A_995 : i32 to vector<16xi32>
    %add3A_997 = arith.addi %mul3A_994, %add3A_996 : vector<16xi32>
    %shift_right_arithmetic3A_998 = arith.constant 7 : i32
    %shift_right_arithmetic3A_999 = vector.broadcast %shift_right_arithmetic3A_998 : i32 to vector<16xi32>
    %shift_right_arithmetic3A_1000 = arith.shrsi %add3A_997, %shift_right_arithmetic3A_999 : vector<16xi32>
    %mul3A_1001 = arith.constant 10 : i32
    %mul3A_1002 = vector.broadcast %mul3A_1001 : i32 to vector<16xi32>
    %mul3A_1003 = arith.muli %add3A_955, %mul3A_1002 : vector<16xi32>
    %add3A_1004 = arith.constant 2 : i32
    %add3A_1005 = vector.broadcast %add3A_1004 : i32 to vector<16xi32>
    %add3A_1006 = arith.addi %mul3A_1003, %add3A_1005 : vector<16xi32>
    %and3A_1007 = arith.constant 127 : i32
    %and3A_1008 = vector.broadcast %and3A_1007 : i32 to vector<16xi32>
    %and3A_1009 = arith.andi %add3A_1006, %and3A_1008 : vector<16xi32>
    %mul3A_1010 = arith.constant 10 : i32
    %mul3A_1011 = vector.broadcast %mul3A_1010 : i32 to vector<16xi32>
    %mul3A_1012 = arith.muli %add3A_955, %mul3A_1011 : vector<16xi32>
    %add3A_1013 = arith.constant 3 : i32
    %add3A_1014 = vector.broadcast %add3A_1013 : i32 to vector<16xi32>
    %add3A_1015 = arith.addi %mul3A_1012, %add3A_1014 : vector<16xi32>
    %shift_right_arithmetic3A_1016 = arith.constant 7 : i32
    %shift_right_arithmetic3A_1017 = vector.broadcast %shift_right_arithmetic3A_1016 : i32 to vector<16xi32>
    %shift_right_arithmetic3A_1018 = arith.shrsi %add3A_1015, %shift_right_arithmetic3A_1017 : vector<16xi32>
    %mul3A_1019 = arith.constant 10 : i32
    %mul3A_1020 = vector.broadcast %mul3A_1019 : i32 to vector<16xi32>
    %mul3A_1021 = arith.muli %add3A_955, %mul3A_1020 : vector<16xi32>
    %add3A_1022 = arith.constant 3 : i32
    %add3A_1023 = vector.broadcast %add3A_1022 : i32 to vector<16xi32>
    %add3A_1024 = arith.addi %mul3A_1021, %add3A_1023 : vector<16xi32>
    %and3A_1025 = arith.constant 127 : i32
    %and3A_1026 = vector.broadcast %and3A_1025 : i32 to vector<16xi32>
    %and3A_1027 = arith.andi %add3A_1024, %and3A_1026 : vector<16xi32>
    %mul3A_1028 = arith.constant 10 : i32
    %mul3A_1029 = vector.broadcast %mul3A_1028 : i32 to vector<16xi32>
    %mul3A_1030 = arith.muli %add3A_955, %mul3A_1029 : vector<16xi32>
    %add3A_1031 = arith.constant 4 : i32
    %add3A_1032 = vector.broadcast %add3A_1031 : i32 to vector<16xi32>
    %add3A_1033 = arith.addi %mul3A_1030, %add3A_1032 : vector<16xi32>
    %shift_right_arithmetic3A_1034 = arith.constant 7 : i32
    %shift_right_arithmetic3A_1035 = vector.broadcast %shift_right_arithmetic3A_1034 : i32 to vector<16xi32>
    %shift_right_arithmetic3A_1036 = arith.shrsi %add3A_1033, %shift_right_arithmetic3A_1035 : vector<16xi32>
    %mul3A_1037 = arith.constant 10 : i32
    %mul3A_1038 = vector.broadcast %mul3A_1037 : i32 to vector<16xi32>
    %mul3A_1039 = arith.muli %add3A_955, %mul3A_1038 : vector<16xi32>
    %add3A_1040 = arith.constant 4 : i32
    %add3A_1041 = vector.broadcast %add3A_1040 : i32 to vector<16xi32>
    %add3A_1042 = arith.addi %mul3A_1039, %add3A_1041 : vector<16xi32>
    %and3A_1043 = arith.constant 127 : i32
    %and3A_1044 = vector.broadcast %and3A_1043 : i32 to vector<16xi32>
    %and3A_1045 = arith.andi %add3A_1042, %and3A_1044 : vector<16xi32>
    %mul3A_1046 = arith.constant 10 : i32
    %mul3A_1047 = vector.broadcast %mul3A_1046 : i32 to vector<16xi32>
    %mul3A_1048 = arith.muli %add3A_955, %mul3A_1047 : vector<16xi32>
    %add3A_1049 = arith.constant 5 : i32
    %add3A_1050 = vector.broadcast %add3A_1049 : i32 to vector<16xi32>
    %add3A_1051 = arith.addi %mul3A_1048, %add3A_1050 : vector<16xi32>
    %shift_right_arithmetic3A_1052 = arith.constant 7 : i32
    %shift_right_arithmetic3A_1053 = vector.broadcast %shift_right_arithmetic3A_1052 : i32 to vector<16xi32>
    %shift_right_arithmetic3A_1054 = arith.shrsi %add3A_1051, %shift_right_arithmetic3A_1053 : vector<16xi32>
    %mul3A_1055 = arith.constant 10 : i32
    %mul3A_1056 = vector.broadcast %mul3A_1055 : i32 to vector<16xi32>
    %mul3A_1057 = arith.muli %add3A_955, %mul3A_1056 : vector<16xi32>
    %add3A_1058 = arith.constant 5 : i32
    %add3A_1059 = vector.broadcast %add3A_1058 : i32 to vector<16xi32>
    %add3A_1060 = arith.addi %mul3A_1057, %add3A_1059 : vector<16xi32>
    %and3A_1061 = arith.constant 127 : i32
    %and3A_1062 = vector.broadcast %and3A_1061 : i32 to vector<16xi32>
    %and3A_1063 = arith.andi %add3A_1060, %and3A_1062 : vector<16xi32>
    %mul3A_1064 = arith.constant 10 : i32
    %mul3A_1065 = vector.broadcast %mul3A_1064 : i32 to vector<16xi32>
    %mul3A_1066 = arith.muli %add3A_955, %mul3A_1065 : vector<16xi32>
    %add3A_1067 = arith.constant 6 : i32
    %add3A_1068 = vector.broadcast %add3A_1067 : i32 to vector<16xi32>
    %add3A_1069 = arith.addi %mul3A_1066, %add3A_1068 : vector<16xi32>
    %shift_right_arithmetic3A_1070 = arith.constant 7 : i32
    %shift_right_arithmetic3A_1071 = vector.broadcast %shift_right_arithmetic3A_1070 : i32 to vector<16xi32>
    %shift_right_arithmetic3A_1072 = arith.shrsi %add3A_1069, %shift_right_arithmetic3A_1071 : vector<16xi32>
    %mul3A_1073 = arith.constant 10 : i32
    %mul3A_1074 = vector.broadcast %mul3A_1073 : i32 to vector<16xi32>
    %mul3A_1075 = arith.muli %add3A_955, %mul3A_1074 : vector<16xi32>
    %add3A_1076 = arith.constant 6 : i32
    %add3A_1077 = vector.broadcast %add3A_1076 : i32 to vector<16xi32>
    %add3A_1078 = arith.addi %mul3A_1075, %add3A_1077 : vector<16xi32>
    %and3A_1079 = arith.constant 127 : i32
    %and3A_1080 = vector.broadcast %and3A_1079 : i32 to vector<16xi32>
    %and3A_1081 = arith.andi %add3A_1078, %and3A_1080 : vector<16xi32>
    %mul3A_1082 = arith.constant 10 : i32
    %mul3A_1083 = vector.broadcast %mul3A_1082 : i32 to vector<16xi32>
    %mul3A_1084 = arith.muli %add3A_955, %mul3A_1083 : vector<16xi32>
    %add3A_1085 = arith.constant 7 : i32
    %add3A_1086 = vector.broadcast %add3A_1085 : i32 to vector<16xi32>
    %add3A_1087 = arith.addi %mul3A_1084, %add3A_1086 : vector<16xi32>
    %shift_right_arithmetic3A_1088 = arith.constant 7 : i32
    %shift_right_arithmetic3A_1089 = vector.broadcast %shift_right_arithmetic3A_1088 : i32 to vector<16xi32>
    %shift_right_arithmetic3A_1090 = arith.shrsi %add3A_1087, %shift_right_arithmetic3A_1089 : vector<16xi32>
    %mul3A_1091 = arith.constant 10 : i32
    %mul3A_1092 = vector.broadcast %mul3A_1091 : i32 to vector<16xi32>
    %mul3A_1093 = arith.muli %add3A_955, %mul3A_1092 : vector<16xi32>
    %add3A_1094 = arith.constant 7 : i32
    %add3A_1095 = vector.broadcast %add3A_1094 : i32 to vector<16xi32>
    %add3A_1096 = arith.addi %mul3A_1093, %add3A_1095 : vector<16xi32>
    %and3A_1097 = arith.constant 127 : i32
    %and3A_1098 = vector.broadcast %and3A_1097 : i32 to vector<16xi32>
    %and3A_1099 = arith.andi %add3A_1096, %and3A_1098 : vector<16xi32>
    %mul3A_1100 = arith.constant 10 : i32
    %mul3A_1101 = vector.broadcast %mul3A_1100 : i32 to vector<16xi32>
    %mul3A_1102 = arith.muli %add3A_955, %mul3A_1101 : vector<16xi32>
    %add3A_1103 = arith.constant 8 : i32
    %add3A_1104 = vector.broadcast %add3A_1103 : i32 to vector<16xi32>
    %add3A_1105 = arith.addi %mul3A_1102, %add3A_1104 : vector<16xi32>
    %shift_right_arithmetic3A_1106 = arith.constant 7 : i32
    %shift_right_arithmetic3A_1107 = vector.broadcast %shift_right_arithmetic3A_1106 : i32 to vector<16xi32>
    %shift_right_arithmetic3A_1108 = arith.shrsi %add3A_1105, %shift_right_arithmetic3A_1107 : vector<16xi32>
    %mul3A_1109 = arith.constant 10 : i32
    %mul3A_1110 = vector.broadcast %mul3A_1109 : i32 to vector<16xi32>
    %mul3A_1111 = arith.muli %add3A_955, %mul3A_1110 : vector<16xi32>
    %add3A_1112 = arith.constant 8 : i32
    %add3A_1113 = vector.broadcast %add3A_1112 : i32 to vector<16xi32>
    %add3A_1114 = arith.addi %mul3A_1111, %add3A_1113 : vector<16xi32>
    %and3A_1115 = arith.constant 127 : i32
    %and3A_1116 = vector.broadcast %and3A_1115 : i32 to vector<16xi32>
    %and3A_1117 = arith.andi %add3A_1114, %and3A_1116 : vector<16xi32>
    %mul3A_1118 = arith.constant 10 : i32
    %mul3A_1119 = vector.broadcast %mul3A_1118 : i32 to vector<16xi32>
    %mul3A_1120 = arith.muli %add3A_955, %mul3A_1119 : vector<16xi32>
    %add3A_1121 = arith.constant 9 : i32
    %add3A_1122 = vector.broadcast %add3A_1121 : i32 to vector<16xi32>
    %add3A_1123 = arith.addi %mul3A_1120, %add3A_1122 : vector<16xi32>
    %shift_right_arithmetic3A_1124 = arith.constant 7 : i32
    %shift_right_arithmetic3A_1125 = vector.broadcast %shift_right_arithmetic3A_1124 : i32 to vector<16xi32>
    %shift_right_arithmetic3A_1126 = arith.shrsi %add3A_1123, %shift_right_arithmetic3A_1125 : vector<16xi32>
    %mul3A_1127 = arith.constant 10 : i32
    %mul3A_1128 = vector.broadcast %mul3A_1127 : i32 to vector<16xi32>
    %mul3A_1129 = arith.muli %add3A_955, %mul3A_1128 : vector<16xi32>
    %add3A_1130 = arith.constant 9 : i32
    %add3A_1131 = vector.broadcast %add3A_1130 : i32 to vector<16xi32>
    %add3A_1132 = arith.addi %mul3A_1129, %add3A_1131 : vector<16xi32>
    %and3A_1133 = arith.constant 127 : i32
    %and3A_1134 = vector.broadcast %and3A_1133 : i32 to vector<16xi32>
    %and3A_1135 = arith.andi %add3A_1132, %and3A_1134 : vector<16xi32>
    %broadcast_in_dim3A_1136 = arith.constant 0.000000e+00 : f32
    %broadcast_in_dim3A_1137 = vector.broadcast %broadcast_in_dim3A_1136 : f32 to vector<16xf32>
    %broadcast_in_dim3A_1138 = arith.constant 0.000000e+00 : f32
    %broadcast_in_dim3A_1139 = vector.broadcast %broadcast_in_dim3A_1138 : f32 to vector<16xf32>
    %broadcast_in_dim3A_1140 = arith.constant 0.000000e+00 : f32
    %broadcast_in_dim3A_1141 = vector.broadcast %broadcast_in_dim3A_1140 : f32 to vector<16xf32>
    %broadcast_in_dim3A_1142 = arith.constant 0.000000e+00 : f32
    %broadcast_in_dim3A_1143 = vector.broadcast %broadcast_in_dim3A_1142 : f32 to vector<16xf32>
    %broadcast_in_dim3A_1144 = arith.constant 0.000000e+00 : f32
    %broadcast_in_dim3A_1145 = vector.broadcast %broadcast_in_dim3A_1144 : f32 to vector<16xf32>
    %broadcast_in_dim3A_1146 = arith.constant 0.000000e+00 : f32
    %broadcast_in_dim3A_1147 = vector.broadcast %broadcast_in_dim3A_1146 : f32 to vector<16xf32>
    %broadcast_in_dim3A_1148 = arith.constant 0.000000e+00 : f32
    %broadcast_in_dim3A_1149 = vector.broadcast %broadcast_in_dim3A_1148 : f32 to vector<16xf32>
    %broadcast_in_dim3A_1150 = arith.constant 0.000000e+00 : f32
    %broadcast_in_dim3A_1151 = vector.broadcast %broadcast_in_dim3A_1150 : f32 to vector<16xf32>
    %broadcast_in_dim3A_1152 = arith.constant 0.000000e+00 : f32
    %broadcast_in_dim3A_1153 = vector.broadcast %broadcast_in_dim3A_1152 : f32 to vector<16xf32>
    %broadcast_in_dim3A_1154 = arith.constant 0.000000e+00 : f32
    %broadcast_in_dim3A_1155 = vector.broadcast %broadcast_in_dim3A_1154 : f32 to vector<16xf32>
    %broadcast_in_dim3A_1156 = arith.constant 0.000000e+00 : f32
    %broadcast_in_dim3A_1157 = vector.broadcast %broadcast_in_dim3A_1156 : f32 to vector<16xf32>
    %scan3A_1158 = arith.constant 0 : i32
    %scan3A_1159 = arith.constant 32 : i32
    %scan3A_1160 = arith.addi %scan3A_1158, %scan3A_1159 : i32
    %scan3A_1161 = arith.constant 1 : i32
    %scan3A_1162:11 = scf.for %scan3A_2122 = %scan3A_1158 to %scan3A_1160 step %scan3A_1161 iter_args(%scan3A_2123 = %broadcast_in_dim3A_1137, %scan3A_2124 = %broadcast_in_dim3A_1139, %scan3A_2125 = %broadcast_in_dim3A_1141, %scan3A_2126 = %broadcast_in_dim3A_1143, %scan3A_2127 = %broadcast_in_dim3A_1145, %scan3A_2128 = %broadcast_in_dim3A_1147, %scan3A_2129 = %broadcast_in_dim3A_1149, %scan3A_2130 = %broadcast_in_dim3A_1151, %scan3A_2131 = %broadcast_in_dim3A_1153, %scan3A_2132 = %broadcast_in_dim3A_1155, %scan3A_2133 = %broadcast_in_dim3A_1157) -> (vector<16xf32>, vector<16xf32>, vector<16xf32>, vector<16xf32>, vector<16xf32>, vector<16xf32>, vector<16xf32>, vector<16xf32>, vector<16xf32>, vector<16xf32>, vector<16xf32>)  : i32 {
      %broadcast_in_dim3A_2134 = vector.broadcast %scan3A_2122 : i32 to vector<16xi32>
      %gather3A = tpu.vector_load_idx %arg11[%add3A_955, %broadcast_in_dim3A_2134] : memref<128x32xf32, #tpu.memory_space<vmem>>[vector<16xi32>, vector<16xi32>], vector<16xf32>,
      %gather3A_2135 = tpu.vector_load_idx %arg12[%add3A_955, %broadcast_in_dim3A_2134] : memref<128x32xf32, #tpu.memory_space<vmem>>[vector<16xi32>, vector<16xi32>], vector<16xf32>,
      %mul3A_2136 = arith.mulf %gather3A, %gather3A_2135 : vector<16xf32>
      %add3A_2137 = arith.addf %scan3A_2123, %mul3A_2136 : vector<16xf32>
      %gather3A_2138 = tpu.vector_load_idx %arg13[%shift_right_arithmetic3A_964, %and3A_973, %broadcast_in_dim3A_2134] : memref<10x128x32xf32, #tpu.memory_space<vmem>>[vector<16xi32>, vector<16xi32>, vector<16xi32>], vector<16xf32>,
      %mul3A_2139 = arith.mulf %gather3A, %gather3A_2138 : vector<16xf32>
      %add3A_2140 = arith.addf %scan3A_2124, %mul3A_2139 : vector<16xf32>
      %gather3A_2141 = tpu.vector_load_idx %arg13[%shift_right_arithmetic3A_982, %and3A_991, %broadcast_in_dim3A_2134] : memref<10x128x32xf32, #tpu.memory_space<vmem>>[vector<16xi32>, vector<16xi32>, vector<16xi32>], vector<16xf32>,
      %mul3A_2142 = arith.mulf %gather3A, %gather3A_2141 : vector<16xf32>
      %add3A_2143 = arith.addf %scan3A_2125, %mul3A_2142 : vector<16xf32>
      %gather3A_2144 = tpu.vector_load_idx %arg13[%shift_right_arithmetic3A_1000, %and3A_1009, %broadcast_in_dim3A_2134] : memref<10x128x32xf32, #tpu.memory_space<vmem>>[vector<16xi32>, vector<16xi32>, vector<16xi32>], vector<16xf32>,
      %mul3A_2145 = arith.mulf %gather3A, %gather3A_2144 : vector<16xf32>
      %add3A_2146 = arith.addf %scan3A_2126, %mul3A_2145 : vector<16xf32>
      %gather3A_2147 = tpu.vector_load_idx %arg13[%shift_right_arithmetic3A_1018, %and3A_1027, %broadcast_in_dim3A_2134] : memref<10x128x32xf32, #tpu.memory_space<vmem>>[vector<16xi32>, vector<16xi32>, vector<16xi32>], vector<16xf32>,
      %mul3A_2148 = arith.mulf %gather3A, %gather3A_2147 : vector<16xf32>
      %add3A_2149 = arith.addf %scan3A_2127, %mul3A_2148 : vector<16xf32>
      %gather3A_2150 = tpu.vector_load_idx %arg13[%shift_right_arithmetic3A_1036, %and3A_1045, %broadcast_in_dim3A_2134] : memref<10x128x32xf32, #tpu.memory_space<vmem>>[vector<16xi32>, vector<16xi32>, vector<16xi32>], vector<16xf32>,
      %mul3A_2151 = arith.mulf %gather3A, %gather3A_2150 : vector<16xf32>
      %add3A_2152 = arith.addf %scan3A_2128, %mul3A_2151 : vector<16xf32>
      %gather3A_2153 = tpu.vector_load_idx %arg13[%shift_right_arithmetic3A_1054, %and3A_1063, %broadcast_in_dim3A_2134] : memref<10x128x32xf32, #tpu.memory_space<vmem>>[vector<16xi32>, vector<16xi32>, vector<16xi32>], vector<16xf32>,
      %mul3A_2154 = arith.mulf %gather3A, %gather3A_2153 : vector<16xf32>
      %add3A_2155 = arith.addf %scan3A_2129, %mul3A_2154 : vector<16xf32>
      %gather3A_2156 = tpu.vector_load_idx %arg13[%shift_right_arithmetic3A_1072, %and3A_1081, %broadcast_in_dim3A_2134] : memref<10x128x32xf32, #tpu.memory_space<vmem>>[vector<16xi32>, vector<16xi32>, vector<16xi32>], vector<16xf32>,
      %mul3A_2157 = arith.mulf %gather3A, %gather3A_2156 : vector<16xf32>
      %add3A_2158 = arith.addf %scan3A_2130, %mul3A_2157 : vector<16xf32>
      %gather3A_2159 = tpu.vector_load_idx %arg13[%shift_right_arithmetic3A_1090, %and3A_1099, %broadcast_in_dim3A_2134] : memref<10x128x32xf32, #tpu.memory_space<vmem>>[vector<16xi32>, vector<16xi32>, vector<16xi32>], vector<16xf32>,
      %mul3A_2160 = arith.mulf %gather3A, %gather3A_2159 : vector<16xf32>
      %add3A_2161 = arith.addf %scan3A_2131, %mul3A_2160 : vector<16xf32>
      %gather3A_2162 = tpu.vector_load_idx %arg13[%shift_right_arithmetic3A_1108, %and3A_1117, %broadcast_in_dim3A_2134] : memref<10x128x32xf32, #tpu.memory_space<vmem>>[vector<16xi32>, vector<16xi32>, vector<16xi32>], vector<16xf32>,
      %mul3A_2163 = arith.mulf %gather3A, %gather3A_2162 : vector<16xf32>
      %add3A_2164 = arith.addf %scan3A_2132, %mul3A_2163 : vector<16xf32>
      %gather3A_2165 = tpu.vector_load_idx %arg13[%shift_right_arithmetic3A_1126, %and3A_1135, %broadcast_in_dim3A_2134] : memref<10x128x32xf32, #tpu.memory_space<vmem>>[vector<16xi32>, vector<16xi32>, vector<16xi32>], vector<16xf32>,
      %mul3A_2166 = arith.mulf %gather3A, %gather3A_2165 : vector<16xf32>
      %add3A_2167 = arith.addf %scan3A_2133, %mul3A_2166 : vector<16xf32>
      scf.yield %add3A_2137, %add3A_2140, %add3A_2143, %add3A_2146, %add3A_2149, %add3A_2152, %add3A_2155, %add3A_2158, %add3A_2161, %add3A_2164, %add3A_2167 : vector<16xf32>, vector<16xf32>, vector<16xf32>, vector<16xf32>, vector<16xf32>, vector<16xf32>, vector<16xf32>, vector<16xf32>, vector<16xf32>, vector<16xf32>, vector<16xf32>
    }
    %scan3A_1163 = arith.constant 32 : i32
    %broadcast_in_dim3A_1164 = arith.constant 0 : i32
    %broadcast_in_dim3A_1165 = vector.broadcast %broadcast_in_dim3A_1164 : i32 to vector<16xi32>
    tpu.vector_store_idx %arg14[%add3A_955, %broadcast_in_dim3A_1165], %scan3A_1162#0 : memref<128x11xf32, #tpu.memory_space<vmem>>[vector<16xi32>, vector<16xi32>], vector<16xf32>,
    %broadcast_in_dim3A_1166 = arith.constant 1 : i32
    %broadcast_in_dim3A_1167 = vector.broadcast %broadcast_in_dim3A_1166 : i32 to vector<16xi32>
    tpu.vector_store_idx %arg14[%add3A_955, %broadcast_in_dim3A_1167], %scan3A_1162#1 : memref<128x11xf32, #tpu.memory_space<vmem>>[vector<16xi32>, vector<16xi32>], vector<16xf32>,
    %broadcast_in_dim3A_1168 = arith.constant 2 : i32
    %broadcast_in_dim3A_1169 = vector.broadcast %broadcast_in_dim3A_1168 : i32 to vector<16xi32>
    tpu.vector_store_idx %arg14[%add3A_955, %broadcast_in_dim3A_1169], %scan3A_1162#2 : memref<128x11xf32, #tpu.memory_space<vmem>>[vector<16xi32>, vector<16xi32>], vector<16xf32>,
    %broadcast_in_dim3A_1170 = arith.constant 3 : i32
    %broadcast_in_dim3A_1171 = vector.broadcast %broadcast_in_dim3A_1170 : i32 to vector<16xi32>
    tpu.vector_store_idx %arg14[%add3A_955, %broadcast_in_dim3A_1171], %scan3A_1162#3 : memref<128x11xf32, #tpu.memory_space<vmem>>[vector<16xi32>, vector<16xi32>], vector<16xf32>,
    %broadcast_in_dim3A_1172 = arith.constant 4 : i32
    %broadcast_in_dim3A_1173 = vector.broadcast %broadcast_in_dim3A_1172 : i32 to vector<16xi32>
    tpu.vector_store_idx %arg14[%add3A_955, %broadcast_in_dim3A_1173], %scan3A_1162#4 : memref<128x11xf32, #tpu.memory_space<vmem>>[vector<16xi32>, vector<16xi32>], vector<16xf32>,
    %broadcast_in_dim3A_1174 = arith.constant 5 : i32
    %broadcast_in_dim3A_1175 = vector.broadcast %broadcast_in_dim3A_1174 : i32 to vector<16xi32>
    tpu.vector_store_idx %arg14[%add3A_955, %broadcast_in_dim3A_1175], %scan3A_1162#5 : memref<128x11xf32, #tpu.memory_space<vmem>>[vector<16xi32>, vector<16xi32>], vector<16xf32>,
    %broadcast_in_dim3A_1176 = arith.constant 6 : i32
    %broadcast_in_dim3A_1177 = vector.broadcast %broadcast_in_dim3A_1176 : i32 to vector<16xi32>
    tpu.vector_store_idx %arg14[%add3A_955, %broadcast_in_dim3A_1177], %scan3A_1162#6 : memref<128x11xf32, #tpu.memory_space<vmem>>[vector<16xi32>, vector<16xi32>], vector<16xf32>,
    %broadcast_in_dim3A_1178 = arith.constant 7 : i32
    %broadcast_in_dim3A_1179 = vector.broadcast %broadcast_in_dim3A_1178 : i32 to vector<16xi32>
    tpu.vector_store_idx %arg14[%add3A_955, %broadcast_in_dim3A_1179], %scan3A_1162#7 : memref<128x11xf32, #tpu.memory_space<vmem>>[vector<16xi32>, vector<16xi32>], vector<16xf32>,
    %broadcast_in_dim3A_1180 = arith.constant 8 : i32
    %broadcast_in_dim3A_1181 = vector.broadcast %broadcast_in_dim3A_1180 : i32 to vector<16xi32>
    tpu.vector_store_idx %arg14[%add3A_955, %broadcast_in_dim3A_1181], %scan3A_1162#8 : memref<128x11xf32, #tpu.memory_space<vmem>>[vector<16xi32>, vector<16xi32>], vector<16xf32>,
    %broadcast_in_dim3A_1182 = arith.constant 9 : i32
    %broadcast_in_dim3A_1183 = vector.broadcast %broadcast_in_dim3A_1182 : i32 to vector<16xi32>
    tpu.vector_store_idx %arg14[%add3A_955, %broadcast_in_dim3A_1183], %scan3A_1162#9 : memref<128x11xf32, #tpu.memory_space<vmem>>[vector<16xi32>, vector<16xi32>], vector<16xf32>,
    %broadcast_in_dim3A_1184 = arith.constant 10 : i32
    %broadcast_in_dim3A_1185 = vector.broadcast %broadcast_in_dim3A_1184 : i32 to vector<16xi32>
    tpu.vector_store_idx %arg14[%add3A_955, %broadcast_in_dim3A_1185], %scan3A_1162#10 : memref<128x11xf32, #tpu.memory_space<vmem>>[vector<16xi32>, vector<16xi32>], vector<16xf32>,
    %iota3A_1186 = tpu.iota {dimensions = array<i32: 0>} : vector<16xi32>
    %add3A_1187 = arith.constant 64 : i32
    %add3A_1188 = vector.broadcast %add3A_1187 : i32 to vector<16xi32>
    %add3A_1189 = arith.addi %iota3A_1186, %add3A_1188 : vector<16xi32>
    %mul3A_1190 = arith.constant 10 : i32
    %mul3A_1191 = vector.broadcast %mul3A_1190 : i32 to vector<16xi32>
    %mul3A_1192 = arith.muli %add3A_1189, %mul3A_1191 : vector<16xi32>
    %add3A_1193 = arith.constant 0 : i32
    %add3A_1194 = vector.broadcast %add3A_1193 : i32 to vector<16xi32>
    %add3A_1195 = arith.addi %mul3A_1192, %add3A_1194 : vector<16xi32>
    %shift_right_arithmetic3A_1196 = arith.constant 7 : i32
    %shift_right_arithmetic3A_1197 = vector.broadcast %shift_right_arithmetic3A_1196 : i32 to vector<16xi32>
    %shift_right_arithmetic3A_1198 = arith.shrsi %add3A_1195, %shift_right_arithmetic3A_1197 : vector<16xi32>
    %mul3A_1199 = arith.constant 10 : i32
    %mul3A_1200 = vector.broadcast %mul3A_1199 : i32 to vector<16xi32>
    %mul3A_1201 = arith.muli %add3A_1189, %mul3A_1200 : vector<16xi32>
    %add3A_1202 = arith.constant 0 : i32
    %add3A_1203 = vector.broadcast %add3A_1202 : i32 to vector<16xi32>
    %add3A_1204 = arith.addi %mul3A_1201, %add3A_1203 : vector<16xi32>
    %and3A_1205 = arith.constant 127 : i32
    %and3A_1206 = vector.broadcast %and3A_1205 : i32 to vector<16xi32>
    %and3A_1207 = arith.andi %add3A_1204, %and3A_1206 : vector<16xi32>
    %mul3A_1208 = arith.constant 10 : i32
    %mul3A_1209 = vector.broadcast %mul3A_1208 : i32 to vector<16xi32>
    %mul3A_1210 = arith.muli %add3A_1189, %mul3A_1209 : vector<16xi32>
    %add3A_1211 = arith.constant 1 : i32
    %add3A_1212 = vector.broadcast %add3A_1211 : i32 to vector<16xi32>
    %add3A_1213 = arith.addi %mul3A_1210, %add3A_1212 : vector<16xi32>
    %shift_right_arithmetic3A_1214 = arith.constant 7 : i32
    %shift_right_arithmetic3A_1215 = vector.broadcast %shift_right_arithmetic3A_1214 : i32 to vector<16xi32>
    %shift_right_arithmetic3A_1216 = arith.shrsi %add3A_1213, %shift_right_arithmetic3A_1215 : vector<16xi32>
    %mul3A_1217 = arith.constant 10 : i32
    %mul3A_1218 = vector.broadcast %mul3A_1217 : i32 to vector<16xi32>
    %mul3A_1219 = arith.muli %add3A_1189, %mul3A_1218 : vector<16xi32>
    %add3A_1220 = arith.constant 1 : i32
    %add3A_1221 = vector.broadcast %add3A_1220 : i32 to vector<16xi32>
    %add3A_1222 = arith.addi %mul3A_1219, %add3A_1221 : vector<16xi32>
    %and3A_1223 = arith.constant 127 : i32
    %and3A_1224 = vector.broadcast %and3A_1223 : i32 to vector<16xi32>
    %and3A_1225 = arith.andi %add3A_1222, %and3A_1224 : vector<16xi32>
    %mul3A_1226 = arith.constant 10 : i32
    %mul3A_1227 = vector.broadcast %mul3A_1226 : i32 to vector<16xi32>
    %mul3A_1228 = arith.muli %add3A_1189, %mul3A_1227 : vector<16xi32>
    %add3A_1229 = arith.constant 2 : i32
    %add3A_1230 = vector.broadcast %add3A_1229 : i32 to vector<16xi32>
    %add3A_1231 = arith.addi %mul3A_1228, %add3A_1230 : vector<16xi32>
    %shift_right_arithmetic3A_1232 = arith.constant 7 : i32
    %shift_right_arithmetic3A_1233 = vector.broadcast %shift_right_arithmetic3A_1232 : i32 to vector<16xi32>
    %shift_right_arithmetic3A_1234 = arith.shrsi %add3A_1231, %shift_right_arithmetic3A_1233 : vector<16xi32>
    %mul3A_1235 = arith.constant 10 : i32
    %mul3A_1236 = vector.broadcast %mul3A_1235 : i32 to vector<16xi32>
    %mul3A_1237 = arith.muli %add3A_1189, %mul3A_1236 : vector<16xi32>
    %add3A_1238 = arith.constant 2 : i32
    %add3A_1239 = vector.broadcast %add3A_1238 : i32 to vector<16xi32>
    %add3A_1240 = arith.addi %mul3A_1237, %add3A_1239 : vector<16xi32>
    %and3A_1241 = arith.constant 127 : i32
    %and3A_1242 = vector.broadcast %and3A_1241 : i32 to vector<16xi32>
    %and3A_1243 = arith.andi %add3A_1240, %and3A_1242 : vector<16xi32>
    %mul3A_1244 = arith.constant 10 : i32
    %mul3A_1245 = vector.broadcast %mul3A_1244 : i32 to vector<16xi32>
    %mul3A_1246 = arith.muli %add3A_1189, %mul3A_1245 : vector<16xi32>
    %add3A_1247 = arith.constant 3 : i32
    %add3A_1248 = vector.broadcast %add3A_1247 : i32 to vector<16xi32>
    %add3A_1249 = arith.addi %mul3A_1246, %add3A_1248 : vector<16xi32>
    %shift_right_arithmetic3A_1250 = arith.constant 7 : i32
    %shift_right_arithmetic3A_1251 = vector.broadcast %shift_right_arithmetic3A_1250 : i32 to vector<16xi32>
    %shift_right_arithmetic3A_1252 = arith.shrsi %add3A_1249, %shift_right_arithmetic3A_1251 : vector<16xi32>
    %mul3A_1253 = arith.constant 10 : i32
    %mul3A_1254 = vector.broadcast %mul3A_1253 : i32 to vector<16xi32>
    %mul3A_1255 = arith.muli %add3A_1189, %mul3A_1254 : vector<16xi32>
    %add3A_1256 = arith.constant 3 : i32
    %add3A_1257 = vector.broadcast %add3A_1256 : i32 to vector<16xi32>
    %add3A_1258 = arith.addi %mul3A_1255, %add3A_1257 : vector<16xi32>
    %and3A_1259 = arith.constant 127 : i32
    %and3A_1260 = vector.broadcast %and3A_1259 : i32 to vector<16xi32>
    %and3A_1261 = arith.andi %add3A_1258, %and3A_1260 : vector<16xi32>
    %mul3A_1262 = arith.constant 10 : i32
    %mul3A_1263 = vector.broadcast %mul3A_1262 : i32 to vector<16xi32>
    %mul3A_1264 = arith.muli %add3A_1189, %mul3A_1263 : vector<16xi32>
    %add3A_1265 = arith.constant 4 : i32
    %add3A_1266 = vector.broadcast %add3A_1265 : i32 to vector<16xi32>
    %add3A_1267 = arith.addi %mul3A_1264, %add3A_1266 : vector<16xi32>
    %shift_right_arithmetic3A_1268 = arith.constant 7 : i32
    %shift_right_arithmetic3A_1269 = vector.broadcast %shift_right_arithmetic3A_1268 : i32 to vector<16xi32>
    %shift_right_arithmetic3A_1270 = arith.shrsi %add3A_1267, %shift_right_arithmetic3A_1269 : vector<16xi32>
    %mul3A_1271 = arith.constant 10 : i32
    %mul3A_1272 = vector.broadcast %mul3A_1271 : i32 to vector<16xi32>
    %mul3A_1273 = arith.muli %add3A_1189, %mul3A_1272 : vector<16xi32>
    %add3A_1274 = arith.constant 4 : i32
    %add3A_1275 = vector.broadcast %add3A_1274 : i32 to vector<16xi32>
    %add3A_1276 = arith.addi %mul3A_1273, %add3A_1275 : vector<16xi32>
    %and3A_1277 = arith.constant 127 : i32
    %and3A_1278 = vector.broadcast %and3A_1277 : i32 to vector<16xi32>
    %and3A_1279 = arith.andi %add3A_1276, %and3A_1278 : vector<16xi32>
    %mul3A_1280 = arith.constant 10 : i32
    %mul3A_1281 = vector.broadcast %mul3A_1280 : i32 to vector<16xi32>
    %mul3A_1282 = arith.muli %add3A_1189, %mul3A_1281 : vector<16xi32>
    %add3A_1283 = arith.constant 5 : i32
    %add3A_1284 = vector.broadcast %add3A_1283 : i32 to vector<16xi32>
    %add3A_1285 = arith.addi %mul3A_1282, %add3A_1284 : vector<16xi32>
    %shift_right_arithmetic3A_1286 = arith.constant 7 : i32
    %shift_right_arithmetic3A_1287 = vector.broadcast %shift_right_arithmetic3A_1286 : i32 to vector<16xi32>
    %shift_right_arithmetic3A_1288 = arith.shrsi %add3A_1285, %shift_right_arithmetic3A_1287 : vector<16xi32>
    %mul3A_1289 = arith.constant 10 : i32
    %mul3A_1290 = vector.broadcast %mul3A_1289 : i32 to vector<16xi32>
    %mul3A_1291 = arith.muli %add3A_1189, %mul3A_1290 : vector<16xi32>
    %add3A_1292 = arith.constant 5 : i32
    %add3A_1293 = vector.broadcast %add3A_1292 : i32 to vector<16xi32>
    %add3A_1294 = arith.addi %mul3A_1291, %add3A_1293 : vector<16xi32>
    %and3A_1295 = arith.constant 127 : i32
    %and3A_1296 = vector.broadcast %and3A_1295 : i32 to vector<16xi32>
    %and3A_1297 = arith.andi %add3A_1294, %and3A_1296 : vector<16xi32>
    %mul3A_1298 = arith.constant 10 : i32
    %mul3A_1299 = vector.broadcast %mul3A_1298 : i32 to vector<16xi32>
    %mul3A_1300 = arith.muli %add3A_1189, %mul3A_1299 : vector<16xi32>
    %add3A_1301 = arith.constant 6 : i32
    %add3A_1302 = vector.broadcast %add3A_1301 : i32 to vector<16xi32>
    %add3A_1303 = arith.addi %mul3A_1300, %add3A_1302 : vector<16xi32>
    %shift_right_arithmetic3A_1304 = arith.constant 7 : i32
    %shift_right_arithmetic3A_1305 = vector.broadcast %shift_right_arithmetic3A_1304 : i32 to vector<16xi32>
    %shift_right_arithmetic3A_1306 = arith.shrsi %add3A_1303, %shift_right_arithmetic3A_1305 : vector<16xi32>
    %mul3A_1307 = arith.constant 10 : i32
    %mul3A_1308 = vector.broadcast %mul3A_1307 : i32 to vector<16xi32>
    %mul3A_1309 = arith.muli %add3A_1189, %mul3A_1308 : vector<16xi32>
    %add3A_1310 = arith.constant 6 : i32
    %add3A_1311 = vector.broadcast %add3A_1310 : i32 to vector<16xi32>
    %add3A_1312 = arith.addi %mul3A_1309, %add3A_1311 : vector<16xi32>
    %and3A_1313 = arith.constant 127 : i32
    %and3A_1314 = vector.broadcast %and3A_1313 : i32 to vector<16xi32>
    %and3A_1315 = arith.andi %add3A_1312, %and3A_1314 : vector<16xi32>
    %mul3A_1316 = arith.constant 10 : i32
    %mul3A_1317 = vector.broadcast %mul3A_1316 : i32 to vector<16xi32>
    %mul3A_1318 = arith.muli %add3A_1189, %mul3A_1317 : vector<16xi32>
    %add3A_1319 = arith.constant 7 : i32
    %add3A_1320 = vector.broadcast %add3A_1319 : i32 to vector<16xi32>
    %add3A_1321 = arith.addi %mul3A_1318, %add3A_1320 : vector<16xi32>
    %shift_right_arithmetic3A_1322 = arith.constant 7 : i32
    %shift_right_arithmetic3A_1323 = vector.broadcast %shift_right_arithmetic3A_1322 : i32 to vector<16xi32>
    %shift_right_arithmetic3A_1324 = arith.shrsi %add3A_1321, %shift_right_arithmetic3A_1323 : vector<16xi32>
    %mul3A_1325 = arith.constant 10 : i32
    %mul3A_1326 = vector.broadcast %mul3A_1325 : i32 to vector<16xi32>
    %mul3A_1327 = arith.muli %add3A_1189, %mul3A_1326 : vector<16xi32>
    %add3A_1328 = arith.constant 7 : i32
    %add3A_1329 = vector.broadcast %add3A_1328 : i32 to vector<16xi32>
    %add3A_1330 = arith.addi %mul3A_1327, %add3A_1329 : vector<16xi32>
    %and3A_1331 = arith.constant 127 : i32
    %and3A_1332 = vector.broadcast %and3A_1331 : i32 to vector<16xi32>
    %and3A_1333 = arith.andi %add3A_1330, %and3A_1332 : vector<16xi32>
    %mul3A_1334 = arith.constant 10 : i32
    %mul3A_1335 = vector.broadcast %mul3A_1334 : i32 to vector<16xi32>
    %mul3A_1336 = arith.muli %add3A_1189, %mul3A_1335 : vector<16xi32>
    %add3A_1337 = arith.constant 8 : i32
    %add3A_1338 = vector.broadcast %add3A_1337 : i32 to vector<16xi32>
    %add3A_1339 = arith.addi %mul3A_1336, %add3A_1338 : vector<16xi32>
    %shift_right_arithmetic3A_1340 = arith.constant 7 : i32
    %shift_right_arithmetic3A_1341 = vector.broadcast %shift_right_arithmetic3A_1340 : i32 to vector<16xi32>
    %shift_right_arithmetic3A_1342 = arith.shrsi %add3A_1339, %shift_right_arithmetic3A_1341 : vector<16xi32>
    %mul3A_1343 = arith.constant 10 : i32
    %mul3A_1344 = vector.broadcast %mul3A_1343 : i32 to vector<16xi32>
    %mul3A_1345 = arith.muli %add3A_1189, %mul3A_1344 : vector<16xi32>
    %add3A_1346 = arith.constant 8 : i32
    %add3A_1347 = vector.broadcast %add3A_1346 : i32 to vector<16xi32>
    %add3A_1348 = arith.addi %mul3A_1345, %add3A_1347 : vector<16xi32>
    %and3A_1349 = arith.constant 127 : i32
    %and3A_1350 = vector.broadcast %and3A_1349 : i32 to vector<16xi32>
    %and3A_1351 = arith.andi %add3A_1348, %and3A_1350 : vector<16xi32>
    %mul3A_1352 = arith.constant 10 : i32
    %mul3A_1353 = vector.broadcast %mul3A_1352 : i32 to vector<16xi32>
    %mul3A_1354 = arith.muli %add3A_1189, %mul3A_1353 : vector<16xi32>
    %add3A_1355 = arith.constant 9 : i32
    %add3A_1356 = vector.broadcast %add3A_1355 : i32 to vector<16xi32>
    %add3A_1357 = arith.addi %mul3A_1354, %add3A_1356 : vector<16xi32>
    %shift_right_arithmetic3A_1358 = arith.constant 7 : i32
    %shift_right_arithmetic3A_1359 = vector.broadcast %shift_right_arithmetic3A_1358 : i32 to vector<16xi32>
    %shift_right_arithmetic3A_1360 = arith.shrsi %add3A_1357, %shift_right_arithmetic3A_1359 : vector<16xi32>
    %mul3A_1361 = arith.constant 10 : i32
    %mul3A_1362 = vector.broadcast %mul3A_1361 : i32 to vector<16xi32>
    %mul3A_1363 = arith.muli %add3A_1189, %mul3A_1362 : vector<16xi32>
    %add3A_1364 = arith.constant 9 : i32
    %add3A_1365 = vector.broadcast %add3A_1364 : i32 to vector<16xi32>
    %add3A_1366 = arith.addi %mul3A_1363, %add3A_1365 : vector<16xi32>
    %and3A_1367 = arith.constant 127 : i32
    %and3A_1368 = vector.broadcast %and3A_1367 : i32 to vector<16xi32>
    %and3A_1369 = arith.andi %add3A_1366, %and3A_1368 : vector<16xi32>
    %broadcast_in_dim3A_1370 = arith.constant 0.000000e+00 : f32
    %broadcast_in_dim3A_1371 = vector.broadcast %broadcast_in_dim3A_1370 : f32 to vector<16xf32>
    %broadcast_in_dim3A_1372 = arith.constant 0.000000e+00 : f32
    %broadcast_in_dim3A_1373 = vector.broadcast %broadcast_in_dim3A_1372 : f32 to vector<16xf32>
    %broadcast_in_dim3A_1374 = arith.constant 0.000000e+00 : f32
    %broadcast_in_dim3A_1375 = vector.broadcast %broadcast_in_dim3A_1374 : f32 to vector<16xf32>
    %broadcast_in_dim3A_1376 = arith.constant 0.000000e+00 : f32
    %broadcast_in_dim3A_1377 = vector.broadcast %broadcast_in_dim3A_1376 : f32 to vector<16xf32>
    %broadcast_in_dim3A_1378 = arith.constant 0.000000e+00 : f32
    %broadcast_in_dim3A_1379 = vector.broadcast %broadcast_in_dim3A_1378 : f32 to vector<16xf32>
    %broadcast_in_dim3A_1380 = arith.constant 0.000000e+00 : f32
    %broadcast_in_dim3A_1381 = vector.broadcast %broadcast_in_dim3A_1380 : f32 to vector<16xf32>
    %broadcast_in_dim3A_1382 = arith.constant 0.000000e+00 : f32
    %broadcast_in_dim3A_1383 = vector.broadcast %broadcast_in_dim3A_1382 : f32 to vector<16xf32>
    %broadcast_in_dim3A_1384 = arith.constant 0.000000e+00 : f32
    %broadcast_in_dim3A_1385 = vector.broadcast %broadcast_in_dim3A_1384 : f32 to vector<16xf32>
    %broadcast_in_dim3A_1386 = arith.constant 0.000000e+00 : f32
    %broadcast_in_dim3A_1387 = vector.broadcast %broadcast_in_dim3A_1386 : f32 to vector<16xf32>
    %broadcast_in_dim3A_1388 = arith.constant 0.000000e+00 : f32
    %broadcast_in_dim3A_1389 = vector.broadcast %broadcast_in_dim3A_1388 : f32 to vector<16xf32>
    %broadcast_in_dim3A_1390 = arith.constant 0.000000e+00 : f32
    %broadcast_in_dim3A_1391 = vector.broadcast %broadcast_in_dim3A_1390 : f32 to vector<16xf32>
    %scan3A_1392 = arith.constant 0 : i32
    %scan3A_1393 = arith.constant 32 : i32
    %scan3A_1394 = arith.addi %scan3A_1392, %scan3A_1393 : i32
    %scan3A_1395 = arith.constant 1 : i32
    %scan3A_1396:11 = scf.for %scan3A_2122 = %scan3A_1392 to %scan3A_1394 step %scan3A_1395 iter_args(%scan3A_2123 = %broadcast_in_dim3A_1371, %scan3A_2124 = %broadcast_in_dim3A_1373, %scan3A_2125 = %broadcast_in_dim3A_1375, %scan3A_2126 = %broadcast_in_dim3A_1377, %scan3A_2127 = %broadcast_in_dim3A_1379, %scan3A_2128 = %broadcast_in_dim3A_1381, %scan3A_2129 = %broadcast_in_dim3A_1383, %scan3A_2130 = %broadcast_in_dim3A_1385, %scan3A_2131 = %broadcast_in_dim3A_1387, %scan3A_2132 = %broadcast_in_dim3A_1389, %scan3A_2133 = %broadcast_in_dim3A_1391) -> (vector<16xf32>, vector<16xf32>, vector<16xf32>, vector<16xf32>, vector<16xf32>, vector<16xf32>, vector<16xf32>, vector<16xf32>, vector<16xf32>, vector<16xf32>, vector<16xf32>)  : i32 {
      %broadcast_in_dim3A_2134 = vector.broadcast %scan3A_2122 : i32 to vector<16xi32>
      %gather3A = tpu.vector_load_idx %arg11[%add3A_1189, %broadcast_in_dim3A_2134] : memref<128x32xf32, #tpu.memory_space<vmem>>[vector<16xi32>, vector<16xi32>], vector<16xf32>,
      %gather3A_2135 = tpu.vector_load_idx %arg12[%add3A_1189, %broadcast_in_dim3A_2134] : memref<128x32xf32, #tpu.memory_space<vmem>>[vector<16xi32>, vector<16xi32>], vector<16xf32>,
      %mul3A_2136 = arith.mulf %gather3A, %gather3A_2135 : vector<16xf32>
      %add3A_2137 = arith.addf %scan3A_2123, %mul3A_2136 : vector<16xf32>
      %gather3A_2138 = tpu.vector_load_idx %arg13[%shift_right_arithmetic3A_1198, %and3A_1207, %broadcast_in_dim3A_2134] : memref<10x128x32xf32, #tpu.memory_space<vmem>>[vector<16xi32>, vector<16xi32>, vector<16xi32>], vector<16xf32>,
      %mul3A_2139 = arith.mulf %gather3A, %gather3A_2138 : vector<16xf32>
      %add3A_2140 = arith.addf %scan3A_2124, %mul3A_2139 : vector<16xf32>
      %gather3A_2141 = tpu.vector_load_idx %arg13[%shift_right_arithmetic3A_1216, %and3A_1225, %broadcast_in_dim3A_2134] : memref<10x128x32xf32, #tpu.memory_space<vmem>>[vector<16xi32>, vector<16xi32>, vector<16xi32>], vector<16xf32>,
      %mul3A_2142 = arith.mulf %gather3A, %gather3A_2141 : vector<16xf32>
      %add3A_2143 = arith.addf %scan3A_2125, %mul3A_2142 : vector<16xf32>
      %gather3A_2144 = tpu.vector_load_idx %arg13[%shift_right_arithmetic3A_1234, %and3A_1243, %broadcast_in_dim3A_2134] : memref<10x128x32xf32, #tpu.memory_space<vmem>>[vector<16xi32>, vector<16xi32>, vector<16xi32>], vector<16xf32>,
      %mul3A_2145 = arith.mulf %gather3A, %gather3A_2144 : vector<16xf32>
      %add3A_2146 = arith.addf %scan3A_2126, %mul3A_2145 : vector<16xf32>
      %gather3A_2147 = tpu.vector_load_idx %arg13[%shift_right_arithmetic3A_1252, %and3A_1261, %broadcast_in_dim3A_2134] : memref<10x128x32xf32, #tpu.memory_space<vmem>>[vector<16xi32>, vector<16xi32>, vector<16xi32>], vector<16xf32>,
      %mul3A_2148 = arith.mulf %gather3A, %gather3A_2147 : vector<16xf32>
      %add3A_2149 = arith.addf %scan3A_2127, %mul3A_2148 : vector<16xf32>
      %gather3A_2150 = tpu.vector_load_idx %arg13[%shift_right_arithmetic3A_1270, %and3A_1279, %broadcast_in_dim3A_2134] : memref<10x128x32xf32, #tpu.memory_space<vmem>>[vector<16xi32>, vector<16xi32>, vector<16xi32>], vector<16xf32>,
      %mul3A_2151 = arith.mulf %gather3A, %gather3A_2150 : vector<16xf32>
      %add3A_2152 = arith.addf %scan3A_2128, %mul3A_2151 : vector<16xf32>
      %gather3A_2153 = tpu.vector_load_idx %arg13[%shift_right_arithmetic3A_1288, %and3A_1297, %broadcast_in_dim3A_2134] : memref<10x128x32xf32, #tpu.memory_space<vmem>>[vector<16xi32>, vector<16xi32>, vector<16xi32>], vector<16xf32>,
      %mul3A_2154 = arith.mulf %gather3A, %gather3A_2153 : vector<16xf32>
      %add3A_2155 = arith.addf %scan3A_2129, %mul3A_2154 : vector<16xf32>
      %gather3A_2156 = tpu.vector_load_idx %arg13[%shift_right_arithmetic3A_1306, %and3A_1315, %broadcast_in_dim3A_2134] : memref<10x128x32xf32, #tpu.memory_space<vmem>>[vector<16xi32>, vector<16xi32>, vector<16xi32>], vector<16xf32>,
      %mul3A_2157 = arith.mulf %gather3A, %gather3A_2156 : vector<16xf32>
      %add3A_2158 = arith.addf %scan3A_2130, %mul3A_2157 : vector<16xf32>
      %gather3A_2159 = tpu.vector_load_idx %arg13[%shift_right_arithmetic3A_1324, %and3A_1333, %broadcast_in_dim3A_2134] : memref<10x128x32xf32, #tpu.memory_space<vmem>>[vector<16xi32>, vector<16xi32>, vector<16xi32>], vector<16xf32>,
      %mul3A_2160 = arith.mulf %gather3A, %gather3A_2159 : vector<16xf32>
      %add3A_2161 = arith.addf %scan3A_2131, %mul3A_2160 : vector<16xf32>
      %gather3A_2162 = tpu.vector_load_idx %arg13[%shift_right_arithmetic3A_1342, %and3A_1351, %broadcast_in_dim3A_2134] : memref<10x128x32xf32, #tpu.memory_space<vmem>>[vector<16xi32>, vector<16xi32>, vector<16xi32>], vector<16xf32>,
      %mul3A_2163 = arith.mulf %gather3A, %gather3A_2162 : vector<16xf32>
      %add3A_2164 = arith.addf %scan3A_2132, %mul3A_2163 : vector<16xf32>
      %gather3A_2165 = tpu.vector_load_idx %arg13[%shift_right_arithmetic3A_1360, %and3A_1369, %broadcast_in_dim3A_2134] : memref<10x128x32xf32, #tpu.memory_space<vmem>>[vector<16xi32>, vector<16xi32>, vector<16xi32>], vector<16xf32>,
      %mul3A_2166 = arith.mulf %gather3A, %gather3A_2165 : vector<16xf32>
      %add3A_2167 = arith.addf %scan3A_2133, %mul3A_2166 : vector<16xf32>
      scf.yield %add3A_2137, %add3A_2140, %add3A_2143, %add3A_2146, %add3A_2149, %add3A_2152, %add3A_2155, %add3A_2158, %add3A_2161, %add3A_2164, %add3A_2167 : vector<16xf32>, vector<16xf32>, vector<16xf32>, vector<16xf32>, vector<16xf32>, vector<16xf32>, vector<16xf32>, vector<16xf32>, vector<16xf32>, vector<16xf32>, vector<16xf32>
    }
    %scan3A_1397 = arith.constant 32 : i32
    %broadcast_in_dim3A_1398 = arith.constant 0 : i32
    %broadcast_in_dim3A_1399 = vector.broadcast %broadcast_in_dim3A_1398 : i32 to vector<16xi32>
    tpu.vector_store_idx %arg14[%add3A_1189, %broadcast_in_dim3A_1399], %scan3A_1396#0 : memref<128x11xf32, #tpu.memory_space<vmem>>[vector<16xi32>, vector<16xi32>], vector<16xf32>,
    %broadcast_in_dim3A_1400 = arith.constant 1 : i32
    %broadcast_in_dim3A_1401 = vector.broadcast %broadcast_in_dim3A_1400 : i32 to vector<16xi32>
    tpu.vector_store_idx %arg14[%add3A_1189, %broadcast_in_dim3A_1401], %scan3A_1396#1 : memref<128x11xf32, #tpu.memory_space<vmem>>[vector<16xi32>, vector<16xi32>], vector<16xf32>,
    %broadcast_in_dim3A_1402 = arith.constant 2 : i32
    %broadcast_in_dim3A_1403 = vector.broadcast %broadcast_in_dim3A_1402 : i32 to vector<16xi32>
    tpu.vector_store_idx %arg14[%add3A_1189, %broadcast_in_dim3A_1403], %scan3A_1396#2 : memref<128x11xf32, #tpu.memory_space<vmem>>[vector<16xi32>, vector<16xi32>], vector<16xf32>,
    %broadcast_in_dim3A_1404 = arith.constant 3 : i32
    %broadcast_in_dim3A_1405 = vector.broadcast %broadcast_in_dim3A_1404 : i32 to vector<16xi32>
    tpu.vector_store_idx %arg14[%add3A_1189, %broadcast_in_dim3A_1405], %scan3A_1396#3 : memref<128x11xf32, #tpu.memory_space<vmem>>[vector<16xi32>, vector<16xi32>], vector<16xf32>,
    %broadcast_in_dim3A_1406 = arith.constant 4 : i32
    %broadcast_in_dim3A_1407 = vector.broadcast %broadcast_in_dim3A_1406 : i32 to vector<16xi32>
    tpu.vector_store_idx %arg14[%add3A_1189, %broadcast_in_dim3A_1407], %scan3A_1396#4 : memref<128x11xf32, #tpu.memory_space<vmem>>[vector<16xi32>, vector<16xi32>], vector<16xf32>,
    %broadcast_in_dim3A_1408 = arith.constant 5 : i32
    %broadcast_in_dim3A_1409 = vector.broadcast %broadcast_in_dim3A_1408 : i32 to vector<16xi32>
    tpu.vector_store_idx %arg14[%add3A_1189, %broadcast_in_dim3A_1409], %scan3A_1396#5 : memref<128x11xf32, #tpu.memory_space<vmem>>[vector<16xi32>, vector<16xi32>], vector<16xf32>,
    %broadcast_in_dim3A_1410 = arith.constant 6 : i32
    %broadcast_in_dim3A_1411 = vector.broadcast %broadcast_in_dim3A_1410 : i32 to vector<16xi32>
    tpu.vector_store_idx %arg14[%add3A_1189, %broadcast_in_dim3A_1411], %scan3A_1396#6 : memref<128x11xf32, #tpu.memory_space<vmem>>[vector<16xi32>, vector<16xi32>], vector<16xf32>,
    %broadcast_in_dim3A_1412 = arith.constant 7 : i32
    %broadcast_in_dim3A_1413 = vector.broadcast %broadcast_in_dim3A_1412 : i32 to vector<16xi32>
    tpu.vector_store_idx %arg14[%add3A_1189, %broadcast_in_dim3A_1413], %scan3A_1396#7 : memref<128x11xf32, #tpu.memory_space<vmem>>[vector<16xi32>, vector<16xi32>], vector<16xf32>,
    %broadcast_in_dim3A_1414 = arith.constant 8 : i32
    %broadcast_in_dim3A_1415 = vector.broadcast %broadcast_in_dim3A_1414 : i32 to vector<16xi32>
    tpu.vector_store_idx %arg14[%add3A_1189, %broadcast_in_dim3A_1415], %scan3A_1396#8 : memref<128x11xf32, #tpu.memory_space<vmem>>[vector<16xi32>, vector<16xi32>], vector<16xf32>,
    %broadcast_in_dim3A_1416 = arith.constant 9 : i32
    %broadcast_in_dim3A_1417 = vector.broadcast %broadcast_in_dim3A_1416 : i32 to vector<16xi32>
    tpu.vector_store_idx %arg14[%add3A_1189, %broadcast_in_dim3A_1417], %scan3A_1396#9 : memref<128x11xf32, #tpu.memory_space<vmem>>[vector<16xi32>, vector<16xi32>], vector<16xf32>,
    %broadcast_in_dim3A_1418 = arith.constant 10 : i32
    %broadcast_in_dim3A_1419 = vector.broadcast %broadcast_in_dim3A_1418 : i32 to vector<16xi32>
    tpu.vector_store_idx %arg14[%add3A_1189, %broadcast_in_dim3A_1419], %scan3A_1396#10 : memref<128x11xf32, #tpu.memory_space<vmem>>[vector<16xi32>, vector<16xi32>], vector<16xf32>,
    %iota3A_1420 = tpu.iota {dimensions = array<i32: 0>} : vector<16xi32>
    %add3A_1421 = arith.constant 80 : i32
    %add3A_1422 = vector.broadcast %add3A_1421 : i32 to vector<16xi32>
    %add3A_1423 = arith.addi %iota3A_1420, %add3A_1422 : vector<16xi32>
    %mul3A_1424 = arith.constant 10 : i32
    %mul3A_1425 = vector.broadcast %mul3A_1424 : i32 to vector<16xi32>
    %mul3A_1426 = arith.muli %add3A_1423, %mul3A_1425 : vector<16xi32>
    %add3A_1427 = arith.constant 0 : i32
    %add3A_1428 = vector.broadcast %add3A_1427 : i32 to vector<16xi32>
    %add3A_1429 = arith.addi %mul3A_1426, %add3A_1428 : vector<16xi32>
    %shift_right_arithmetic3A_1430 = arith.constant 7 : i32
    %shift_right_arithmetic3A_1431 = vector.broadcast %shift_right_arithmetic3A_1430 : i32 to vector<16xi32>
    %shift_right_arithmetic3A_1432 = arith.shrsi %add3A_1429, %shift_right_arithmetic3A_1431 : vector<16xi32>
    %mul3A_1433 = arith.constant 10 : i32
    %mul3A_1434 = vector.broadcast %mul3A_1433 : i32 to vector<16xi32>
    %mul3A_1435 = arith.muli %add3A_1423, %mul3A_1434 : vector<16xi32>
    %add3A_1436 = arith.constant 0 : i32
    %add3A_1437 = vector.broadcast %add3A_1436 : i32 to vector<16xi32>
    %add3A_1438 = arith.addi %mul3A_1435, %add3A_1437 : vector<16xi32>
    %and3A_1439 = arith.constant 127 : i32
    %and3A_1440 = vector.broadcast %and3A_1439 : i32 to vector<16xi32>
    %and3A_1441 = arith.andi %add3A_1438, %and3A_1440 : vector<16xi32>
    %mul3A_1442 = arith.constant 10 : i32
    %mul3A_1443 = vector.broadcast %mul3A_1442 : i32 to vector<16xi32>
    %mul3A_1444 = arith.muli %add3A_1423, %mul3A_1443 : vector<16xi32>
    %add3A_1445 = arith.constant 1 : i32
    %add3A_1446 = vector.broadcast %add3A_1445 : i32 to vector<16xi32>
    %add3A_1447 = arith.addi %mul3A_1444, %add3A_1446 : vector<16xi32>
    %shift_right_arithmetic3A_1448 = arith.constant 7 : i32
    %shift_right_arithmetic3A_1449 = vector.broadcast %shift_right_arithmetic3A_1448 : i32 to vector<16xi32>
    %shift_right_arithmetic3A_1450 = arith.shrsi %add3A_1447, %shift_right_arithmetic3A_1449 : vector<16xi32>
    %mul3A_1451 = arith.constant 10 : i32
    %mul3A_1452 = vector.broadcast %mul3A_1451 : i32 to vector<16xi32>
    %mul3A_1453 = arith.muli %add3A_1423, %mul3A_1452 : vector<16xi32>
    %add3A_1454 = arith.constant 1 : i32
    %add3A_1455 = vector.broadcast %add3A_1454 : i32 to vector<16xi32>
    %add3A_1456 = arith.addi %mul3A_1453, %add3A_1455 : vector<16xi32>
    %and3A_1457 = arith.constant 127 : i32
    %and3A_1458 = vector.broadcast %and3A_1457 : i32 to vector<16xi32>
    %and3A_1459 = arith.andi %add3A_1456, %and3A_1458 : vector<16xi32>
    %mul3A_1460 = arith.constant 10 : i32
    %mul3A_1461 = vector.broadcast %mul3A_1460 : i32 to vector<16xi32>
    %mul3A_1462 = arith.muli %add3A_1423, %mul3A_1461 : vector<16xi32>
    %add3A_1463 = arith.constant 2 : i32
    %add3A_1464 = vector.broadcast %add3A_1463 : i32 to vector<16xi32>
    %add3A_1465 = arith.addi %mul3A_1462, %add3A_1464 : vector<16xi32>
    %shift_right_arithmetic3A_1466 = arith.constant 7 : i32
    %shift_right_arithmetic3A_1467 = vector.broadcast %shift_right_arithmetic3A_1466 : i32 to vector<16xi32>
    %shift_right_arithmetic3A_1468 = arith.shrsi %add3A_1465, %shift_right_arithmetic3A_1467 : vector<16xi32>
    %mul3A_1469 = arith.constant 10 : i32
    %mul3A_1470 = vector.broadcast %mul3A_1469 : i32 to vector<16xi32>
    %mul3A_1471 = arith.muli %add3A_1423, %mul3A_1470 : vector<16xi32>
    %add3A_1472 = arith.constant 2 : i32
    %add3A_1473 = vector.broadcast %add3A_1472 : i32 to vector<16xi32>
    %add3A_1474 = arith.addi %mul3A_1471, %add3A_1473 : vector<16xi32>
    %and3A_1475 = arith.constant 127 : i32
    %and3A_1476 = vector.broadcast %and3A_1475 : i32 to vector<16xi32>
    %and3A_1477 = arith.andi %add3A_1474, %and3A_1476 : vector<16xi32>
    %mul3A_1478 = arith.constant 10 : i32
    %mul3A_1479 = vector.broadcast %mul3A_1478 : i32 to vector<16xi32>
    %mul3A_1480 = arith.muli %add3A_1423, %mul3A_1479 : vector<16xi32>
    %add3A_1481 = arith.constant 3 : i32
    %add3A_1482 = vector.broadcast %add3A_1481 : i32 to vector<16xi32>
    %add3A_1483 = arith.addi %mul3A_1480, %add3A_1482 : vector<16xi32>
    %shift_right_arithmetic3A_1484 = arith.constant 7 : i32
    %shift_right_arithmetic3A_1485 = vector.broadcast %shift_right_arithmetic3A_1484 : i32 to vector<16xi32>
    %shift_right_arithmetic3A_1486 = arith.shrsi %add3A_1483, %shift_right_arithmetic3A_1485 : vector<16xi32>
    %mul3A_1487 = arith.constant 10 : i32
    %mul3A_1488 = vector.broadcast %mul3A_1487 : i32 to vector<16xi32>
    %mul3A_1489 = arith.muli %add3A_1423, %mul3A_1488 : vector<16xi32>
    %add3A_1490 = arith.constant 3 : i32
    %add3A_1491 = vector.broadcast %add3A_1490 : i32 to vector<16xi32>
    %add3A_1492 = arith.addi %mul3A_1489, %add3A_1491 : vector<16xi32>
    %and3A_1493 = arith.constant 127 : i32
    %and3A_1494 = vector.broadcast %and3A_1493 : i32 to vector<16xi32>
    %and3A_1495 = arith.andi %add3A_1492, %and3A_1494 : vector<16xi32>
    %mul3A_1496 = arith.constant 10 : i32
    %mul3A_1497 = vector.broadcast %mul3A_1496 : i32 to vector<16xi32>
    %mul3A_1498 = arith.muli %add3A_1423, %mul3A_1497 : vector<16xi32>
    %add3A_1499 = arith.constant 4 : i32
    %add3A_1500 = vector.broadcast %add3A_1499 : i32 to vector<16xi32>
    %add3A_1501 = arith.addi %mul3A_1498, %add3A_1500 : vector<16xi32>
    %shift_right_arithmetic3A_1502 = arith.constant 7 : i32
    %shift_right_arithmetic3A_1503 = vector.broadcast %shift_right_arithmetic3A_1502 : i32 to vector<16xi32>
    %shift_right_arithmetic3A_1504 = arith.shrsi %add3A_1501, %shift_right_arithmetic3A_1503 : vector<16xi32>
    %mul3A_1505 = arith.constant 10 : i32
    %mul3A_1506 = vector.broadcast %mul3A_1505 : i32 to vector<16xi32>
    %mul3A_1507 = arith.muli %add3A_1423, %mul3A_1506 : vector<16xi32>
    %add3A_1508 = arith.constant 4 : i32
    %add3A_1509 = vector.broadcast %add3A_1508 : i32 to vector<16xi32>
    %add3A_1510 = arith.addi %mul3A_1507, %add3A_1509 : vector<16xi32>
    %and3A_1511 = arith.constant 127 : i32
    %and3A_1512 = vector.broadcast %and3A_1511 : i32 to vector<16xi32>
    %and3A_1513 = arith.andi %add3A_1510, %and3A_1512 : vector<16xi32>
    %mul3A_1514 = arith.constant 10 : i32
    %mul3A_1515 = vector.broadcast %mul3A_1514 : i32 to vector<16xi32>
    %mul3A_1516 = arith.muli %add3A_1423, %mul3A_1515 : vector<16xi32>
    %add3A_1517 = arith.constant 5 : i32
    %add3A_1518 = vector.broadcast %add3A_1517 : i32 to vector<16xi32>
    %add3A_1519 = arith.addi %mul3A_1516, %add3A_1518 : vector<16xi32>
    %shift_right_arithmetic3A_1520 = arith.constant 7 : i32
    %shift_right_arithmetic3A_1521 = vector.broadcast %shift_right_arithmetic3A_1520 : i32 to vector<16xi32>
    %shift_right_arithmetic3A_1522 = arith.shrsi %add3A_1519, %shift_right_arithmetic3A_1521 : vector<16xi32>
    %mul3A_1523 = arith.constant 10 : i32
    %mul3A_1524 = vector.broadcast %mul3A_1523 : i32 to vector<16xi32>
    %mul3A_1525 = arith.muli %add3A_1423, %mul3A_1524 : vector<16xi32>
    %add3A_1526 = arith.constant 5 : i32
    %add3A_1527 = vector.broadcast %add3A_1526 : i32 to vector<16xi32>
    %add3A_1528 = arith.addi %mul3A_1525, %add3A_1527 : vector<16xi32>
    %and3A_1529 = arith.constant 127 : i32
    %and3A_1530 = vector.broadcast %and3A_1529 : i32 to vector<16xi32>
    %and3A_1531 = arith.andi %add3A_1528, %and3A_1530 : vector<16xi32>
    %mul3A_1532 = arith.constant 10 : i32
    %mul3A_1533 = vector.broadcast %mul3A_1532 : i32 to vector<16xi32>
    %mul3A_1534 = arith.muli %add3A_1423, %mul3A_1533 : vector<16xi32>
    %add3A_1535 = arith.constant 6 : i32
    %add3A_1536 = vector.broadcast %add3A_1535 : i32 to vector<16xi32>
    %add3A_1537 = arith.addi %mul3A_1534, %add3A_1536 : vector<16xi32>
    %shift_right_arithmetic3A_1538 = arith.constant 7 : i32
    %shift_right_arithmetic3A_1539 = vector.broadcast %shift_right_arithmetic3A_1538 : i32 to vector<16xi32>
    %shift_right_arithmetic3A_1540 = arith.shrsi %add3A_1537, %shift_right_arithmetic3A_1539 : vector<16xi32>
    %mul3A_1541 = arith.constant 10 : i32
    %mul3A_1542 = vector.broadcast %mul3A_1541 : i32 to vector<16xi32>
    %mul3A_1543 = arith.muli %add3A_1423, %mul3A_1542 : vector<16xi32>
    %add3A_1544 = arith.constant 6 : i32
    %add3A_1545 = vector.broadcast %add3A_1544 : i32 to vector<16xi32>
    %add3A_1546 = arith.addi %mul3A_1543, %add3A_1545 : vector<16xi32>
    %and3A_1547 = arith.constant 127 : i32
    %and3A_1548 = vector.broadcast %and3A_1547 : i32 to vector<16xi32>
    %and3A_1549 = arith.andi %add3A_1546, %and3A_1548 : vector<16xi32>
    %mul3A_1550 = arith.constant 10 : i32
    %mul3A_1551 = vector.broadcast %mul3A_1550 : i32 to vector<16xi32>
    %mul3A_1552 = arith.muli %add3A_1423, %mul3A_1551 : vector<16xi32>
    %add3A_1553 = arith.constant 7 : i32
    %add3A_1554 = vector.broadcast %add3A_1553 : i32 to vector<16xi32>
    %add3A_1555 = arith.addi %mul3A_1552, %add3A_1554 : vector<16xi32>
    %shift_right_arithmetic3A_1556 = arith.constant 7 : i32
    %shift_right_arithmetic3A_1557 = vector.broadcast %shift_right_arithmetic3A_1556 : i32 to vector<16xi32>
    %shift_right_arithmetic3A_1558 = arith.shrsi %add3A_1555, %shift_right_arithmetic3A_1557 : vector<16xi32>
    %mul3A_1559 = arith.constant 10 : i32
    %mul3A_1560 = vector.broadcast %mul3A_1559 : i32 to vector<16xi32>
    %mul3A_1561 = arith.muli %add3A_1423, %mul3A_1560 : vector<16xi32>
    %add3A_1562 = arith.constant 7 : i32
    %add3A_1563 = vector.broadcast %add3A_1562 : i32 to vector<16xi32>
    %add3A_1564 = arith.addi %mul3A_1561, %add3A_1563 : vector<16xi32>
    %and3A_1565 = arith.constant 127 : i32
    %and3A_1566 = vector.broadcast %and3A_1565 : i32 to vector<16xi32>
    %and3A_1567 = arith.andi %add3A_1564, %and3A_1566 : vector<16xi32>
    %mul3A_1568 = arith.constant 10 : i32
    %mul3A_1569 = vector.broadcast %mul3A_1568 : i32 to vector<16xi32>
    %mul3A_1570 = arith.muli %add3A_1423, %mul3A_1569 : vector<16xi32>
    %add3A_1571 = arith.constant 8 : i32
    %add3A_1572 = vector.broadcast %add3A_1571 : i32 to vector<16xi32>
    %add3A_1573 = arith.addi %mul3A_1570, %add3A_1572 : vector<16xi32>
    %shift_right_arithmetic3A_1574 = arith.constant 7 : i32
    %shift_right_arithmetic3A_1575 = vector.broadcast %shift_right_arithmetic3A_1574 : i32 to vector<16xi32>
    %shift_right_arithmetic3A_1576 = arith.shrsi %add3A_1573, %shift_right_arithmetic3A_1575 : vector<16xi32>
    %mul3A_1577 = arith.constant 10 : i32
    %mul3A_1578 = vector.broadcast %mul3A_1577 : i32 to vector<16xi32>
    %mul3A_1579 = arith.muli %add3A_1423, %mul3A_1578 : vector<16xi32>
    %add3A_1580 = arith.constant 8 : i32
    %add3A_1581 = vector.broadcast %add3A_1580 : i32 to vector<16xi32>
    %add3A_1582 = arith.addi %mul3A_1579, %add3A_1581 : vector<16xi32>
    %and3A_1583 = arith.constant 127 : i32
    %and3A_1584 = vector.broadcast %and3A_1583 : i32 to vector<16xi32>
    %and3A_1585 = arith.andi %add3A_1582, %and3A_1584 : vector<16xi32>
    %mul3A_1586 = arith.constant 10 : i32
    %mul3A_1587 = vector.broadcast %mul3A_1586 : i32 to vector<16xi32>
    %mul3A_1588 = arith.muli %add3A_1423, %mul3A_1587 : vector<16xi32>
    %add3A_1589 = arith.constant 9 : i32
    %add3A_1590 = vector.broadcast %add3A_1589 : i32 to vector<16xi32>
    %add3A_1591 = arith.addi %mul3A_1588, %add3A_1590 : vector<16xi32>
    %shift_right_arithmetic3A_1592 = arith.constant 7 : i32
    %shift_right_arithmetic3A_1593 = vector.broadcast %shift_right_arithmetic3A_1592 : i32 to vector<16xi32>
    %shift_right_arithmetic3A_1594 = arith.shrsi %add3A_1591, %shift_right_arithmetic3A_1593 : vector<16xi32>
    %mul3A_1595 = arith.constant 10 : i32
    %mul3A_1596 = vector.broadcast %mul3A_1595 : i32 to vector<16xi32>
    %mul3A_1597 = arith.muli %add3A_1423, %mul3A_1596 : vector<16xi32>
    %add3A_1598 = arith.constant 9 : i32
    %add3A_1599 = vector.broadcast %add3A_1598 : i32 to vector<16xi32>
    %add3A_1600 = arith.addi %mul3A_1597, %add3A_1599 : vector<16xi32>
    %and3A_1601 = arith.constant 127 : i32
    %and3A_1602 = vector.broadcast %and3A_1601 : i32 to vector<16xi32>
    %and3A_1603 = arith.andi %add3A_1600, %and3A_1602 : vector<16xi32>
    %broadcast_in_dim3A_1604 = arith.constant 0.000000e+00 : f32
    %broadcast_in_dim3A_1605 = vector.broadcast %broadcast_in_dim3A_1604 : f32 to vector<16xf32>
    %broadcast_in_dim3A_1606 = arith.constant 0.000000e+00 : f32
    %broadcast_in_dim3A_1607 = vector.broadcast %broadcast_in_dim3A_1606 : f32 to vector<16xf32>
    %broadcast_in_dim3A_1608 = arith.constant 0.000000e+00 : f32
    %broadcast_in_dim3A_1609 = vector.broadcast %broadcast_in_dim3A_1608 : f32 to vector<16xf32>
    %broadcast_in_dim3A_1610 = arith.constant 0.000000e+00 : f32
    %broadcast_in_dim3A_1611 = vector.broadcast %broadcast_in_dim3A_1610 : f32 to vector<16xf32>
    %broadcast_in_dim3A_1612 = arith.constant 0.000000e+00 : f32
    %broadcast_in_dim3A_1613 = vector.broadcast %broadcast_in_dim3A_1612 : f32 to vector<16xf32>
    %broadcast_in_dim3A_1614 = arith.constant 0.000000e+00 : f32
    %broadcast_in_dim3A_1615 = vector.broadcast %broadcast_in_dim3A_1614 : f32 to vector<16xf32>
    %broadcast_in_dim3A_1616 = arith.constant 0.000000e+00 : f32
    %broadcast_in_dim3A_1617 = vector.broadcast %broadcast_in_dim3A_1616 : f32 to vector<16xf32>
    %broadcast_in_dim3A_1618 = arith.constant 0.000000e+00 : f32
    %broadcast_in_dim3A_1619 = vector.broadcast %broadcast_in_dim3A_1618 : f32 to vector<16xf32>
    %broadcast_in_dim3A_1620 = arith.constant 0.000000e+00 : f32
    %broadcast_in_dim3A_1621 = vector.broadcast %broadcast_in_dim3A_1620 : f32 to vector<16xf32>
    %broadcast_in_dim3A_1622 = arith.constant 0.000000e+00 : f32
    %broadcast_in_dim3A_1623 = vector.broadcast %broadcast_in_dim3A_1622 : f32 to vector<16xf32>
    %broadcast_in_dim3A_1624 = arith.constant 0.000000e+00 : f32
    %broadcast_in_dim3A_1625 = vector.broadcast %broadcast_in_dim3A_1624 : f32 to vector<16xf32>
    %scan3A_1626 = arith.constant 0 : i32
    %scan3A_1627 = arith.constant 32 : i32
    %scan3A_1628 = arith.addi %scan3A_1626, %scan3A_1627 : i32
    %scan3A_1629 = arith.constant 1 : i32
    %scan3A_1630:11 = scf.for %scan3A_2122 = %scan3A_1626 to %scan3A_1628 step %scan3A_1629 iter_args(%scan3A_2123 = %broadcast_in_dim3A_1605, %scan3A_2124 = %broadcast_in_dim3A_1607, %scan3A_2125 = %broadcast_in_dim3A_1609, %scan3A_2126 = %broadcast_in_dim3A_1611, %scan3A_2127 = %broadcast_in_dim3A_1613, %scan3A_2128 = %broadcast_in_dim3A_1615, %scan3A_2129 = %broadcast_in_dim3A_1617, %scan3A_2130 = %broadcast_in_dim3A_1619, %scan3A_2131 = %broadcast_in_dim3A_1621, %scan3A_2132 = %broadcast_in_dim3A_1623, %scan3A_2133 = %broadcast_in_dim3A_1625) -> (vector<16xf32>, vector<16xf32>, vector<16xf32>, vector<16xf32>, vector<16xf32>, vector<16xf32>, vector<16xf32>, vector<16xf32>, vector<16xf32>, vector<16xf32>, vector<16xf32>)  : i32 {
      %broadcast_in_dim3A_2134 = vector.broadcast %scan3A_2122 : i32 to vector<16xi32>
      %gather3A = tpu.vector_load_idx %arg11[%add3A_1423, %broadcast_in_dim3A_2134] : memref<128x32xf32, #tpu.memory_space<vmem>>[vector<16xi32>, vector<16xi32>], vector<16xf32>,
      %gather3A_2135 = tpu.vector_load_idx %arg12[%add3A_1423, %broadcast_in_dim3A_2134] : memref<128x32xf32, #tpu.memory_space<vmem>>[vector<16xi32>, vector<16xi32>], vector<16xf32>,
      %mul3A_2136 = arith.mulf %gather3A, %gather3A_2135 : vector<16xf32>
      %add3A_2137 = arith.addf %scan3A_2123, %mul3A_2136 : vector<16xf32>
      %gather3A_2138 = tpu.vector_load_idx %arg13[%shift_right_arithmetic3A_1432, %and3A_1441, %broadcast_in_dim3A_2134] : memref<10x128x32xf32, #tpu.memory_space<vmem>>[vector<16xi32>, vector<16xi32>, vector<16xi32>], vector<16xf32>,
      %mul3A_2139 = arith.mulf %gather3A, %gather3A_2138 : vector<16xf32>
      %add3A_2140 = arith.addf %scan3A_2124, %mul3A_2139 : vector<16xf32>
      %gather3A_2141 = tpu.vector_load_idx %arg13[%shift_right_arithmetic3A_1450, %and3A_1459, %broadcast_in_dim3A_2134] : memref<10x128x32xf32, #tpu.memory_space<vmem>>[vector<16xi32>, vector<16xi32>, vector<16xi32>], vector<16xf32>,
      %mul3A_2142 = arith.mulf %gather3A, %gather3A_2141 : vector<16xf32>
      %add3A_2143 = arith.addf %scan3A_2125, %mul3A_2142 : vector<16xf32>
      %gather3A_2144 = tpu.vector_load_idx %arg13[%shift_right_arithmetic3A_1468, %and3A_1477, %broadcast_in_dim3A_2134] : memref<10x128x32xf32, #tpu.memory_space<vmem>>[vector<16xi32>, vector<16xi32>, vector<16xi32>], vector<16xf32>,
      %mul3A_2145 = arith.mulf %gather3A, %gather3A_2144 : vector<16xf32>
      %add3A_2146 = arith.addf %scan3A_2126, %mul3A_2145 : vector<16xf32>
      %gather3A_2147 = tpu.vector_load_idx %arg13[%shift_right_arithmetic3A_1486, %and3A_1495, %broadcast_in_dim3A_2134] : memref<10x128x32xf32, #tpu.memory_space<vmem>>[vector<16xi32>, vector<16xi32>, vector<16xi32>], vector<16xf32>,
      %mul3A_2148 = arith.mulf %gather3A, %gather3A_2147 : vector<16xf32>
      %add3A_2149 = arith.addf %scan3A_2127, %mul3A_2148 : vector<16xf32>
      %gather3A_2150 = tpu.vector_load_idx %arg13[%shift_right_arithmetic3A_1504, %and3A_1513, %broadcast_in_dim3A_2134] : memref<10x128x32xf32, #tpu.memory_space<vmem>>[vector<16xi32>, vector<16xi32>, vector<16xi32>], vector<16xf32>,
      %mul3A_2151 = arith.mulf %gather3A, %gather3A_2150 : vector<16xf32>
      %add3A_2152 = arith.addf %scan3A_2128, %mul3A_2151 : vector<16xf32>
      %gather3A_2153 = tpu.vector_load_idx %arg13[%shift_right_arithmetic3A_1522, %and3A_1531, %broadcast_in_dim3A_2134] : memref<10x128x32xf32, #tpu.memory_space<vmem>>[vector<16xi32>, vector<16xi32>, vector<16xi32>], vector<16xf32>,
      %mul3A_2154 = arith.mulf %gather3A, %gather3A_2153 : vector<16xf32>
      %add3A_2155 = arith.addf %scan3A_2129, %mul3A_2154 : vector<16xf32>
      %gather3A_2156 = tpu.vector_load_idx %arg13[%shift_right_arithmetic3A_1540, %and3A_1549, %broadcast_in_dim3A_2134] : memref<10x128x32xf32, #tpu.memory_space<vmem>>[vector<16xi32>, vector<16xi32>, vector<16xi32>], vector<16xf32>,
      %mul3A_2157 = arith.mulf %gather3A, %gather3A_2156 : vector<16xf32>
      %add3A_2158 = arith.addf %scan3A_2130, %mul3A_2157 : vector<16xf32>
      %gather3A_2159 = tpu.vector_load_idx %arg13[%shift_right_arithmetic3A_1558, %and3A_1567, %broadcast_in_dim3A_2134] : memref<10x128x32xf32, #tpu.memory_space<vmem>>[vector<16xi32>, vector<16xi32>, vector<16xi32>], vector<16xf32>,
      %mul3A_2160 = arith.mulf %gather3A, %gather3A_2159 : vector<16xf32>
      %add3A_2161 = arith.addf %scan3A_2131, %mul3A_2160 : vector<16xf32>
      %gather3A_2162 = tpu.vector_load_idx %arg13[%shift_right_arithmetic3A_1576, %and3A_1585, %broadcast_in_dim3A_2134] : memref<10x128x32xf32, #tpu.memory_space<vmem>>[vector<16xi32>, vector<16xi32>, vector<16xi32>], vector<16xf32>,
      %mul3A_2163 = arith.mulf %gather3A, %gather3A_2162 : vector<16xf32>
      %add3A_2164 = arith.addf %scan3A_2132, %mul3A_2163 : vector<16xf32>
      %gather3A_2165 = tpu.vector_load_idx %arg13[%shift_right_arithmetic3A_1594, %and3A_1603, %broadcast_in_dim3A_2134] : memref<10x128x32xf32, #tpu.memory_space<vmem>>[vector<16xi32>, vector<16xi32>, vector<16xi32>], vector<16xf32>,
      %mul3A_2166 = arith.mulf %gather3A, %gather3A_2165 : vector<16xf32>
      %add3A_2167 = arith.addf %scan3A_2133, %mul3A_2166 : vector<16xf32>
      scf.yield %add3A_2137, %add3A_2140, %add3A_2143, %add3A_2146, %add3A_2149, %add3A_2152, %add3A_2155, %add3A_2158, %add3A_2161, %add3A_2164, %add3A_2167 : vector<16xf32>, vector<16xf32>, vector<16xf32>, vector<16xf32>, vector<16xf32>, vector<16xf32>, vector<16xf32>, vector<16xf32>, vector<16xf32>, vector<16xf32>, vector<16xf32>
    }
    %scan3A_1631 = arith.constant 32 : i32
    %broadcast_in_dim3A_1632 = arith.constant 0 : i32
    %broadcast_in_dim3A_1633 = vector.broadcast %broadcast_in_dim3A_1632 : i32 to vector<16xi32>
    tpu.vector_store_idx %arg14[%add3A_1423, %broadcast_in_dim3A_1633], %scan3A_1630#0 : memref<128x11xf32, #tpu.memory_space<vmem>>[vector<16xi32>, vector<16xi32>], vector<16xf32>,
    %broadcast_in_dim3A_1634 = arith.constant 1 : i32
    %broadcast_in_dim3A_1635 = vector.broadcast %broadcast_in_dim3A_1634 : i32 to vector<16xi32>
    tpu.vector_store_idx %arg14[%add3A_1423, %broadcast_in_dim3A_1635], %scan3A_1630#1 : memref<128x11xf32, #tpu.memory_space<vmem>>[vector<16xi32>, vector<16xi32>], vector<16xf32>,
    %broadcast_in_dim3A_1636 = arith.constant 2 : i32
    %broadcast_in_dim3A_1637 = vector.broadcast %broadcast_in_dim3A_1636 : i32 to vector<16xi32>
    tpu.vector_store_idx %arg14[%add3A_1423, %broadcast_in_dim3A_1637], %scan3A_1630#2 : memref<128x11xf32, #tpu.memory_space<vmem>>[vector<16xi32>, vector<16xi32>], vector<16xf32>,
    %broadcast_in_dim3A_1638 = arith.constant 3 : i32
    %broadcast_in_dim3A_1639 = vector.broadcast %broadcast_in_dim3A_1638 : i32 to vector<16xi32>
    tpu.vector_store_idx %arg14[%add3A_1423, %broadcast_in_dim3A_1639], %scan3A_1630#3 : memref<128x11xf32, #tpu.memory_space<vmem>>[vector<16xi32>, vector<16xi32>], vector<16xf32>,
    %broadcast_in_dim3A_1640 = arith.constant 4 : i32
    %broadcast_in_dim3A_1641 = vector.broadcast %broadcast_in_dim3A_1640 : i32 to vector<16xi32>
    tpu.vector_store_idx %arg14[%add3A_1423, %broadcast_in_dim3A_1641], %scan3A_1630#4 : memref<128x11xf32, #tpu.memory_space<vmem>>[vector<16xi32>, vector<16xi32>], vector<16xf32>,
    %broadcast_in_dim3A_1642 = arith.constant 5 : i32
    %broadcast_in_dim3A_1643 = vector.broadcast %broadcast_in_dim3A_1642 : i32 to vector<16xi32>
    tpu.vector_store_idx %arg14[%add3A_1423, %broadcast_in_dim3A_1643], %scan3A_1630#5 : memref<128x11xf32, #tpu.memory_space<vmem>>[vector<16xi32>, vector<16xi32>], vector<16xf32>,
    %broadcast_in_dim3A_1644 = arith.constant 6 : i32
    %broadcast_in_dim3A_1645 = vector.broadcast %broadcast_in_dim3A_1644 : i32 to vector<16xi32>
    tpu.vector_store_idx %arg14[%add3A_1423, %broadcast_in_dim3A_1645], %scan3A_1630#6 : memref<128x11xf32, #tpu.memory_space<vmem>>[vector<16xi32>, vector<16xi32>], vector<16xf32>,
    %broadcast_in_dim3A_1646 = arith.constant 7 : i32
    %broadcast_in_dim3A_1647 = vector.broadcast %broadcast_in_dim3A_1646 : i32 to vector<16xi32>
    tpu.vector_store_idx %arg14[%add3A_1423, %broadcast_in_dim3A_1647], %scan3A_1630#7 : memref<128x11xf32, #tpu.memory_space<vmem>>[vector<16xi32>, vector<16xi32>], vector<16xf32>,
    %broadcast_in_dim3A_1648 = arith.constant 8 : i32
    %broadcast_in_dim3A_1649 = vector.broadcast %broadcast_in_dim3A_1648 : i32 to vector<16xi32>
    tpu.vector_store_idx %arg14[%add3A_1423, %broadcast_in_dim3A_1649], %scan3A_1630#8 : memref<128x11xf32, #tpu.memory_space<vmem>>[vector<16xi32>, vector<16xi32>], vector<16xf32>,
    %broadcast_in_dim3A_1650 = arith.constant 9 : i32
    %broadcast_in_dim3A_1651 = vector.broadcast %broadcast_in_dim3A_1650 : i32 to vector<16xi32>
    tpu.vector_store_idx %arg14[%add3A_1423, %broadcast_in_dim3A_1651], %scan3A_1630#9 : memref<128x11xf32, #tpu.memory_space<vmem>>[vector<16xi32>, vector<16xi32>], vector<16xf32>,
    %broadcast_in_dim3A_1652 = arith.constant 10 : i32
    %broadcast_in_dim3A_1653 = vector.broadcast %broadcast_in_dim3A_1652 : i32 to vector<16xi32>
    tpu.vector_store_idx %arg14[%add3A_1423, %broadcast_in_dim3A_1653], %scan3A_1630#10 : memref<128x11xf32, #tpu.memory_space<vmem>>[vector<16xi32>, vector<16xi32>], vector<16xf32>,
    %iota3A_1654 = tpu.iota {dimensions = array<i32: 0>} : vector<16xi32>
    %add3A_1655 = arith.constant 96 : i32
    %add3A_1656 = vector.broadcast %add3A_1655 : i32 to vector<16xi32>
    %add3A_1657 = arith.addi %iota3A_1654, %add3A_1656 : vector<16xi32>
    %mul3A_1658 = arith.constant 10 : i32
    %mul3A_1659 = vector.broadcast %mul3A_1658 : i32 to vector<16xi32>
    %mul3A_1660 = arith.muli %add3A_1657, %mul3A_1659 : vector<16xi32>
    %add3A_1661 = arith.constant 0 : i32
    %add3A_1662 = vector.broadcast %add3A_1661 : i32 to vector<16xi32>
    %add3A_1663 = arith.addi %mul3A_1660, %add3A_1662 : vector<16xi32>
    %shift_right_arithmetic3A_1664 = arith.constant 7 : i32
    %shift_right_arithmetic3A_1665 = vector.broadcast %shift_right_arithmetic3A_1664 : i32 to vector<16xi32>
    %shift_right_arithmetic3A_1666 = arith.shrsi %add3A_1663, %shift_right_arithmetic3A_1665 : vector<16xi32>
    %mul3A_1667 = arith.constant 10 : i32
    %mul3A_1668 = vector.broadcast %mul3A_1667 : i32 to vector<16xi32>
    %mul3A_1669 = arith.muli %add3A_1657, %mul3A_1668 : vector<16xi32>
    %add3A_1670 = arith.constant 0 : i32
    %add3A_1671 = vector.broadcast %add3A_1670 : i32 to vector<16xi32>
    %add3A_1672 = arith.addi %mul3A_1669, %add3A_1671 : vector<16xi32>
    %and3A_1673 = arith.constant 127 : i32
    %and3A_1674 = vector.broadcast %and3A_1673 : i32 to vector<16xi32>
    %and3A_1675 = arith.andi %add3A_1672, %and3A_1674 : vector<16xi32>
    %mul3A_1676 = arith.constant 10 : i32
    %mul3A_1677 = vector.broadcast %mul3A_1676 : i32 to vector<16xi32>
    %mul3A_1678 = arith.muli %add3A_1657, %mul3A_1677 : vector<16xi32>
    %add3A_1679 = arith.constant 1 : i32
    %add3A_1680 = vector.broadcast %add3A_1679 : i32 to vector<16xi32>
    %add3A_1681 = arith.addi %mul3A_1678, %add3A_1680 : vector<16xi32>
    %shift_right_arithmetic3A_1682 = arith.constant 7 : i32
    %shift_right_arithmetic3A_1683 = vector.broadcast %shift_right_arithmetic3A_1682 : i32 to vector<16xi32>
    %shift_right_arithmetic3A_1684 = arith.shrsi %add3A_1681, %shift_right_arithmetic3A_1683 : vector<16xi32>
    %mul3A_1685 = arith.constant 10 : i32
    %mul3A_1686 = vector.broadcast %mul3A_1685 : i32 to vector<16xi32>
    %mul3A_1687 = arith.muli %add3A_1657, %mul3A_1686 : vector<16xi32>
    %add3A_1688 = arith.constant 1 : i32
    %add3A_1689 = vector.broadcast %add3A_1688 : i32 to vector<16xi32>
    %add3A_1690 = arith.addi %mul3A_1687, %add3A_1689 : vector<16xi32>
    %and3A_1691 = arith.constant 127 : i32
    %and3A_1692 = vector.broadcast %and3A_1691 : i32 to vector<16xi32>
    %and3A_1693 = arith.andi %add3A_1690, %and3A_1692 : vector<16xi32>
    %mul3A_1694 = arith.constant 10 : i32
    %mul3A_1695 = vector.broadcast %mul3A_1694 : i32 to vector<16xi32>
    %mul3A_1696 = arith.muli %add3A_1657, %mul3A_1695 : vector<16xi32>
    %add3A_1697 = arith.constant 2 : i32
    %add3A_1698 = vector.broadcast %add3A_1697 : i32 to vector<16xi32>
    %add3A_1699 = arith.addi %mul3A_1696, %add3A_1698 : vector<16xi32>
    %shift_right_arithmetic3A_1700 = arith.constant 7 : i32
    %shift_right_arithmetic3A_1701 = vector.broadcast %shift_right_arithmetic3A_1700 : i32 to vector<16xi32>
    %shift_right_arithmetic3A_1702 = arith.shrsi %add3A_1699, %shift_right_arithmetic3A_1701 : vector<16xi32>
    %mul3A_1703 = arith.constant 10 : i32
    %mul3A_1704 = vector.broadcast %mul3A_1703 : i32 to vector<16xi32>
    %mul3A_1705 = arith.muli %add3A_1657, %mul3A_1704 : vector<16xi32>
    %add3A_1706 = arith.constant 2 : i32
    %add3A_1707 = vector.broadcast %add3A_1706 : i32 to vector<16xi32>
    %add3A_1708 = arith.addi %mul3A_1705, %add3A_1707 : vector<16xi32>
    %and3A_1709 = arith.constant 127 : i32
    %and3A_1710 = vector.broadcast %and3A_1709 : i32 to vector<16xi32>
    %and3A_1711 = arith.andi %add3A_1708, %and3A_1710 : vector<16xi32>
    %mul3A_1712 = arith.constant 10 : i32
    %mul3A_1713 = vector.broadcast %mul3A_1712 : i32 to vector<16xi32>
    %mul3A_1714 = arith.muli %add3A_1657, %mul3A_1713 : vector<16xi32>
    %add3A_1715 = arith.constant 3 : i32
    %add3A_1716 = vector.broadcast %add3A_1715 : i32 to vector<16xi32>
    %add3A_1717 = arith.addi %mul3A_1714, %add3A_1716 : vector<16xi32>
    %shift_right_arithmetic3A_1718 = arith.constant 7 : i32
    %shift_right_arithmetic3A_1719 = vector.broadcast %shift_right_arithmetic3A_1718 : i32 to vector<16xi32>
    %shift_right_arithmetic3A_1720 = arith.shrsi %add3A_1717, %shift_right_arithmetic3A_1719 : vector<16xi32>
    %mul3A_1721 = arith.constant 10 : i32
    %mul3A_1722 = vector.broadcast %mul3A_1721 : i32 to vector<16xi32>
    %mul3A_1723 = arith.muli %add3A_1657, %mul3A_1722 : vector<16xi32>
    %add3A_1724 = arith.constant 3 : i32
    %add3A_1725 = vector.broadcast %add3A_1724 : i32 to vector<16xi32>
    %add3A_1726 = arith.addi %mul3A_1723, %add3A_1725 : vector<16xi32>
    %and3A_1727 = arith.constant 127 : i32
    %and3A_1728 = vector.broadcast %and3A_1727 : i32 to vector<16xi32>
    %and3A_1729 = arith.andi %add3A_1726, %and3A_1728 : vector<16xi32>
    %mul3A_1730 = arith.constant 10 : i32
    %mul3A_1731 = vector.broadcast %mul3A_1730 : i32 to vector<16xi32>
    %mul3A_1732 = arith.muli %add3A_1657, %mul3A_1731 : vector<16xi32>
    %add3A_1733 = arith.constant 4 : i32
    %add3A_1734 = vector.broadcast %add3A_1733 : i32 to vector<16xi32>
    %add3A_1735 = arith.addi %mul3A_1732, %add3A_1734 : vector<16xi32>
    %shift_right_arithmetic3A_1736 = arith.constant 7 : i32
    %shift_right_arithmetic3A_1737 = vector.broadcast %shift_right_arithmetic3A_1736 : i32 to vector<16xi32>
    %shift_right_arithmetic3A_1738 = arith.shrsi %add3A_1735, %shift_right_arithmetic3A_1737 : vector<16xi32>
    %mul3A_1739 = arith.constant 10 : i32
    %mul3A_1740 = vector.broadcast %mul3A_1739 : i32 to vector<16xi32>
    %mul3A_1741 = arith.muli %add3A_1657, %mul3A_1740 : vector<16xi32>
    %add3A_1742 = arith.constant 4 : i32
    %add3A_1743 = vector.broadcast %add3A_1742 : i32 to vector<16xi32>
    %add3A_1744 = arith.addi %mul3A_1741, %add3A_1743 : vector<16xi32>
    %and3A_1745 = arith.constant 127 : i32
    %and3A_1746 = vector.broadcast %and3A_1745 : i32 to vector<16xi32>
    %and3A_1747 = arith.andi %add3A_1744, %and3A_1746 : vector<16xi32>
    %mul3A_1748 = arith.constant 10 : i32
    %mul3A_1749 = vector.broadcast %mul3A_1748 : i32 to vector<16xi32>
    %mul3A_1750 = arith.muli %add3A_1657, %mul3A_1749 : vector<16xi32>
    %add3A_1751 = arith.constant 5 : i32
    %add3A_1752 = vector.broadcast %add3A_1751 : i32 to vector<16xi32>
    %add3A_1753 = arith.addi %mul3A_1750, %add3A_1752 : vector<16xi32>
    %shift_right_arithmetic3A_1754 = arith.constant 7 : i32
    %shift_right_arithmetic3A_1755 = vector.broadcast %shift_right_arithmetic3A_1754 : i32 to vector<16xi32>
    %shift_right_arithmetic3A_1756 = arith.shrsi %add3A_1753, %shift_right_arithmetic3A_1755 : vector<16xi32>
    %mul3A_1757 = arith.constant 10 : i32
    %mul3A_1758 = vector.broadcast %mul3A_1757 : i32 to vector<16xi32>
    %mul3A_1759 = arith.muli %add3A_1657, %mul3A_1758 : vector<16xi32>
    %add3A_1760 = arith.constant 5 : i32
    %add3A_1761 = vector.broadcast %add3A_1760 : i32 to vector<16xi32>
    %add3A_1762 = arith.addi %mul3A_1759, %add3A_1761 : vector<16xi32>
    %and3A_1763 = arith.constant 127 : i32
    %and3A_1764 = vector.broadcast %and3A_1763 : i32 to vector<16xi32>
    %and3A_1765 = arith.andi %add3A_1762, %and3A_1764 : vector<16xi32>
    %mul3A_1766 = arith.constant 10 : i32
    %mul3A_1767 = vector.broadcast %mul3A_1766 : i32 to vector<16xi32>
    %mul3A_1768 = arith.muli %add3A_1657, %mul3A_1767 : vector<16xi32>
    %add3A_1769 = arith.constant 6 : i32
    %add3A_1770 = vector.broadcast %add3A_1769 : i32 to vector<16xi32>
    %add3A_1771 = arith.addi %mul3A_1768, %add3A_1770 : vector<16xi32>
    %shift_right_arithmetic3A_1772 = arith.constant 7 : i32
    %shift_right_arithmetic3A_1773 = vector.broadcast %shift_right_arithmetic3A_1772 : i32 to vector<16xi32>
    %shift_right_arithmetic3A_1774 = arith.shrsi %add3A_1771, %shift_right_arithmetic3A_1773 : vector<16xi32>
    %mul3A_1775 = arith.constant 10 : i32
    %mul3A_1776 = vector.broadcast %mul3A_1775 : i32 to vector<16xi32>
    %mul3A_1777 = arith.muli %add3A_1657, %mul3A_1776 : vector<16xi32>
    %add3A_1778 = arith.constant 6 : i32
    %add3A_1779 = vector.broadcast %add3A_1778 : i32 to vector<16xi32>
    %add3A_1780 = arith.addi %mul3A_1777, %add3A_1779 : vector<16xi32>
    %and3A_1781 = arith.constant 127 : i32
    %and3A_1782 = vector.broadcast %and3A_1781 : i32 to vector<16xi32>
    %and3A_1783 = arith.andi %add3A_1780, %and3A_1782 : vector<16xi32>
    %mul3A_1784 = arith.constant 10 : i32
    %mul3A_1785 = vector.broadcast %mul3A_1784 : i32 to vector<16xi32>
    %mul3A_1786 = arith.muli %add3A_1657, %mul3A_1785 : vector<16xi32>
    %add3A_1787 = arith.constant 7 : i32
    %add3A_1788 = vector.broadcast %add3A_1787 : i32 to vector<16xi32>
    %add3A_1789 = arith.addi %mul3A_1786, %add3A_1788 : vector<16xi32>
    %shift_right_arithmetic3A_1790 = arith.constant 7 : i32
    %shift_right_arithmetic3A_1791 = vector.broadcast %shift_right_arithmetic3A_1790 : i32 to vector<16xi32>
    %shift_right_arithmetic3A_1792 = arith.shrsi %add3A_1789, %shift_right_arithmetic3A_1791 : vector<16xi32>
    %mul3A_1793 = arith.constant 10 : i32
    %mul3A_1794 = vector.broadcast %mul3A_1793 : i32 to vector<16xi32>
    %mul3A_1795 = arith.muli %add3A_1657, %mul3A_1794 : vector<16xi32>
    %add3A_1796 = arith.constant 7 : i32
    %add3A_1797 = vector.broadcast %add3A_1796 : i32 to vector<16xi32>
    %add3A_1798 = arith.addi %mul3A_1795, %add3A_1797 : vector<16xi32>
    %and3A_1799 = arith.constant 127 : i32
    %and3A_1800 = vector.broadcast %and3A_1799 : i32 to vector<16xi32>
    %and3A_1801 = arith.andi %add3A_1798, %and3A_1800 : vector<16xi32>
    %mul3A_1802 = arith.constant 10 : i32
    %mul3A_1803 = vector.broadcast %mul3A_1802 : i32 to vector<16xi32>
    %mul3A_1804 = arith.muli %add3A_1657, %mul3A_1803 : vector<16xi32>
    %add3A_1805 = arith.constant 8 : i32
    %add3A_1806 = vector.broadcast %add3A_1805 : i32 to vector<16xi32>
    %add3A_1807 = arith.addi %mul3A_1804, %add3A_1806 : vector<16xi32>
    %shift_right_arithmetic3A_1808 = arith.constant 7 : i32
    %shift_right_arithmetic3A_1809 = vector.broadcast %shift_right_arithmetic3A_1808 : i32 to vector<16xi32>
    %shift_right_arithmetic3A_1810 = arith.shrsi %add3A_1807, %shift_right_arithmetic3A_1809 : vector<16xi32>
    %mul3A_1811 = arith.constant 10 : i32
    %mul3A_1812 = vector.broadcast %mul3A_1811 : i32 to vector<16xi32>
    %mul3A_1813 = arith.muli %add3A_1657, %mul3A_1812 : vector<16xi32>
    %add3A_1814 = arith.constant 8 : i32
    %add3A_1815 = vector.broadcast %add3A_1814 : i32 to vector<16xi32>
    %add3A_1816 = arith.addi %mul3A_1813, %add3A_1815 : vector<16xi32>
    %and3A_1817 = arith.constant 127 : i32
    %and3A_1818 = vector.broadcast %and3A_1817 : i32 to vector<16xi32>
    %and3A_1819 = arith.andi %add3A_1816, %and3A_1818 : vector<16xi32>
    %mul3A_1820 = arith.constant 10 : i32
    %mul3A_1821 = vector.broadcast %mul3A_1820 : i32 to vector<16xi32>
    %mul3A_1822 = arith.muli %add3A_1657, %mul3A_1821 : vector<16xi32>
    %add3A_1823 = arith.constant 9 : i32
    %add3A_1824 = vector.broadcast %add3A_1823 : i32 to vector<16xi32>
    %add3A_1825 = arith.addi %mul3A_1822, %add3A_1824 : vector<16xi32>
    %shift_right_arithmetic3A_1826 = arith.constant 7 : i32
    %shift_right_arithmetic3A_1827 = vector.broadcast %shift_right_arithmetic3A_1826 : i32 to vector<16xi32>
    %shift_right_arithmetic3A_1828 = arith.shrsi %add3A_1825, %shift_right_arithmetic3A_1827 : vector<16xi32>
    %mul3A_1829 = arith.constant 10 : i32
    %mul3A_1830 = vector.broadcast %mul3A_1829 : i32 to vector<16xi32>
    %mul3A_1831 = arith.muli %add3A_1657, %mul3A_1830 : vector<16xi32>
    %add3A_1832 = arith.constant 9 : i32
    %add3A_1833 = vector.broadcast %add3A_1832 : i32 to vector<16xi32>
    %add3A_1834 = arith.addi %mul3A_1831, %add3A_1833 : vector<16xi32>
    %and3A_1835 = arith.constant 127 : i32
    %and3A_1836 = vector.broadcast %and3A_1835 : i32 to vector<16xi32>
    %and3A_1837 = arith.andi %add3A_1834, %and3A_1836 : vector<16xi32>
    %broadcast_in_dim3A_1838 = arith.constant 0.000000e+00 : f32
    %broadcast_in_dim3A_1839 = vector.broadcast %broadcast_in_dim3A_1838 : f32 to vector<16xf32>
    %broadcast_in_dim3A_1840 = arith.constant 0.000000e+00 : f32
    %broadcast_in_dim3A_1841 = vector.broadcast %broadcast_in_dim3A_1840 : f32 to vector<16xf32>
    %broadcast_in_dim3A_1842 = arith.constant 0.000000e+00 : f32
    %broadcast_in_dim3A_1843 = vector.broadcast %broadcast_in_dim3A_1842 : f32 to vector<16xf32>
    %broadcast_in_dim3A_1844 = arith.constant 0.000000e+00 : f32
    %broadcast_in_dim3A_1845 = vector.broadcast %broadcast_in_dim3A_1844 : f32 to vector<16xf32>
    %broadcast_in_dim3A_1846 = arith.constant 0.000000e+00 : f32
    %broadcast_in_dim3A_1847 = vector.broadcast %broadcast_in_dim3A_1846 : f32 to vector<16xf32>
    %broadcast_in_dim3A_1848 = arith.constant 0.000000e+00 : f32
    %broadcast_in_dim3A_1849 = vector.broadcast %broadcast_in_dim3A_1848 : f32 to vector<16xf32>
    %broadcast_in_dim3A_1850 = arith.constant 0.000000e+00 : f32
    %broadcast_in_dim3A_1851 = vector.broadcast %broadcast_in_dim3A_1850 : f32 to vector<16xf32>
    %broadcast_in_dim3A_1852 = arith.constant 0.000000e+00 : f32
    %broadcast_in_dim3A_1853 = vector.broadcast %broadcast_in_dim3A_1852 : f32 to vector<16xf32>
    %broadcast_in_dim3A_1854 = arith.constant 0.000000e+00 : f32
    %broadcast_in_dim3A_1855 = vector.broadcast %broadcast_in_dim3A_1854 : f32 to vector<16xf32>
    %broadcast_in_dim3A_1856 = arith.constant 0.000000e+00 : f32
    %broadcast_in_dim3A_1857 = vector.broadcast %broadcast_in_dim3A_1856 : f32 to vector<16xf32>
    %broadcast_in_dim3A_1858 = arith.constant 0.000000e+00 : f32
    %broadcast_in_dim3A_1859 = vector.broadcast %broadcast_in_dim3A_1858 : f32 to vector<16xf32>
    %scan3A_1860 = arith.constant 0 : i32
    %scan3A_1861 = arith.constant 32 : i32
    %scan3A_1862 = arith.addi %scan3A_1860, %scan3A_1861 : i32
    %scan3A_1863 = arith.constant 1 : i32
    %scan3A_1864:11 = scf.for %scan3A_2122 = %scan3A_1860 to %scan3A_1862 step %scan3A_1863 iter_args(%scan3A_2123 = %broadcast_in_dim3A_1839, %scan3A_2124 = %broadcast_in_dim3A_1841, %scan3A_2125 = %broadcast_in_dim3A_1843, %scan3A_2126 = %broadcast_in_dim3A_1845, %scan3A_2127 = %broadcast_in_dim3A_1847, %scan3A_2128 = %broadcast_in_dim3A_1849, %scan3A_2129 = %broadcast_in_dim3A_1851, %scan3A_2130 = %broadcast_in_dim3A_1853, %scan3A_2131 = %broadcast_in_dim3A_1855, %scan3A_2132 = %broadcast_in_dim3A_1857, %scan3A_2133 = %broadcast_in_dim3A_1859) -> (vector<16xf32>, vector<16xf32>, vector<16xf32>, vector<16xf32>, vector<16xf32>, vector<16xf32>, vector<16xf32>, vector<16xf32>, vector<16xf32>, vector<16xf32>, vector<16xf32>)  : i32 {
      %broadcast_in_dim3A_2134 = vector.broadcast %scan3A_2122 : i32 to vector<16xi32>
      %gather3A = tpu.vector_load_idx %arg11[%add3A_1657, %broadcast_in_dim3A_2134] : memref<128x32xf32, #tpu.memory_space<vmem>>[vector<16xi32>, vector<16xi32>], vector<16xf32>,
      %gather3A_2135 = tpu.vector_load_idx %arg12[%add3A_1657, %broadcast_in_dim3A_2134] : memref<128x32xf32, #tpu.memory_space<vmem>>[vector<16xi32>, vector<16xi32>], vector<16xf32>,
      %mul3A_2136 = arith.mulf %gather3A, %gather3A_2135 : vector<16xf32>
      %add3A_2137 = arith.addf %scan3A_2123, %mul3A_2136 : vector<16xf32>
      %gather3A_2138 = tpu.vector_load_idx %arg13[%shift_right_arithmetic3A_1666, %and3A_1675, %broadcast_in_dim3A_2134] : memref<10x128x32xf32, #tpu.memory_space<vmem>>[vector<16xi32>, vector<16xi32>, vector<16xi32>], vector<16xf32>,
      %mul3A_2139 = arith.mulf %gather3A, %gather3A_2138 : vector<16xf32>
      %add3A_2140 = arith.addf %scan3A_2124, %mul3A_2139 : vector<16xf32>
      %gather3A_2141 = tpu.vector_load_idx %arg13[%shift_right_arithmetic3A_1684, %and3A_1693, %broadcast_in_dim3A_2134] : memref<10x128x32xf32, #tpu.memory_space<vmem>>[vector<16xi32>, vector<16xi32>, vector<16xi32>], vector<16xf32>,
      %mul3A_2142 = arith.mulf %gather3A, %gather3A_2141 : vector<16xf32>
      %add3A_2143 = arith.addf %scan3A_2125, %mul3A_2142 : vector<16xf32>
      %gather3A_2144 = tpu.vector_load_idx %arg13[%shift_right_arithmetic3A_1702, %and3A_1711, %broadcast_in_dim3A_2134] : memref<10x128x32xf32, #tpu.memory_space<vmem>>[vector<16xi32>, vector<16xi32>, vector<16xi32>], vector<16xf32>,
      %mul3A_2145 = arith.mulf %gather3A, %gather3A_2144 : vector<16xf32>
      %add3A_2146 = arith.addf %scan3A_2126, %mul3A_2145 : vector<16xf32>
      %gather3A_2147 = tpu.vector_load_idx %arg13[%shift_right_arithmetic3A_1720, %and3A_1729, %broadcast_in_dim3A_2134] : memref<10x128x32xf32, #tpu.memory_space<vmem>>[vector<16xi32>, vector<16xi32>, vector<16xi32>], vector<16xf32>,
      %mul3A_2148 = arith.mulf %gather3A, %gather3A_2147 : vector<16xf32>
      %add3A_2149 = arith.addf %scan3A_2127, %mul3A_2148 : vector<16xf32>
      %gather3A_2150 = tpu.vector_load_idx %arg13[%shift_right_arithmetic3A_1738, %and3A_1747, %broadcast_in_dim3A_2134] : memref<10x128x32xf32, #tpu.memory_space<vmem>>[vector<16xi32>, vector<16xi32>, vector<16xi32>], vector<16xf32>,
      %mul3A_2151 = arith.mulf %gather3A, %gather3A_2150 : vector<16xf32>
      %add3A_2152 = arith.addf %scan3A_2128, %mul3A_2151 : vector<16xf32>
      %gather3A_2153 = tpu.vector_load_idx %arg13[%shift_right_arithmetic3A_1756, %and3A_1765, %broadcast_in_dim3A_2134] : memref<10x128x32xf32, #tpu.memory_space<vmem>>[vector<16xi32>, vector<16xi32>, vector<16xi32>], vector<16xf32>,
      %mul3A_2154 = arith.mulf %gather3A, %gather3A_2153 : vector<16xf32>
      %add3A_2155 = arith.addf %scan3A_2129, %mul3A_2154 : vector<16xf32>
      %gather3A_2156 = tpu.vector_load_idx %arg13[%shift_right_arithmetic3A_1774, %and3A_1783, %broadcast_in_dim3A_2134] : memref<10x128x32xf32, #tpu.memory_space<vmem>>[vector<16xi32>, vector<16xi32>, vector<16xi32>], vector<16xf32>,
      %mul3A_2157 = arith.mulf %gather3A, %gather3A_2156 : vector<16xf32>
      %add3A_2158 = arith.addf %scan3A_2130, %mul3A_2157 : vector<16xf32>
      %gather3A_2159 = tpu.vector_load_idx %arg13[%shift_right_arithmetic3A_1792, %and3A_1801, %broadcast_in_dim3A_2134] : memref<10x128x32xf32, #tpu.memory_space<vmem>>[vector<16xi32>, vector<16xi32>, vector<16xi32>], vector<16xf32>,
      %mul3A_2160 = arith.mulf %gather3A, %gather3A_2159 : vector<16xf32>
      %add3A_2161 = arith.addf %scan3A_2131, %mul3A_2160 : vector<16xf32>
      %gather3A_2162 = tpu.vector_load_idx %arg13[%shift_right_arithmetic3A_1810, %and3A_1819, %broadcast_in_dim3A_2134] : memref<10x128x32xf32, #tpu.memory_space<vmem>>[vector<16xi32>, vector<16xi32>, vector<16xi32>], vector<16xf32>,
      %mul3A_2163 = arith.mulf %gather3A, %gather3A_2162 : vector<16xf32>
      %add3A_2164 = arith.addf %scan3A_2132, %mul3A_2163 : vector<16xf32>
      %gather3A_2165 = tpu.vector_load_idx %arg13[%shift_right_arithmetic3A_1828, %and3A_1837, %broadcast_in_dim3A_2134] : memref<10x128x32xf32, #tpu.memory_space<vmem>>[vector<16xi32>, vector<16xi32>, vector<16xi32>], vector<16xf32>,
      %mul3A_2166 = arith.mulf %gather3A, %gather3A_2165 : vector<16xf32>
      %add3A_2167 = arith.addf %scan3A_2133, %mul3A_2166 : vector<16xf32>
      scf.yield %add3A_2137, %add3A_2140, %add3A_2143, %add3A_2146, %add3A_2149, %add3A_2152, %add3A_2155, %add3A_2158, %add3A_2161, %add3A_2164, %add3A_2167 : vector<16xf32>, vector<16xf32>, vector<16xf32>, vector<16xf32>, vector<16xf32>, vector<16xf32>, vector<16xf32>, vector<16xf32>, vector<16xf32>, vector<16xf32>, vector<16xf32>
    }
    %scan3A_1865 = arith.constant 32 : i32
    %broadcast_in_dim3A_1866 = arith.constant 0 : i32
    %broadcast_in_dim3A_1867 = vector.broadcast %broadcast_in_dim3A_1866 : i32 to vector<16xi32>
    tpu.vector_store_idx %arg14[%add3A_1657, %broadcast_in_dim3A_1867], %scan3A_1864#0 : memref<128x11xf32, #tpu.memory_space<vmem>>[vector<16xi32>, vector<16xi32>], vector<16xf32>,
    %broadcast_in_dim3A_1868 = arith.constant 1 : i32
    %broadcast_in_dim3A_1869 = vector.broadcast %broadcast_in_dim3A_1868 : i32 to vector<16xi32>
    tpu.vector_store_idx %arg14[%add3A_1657, %broadcast_in_dim3A_1869], %scan3A_1864#1 : memref<128x11xf32, #tpu.memory_space<vmem>>[vector<16xi32>, vector<16xi32>], vector<16xf32>,
    %broadcast_in_dim3A_1870 = arith.constant 2 : i32
    %broadcast_in_dim3A_1871 = vector.broadcast %broadcast_in_dim3A_1870 : i32 to vector<16xi32>
    tpu.vector_store_idx %arg14[%add3A_1657, %broadcast_in_dim3A_1871], %scan3A_1864#2 : memref<128x11xf32, #tpu.memory_space<vmem>>[vector<16xi32>, vector<16xi32>], vector<16xf32>,
    %broadcast_in_dim3A_1872 = arith.constant 3 : i32
    %broadcast_in_dim3A_1873 = vector.broadcast %broadcast_in_dim3A_1872 : i32 to vector<16xi32>
    tpu.vector_store_idx %arg14[%add3A_1657, %broadcast_in_dim3A_1873], %scan3A_1864#3 : memref<128x11xf32, #tpu.memory_space<vmem>>[vector<16xi32>, vector<16xi32>], vector<16xf32>,
    %broadcast_in_dim3A_1874 = arith.constant 4 : i32
    %broadcast_in_dim3A_1875 = vector.broadcast %broadcast_in_dim3A_1874 : i32 to vector<16xi32>
    tpu.vector_store_idx %arg14[%add3A_1657, %broadcast_in_dim3A_1875], %scan3A_1864#4 : memref<128x11xf32, #tpu.memory_space<vmem>>[vector<16xi32>, vector<16xi32>], vector<16xf32>,
    %broadcast_in_dim3A_1876 = arith.constant 5 : i32
    %broadcast_in_dim3A_1877 = vector.broadcast %broadcast_in_dim3A_1876 : i32 to vector<16xi32>
    tpu.vector_store_idx %arg14[%add3A_1657, %broadcast_in_dim3A_1877], %scan3A_1864#5 : memref<128x11xf32, #tpu.memory_space<vmem>>[vector<16xi32>, vector<16xi32>], vector<16xf32>,
    %broadcast_in_dim3A_1878 = arith.constant 6 : i32
    %broadcast_in_dim3A_1879 = vector.broadcast %broadcast_in_dim3A_1878 : i32 to vector<16xi32>
    tpu.vector_store_idx %arg14[%add3A_1657, %broadcast_in_dim3A_1879], %scan3A_1864#6 : memref<128x11xf32, #tpu.memory_space<vmem>>[vector<16xi32>, vector<16xi32>], vector<16xf32>,
    %broadcast_in_dim3A_1880 = arith.constant 7 : i32
    %broadcast_in_dim3A_1881 = vector.broadcast %broadcast_in_dim3A_1880 : i32 to vector<16xi32>
    tpu.vector_store_idx %arg14[%add3A_1657, %broadcast_in_dim3A_1881], %scan3A_1864#7 : memref<128x11xf32, #tpu.memory_space<vmem>>[vector<16xi32>, vector<16xi32>], vector<16xf32>,
    %broadcast_in_dim3A_1882 = arith.constant 8 : i32
    %broadcast_in_dim3A_1883 = vector.broadcast %broadcast_in_dim3A_1882 : i32 to vector<16xi32>
    tpu.vector_store_idx %arg14[%add3A_1657, %broadcast_in_dim3A_1883], %scan3A_1864#8 : memref<128x11xf32, #tpu.memory_space<vmem>>[vector<16xi32>, vector<16xi32>], vector<16xf32>,
    %broadcast_in_dim3A_1884 = arith.constant 9 : i32
    %broadcast_in_dim3A_1885 = vector.broadcast %broadcast_in_dim3A_1884 : i32 to vector<16xi32>
    tpu.vector_store_idx %arg14[%add3A_1657, %broadcast_in_dim3A_1885], %scan3A_1864#9 : memref<128x11xf32, #tpu.memory_space<vmem>>[vector<16xi32>, vector<16xi32>], vector<16xf32>,
    %broadcast_in_dim3A_1886 = arith.constant 10 : i32
    %broadcast_in_dim3A_1887 = vector.broadcast %broadcast_in_dim3A_1886 : i32 to vector<16xi32>
    tpu.vector_store_idx %arg14[%add3A_1657, %broadcast_in_dim3A_1887], %scan3A_1864#10 : memref<128x11xf32, #tpu.memory_space<vmem>>[vector<16xi32>, vector<16xi32>], vector<16xf32>,
    %iota3A_1888 = tpu.iota {dimensions = array<i32: 0>} : vector<16xi32>
    %add3A_1889 = arith.constant 112 : i32
    %add3A_1890 = vector.broadcast %add3A_1889 : i32 to vector<16xi32>
    %add3A_1891 = arith.addi %iota3A_1888, %add3A_1890 : vector<16xi32>
    %mul3A_1892 = arith.constant 10 : i32
    %mul3A_1893 = vector.broadcast %mul3A_1892 : i32 to vector<16xi32>
    %mul3A_1894 = arith.muli %add3A_1891, %mul3A_1893 : vector<16xi32>
    %add3A_1895 = arith.constant 0 : i32
    %add3A_1896 = vector.broadcast %add3A_1895 : i32 to vector<16xi32>
    %add3A_1897 = arith.addi %mul3A_1894, %add3A_1896 : vector<16xi32>
    %shift_right_arithmetic3A_1898 = arith.constant 7 : i32
    %shift_right_arithmetic3A_1899 = vector.broadcast %shift_right_arithmetic3A_1898 : i32 to vector<16xi32>
    %shift_right_arithmetic3A_1900 = arith.shrsi %add3A_1897, %shift_right_arithmetic3A_1899 : vector<16xi32>
    %mul3A_1901 = arith.constant 10 : i32
    %mul3A_1902 = vector.broadcast %mul3A_1901 : i32 to vector<16xi32>
    %mul3A_1903 = arith.muli %add3A_1891, %mul3A_1902 : vector<16xi32>
    %add3A_1904 = arith.constant 0 : i32
    %add3A_1905 = vector.broadcast %add3A_1904 : i32 to vector<16xi32>
    %add3A_1906 = arith.addi %mul3A_1903, %add3A_1905 : vector<16xi32>
    %and3A_1907 = arith.constant 127 : i32
    %and3A_1908 = vector.broadcast %and3A_1907 : i32 to vector<16xi32>
    %and3A_1909 = arith.andi %add3A_1906, %and3A_1908 : vector<16xi32>
    %mul3A_1910 = arith.constant 10 : i32
    %mul3A_1911 = vector.broadcast %mul3A_1910 : i32 to vector<16xi32>
    %mul3A_1912 = arith.muli %add3A_1891, %mul3A_1911 : vector<16xi32>
    %add3A_1913 = arith.constant 1 : i32
    %add3A_1914 = vector.broadcast %add3A_1913 : i32 to vector<16xi32>
    %add3A_1915 = arith.addi %mul3A_1912, %add3A_1914 : vector<16xi32>
    %shift_right_arithmetic3A_1916 = arith.constant 7 : i32
    %shift_right_arithmetic3A_1917 = vector.broadcast %shift_right_arithmetic3A_1916 : i32 to vector<16xi32>
    %shift_right_arithmetic3A_1918 = arith.shrsi %add3A_1915, %shift_right_arithmetic3A_1917 : vector<16xi32>
    %mul3A_1919 = arith.constant 10 : i32
    %mul3A_1920 = vector.broadcast %mul3A_1919 : i32 to vector<16xi32>
    %mul3A_1921 = arith.muli %add3A_1891, %mul3A_1920 : vector<16xi32>
    %add3A_1922 = arith.constant 1 : i32
    %add3A_1923 = vector.broadcast %add3A_1922 : i32 to vector<16xi32>
    %add3A_1924 = arith.addi %mul3A_1921, %add3A_1923 : vector<16xi32>
    %and3A_1925 = arith.constant 127 : i32
    %and3A_1926 = vector.broadcast %and3A_1925 : i32 to vector<16xi32>
    %and3A_1927 = arith.andi %add3A_1924, %and3A_1926 : vector<16xi32>
    %mul3A_1928 = arith.constant 10 : i32
    %mul3A_1929 = vector.broadcast %mul3A_1928 : i32 to vector<16xi32>
    %mul3A_1930 = arith.muli %add3A_1891, %mul3A_1929 : vector<16xi32>
    %add3A_1931 = arith.constant 2 : i32
    %add3A_1932 = vector.broadcast %add3A_1931 : i32 to vector<16xi32>
    %add3A_1933 = arith.addi %mul3A_1930, %add3A_1932 : vector<16xi32>
    %shift_right_arithmetic3A_1934 = arith.constant 7 : i32
    %shift_right_arithmetic3A_1935 = vector.broadcast %shift_right_arithmetic3A_1934 : i32 to vector<16xi32>
    %shift_right_arithmetic3A_1936 = arith.shrsi %add3A_1933, %shift_right_arithmetic3A_1935 : vector<16xi32>
    %mul3A_1937 = arith.constant 10 : i32
    %mul3A_1938 = vector.broadcast %mul3A_1937 : i32 to vector<16xi32>
    %mul3A_1939 = arith.muli %add3A_1891, %mul3A_1938 : vector<16xi32>
    %add3A_1940 = arith.constant 2 : i32
    %add3A_1941 = vector.broadcast %add3A_1940 : i32 to vector<16xi32>
    %add3A_1942 = arith.addi %mul3A_1939, %add3A_1941 : vector<16xi32>
    %and3A_1943 = arith.constant 127 : i32
    %and3A_1944 = vector.broadcast %and3A_1943 : i32 to vector<16xi32>
    %and3A_1945 = arith.andi %add3A_1942, %and3A_1944 : vector<16xi32>
    %mul3A_1946 = arith.constant 10 : i32
    %mul3A_1947 = vector.broadcast %mul3A_1946 : i32 to vector<16xi32>
    %mul3A_1948 = arith.muli %add3A_1891, %mul3A_1947 : vector<16xi32>
    %add3A_1949 = arith.constant 3 : i32
    %add3A_1950 = vector.broadcast %add3A_1949 : i32 to vector<16xi32>
    %add3A_1951 = arith.addi %mul3A_1948, %add3A_1950 : vector<16xi32>
    %shift_right_arithmetic3A_1952 = arith.constant 7 : i32
    %shift_right_arithmetic3A_1953 = vector.broadcast %shift_right_arithmetic3A_1952 : i32 to vector<16xi32>
    %shift_right_arithmetic3A_1954 = arith.shrsi %add3A_1951, %shift_right_arithmetic3A_1953 : vector<16xi32>
    %mul3A_1955 = arith.constant 10 : i32
    %mul3A_1956 = vector.broadcast %mul3A_1955 : i32 to vector<16xi32>
    %mul3A_1957 = arith.muli %add3A_1891, %mul3A_1956 : vector<16xi32>
    %add3A_1958 = arith.constant 3 : i32
    %add3A_1959 = vector.broadcast %add3A_1958 : i32 to vector<16xi32>
    %add3A_1960 = arith.addi %mul3A_1957, %add3A_1959 : vector<16xi32>
    %and3A_1961 = arith.constant 127 : i32
    %and3A_1962 = vector.broadcast %and3A_1961 : i32 to vector<16xi32>
    %and3A_1963 = arith.andi %add3A_1960, %and3A_1962 : vector<16xi32>
    %mul3A_1964 = arith.constant 10 : i32
    %mul3A_1965 = vector.broadcast %mul3A_1964 : i32 to vector<16xi32>
    %mul3A_1966 = arith.muli %add3A_1891, %mul3A_1965 : vector<16xi32>
    %add3A_1967 = arith.constant 4 : i32
    %add3A_1968 = vector.broadcast %add3A_1967 : i32 to vector<16xi32>
    %add3A_1969 = arith.addi %mul3A_1966, %add3A_1968 : vector<16xi32>
    %shift_right_arithmetic3A_1970 = arith.constant 7 : i32
    %shift_right_arithmetic3A_1971 = vector.broadcast %shift_right_arithmetic3A_1970 : i32 to vector<16xi32>
    %shift_right_arithmetic3A_1972 = arith.shrsi %add3A_1969, %shift_right_arithmetic3A_1971 : vector<16xi32>
    %mul3A_1973 = arith.constant 10 : i32
    %mul3A_1974 = vector.broadcast %mul3A_1973 : i32 to vector<16xi32>
    %mul3A_1975 = arith.muli %add3A_1891, %mul3A_1974 : vector<16xi32>
    %add3A_1976 = arith.constant 4 : i32
    %add3A_1977 = vector.broadcast %add3A_1976 : i32 to vector<16xi32>
    %add3A_1978 = arith.addi %mul3A_1975, %add3A_1977 : vector<16xi32>
    %and3A_1979 = arith.constant 127 : i32
    %and3A_1980 = vector.broadcast %and3A_1979 : i32 to vector<16xi32>
    %and3A_1981 = arith.andi %add3A_1978, %and3A_1980 : vector<16xi32>
    %mul3A_1982 = arith.constant 10 : i32
    %mul3A_1983 = vector.broadcast %mul3A_1982 : i32 to vector<16xi32>
    %mul3A_1984 = arith.muli %add3A_1891, %mul3A_1983 : vector<16xi32>
    %add3A_1985 = arith.constant 5 : i32
    %add3A_1986 = vector.broadcast %add3A_1985 : i32 to vector<16xi32>
    %add3A_1987 = arith.addi %mul3A_1984, %add3A_1986 : vector<16xi32>
    %shift_right_arithmetic3A_1988 = arith.constant 7 : i32
    %shift_right_arithmetic3A_1989 = vector.broadcast %shift_right_arithmetic3A_1988 : i32 to vector<16xi32>
    %shift_right_arithmetic3A_1990 = arith.shrsi %add3A_1987, %shift_right_arithmetic3A_1989 : vector<16xi32>
    %mul3A_1991 = arith.constant 10 : i32
    %mul3A_1992 = vector.broadcast %mul3A_1991 : i32 to vector<16xi32>
    %mul3A_1993 = arith.muli %add3A_1891, %mul3A_1992 : vector<16xi32>
    %add3A_1994 = arith.constant 5 : i32
    %add3A_1995 = vector.broadcast %add3A_1994 : i32 to vector<16xi32>
    %add3A_1996 = arith.addi %mul3A_1993, %add3A_1995 : vector<16xi32>
    %and3A_1997 = arith.constant 127 : i32
    %and3A_1998 = vector.broadcast %and3A_1997 : i32 to vector<16xi32>
    %and3A_1999 = arith.andi %add3A_1996, %and3A_1998 : vector<16xi32>
    %mul3A_2000 = arith.constant 10 : i32
    %mul3A_2001 = vector.broadcast %mul3A_2000 : i32 to vector<16xi32>
    %mul3A_2002 = arith.muli %add3A_1891, %mul3A_2001 : vector<16xi32>
    %add3A_2003 = arith.constant 6 : i32
    %add3A_2004 = vector.broadcast %add3A_2003 : i32 to vector<16xi32>
    %add3A_2005 = arith.addi %mul3A_2002, %add3A_2004 : vector<16xi32>
    %shift_right_arithmetic3A_2006 = arith.constant 7 : i32
    %shift_right_arithmetic3A_2007 = vector.broadcast %shift_right_arithmetic3A_2006 : i32 to vector<16xi32>
    %shift_right_arithmetic3A_2008 = arith.shrsi %add3A_2005, %shift_right_arithmetic3A_2007 : vector<16xi32>
    %mul3A_2009 = arith.constant 10 : i32
    %mul3A_2010 = vector.broadcast %mul3A_2009 : i32 to vector<16xi32>
    %mul3A_2011 = arith.muli %add3A_1891, %mul3A_2010 : vector<16xi32>
    %add3A_2012 = arith.constant 6 : i32
    %add3A_2013 = vector.broadcast %add3A_2012 : i32 to vector<16xi32>
    %add3A_2014 = arith.addi %mul3A_2011, %add3A_2013 : vector<16xi32>
    %and3A_2015 = arith.constant 127 : i32
    %and3A_2016 = vector.broadcast %and3A_2015 : i32 to vector<16xi32>
    %and3A_2017 = arith.andi %add3A_2014, %and3A_2016 : vector<16xi32>
    %mul3A_2018 = arith.constant 10 : i32
    %mul3A_2019 = vector.broadcast %mul3A_2018 : i32 to vector<16xi32>
    %mul3A_2020 = arith.muli %add3A_1891, %mul3A_2019 : vector<16xi32>
    %add3A_2021 = arith.constant 7 : i32
    %add3A_2022 = vector.broadcast %add3A_2021 : i32 to vector<16xi32>
    %add3A_2023 = arith.addi %mul3A_2020, %add3A_2022 : vector<16xi32>
    %shift_right_arithmetic3A_2024 = arith.constant 7 : i32
    %shift_right_arithmetic3A_2025 = vector.broadcast %shift_right_arithmetic3A_2024 : i32 to vector<16xi32>
    %shift_right_arithmetic3A_2026 = arith.shrsi %add3A_2023, %shift_right_arithmetic3A_2025 : vector<16xi32>
    %mul3A_2027 = arith.constant 10 : i32
    %mul3A_2028 = vector.broadcast %mul3A_2027 : i32 to vector<16xi32>
    %mul3A_2029 = arith.muli %add3A_1891, %mul3A_2028 : vector<16xi32>
    %add3A_2030 = arith.constant 7 : i32
    %add3A_2031 = vector.broadcast %add3A_2030 : i32 to vector<16xi32>
    %add3A_2032 = arith.addi %mul3A_2029, %add3A_2031 : vector<16xi32>
    %and3A_2033 = arith.constant 127 : i32
    %and3A_2034 = vector.broadcast %and3A_2033 : i32 to vector<16xi32>
    %and3A_2035 = arith.andi %add3A_2032, %and3A_2034 : vector<16xi32>
    %mul3A_2036 = arith.constant 10 : i32
    %mul3A_2037 = vector.broadcast %mul3A_2036 : i32 to vector<16xi32>
    %mul3A_2038 = arith.muli %add3A_1891, %mul3A_2037 : vector<16xi32>
    %add3A_2039 = arith.constant 8 : i32
    %add3A_2040 = vector.broadcast %add3A_2039 : i32 to vector<16xi32>
    %add3A_2041 = arith.addi %mul3A_2038, %add3A_2040 : vector<16xi32>
    %shift_right_arithmetic3A_2042 = arith.constant 7 : i32
    %shift_right_arithmetic3A_2043 = vector.broadcast %shift_right_arithmetic3A_2042 : i32 to vector<16xi32>
    %shift_right_arithmetic3A_2044 = arith.shrsi %add3A_2041, %shift_right_arithmetic3A_2043 : vector<16xi32>
    %mul3A_2045 = arith.constant 10 : i32
    %mul3A_2046 = vector.broadcast %mul3A_2045 : i32 to vector<16xi32>
    %mul3A_2047 = arith.muli %add3A_1891, %mul3A_2046 : vector<16xi32>
    %add3A_2048 = arith.constant 8 : i32
    %add3A_2049 = vector.broadcast %add3A_2048 : i32 to vector<16xi32>
    %add3A_2050 = arith.addi %mul3A_2047, %add3A_2049 : vector<16xi32>
    %and3A_2051 = arith.constant 127 : i32
    %and3A_2052 = vector.broadcast %and3A_2051 : i32 to vector<16xi32>
    %and3A_2053 = arith.andi %add3A_2050, %and3A_2052 : vector<16xi32>
    %mul3A_2054 = arith.constant 10 : i32
    %mul3A_2055 = vector.broadcast %mul3A_2054 : i32 to vector<16xi32>
    %mul3A_2056 = arith.muli %add3A_1891, %mul3A_2055 : vector<16xi32>
    %add3A_2057 = arith.constant 9 : i32
    %add3A_2058 = vector.broadcast %add3A_2057 : i32 to vector<16xi32>
    %add3A_2059 = arith.addi %mul3A_2056, %add3A_2058 : vector<16xi32>
    %shift_right_arithmetic3A_2060 = arith.constant 7 : i32
    %shift_right_arithmetic3A_2061 = vector.broadcast %shift_right_arithmetic3A_2060 : i32 to vector<16xi32>
    %shift_right_arithmetic3A_2062 = arith.shrsi %add3A_2059, %shift_right_arithmetic3A_2061 : vector<16xi32>
    %mul3A_2063 = arith.constant 10 : i32
    %mul3A_2064 = vector.broadcast %mul3A_2063 : i32 to vector<16xi32>
    %mul3A_2065 = arith.muli %add3A_1891, %mul3A_2064 : vector<16xi32>
    %add3A_2066 = arith.constant 9 : i32
    %add3A_2067 = vector.broadcast %add3A_2066 : i32 to vector<16xi32>
    %add3A_2068 = arith.addi %mul3A_2065, %add3A_2067 : vector<16xi32>
    %and3A_2069 = arith.constant 127 : i32
    %and3A_2070 = vector.broadcast %and3A_2069 : i32 to vector<16xi32>
    %and3A_2071 = arith.andi %add3A_2068, %and3A_2070 : vector<16xi32>
    %broadcast_in_dim3A_2072 = arith.constant 0.000000e+00 : f32
    %broadcast_in_dim3A_2073 = vector.broadcast %broadcast_in_dim3A_2072 : f32 to vector<16xf32>
    %broadcast_in_dim3A_2074 = arith.constant 0.000000e+00 : f32
    %broadcast_in_dim3A_2075 = vector.broadcast %broadcast_in_dim3A_2074 : f32 to vector<16xf32>
    %broadcast_in_dim3A_2076 = arith.constant 0.000000e+00 : f32
    %broadcast_in_dim3A_2077 = vector.broadcast %broadcast_in_dim3A_2076 : f32 to vector<16xf32>
    %broadcast_in_dim3A_2078 = arith.constant 0.000000e+00 : f32
    %broadcast_in_dim3A_2079 = vector.broadcast %broadcast_in_dim3A_2078 : f32 to vector<16xf32>
    %broadcast_in_dim3A_2080 = arith.constant 0.000000e+00 : f32
    %broadcast_in_dim3A_2081 = vector.broadcast %broadcast_in_dim3A_2080 : f32 to vector<16xf32>
    %broadcast_in_dim3A_2082 = arith.constant 0.000000e+00 : f32
    %broadcast_in_dim3A_2083 = vector.broadcast %broadcast_in_dim3A_2082 : f32 to vector<16xf32>
    %broadcast_in_dim3A_2084 = arith.constant 0.000000e+00 : f32
    %broadcast_in_dim3A_2085 = vector.broadcast %broadcast_in_dim3A_2084 : f32 to vector<16xf32>
    %broadcast_in_dim3A_2086 = arith.constant 0.000000e+00 : f32
    %broadcast_in_dim3A_2087 = vector.broadcast %broadcast_in_dim3A_2086 : f32 to vector<16xf32>
    %broadcast_in_dim3A_2088 = arith.constant 0.000000e+00 : f32
    %broadcast_in_dim3A_2089 = vector.broadcast %broadcast_in_dim3A_2088 : f32 to vector<16xf32>
    %broadcast_in_dim3A_2090 = arith.constant 0.000000e+00 : f32
    %broadcast_in_dim3A_2091 = vector.broadcast %broadcast_in_dim3A_2090 : f32 to vector<16xf32>
    %broadcast_in_dim3A_2092 = arith.constant 0.000000e+00 : f32
    %broadcast_in_dim3A_2093 = vector.broadcast %broadcast_in_dim3A_2092 : f32 to vector<16xf32>
    %scan3A_2094 = arith.constant 0 : i32
    %scan3A_2095 = arith.constant 32 : i32
    %scan3A_2096 = arith.addi %scan3A_2094, %scan3A_2095 : i32
    %scan3A_2097 = arith.constant 1 : i32
    %scan3A_2098:11 = scf.for %scan3A_2122 = %scan3A_2094 to %scan3A_2096 step %scan3A_2097 iter_args(%scan3A_2123 = %broadcast_in_dim3A_2073, %scan3A_2124 = %broadcast_in_dim3A_2075, %scan3A_2125 = %broadcast_in_dim3A_2077, %scan3A_2126 = %broadcast_in_dim3A_2079, %scan3A_2127 = %broadcast_in_dim3A_2081, %scan3A_2128 = %broadcast_in_dim3A_2083, %scan3A_2129 = %broadcast_in_dim3A_2085, %scan3A_2130 = %broadcast_in_dim3A_2087, %scan3A_2131 = %broadcast_in_dim3A_2089, %scan3A_2132 = %broadcast_in_dim3A_2091, %scan3A_2133 = %broadcast_in_dim3A_2093) -> (vector<16xf32>, vector<16xf32>, vector<16xf32>, vector<16xf32>, vector<16xf32>, vector<16xf32>, vector<16xf32>, vector<16xf32>, vector<16xf32>, vector<16xf32>, vector<16xf32>)  : i32 {
      %broadcast_in_dim3A_2134 = vector.broadcast %scan3A_2122 : i32 to vector<16xi32>
      %gather3A = tpu.vector_load_idx %arg11[%add3A_1891, %broadcast_in_dim3A_2134] : memref<128x32xf32, #tpu.memory_space<vmem>>[vector<16xi32>, vector<16xi32>], vector<16xf32>,
      %gather3A_2135 = tpu.vector_load_idx %arg12[%add3A_1891, %broadcast_in_dim3A_2134] : memref<128x32xf32, #tpu.memory_space<vmem>>[vector<16xi32>, vector<16xi32>], vector<16xf32>,
      %mul3A_2136 = arith.mulf %gather3A, %gather3A_2135 : vector<16xf32>
      %add3A_2137 = arith.addf %scan3A_2123, %mul3A_2136 : vector<16xf32>
      %gather3A_2138 = tpu.vector_load_idx %arg13[%shift_right_arithmetic3A_1900, %and3A_1909, %broadcast_in_dim3A_2134] : memref<10x128x32xf32, #tpu.memory_space<vmem>>[vector<16xi32>, vector<16xi32>, vector<16xi32>], vector<16xf32>,
      %mul3A_2139 = arith.mulf %gather3A, %gather3A_2138 : vector<16xf32>
      %add3A_2140 = arith.addf %scan3A_2124, %mul3A_2139 : vector<16xf32>
      %gather3A_2141 = tpu.vector_load_idx %arg13[%shift_right_arithmetic3A_1918, %and3A_1927, %broadcast_in_dim3A_2134] : memref<10x128x32xf32, #tpu.memory_space<vmem>>[vector<16xi32>, vector<16xi32>, vector<16xi32>], vector<16xf32>,
      %mul3A_2142 = arith.mulf %gather3A, %gather3A_2141 : vector<16xf32>
      %add3A_2143 = arith.addf %scan3A_2125, %mul3A_2142 : vector<16xf32>
      %gather3A_2144 = tpu.vector_load_idx %arg13[%shift_right_arithmetic3A_1936, %and3A_1945, %broadcast_in_dim3A_2134] : memref<10x128x32xf32, #tpu.memory_space<vmem>>[vector<16xi32>, vector<16xi32>, vector<16xi32>], vector<16xf32>,
      %mul3A_2145 = arith.mulf %gather3A, %gather3A_2144 : vector<16xf32>
      %add3A_2146 = arith.addf %scan3A_2126, %mul3A_2145 : vector<16xf32>
      %gather3A_2147 = tpu.vector_load_idx %arg13[%shift_right_arithmetic3A_1954, %and3A_1963, %broadcast_in_dim3A_2134] : memref<10x128x32xf32, #tpu.memory_space<vmem>>[vector<16xi32>, vector<16xi32>, vector<16xi32>], vector<16xf32>,
      %mul3A_2148 = arith.mulf %gather3A, %gather3A_2147 : vector<16xf32>
      %add3A_2149 = arith.addf %scan3A_2127, %mul3A_2148 : vector<16xf32>
      %gather3A_2150 = tpu.vector_load_idx %arg13[%shift_right_arithmetic3A_1972, %and3A_1981, %broadcast_in_dim3A_2134] : memref<10x128x32xf32, #tpu.memory_space<vmem>>[vector<16xi32>, vector<16xi32>, vector<16xi32>], vector<16xf32>,
      %mul3A_2151 = arith.mulf %gather3A, %gather3A_2150 : vector<16xf32>
      %add3A_2152 = arith.addf %scan3A_2128, %mul3A_2151 : vector<16xf32>
      %gather3A_2153 = tpu.vector_load_idx %arg13[%shift_right_arithmetic3A_1990, %and3A_1999, %broadcast_in_dim3A_2134] : memref<10x128x32xf32, #tpu.memory_space<vmem>>[vector<16xi32>, vector<16xi32>, vector<16xi32>], vector<16xf32>,
      %mul3A_2154 = arith.mulf %gather3A, %gather3A_2153 : vector<16xf32>
      %add3A_2155 = arith.addf %scan3A_2129, %mul3A_2154 : vector<16xf32>
      %gather3A_2156 = tpu.vector_load_idx %arg13[%shift_right_arithmetic3A_2008, %and3A_2017, %broadcast_in_dim3A_2134] : memref<10x128x32xf32, #tpu.memory_space<vmem>>[vector<16xi32>, vector<16xi32>, vector<16xi32>], vector<16xf32>,
      %mul3A_2157 = arith.mulf %gather3A, %gather3A_2156 : vector<16xf32>
      %add3A_2158 = arith.addf %scan3A_2130, %mul3A_2157 : vector<16xf32>
      %gather3A_2159 = tpu.vector_load_idx %arg13[%shift_right_arithmetic3A_2026, %and3A_2035, %broadcast_in_dim3A_2134] : memref<10x128x32xf32, #tpu.memory_space<vmem>>[vector<16xi32>, vector<16xi32>, vector<16xi32>], vector<16xf32>,
      %mul3A_2160 = arith.mulf %gather3A, %gather3A_2159 : vector<16xf32>
      %add3A_2161 = arith.addf %scan3A_2131, %mul3A_2160 : vector<16xf32>
      %gather3A_2162 = tpu.vector_load_idx %arg13[%shift_right_arithmetic3A_2044, %and3A_2053, %broadcast_in_dim3A_2134] : memref<10x128x32xf32, #tpu.memory_space<vmem>>[vector<16xi32>, vector<16xi32>, vector<16xi32>], vector<16xf32>,
      %mul3A_2163 = arith.mulf %gather3A, %gather3A_2162 : vector<16xf32>
      %add3A_2164 = arith.addf %scan3A_2132, %mul3A_2163 : vector<16xf32>
      %gather3A_2165 = tpu.vector_load_idx %arg13[%shift_right_arithmetic3A_2062, %and3A_2071, %broadcast_in_dim3A_2134] : memref<10x128x32xf32, #tpu.memory_space<vmem>>[vector<16xi32>, vector<16xi32>, vector<16xi32>], vector<16xf32>,
      %mul3A_2166 = arith.mulf %gather3A, %gather3A_2165 : vector<16xf32>
      %add3A_2167 = arith.addf %scan3A_2133, %mul3A_2166 : vector<16xf32>
      scf.yield %add3A_2137, %add3A_2140, %add3A_2143, %add3A_2146, %add3A_2149, %add3A_2152, %add3A_2155, %add3A_2158, %add3A_2161, %add3A_2164, %add3A_2167 : vector<16xf32>, vector<16xf32>, vector<16xf32>, vector<16xf32>, vector<16xf32>, vector<16xf32>, vector<16xf32>, vector<16xf32>, vector<16xf32>, vector<16xf32>, vector<16xf32>
    }
    %scan3A_2099 = arith.constant 32 : i32
    %broadcast_in_dim3A_2100 = arith.constant 0 : i32
    %broadcast_in_dim3A_2101 = vector.broadcast %broadcast_in_dim3A_2100 : i32 to vector<16xi32>
    tpu.vector_store_idx %arg14[%add3A_1891, %broadcast_in_dim3A_2101], %scan3A_2098#0 : memref<128x11xf32, #tpu.memory_space<vmem>>[vector<16xi32>, vector<16xi32>], vector<16xf32>,
    %broadcast_in_dim3A_2102 = arith.constant 1 : i32
    %broadcast_in_dim3A_2103 = vector.broadcast %broadcast_in_dim3A_2102 : i32 to vector<16xi32>
    tpu.vector_store_idx %arg14[%add3A_1891, %broadcast_in_dim3A_2103], %scan3A_2098#1 : memref<128x11xf32, #tpu.memory_space<vmem>>[vector<16xi32>, vector<16xi32>], vector<16xf32>,
    %broadcast_in_dim3A_2104 = arith.constant 2 : i32
    %broadcast_in_dim3A_2105 = vector.broadcast %broadcast_in_dim3A_2104 : i32 to vector<16xi32>
    tpu.vector_store_idx %arg14[%add3A_1891, %broadcast_in_dim3A_2105], %scan3A_2098#2 : memref<128x11xf32, #tpu.memory_space<vmem>>[vector<16xi32>, vector<16xi32>], vector<16xf32>,
    %broadcast_in_dim3A_2106 = arith.constant 3 : i32
    %broadcast_in_dim3A_2107 = vector.broadcast %broadcast_in_dim3A_2106 : i32 to vector<16xi32>
    tpu.vector_store_idx %arg14[%add3A_1891, %broadcast_in_dim3A_2107], %scan3A_2098#3 : memref<128x11xf32, #tpu.memory_space<vmem>>[vector<16xi32>, vector<16xi32>], vector<16xf32>,
    %broadcast_in_dim3A_2108 = arith.constant 4 : i32
    %broadcast_in_dim3A_2109 = vector.broadcast %broadcast_in_dim3A_2108 : i32 to vector<16xi32>
    tpu.vector_store_idx %arg14[%add3A_1891, %broadcast_in_dim3A_2109], %scan3A_2098#4 : memref<128x11xf32, #tpu.memory_space<vmem>>[vector<16xi32>, vector<16xi32>], vector<16xf32>,
    %broadcast_in_dim3A_2110 = arith.constant 5 : i32
    %broadcast_in_dim3A_2111 = vector.broadcast %broadcast_in_dim3A_2110 : i32 to vector<16xi32>
    tpu.vector_store_idx %arg14[%add3A_1891, %broadcast_in_dim3A_2111], %scan3A_2098#5 : memref<128x11xf32, #tpu.memory_space<vmem>>[vector<16xi32>, vector<16xi32>], vector<16xf32>,
    %broadcast_in_dim3A_2112 = arith.constant 6 : i32
    %broadcast_in_dim3A_2113 = vector.broadcast %broadcast_in_dim3A_2112 : i32 to vector<16xi32>
    tpu.vector_store_idx %arg14[%add3A_1891, %broadcast_in_dim3A_2113], %scan3A_2098#6 : memref<128x11xf32, #tpu.memory_space<vmem>>[vector<16xi32>, vector<16xi32>], vector<16xf32>,
    %broadcast_in_dim3A_2114 = arith.constant 7 : i32
    %broadcast_in_dim3A_2115 = vector.broadcast %broadcast_in_dim3A_2114 : i32 to vector<16xi32>
    tpu.vector_store_idx %arg14[%add3A_1891, %broadcast_in_dim3A_2115], %scan3A_2098#7 : memref<128x11xf32, #tpu.memory_space<vmem>>[vector<16xi32>, vector<16xi32>], vector<16xf32>,
    %broadcast_in_dim3A_2116 = arith.constant 8 : i32
    %broadcast_in_dim3A_2117 = vector.broadcast %broadcast_in_dim3A_2116 : i32 to vector<16xi32>
    tpu.vector_store_idx %arg14[%add3A_1891, %broadcast_in_dim3A_2117], %scan3A_2098#8 : memref<128x11xf32, #tpu.memory_space<vmem>>[vector<16xi32>, vector<16xi32>], vector<16xf32>,
    %broadcast_in_dim3A_2118 = arith.constant 9 : i32
    %broadcast_in_dim3A_2119 = vector.broadcast %broadcast_in_dim3A_2118 : i32 to vector<16xi32>
    tpu.vector_store_idx %arg14[%add3A_1891, %broadcast_in_dim3A_2119], %scan3A_2098#9 : memref<128x11xf32, #tpu.memory_space<vmem>>[vector<16xi32>, vector<16xi32>], vector<16xf32>,
    %broadcast_in_dim3A_2120 = arith.constant 10 : i32
    %broadcast_in_dim3A_2121 = vector.broadcast %broadcast_in_dim3A_2120 : i32 to vector<16xi32>
    tpu.vector_store_idx %arg14[%add3A_1891, %broadcast_in_dim3A_2121], %scan3A_2098#10 : memref<128x11xf32, #tpu.memory_space<vmem>>[vector<16xi32>, vector<16xi32>], vector<16xf32>,
    "tpu.region"() ({
      %run_scoped3A = tpu.sem_alloc : memref<!tpu.dma_semaphore, #tpu.memory_space<semaphore_mem>>
      %dma_start3A_2122 = arith.constant 0 : i32
      %dma_start3A_2123 = tpu.memref_slice %arg7[%mul3A_2, %dma_start3A_2122] : memref<4096x11xf32, #tpu.memory_space<hbm>> -> memref<128x11xf32, #tpu.memory_space<hbm>>
      %dma_start3A_2124 = arith.constant 0 : i32
      %dma_start3A_2125 = tpu.memref_slice %arg7[%mul3A_2, %dma_start3A_2124] : memref<4096x11xf32, #tpu.memory_space<hbm>> -> memref<128x11xf32, #tpu.memory_space<hbm>>
      tpu.enqueue_dma source(%arg14 : memref<128x11xf32, #tpu.memory_space<vmem>>) target(%dma_start3A_2125 : memref<128x11xf32, #tpu.memory_space<hbm>>) target_semaphore(%run_scoped3A : memref<!tpu.dma_semaphore, #tpu.memory_space<semaphore_mem>>)
      %dma_wait3A_2126 = arith.constant 0 : i32
      %dma_wait3A_2127 = tpu.memref_slice %arg7[%mul3A_2, %dma_wait3A_2126] : memref<4096x11xf32, #tpu.memory_space<hbm>> -> memref<128x11xf32, #tpu.memory_space<hbm>>
      %dma_wait3A_2128 = arith.constant 0 : i32
      %dma_wait3A_2129 = tpu.memref_slice %arg7[%mul3A_2, %dma_wait3A_2128] : memref<4096x11xf32, #tpu.memory_space<hbm>> -> memref<128x11xf32, #tpu.memory_space<hbm>>
      tpu.wait_dma2 semaphore(%run_scoped3A : memref<!tpu.dma_semaphore, #tpu.memory_space<semaphore_mem>>) src(%arg14 : memref<128x11xf32, #tpu.memory_space<vmem>>) dst(%dma_wait3A_2129 : memref<128x11xf32, #tpu.memory_space<hbm>>)
      tpu.yield
    }) : () -> ()
    return
  }
}

</mosaic_0001>

<sc_bundles>
// kernel: kernel.3.cloned.1.call-start
scs
__scs_entry_jumppad:
0x0: {  	(pc) =	sbr.rel $0x88, $3  }
0x1: {  	(tag) =	ssettag $0x0;
	lr =	simm.s32 $0x1  }
0x2: {  	[smem:$0x3F9C] =	sst lr;
	_ =	strace $0xD0000000  }
0x3: {  	_ = 	snop  }
0x4: {  	_ = 	snop  }
0x5: {  	_ = 	snop  }
0x6: {  	_ = 	snop  }
0x7: {  	_ = 	snop  }
__scs_overlays_trampoline_lowered:
0x8: {  	[smem:$0x3FAB] =	sst s0  }
0x9: {  	[smem:$0x3FAC] =	sst s1  }
0xa: {  	[smem:$0x3FAD] =	sst s2  }
0xb: {  	[smem:$0x3FAE] =	sst s3  }
0xc: {  	[smem:$0x3FAF] =	sst s4  }
0xd: {  	[smem:$0x3FB0] =	sst s5  }
0xe: {  	[smem:$0x3FB1] =	sst s6  }
0xf: {  	[smem:$0x3FB2] =	sst s7  }
0x10: {  	[smem:$0x3FB3] =	sst s8  }
0x11: {  	[smem:$0x3FB4] =	sst s9;
	s0 =	simm.s32 @!p0 $0x0  }
0x12: {  	s1 =	sld [smem:$0x3F9A];
	s0 =	simm.s32 @p0 $0x1  }
0x13: {  	[smem:$0x3FB5] =	sst s0;
	s0 =	simm.s32 @!p1 $0x0  }
0x14: {  	s2 =	sld [smem:$0x3F99];
	s0 =	simm.s32 @p1 $0x1  }
0x15: {  	[smem:$0x3FB6] =	sst s0;
	s0 =	simm.s32 @!p2 $0x0  }
0x16: {  	s3 =	sld [smem:$0x3FDB];
	s0 =	simm.s32 @p2 $0x1  }
0x17: {  	s4 =	simm.s32 $0x1BF5;
	[smem:$0x3FB8] =	sst s0  }
0x18: {  	s0 =	sld [smem:$0x3F9B];
	_ =	swait.ge [sflag:s4], $0x0  }
0x19: {  	s7 =	sld [smem:$0x3F9C]  }
0x1a: {  	s8 =	sadd.s32 $0xFFFFE003, lr  }
0x1b: {  	s9 =	sadd.s32 $0xFFFFFEF7, lr;
	s5 =	simm.s32 $0xFFFFFFFF;
	p2 =	slt.u32 s8, $0xFFFFF086  }
0x1c: {  	p1 =	slt.u32 s9, $0xF7A;
	s5 =	simm.s32 @!p2 $0x0  }
0x1d: {  	s5 =	simm.s32 @p1 $0x1;
	p0 =	seq.s32 s7, s2  }
0x1e: {  	s7 =	smul.u32 @!p0 $0xF7A, s2;
	p2 =	seq.s32 @!p0 s5, $0x0  }
0x1f: {  	s9 =	smul.u32 $0xF7A, s1;
	s8 =	simm.s32 @!p0 $0x1BF5;
	p2 =	por !p2, p0  }
0x20: {  	[sflag:s8] =	ssyncset.s32 @!p0 $0xFFFFF086;
	s6 =	sadd.s32 @!p0 s3, s7;
	s7 =	simm.s32 @!p0 $0x108  }
0x21: {  	s3 =	sadd.s32 s3, s9;
	s6 =	sadd.s32 @!p0 $0x88, s6;
	s7 =	simm.s32 @p2 $0x1082  }
0x22: {  	[simem:s7], [sflag:s8] =	dma.local @!p0 [hbm:s6], $0xF7A  }
0x23: {  	s9 =	sor.u32 $0xD0000000, s2;
	s6 =	simm.s32 $0x108;
	_ =	swait.ge @!p0 [sflag:s8], $0x0  }
0x24: {  	s3 =	sadd.s32 $0x88, s3;
	s6 =	simm.s32 @!p1 $0x1082;
	[sflag:s4] =	ssyncset.s32 $0xFFFFF086  }
0x25: {  	[simem:s6], [sflag:s4] =	dma.local [hbm:s3], $0xF7A  }
0x26: {  	[smem:$0x3F9C] =	sst s1;
	(tag) =	ssettag s2;
	_ =	strace s9  }
0x27: {  	s1 =	sld [smem:$0x3FAC]  }
0x28: {  	s2 =	sld [smem:$0x3FAD]  }
0x29: {  	s4 =	sld [smem:$0x3FAF]  }
0x2a: {  	p0 =	seq.s32 s5, $0x0;
	s5 =	sld [smem:$0x3FB0]  }
0x2b: {  	s6 =	sld [smem:$0x3FB1]  }
0x2c: {  	s7 =	sld [smem:$0x3FB2]  }
0x2d: {  	s3 =	simm.s32 $0x108;
	s8 =	sld [smem:$0x3FB3]  }
0x2e: {  	s3 =	simm.s32 @!p0 $0x1082;
	s9 =	sld [smem:$0x3FB4]  }
0x2f: {  	lr =	sadd.s32 s0, s3;
	s0 =	sld [smem:$0x3FAB]  }
0x30: {  	s3 =	sld [smem:$0x3FAE]  }
0x31: {  	[smem:$0x3FB7] =	sst s10  }
0x32: {  	s10 =	sld [smem:$0x3FB5];
	_ =	sdelay $0x3  }
0x33: {  	p0 =	seq.s32 s10, $0x1;
	s10 =	sld [smem:$0x3FB7];
	_ =	sdelay $0x3  }
0x34: {  	[smem:$0x3FB7] =	sst s10  }
0x35: {  	s10 =	sld [smem:$0x3FB6];
	_ =	sdelay $0x3  }
0x36: {  	p1 =	seq.s32 s10, $0x1;
	s10 =	sld [smem:$0x3FB7];
	_ =	sdelay $0x3  }
0x37: {  	[smem:$0x3FB7] =	sst s10  }
0x38: {  	s10 =	sld [smem:$0x3FB8]  }
0x39: {  	_ = 	snop;
	(pc) =	sbr.ind lr, $3  }
0x3a: {  	_ = 	snop  }
0x3b: {  	_ = 	snop  }
0x3c: {  	p2 =	seq.s32 s10, $0x1;
	s10 =	sld [smem:$0x3FB7]  }
0x3d: {  	_ =	shalt  }
0x3e: {  	_ =	shalt  }
0x3f: {  	_ =	shalt  }
0x40: {  	_ =	shalt  }
0x41: {  	_ =	shalt  }
0x42: {  	_ =	shalt  }
0x43: {  	_ =	shalt  }
0x44: {  	_ =	shalt  }
0x45: {  	_ =	shalt  }
0x46: {  	_ =	shalt  }
0x47: {  	_ =	shalt  }
0x48: {  	_ =	shalt  }
0x49: {  	_ =	shalt  }
0x4a: {  	_ =	shalt  }
0x4b: {  	_ =	shalt  }
0x4c: {  	_ =	shalt  }
0x4d: {  	_ =	shalt  }
0x4e: {  	_ =	shalt  }
0x4f: {  	_ =	shalt  }
0x50: {  	_ =	shalt  }
0x51: {  	_ =	shalt  }
0x52: {  	_ =	shalt  }
0x53: {  	_ =	shalt  }
0x54: {  	_ =	shalt  }
0x55: {  	_ =	shalt  }
0x56: {  	_ =	shalt  }
0x57: {  	_ =	shalt  }
0x58: {  	_ =	shalt  }
0x59: {  	_ =	shalt  }
0x5a: {  	_ =	shalt  }
0x5b: {  	_ =	shalt  }
0x5c: {  	_ =	shalt  }
0x5d: {  	_ =	shalt  }
0x5e: {  	_ =	shalt  }
0x5f: {  	_ =	shalt  }
0x60: {  	_ =	shalt  }
0x61: {  	_ =	shalt  }
0x62: {  	_ =	shalt  }
0x63: {  	_ =	shalt  }
0x64: {  	_ =	shalt  }
0x65: {  	_ =	shalt  }
0x66: {  	_ =	shalt  }
0x67: {  	_ =	shalt  }
0x68: {  	_ =	shalt  }
0x69: {  	_ =	shalt  }
0x6a: {  	_ =	shalt  }
0x6b: {  	_ =	shalt  }
0x6c: {  	_ =	shalt  }
0x6d: {  	_ =	shalt  }
0x6e: {  	_ =	shalt  }
0x6f: {  	_ =	shalt  }
0x70: {  	_ =	shalt  }
0x71: {  	_ =	shalt  }
0x72: {  	_ =	shalt  }
0x73: {  	_ =	shalt  }
0x74: {  	_ =	shalt  }
0x75: {  	_ =	shalt  }
0x76: {  	_ =	shalt  }
0x77: {  	_ =	shalt  }
0x78: {  	_ =	shalt  }
0x79: {  	_ =	shalt  }
0x7a: {  	_ =	shalt  }
0x7b: {  	_ =	shalt  }
0x7c: {  	_ =	shalt  }
0x7d: {  	_ =	shalt  }
0x7e: {  	_ =	shalt  }
0x7f: {  	_ =	shalt  }
0x80: {  	_ =	shalt  }
0x81: {  	_ =	shalt  }
0x82: {  	_ =	shalt  }
0x83: {  	_ =	shalt  }
0x84: {  	_ =	shalt  }
0x85: {  	_ =	shalt  }
0x86: {  	_ =	shalt  }
0x87: {  	_ =	shalt  }
.Lfunc_end0:
.L_simem_size_0:
called_computation_lowered:
.L_overlay_start_0:
0x88: {  	s2 =	sld [smem:$0x3FD9]  }
0x89: {  	s3 =	sld [smem:$0x3FFE];
	_ =	sdelay $0x1  }
0x8a: {  	s1 =	srdreg.scid  }
0x8b: {  	s0 =	sand.u32 $0x1, s1  }
0x8c: {  	s17 =	sshll.u32 s0, $0xA;
	s2 =	sadd.s32 s3, s2  }
0x8d: {  	s2 =	sadd.s32 s2, s17  }
0x8e: {  	[smem:$0x3FC3] =	sst s2  }
0x8f: {  	_ = 	snop  }
0x90: {  	s2 =	sld [smem:$0x3FC9]  }
0x91: {  	s18 =	sld [smem:$0x3FC8]  }
0x92: {  	s4 =	sld [smem:$0x3FD0];
	(tm) =	ssettm $0x1  }
0x93: {  	s5 =	sld [smem:$0x3FFB];
	_ =	sdelay $0x3  }
0x94: {  	_ =	strace s5  }
0x95: {  	s5 =	sld [smem:$0x3FFC];
	_ =	sdelay $0x3  }
0x96: {  	_ =	strace s5  }
0x97: {  	s5 =	sld [smem:$0x3FFD];
	_ =	sdelay $0x3  }
0x98: {  	_ =	strace s5  }
0x99: {  	_ =	strace $0x8FFFFFFF  }
0x9a: {  	s19 =	sld [smem:$0x3FDB];
	_ =	sdelay $0x1  }
0x9b: {  	s6 =	simm.s32 $_scs_section_size  }
0x9c: {  	s7 =	simm.s32 $_size__tile_overlayer_lowered;
	s8 =	simm.s32 $_tile_overlayer_lowered  }
0x9d: {  	s22 =	simm.s32 $0x1BFF;
	s21 =	sshll.u32 s8, $0x1;
	s5 =	sadd.s32 s6, s19  }
0x9e: {  	s9 =	simm.s32 $0x0;
	s20 =	sshll.u32 s7, $0x1;
	s7 =	sadd.s32 s21, s5  }
0x9f: {  	[timem:s9], [sflag:s22] =	dma.local [hbm:s7], s20  }
0xa0: {  	_ =	swait.ge [sflag:s22], s20  }
0xa1: {  	s6 =	ssub.s32 $0x0, s20;
	[sflag:s22] =	ssyncset.done $0x0  }
0xa2: {  	[sflag:s22] =	ssyncadd.s32 s6;
	_ =	sdelay $0x1  }
0xa3: {  	s23 =	simm.s32 $0x1B8B  }
0xa4: {  	_ =	swait.ge [sflag:s23], $0x1  }
0xa5: {  	[sflag:s23] =	ssyncset.done $0x0  }
0xa6: {  	s25 =	simm.s32 $0x1B8E;
	s24 =	sld [smem:$0x3FFE];
	[sflag:s23] =	ssyncadd.s32 $0xFFFFFFFF  }
0xa7: {  	s26 =	simm.s32 $execute0_lowered;
	[smem:$0x3FD2] =	sst s25  }
0xa8: {  	s7 =	sshll.u32 s26, $0x1;
	_ =	strace $0x80000046;
	[dreg:$0x1] =	wrdreg $0xFFFFFFFF  }
0xa9: {  	s28 =	simm.s32 $_size_execute0_lowered;
	s5 =	sadd.s32 s5, s7;
	[dreg:$0x0] =	wrdreg $0x0  }
0xaa: {  	s7 =	sshll.u32 s28, $0x1;
	[dreg:$0x2] =	wrdreg s5  }
0xab: {  	[dreg:$0x3] =	wrdreg s7  }
0xac: {  	[dreg:$0x4] =	wrdreg $0xC0  }
0xad: {  	_ =	task [dreg:s9], $0x5FFFF  }
0xae: {  	[dreg:$0x1] =	wrdreg $0xFFFFFFFF  }
0xaf: {  	[dreg:$0x0] =	wrdreg $0x60  }
0xb0: {  	[dreg:$0x2] =	wrdreg s2  }
0xb1: {  	[dreg:$0x3] =	wrdreg s18  }
0xb2: {  	[dreg:$0x4] =	wrdreg s24  }
0xb3: {  	[dreg:$0x5] =	wrdreg s4  }
0xb4: {  	[dreg:$0x6] =	wrdreg $0x9  }
0xb5: {  	_ =	task.clear_ibuf [dreg:s9], $0x7FFFF;
	_ =	strace $0x90000046  }
0xb6: {  	s29 =	simm.s32 $0x9;
	_ =	strace $0x80000048  }
0xb7: {  	_ =	swait.ge [sflag:s29], $0x1  }
0xb8: {  	[sflag:s29] =	ssyncadd.s32 $0xFFFFFFFF  }
0xb9: {  	_ =	strace $0x90000048  }
0xba: {  	_ =	sfence  }
0xbb: {  	s30 =	sld [smem:$0x0];
	_ =	sdelay $0x2  }
0xbc: {  	s31 =	sshll.u32 s1, $0xD;
	s1 =	sshrl.u32 s1, $0x2  }
0xbd: {  	s3 =	sand.u32 $0x4000, s31;
	s1 =	sadd.s32 s1, s30  }
0xbe: {  	s0 =	sor.u32 s3, s0;
	s1 =	sshll.u32 s1, $0x11  }
0xbf: {  	s0 =	sor.u32 s1, s0  }
0xc0: {  	s0 =	sadd.s32 $0x8F2B, s0  }
0xc1: {  	[sflag:s0] =	ssyncadd.remote.s32 $0x1  }
0xc2: {  	_ =	sfence.sel $0xFFFF  }
0xc3: {  	[dreg:$0x0] =	wrdreg $0xFFFFFFFF;
	(pc) =	sbr.abs _section_cstart, $3  }
0xc4: {  	[dreg:$0x1] =	wrdreg $0xFFFFFFFF  }
0xc5: {  	_ =	task.clear_ibuf [dreg:s9], $0x2FFFF;
	_ =	strace $0x9FFFFFFF  }
0xc6: {  	(tm) =	ssettm $0x7FFFFFFF  }
0xc7: {  	_ =	shalt  }
tec
execute0_lowered:
.L_overlay_start_1:
0x0: {  	(tag) =	ssettag $0x1  }
0x1: {  	v2 =	vlaneseq.u32  }
0x2: {  	v1 =	vmul.u32 $0x10, v2;
	_ =	sdelay $0x1  }
0x3: {  	v0 =	vmul.u32 $0x140, v2;
	v8 =	vmul.u32 $0x20, v2;
	v2 =	vor.u32 $0x1, v1  }
0x4: {  	s0 =	rddreg [dreg:$0x0];
	[tilespmem:$0x1FD20] =	vst v2;
	v2 =	vor.u32 $0x2, v1  }
0x5: {  	s1 =	rddreg [dreg:$0x1];
	s2 =	srdreg.scid;
	[tilespmem:$0x1FD30] =	vst v2;
	v2 =	vor.u32 $0x3, v1  }
0x6: {  	s4 =	rddreg [dreg:$0x2];
	s3 =	sand.u32 $0x1, s2;
	s2 =	simm.s32 $0x0;
	[tilespmem:$0x1FD40] =	vst v2;
	v2 =	vor.u32 $0x4, v1  }
0x7: {  	[smem:$0x7FF] =	sst s2;
	[tilespmem:$0x1FD50] =	vst v2;
	v2 =	vor.u32 $0x5, v1  }
0x8: {  	s8 =	rddreg [dreg:$0x3];
	_ =	strace $0x80000047;
	[tilespmem:$0x1FD60] =	vst v2  }
0x9: {  	[tilespmem:$0x1FEE0] =	vst v1  }
0xa: {  	v9 =	vor.u32 $0x20, v0;
	[tilespmem:$0x1FF00] =	vst v8  }
0xb: {  	v10 =	vadd.s32 $0x40, v0;
	[tilespmem:$0x1FF10] =	vst v9  }
0xc: {  	v11 =	vadd.s32 $0x60, v0;
	[tilespmem:$0x1FF20] =	vst v10  }
0xd: {  	v22 =	vadd.s32 $0x80, v0;
	[tilespmem:$0x1FF30] =	vst v11  }
0xe: {  	v23 =	vadd.s32 $0xA0, v0;
	[tilespmem:$0x1FF40] =	vst v22  }
0xf: {  	v24 =	vadd.s32 $0xC0, v0;
	[tilespmem:$0x1FF50] =	vst v23  }
0x10: {  	v25 =	vadd.s32 $0xE0, v0;
	[tilespmem:$0x1FF60] =	vst v24  }
0x11: {  	v7 =	vadd.s32 $0x100, v0;
	[tilespmem:$0x1FF70] =	vst v25  }
0x12: {  	v30 =	vadd.s32 $0x120, v0;
	[tilespmem:$0x1FF80] =	vst v7  }
0x13: {  	v27 =	vor.u32 $0x200, v8;
	[tilespmem:$0x1FF90] =	vst v30  }
0x14: {  	v31 =	vadd.s32 $0x14C0, v0;
	[tilespmem:$0x1FFA0] =	vst v27  }
0x15: {  	v44 =	vadd.s32 $0x1500, v0;
	[tilespmem:$0x1FFB0] =	vst v31  }
0x16: {  	v29 =	vadd.s32 $0x1520, v0;
	[tilespmem:$0x1FFC0] =	vst v44  }
0x17: {  	v26 =	vor.u32 $0x400, v8;
	[tilespmem:$0x1FFD0] =	vst v29  }
0x18: {  	v3 =	vadd.s32 $0x14A0, v0;
	[tilespmem:$0x1FFE0] =	vst v26  }
0x19: {  	v2 =	vor.u32 $0x6, v1;
	[tilespmem:$0x1FFF0] =	vst v3  }
0x1a: {  	[tilespmem:$0x1FD70] =	vst v2;
	v2 =	vor.u32 $0x7, v1  }
0x1b: {  	[tilespmem:$0x1FD80] =	vst v2;
	v2 =	vor.u32 $0x8, v1  }
0x1c: {  	[tilespmem:$0x1FD90] =	vst v2;
	v2 =	vor.u32 $0x9, v1  }
0x1d: {  	[tilespmem:$0x1FDA0] =	vst v2;
	v2 =	vor.u32 $0xA, v1  }
0x1e: {  	[tilespmem:$0x1FDB0] =	vst v2;
	v2 =	vadd.s32 $0x1400, v0  }
0x1f: {  	[tilespmem:$0x1FDC0] =	vst v2;
	v2 =	vadd.s32 $0x1420, v0  }
0x20: {  	[tilespmem:$0x1FDD0] =	vst v2;
	v2 =	vadd.s32 $0x1440, v0  }
0x21: {  	[tilespmem:$0x1FDE0] =	vst v2;
	v2 =	vadd.s32 $0x1460, v0  }
0x22: {  	[tilespmem:$0x1FDF0] =	vst v2;
	v2 =	vadd.s32 $0x1480, v0  }
0x23: {  	[tilespmem:$0x1FE00] =	vst v2;
	v2 =	vor.u32 $0x100, v1  }
0x24: {  	[tilespmem:$0x1FE10] =	vst v2;
	v2 =	vor.u32 $0x101, v1  }
0x25: {  	s5 =	stileid.u32;
	s11 =	simm.s32 $0x80;
	[tilespmem:$0x1FE20] =	vst v2;
	v2 =	vor.u32 $0x102, v1  }
0x26: {  	s12 =	simm.s32 $0x100;
	s13 =	simm.s32 $0x600;
	s14 =	simm.s32 $0x1600;
	[tilespmem:$0x1FE30] =	vst v2;
	v2 =	vor.u32 $0x103, v1  }
0x27: {  	s15 =	simm.s32 $0x2600;
	s22 =	simm.s32 $0x300;
	s23 =	simm.s32 $0x6600;
	[tilespmem:$0x1FE40] =	vst v2;
	v2 =	vor.u32 $0x104, v1  }
0x28: {  	s28 =	simm.s32 $0x8600;
	s29 =	simm.s32 $0x480;
	s30 =	simm.s32 $0x9600;
	[tilespmem:$0x1FE50] =	vst v2;
	v2 =	vor.u32 $0x105, v1  }
0x29: {  	s31 =	simm.s32 $0x500;
	s16 =	simm.s32 $0xB600;
	s17 =	simm.s32 $0x1;
	[tilespmem:$0x1FE60] =	vst v2;
	v2 =	vor.u32 $0x106, v1  }
0x2a: {  	s18 =	simm.s32 $0xC600;
	s19 =	simm.s32 $0x0;
	s5 =	sshll.u32 s5, $0x1;
	[tilespmem:$0x1FE70] =	vst v2;
	v2 =	vor.u32 $0x107, v1  }
0x2b: {  	s7 =	sor.u32 s3, s5;
	s6 =	ssub.s32 $0x2, s3;
	s3 =	sadd.s32 $0x1313400, s4;
	[tilespmem:$0x1FE80] =	vst v2;
	v2 =	vor.u32 $0x108, v1  }
0x2c: {  	s5 =	smul.u32 $0xA0, s7;
	s24 =	sshrl.u32 s6, $0x1;
	s25 =	sshll.u32 s7, $0x4;
	v32 =	vadd.s32 $0x14E0, v0;
	[tilespmem:$0x1FE90] =	vst v2;
	v2 =	vor.u32 $0x109, v1  }
0x2d: {  	s26 =	sshll.u32 s7, $0x8;
	v45 =	vadd.s32 $0x2800, v0;
	v46 =	vadd.s32 $0x2820, v0;
	s10 =	ssub.s32 s6, s24;
	s6 =	sadd.s32 s1, s25;
	[tilespmem:$0x1FEA0] =	vst v2;
	v2 =	vor.u32 $0x10A, v1  }
0x2e: {  	v47 =	vadd.s32 $0x2840, v0;
	v48 =	vadd.s32 $0x2860, v0;
	s8 =	sadd.s32 s8, s26;
	s24 =	simm.s32 $0x380;
	s26 =	simm.s32 $0x400;
	[tilespmem:$0x1FEB0] =	vst v2;
	v2 =	vor.u32 $0x200, v1  }
0x2f: {  	v49 =	vadd.s32 $0x2880, v0;
	s1 =	simm.s32 $0xA600;
	s9 =	sadd.s32 s5, s4;
	s4 =	sadd.s32 $0xF42A00, s4;
	[tilespmem:$0x1FEC0] =	vst v2;
	v2 =	vor.u32 $0x201, v1  }
0x30: {  	v50 =	vadd.s32 $0x28A0, v0;
	v51 =	vadd.s32 $0x28C0, v0;
	s5 =	sadd.s32 s0, s25;
	s25 =	simm.s32 $0x7600;
	s0 =	simm.s32 $0x580;
	v1 =	vor.u32 $0x202, v1;
	[tilespmem:$0x1FED0] =	vst v2  }
0x31: {  	v52 =	vadd.s32 $0x28E0, v0;
	v53 =	vadd.s32 $0x2900, v0;
	v54 =	vadd.s32 $0x2920, v0;
	s7 =	sadd.s32 $0x600, s9;
	s9 =	smax.u32 s10, $0x1;
	s10 =	simm.s32 $0x2;
	[tilespmem:$0x1FEF0] =	vst v1  }
.LBB2_1:
0x32: {  	[tilespmem:s2], [sflag:$0x2] =	stream.linear.gather [hbm4b:s5+s2], $0x80, $0x38;
	[tilespmem:$0xCE00] =	vst v63  }
0x33: {  	_ =	swait.ge [sflag:s10], $0x80  }
0x34: {  	[sflag:s10] =	ssyncset.done $0x0  }
0x35: {  	[sflag:s10] =	ssyncadd.s32 $0xFFFFFF80  }
0x36: {  	[tilespmem:s11], [sflag:$0x2] =	stream.linear.gather [hbm4b:s6+s2], $0x80, $0x38;
	[tilespmem:$0xCE00] =	vst v63  }
0x37: {  	_ =	swait.ge [sflag:s10], $0x80  }
0x38: {  	[sflag:s10] =	ssyncset.done $0x0  }
0x39: {  	[sflag:s10] =	ssyncadd.s32 $0xFFFFFF80  }
0x3a: {  	[tilespmem:s12], [sflag:$0x2] =	stream.linear.gather [hbm4b:s7+s2], $0x500, $0x38;
	[tilespmem:$0xCE00] =	vst v63  }
0x3b: {  	_ =	swait.ge [sflag:s10], $0x500  }
0x3c: {  	[sflag:s10] =	ssyncset.done $0x0  }
0x3d: {  	[sflag:s10] =	ssyncadd.s32 $0xFFFFFB00  }
0x3e: {  	[tilespmem:s13], [sflag:$0x1] =	stream.indirect.gather [hbm4b:s3+s11], $0x20, s2, s11, $0xb8;
	[tilespmem:$0xCE00] =	vst v63  }
0x3f: {  	_ = 	snop  }
0x40: {  	[tilespmem:s14], [sflag:$0x1] =	stream.indirect.gather [hbm4b:s4+s11], $0x20, s11, s11, $0xb8;
	[tilespmem:$0xCE00] =	vst v63  }
0x41: {  	_ = 	snop  }
0x42: {  	[tilespmem:s15], [sflag:$0x1] =	stream.indirect.gather [hbm4b:s4+s11], $0x20, s12, s11, $0xb8;
	[tilespmem:$0xCE00] =	vst v63  }
0x43: {  	s20 =	simm.s32 $0x180;
	s21 =	simm.s32 $0x3600  }
0x44: {  	[tilespmem:s21], [sflag:$0x1] =	stream.indirect.gather [hbm4b:s4+s11], $0x20, s20, s11, $0xb8;
	[tilespmem:$0xCE00] =	vst v63  }
0x45: {  	s20 =	simm.s32 $0x200;
	s21 =	simm.s32 $0x4600  }
0x46: {  	[tilespmem:s21], [sflag:$0x1] =	stream.indirect.gather [hbm4b:s4+s11], $0x20, s20, s11, $0xb8;
	[tilespmem:$0xCE00] =	vst v63  }
0x47: {  	s20 =	simm.s32 $0x280;
	s21 =	simm.s32 $0x5600  }
0x48: {  	[tilespmem:s21], [sflag:$0x1] =	stream.indirect.gather [hbm4b:s4+s11], $0x20, s20, s11, $0xb8;
	[tilespmem:$0xCE00] =	vst v63  }
0x49: {  	_ = 	snop  }
0x4a: {  	[tilespmem:s23], [sflag:$0x1] =	stream.indirect.gather [hbm4b:s4+s11], $0x20, s22, s11, $0xb8;
	[tilespmem:$0xCE00] =	vst v63  }
0x4b: {  	_ = 	snop  }
0x4c: {  	[tilespmem:s25], [sflag:$0x1] =	stream.indirect.gather [hbm4b:s4+s11], $0x20, s24, s11, $0xb8;
	[tilespmem:$0xCE00] =	vst v63  }
0x4d: {  	_ = 	snop  }
0x4e: {  	[tilespmem:s28], [sflag:$0x1] =	stream.indirect.gather [hbm4b:s4+s11], $0x20, s26, s11, $0xb8;
	[tilespmem:$0xCE00] =	vst v63  }
0x4f: {  	_ = 	snop  }
0x50: {  	[tilespmem:s30], [sflag:$0x1] =	stream.indirect.gather [hbm4b:s4+s11], $0x20, s29, s11, $0xb8;
	[tilespmem:$0xCE00] =	vst v63  }
0x51: {  	_ = 	snop  }
0x52: {  	[tilespmem:s1], [sflag:$0x1] =	stream.indirect.gather [hbm4b:s4+s11], $0x20, s31, s11, $0xb8;
	[tilespmem:$0xCE00] =	vst v63  }
0x53: {  	_ = 	snop  }
0x54: {  	[tilespmem:s16], [sflag:$0x1] =	stream.indirect.gather [hbm4b:s4+s11], $0x20, s0, s11, $0xb8;
	[tilespmem:$0xCE00] =	vst v63  }
0x55: {  	_ =	swait.ge [sflag:s17], $0x1000  }
0x56: {  	[sflag:s17] =	ssyncset.done $0x0  }
0x57: {  	[sflag:s17] =	ssyncadd.s32 $0xFFFFF000  }
0x58: {  	_ =	swait.ge [sflag:s17], $0x1000  }
0x59: {  	[sflag:s17] =	ssyncset.done $0x0  }
0x5a: {  	[sflag:s17] =	ssyncadd.s32 $0xFFFFF000  }
0x5b: {  	_ =	swait.ge [sflag:s17], $0x1000  }
0x5c: {  	[sflag:s17] =	ssyncset.done $0x0  }
0x5d: {  	[sflag:s17] =	ssyncadd.s32 $0xFFFFF000  }
0x5e: {  	_ =	swait.ge [sflag:s17], $0x1000  }
0x5f: {  	[sflag:s17] =	ssyncset.done $0x0  }
0x60: {  	[sflag:s17] =	ssyncadd.s32 $0xFFFFF000  }
0x61: {  	_ =	swait.ge [sflag:s17], $0x1000  }
0x62: {  	[sflag:s17] =	ssyncset.done $0x0  }
0x63: {  	[sflag:s17] =	ssyncadd.s32 $0xFFFFF000  }
0x64: {  	_ =	swait.ge [sflag:s17], $0x1000  }
0x65: {  	[sflag:s17] =	ssyncset.done $0x0  }
0x66: {  	[sflag:s17] =	ssyncadd.s32 $0xFFFFF000  }
0x67: {  	_ =	swait.ge [sflag:s17], $0x1000  }
0x68: {  	[sflag:s17] =	ssyncset.done $0x0  }
0x69: {  	[sflag:s17] =	ssyncadd.s32 $0xFFFFF000  }
0x6a: {  	_ =	swait.ge [sflag:s17], $0x1000  }
0x6b: {  	[sflag:s17] =	ssyncset.done $0x0  }
0x6c: {  	[sflag:s17] =	ssyncadd.s32 $0xFFFFF000  }
0x6d: {  	_ =	swait.ge [sflag:s17], $0x1000  }
0x6e: {  	[sflag:s17] =	ssyncset.done $0x0  }
0x6f: {  	[sflag:s17] =	ssyncadd.s32 $0xFFFFF000  }
0x70: {  	v2 =	vmov s2;
	_ =	swait.ge [sflag:s17], $0x1000  }
0x71: {  	v2 =	vand.u32 $0x1F, v2;
	[sflag:s17] =	ssyncset.done $0x0  }
0x72: {  	v2 =	vbroadcast v2, $0x0;
	[sflag:s17] =	ssyncadd.s32 $0xFFFFF000  }
0x73: {  	_ =	swait.ge [sflag:s17], $0x1000  }
0x74: {  	v31 =	vmov v3;
	v3 =	vor.u32 v8, v2;
	[sflag:s17] =	ssyncset.done $0x0  }
0x75: {  	v4 =	vor.u32 v9, v2;
	[sflag:s17] =	ssyncadd.s32 $0xFFFFF000  }
0x76: {  	v5 =	vor.u32 v0, v2;
	_ =	swait.ge [sflag:s17], $0x1000  }
0x77: {  	v6 =	vor.u32 v22, v2;
	[sflag:s17] =	ssyncset.done $0x0  }
0x78: {  	[sflag:s17] =	ssyncadd.s32 $0xFFFFF000  }
0x79: {  	v12 =	vor.u32 v23, v2;
	v43 =	vld.idx.msk [tilespmem:v3+s13+$0x0], $0xffff  }
0x7a: {  	v13 =	vor.u32 v30, v2;
	v14 =	vor.u32 v10, v2;
	s21 =	simm.s32 $0x1;
	v4 =	vld.idx.msk [tilespmem:v4+s15+$0x0], $0xffff  }
0x7b: {  	v15 =	vor.u32 v25, v2;
	v17 =	vor.u32 v11, v2;
	v16 =	vmov s21;
	v5 =	vld.idx.msk [tilespmem:v5+s15+$0x0], $0xffff  }
0x7c: {  	v19 =	vor.u32 v24, v2;
	v2 =	vor.u32 v7, v2;
	v16 =	vand.u32 $0x1F, v16;
	v6 =	vld.idx.msk [tilespmem:v6+s15+$0x0], $0xffff  }
0x7d: {  	v36 =	vbroadcast v16, $0x0;
	v3 =	vld.idx.msk [tilespmem:v3+s14+$0x0], $0xffff  }
0x7e: {  	v12 =	vld.idx.msk [tilespmem:v12+s15+$0x0], $0xffff  }
0x7f: {  	v34 =	vor.u32 v0, v36;
	v13 =	vld.idx.msk [tilespmem:v13+s15+$0x0], $0xffff  }
0x80: {  	v39 =	vor.u32 v22, v36;
	v17 =	vld.idx.msk [tilespmem:v17+s15+$0x0], $0xffff  }
0x81: {  	v58 =	vimm.f32 $0.0e+00;
	v21 =	vor.u32 v8, v36;
	v16 =	vor.u32 v9, v36;
	v2 =	vld.idx.msk [tilespmem:v2+s15+$0x0], $0xffff  }
0x82: {  	v56 =	vor.u32 v10, v36;
	v18 =	vor.u32 v11, v36;
	v20 =	vor.u32 v24, v36;
	v33 =	vld.idx.msk [tilespmem:v14+s15+$0x0], $0xffff  }
0x83: {  	v35 =	vor.u32 v25, v36;
	v40 =	vor.u32 v23, v36;
	v37 =	vld.idx.msk [tilespmem:v15+s15+$0x0], $0xffff;
	v5 =	vmul.f32 v5, v43  }
0x84: {  	v41 =	vor.u32 v30, v36;
	v55 =	vld.idx.msk [tilespmem:v34+s15+$0x0], $0xffff;
	v4 =	vmul.f32 v4, v43;
	v3 =	vmul.f32 v3, v43  }
0x85: {  	v34 =	vld.idx.msk [tilespmem:v39+s15+$0x0], $0xffff;
	v39 =	vor.u32 v7, v36;
	v6 =	vmul.f32 v6, v43;
	v57 =	vmul.f32 v17, v43  }
0x86: {  	v60 =	vld.idx.msk [tilespmem:v19+s15+$0x0], $0xffff;
	v2 =	vmul.f32 v2, v43;
	v14 =	vadd.f32 v5, v58;
	v5 =	vmul.f32 v13, v43  }
0x87: {  	s21 =	simm.s32 $0x2;
	v38 =	vld.idx.msk [tilespmem:v16+s15+$0x0], $0xffff;
	v15 =	vadd.f32 v4, v58;
	v16 =	vadd.f32 v3, v58;
	v3 =	vmul.f32 v33, v43  }
0x88: {  	v59 =	vld.idx.msk [tilespmem:v21+s13+$0x0], $0xffff;
	v4 =	vmul.f32 v12, v43;
	v12 =	vmov s21;
	v13 =	vmul.f32 v37, v43  }
0x89: {  	v42 =	vld.idx.msk [tilespmem:v21+s14+$0x0], $0xffff;
	v21 =	vadd.f32 v6, v58;
	v12 =	vand.u32 $0x1F, v12;
	v33 =	vadd.f32 v3, v58  }
0x8a: {  	v36 =	vld.idx.msk [tilespmem:v40+s15+$0x0], $0xffff;
	v37 =	vbroadcast v12, $0x0;
	v19 =	vadd.f32 v13, v58;
	v17 =	vadd.f32 v5, v58  }
0x8b: {  	v41 =	vld.idx.msk [tilespmem:v41+s15+$0x0], $0xffff;
	v13 =	vadd.f32 v57, v58;
	v12 =	vadd.f32 v4, v58;
	v3 =	vmul.f32 v60, v43  }
0x8c: {  	v27 =	vmovc v7;
	s20 =	simm.s32 $0x3;
	v56 =	vld.idx.msk [tilespmem:v56+s15+$0x0], $0xffff;
	v43 =	vimm.f32 $0.0e+00;
	v40 =	vor.u32 v8, v37;
	v57 =	vor.u32 v0, v37  }
.LBB2_2:
0x8d: {  	v4 =	vor.u32 v9, v37  }
0x8e: {  	p0 =	sne.s32 s20, $0x1F;
	v5 =	vor.u32 v10, v37;
	v6 =	vmul.f32 v55, v59;
	v60 =	vld.idx.msk [tilespmem:v35+s15+$0x0], $0xffff;
	v61 =	vmov v59;
	s21 =	smov.u32 s20;
	s20 =	sadd.s32 $0x1, s20  }
0x8f: {  	v62 =	vor.u32 v22, v37;
	v58 =	vadd.f32 v2, v58;
	v63 =	vld.idx.msk [tilespmem:v18+s15+$0x0], $0xffff;
	v18 =	vor.u32 v11, v37  }
0x90: {  	v35 =	vor.u32 v25, v37;
	v43 =	vadd.f32 v3, v43;
	v1 =	vld.idx.msk [tilespmem:v20+s15+$0x0], $0xffff;
	v20 =	vor.u32 v24, v37  }
0x91: {  	v2 =	vor.u32 v23, v37;
	v3 =	vmul.f32 v38, v61;
	v7 =	vld.idx.msk [tilespmem:v39+s15+$0x0], $0xffff;
	v39 =	vor.u32 v27, v37  }
0x92: {  	v42 =	vmul.f32 v42, v61;
	v14 =	vadd.f32 v6, v14;
	v6 =	vmul.f32 v41, v61;
	v59 =	vld.idx.msk [tilespmem:v40+s13+$0x0], $0xffff  }
0x93: {  	v15 =	vadd.f32 v3, v15;
	v3 =	vmul.f32 v36, v61;
	v38 =	vld.idx.msk [tilespmem:v4+s15+$0x0], $0xffff;
	v4 =	vor.u32 v30, v37  }
0x94: {  	v16 =	vadd.f32 v42, v16;
	v36 =	vmul.f32 v56, v61;
	v37 =	vmul.f32 v34, v61;
	v55 =	vld.idx.msk [tilespmem:v57+s15+$0x0], $0xffff  }
.Ltmp0:
0x95: {  	v41 =	vmov s21;
	v56 =	vmul.f32 v63, v61;
	v57 =	vmul.f32 v60, v61;
	v34 =	vld.idx.msk [tilespmem:v62+s15+$0x0], $0xffff;
	(pc) =	sbr.rel @p0 .LBB2_2-.Ltmp0, $4  }
0x96: {  	v41 =	vand.u32 $0x1F, v41;
	v33 =	vadd.f32 v36, v33;
	v21 =	vadd.f32 v37, v21;
	v42 =	vld.idx.msk [tilespmem:v40+s14+$0x0], $0xffff  }
0x97: {  	v17 =	vadd.f32 v6, v17;
	v37 =	vbroadcast v41, $0x0;
	v19 =	vadd.f32 v57, v19;
	v36 =	vld.idx.msk [tilespmem:v2+s15+$0x0], $0xffff  }
0x98: {  	v12 =	vadd.f32 v3, v12;
	v13 =	vadd.f32 v56, v13;
	v2 =	vmul.f32 v7, v61;
	v41 =	vld.idx.msk [tilespmem:v4+s15+$0x0], $0xffff  }
0x99: {  	v3 =	vmul.f32 v1, v61;
	v40 =	vor.u32 v8, v37;
	v57 =	vor.u32 v0, v37;
	v56 =	vld.idx.msk [tilespmem:v5+s15+$0x0], $0xffff  }
0x9a: {  	_ =	sdelay $0x3  }
0x9b: {  	v4 =	vld.idx.msk [tilespmem:v35+s15+$0x0], $0xffff;
	_ =	sdelay $0x1  }
0x9c: {  	v5 =	vld.idx.msk [tilespmem:v18+s15+$0x0], $0xffff  }
0x9d: {  	v6 =	vld.idx.msk [tilespmem:v20+s15+$0x0], $0xffff  }
0x9e: {  	v61 =	vmul.f32 v38, v59;
	v38 =	vld.idx.msk [tilespmem:v40+s13+$0x0], $0xffff  }
0x9f: {  	v2 =	vadd.f32 v2, v58;
	v58 =	vld.idx.msk [tilespmem:v40+s14+$0x0], $0xffff;
	v4 =	vmul.f32 v4, v59  }
0xa0: {  	v1 =	vor.u32 v9, v37  }
0xa1: {  	v42 =	vmul.f32 v42, v59;
	v4 =	vadd.f32 v4, v19;
	v19 =	vor.u32 v27, v37  }
0xa2: {  	v18 =	vor.u32 v22, v37;
	v5 =	vmul.f32 v5, v59  }
0xa3: {  	v20 =	vld.idx.msk [tilespmem:v39+s15+$0x0], $0xffff;
	v39 =	vor.u32 v30, v37;
	v3 =	vadd.f32 v3, v43;
	v16 =	vadd.f32 v42, v16  }
0xa4: {  	v43 =	vld.idx.msk [tilespmem:v57+s15+$0x0], $0xffff;
	v6 =	vmul.f32 v6, v59;
	v5 =	vadd.f32 v5, v13;
	v13 =	vmul.f32 v58, v38  }
0xa5: {  	v7 =	vmul.f32 v55, v59;
	v62 =	vor.u32 v11, v37;
	v1 =	vld.idx.msk [tilespmem:v1+s15+$0x0], $0xffff  }
0xa6: {  	v60 =	vor.u32 v25, v37;
	v3 =	vadd.f32 v6, v3;
	v6 =	vadd.f32 v13, v16;
	v13 =	vld.idx.msk [tilespmem:v19+s15+$0x0], $0xffff  }
0xa7: {  	v57 =	vor.u32 v23, v37;
	v19 =	vld [tilespmem:$0x1FEE0]  }
0xa8: {  	v7 =	vadd.f32 v7, v14;
	v14 =	vor.u32 v10, v37;
	v18 =	vld.idx.msk [tilespmem:v18+s15+$0x0], $0xffff  }
0xa9: {  	v15 =	vadd.f32 v61, v15;
	v61 =	vor.u32 v24, v37;
	v39 =	vld.idx.msk [tilespmem:v39+s15+$0x0], $0xffff  }
0xaa: {  	v35 =	vld.idx.msk [tilespmem:v62+s15+$0x0], $0xffff  }
0xab: {  	v44 =	vld.idx.msk [tilespmem:v60+s15+$0x0], $0xffff  }
0xac: {  	v20 =	vmul.f32 v20, v59;
	v62 =	vld.idx.msk [tilespmem:v57+s15+$0x0], $0xffff  }
0xad: {  	v14 =	vld.idx.msk [tilespmem:v14+s15+$0x0], $0xffff  }
0xae: {  	v2 =	vadd.f32 v20, v2;
	v20 =	vld.idx.msk [tilespmem:v61+s15+$0x0], $0xffff  }
0xaf: {  	[tilespmem:v19+s18+$0x0] =	vst.idx.msk $0xffff, v6;
	v6 =	vmul.f32 v18, v38;
	v18 =	vld [tilespmem:$0x1FD20];
	_ =	sdelay $0x1  }
0xb0: {  	v63 =	vmul.f32 v56, v59;
	_ =	sdelay $0x1  }
0xb1: {  	v33 =	vadd.f32 v63, v33;
	v63 =	vmul.f32 v43, v38;
	v1 =	vmul.f32 v1, v38  }
0xb2: {  	v36 =	vmul.f32 v36, v59  }
0xb3: {  	v7 =	vadd.f32 v63, v7;
	v1 =	vadd.f32 v1, v15;
	v15 =	vmul.f32 v35, v38  }
0xb4: {  	v12 =	vadd.f32 v36, v12  }
0xb5: {  	v5 =	vadd.f32 v15, v5;
	v15 =	vld [tilespmem:$0x1FD30];
	[tilespmem:v18+s18+$0x0] =	vst.idx.msk $0xffff, v7;
	v7 =	vmul.f32 v62, v38  }
0xb6: {  	v18 =	vld [tilespmem:$0x1FD40]  }
0xb7: {  	v7 =	vadd.f32 v7, v12;
	v12 =	vld [tilespmem:$0x1FD50];
	_ =	sdelay $0x2  }
0xb8: {  	v14 =	vmul.f32 v14, v38;
	_ =	sdelay $0x1  }
0xb9: {  	v14 =	vadd.f32 v14, v33  }
0xba: {  	[tilespmem:v15+s18+$0x0] =	vst.idx.msk $0xffff, v1  }
0xbb: {  	[tilespmem:v18+s18+$0x0] =	vst.idx.msk $0xffff, v14  }
0xbc: {  	[tilespmem:v12+s18+$0x0] =	vst.idx.msk $0xffff, v5;
	v12 =	vld [tilespmem:$0x1FD60];
	_ =	sdelay $0x1  }
0xbd: {  	v34 =	vmul.f32 v34, v59;
	_ =	sdelay $0x1  }
0xbe: {  	v21 =	vadd.f32 v34, v21;
	_ =	sdelay $0x1  }
0xbf: {  	v6 =	vadd.f32 v6, v21;
	_ =	sdelay $0x1  }
0xc0: {  	[tilespmem:v12+s18+$0x0] =	vst.idx.msk $0xffff, v6;
	v6 =	vld [tilespmem:$0x1FD70];
	_ =	sdelay $0x4  }
0xc1: {  	v5 =	vmul.f32 v13, v38;
	_ =	sdelay $0x1  }
0xc2: {  	v2 =	vadd.f32 v5, v2;
	v5 =	vld [tilespmem:$0x1FD80]  }
0xc3: {  	[tilespmem:v6+s18+$0x0] =	vst.idx.msk $0xffff, v7;
	v7 =	vld [tilespmem:$0x1FD90];
	_ =	sdelay $0x2  }
0xc4: {  	v15 =	vmul.f32 v20, v38  }
0xc5: {  	v14 =	vmul.f32 v44, v38  }
0xc6: {  	v3 =	vadd.f32 v15, v3  }
0xc7: {  	v4 =	vadd.f32 v14, v4  }
0xc8: {  	[tilespmem:v5+s18+$0x0] =	vst.idx.msk $0xffff, v3  }
0xc9: {  	[tilespmem:v7+s18+$0x0] =	vst.idx.msk $0xffff, v4;
	v7 =	vld [tilespmem:$0x1FDA0];
	_ =	sdelay $0x5  }
0xca: {  	v27 =	vld [tilespmem:$0x1FFA0]  }
0xcb: {  	s20 =	simm.s32 $0x0;
	v61 =	vld [tilespmem:$0x1FDD0]  }
0xcc: {  	v1 =	vmov s20;
	[tilespmem:v7+s18+$0x0] =	vst.idx.msk $0xffff, v2;
	v7 =	vld [tilespmem:$0x1FDB0]  }
0xcd: {  	v1 =	vand.u32 $0x1F, v1;
	v44 =	vld [tilespmem:$0x1FDC0]  }
0xce: {  	v28 =	vld [tilespmem:$0x1FE00];
	v41 =	vmul.f32 v41, v59;
	v1 =	vbroadcast v1, $0x0;
	_ =	sdelay $0x1  }
0xcf: {  	v17 =	vadd.f32 v41, v17;
	v16 =	vmul.f32 v39, v38;
	v6 =	vor.u32 v27, v1  }
0xd0: {  	v63 =	vld [tilespmem:$0x1FDE0];
	v3 =	vor.u32 v61, v1  }
0xd1: {  	v62 =	vld [tilespmem:$0x1FDF0];
	v5 =	vadd.f32 v16, v17;
	v4 =	vor.u32 v44, v1  }
0xd2: {  	v30 =	vld [tilespmem:$0x1FFB0];
	v2 =	vor.u32 v28, v1  }
0xd3: {  	v26 =	vmov v29;
	v12 =	vor.u32 v29, v1;
	v29 =	vld [tilespmem:$0x1FFC0];
	[tilespmem:v7+s18+$0x0] =	vst.idx.msk $0xffff, v5  }
0xd4: {  	v7 =	vld.idx.msk [tilespmem:v6+s13+$0x0], $0xffff  }
0xd5: {  	s21 =	simm.s32 $0x1;
	v13 =	vor.u32 v63, v1;
	v3 =	vld.idx.msk [tilespmem:v3+s15+$0x0], $0xffff  }
0xd6: {  	v15 =	vmov s21;
	v16 =	vor.u32 v62, v1;
	v4 =	vld.idx.msk [tilespmem:v4+s15+$0x0], $0xffff  }
0xd7: {  	v15 =	vand.u32 $0x1F, v15;
	v14 =	vor.u32 v32, v1;
	v2 =	vld.idx.msk [tilespmem:v2+s15+$0x0], $0xffff  }
0xd8: {  	v36 =	vbroadcast v15, $0x0;
	v17 =	vor.u32 v30, v1;
	v6 =	vld.idx.msk [tilespmem:v6+s14+$0x0], $0xffff  }
0xd9: {  	v5 =	vor.u32 v31, v1;
	v12 =	vld.idx.msk [tilespmem:v12+s15+$0x0], $0xffff  }
0xda: {  	v43 =	vor.u32 v63, v36;
	v13 =	vld.idx.msk [tilespmem:v13+s15+$0x0], $0xffff  }
0xdb: {  	v58 =	vimm.f32 $0.0e+00;
	v1 =	vor.u32 v29, v1;
	v42 =	vld.idx.msk [tilespmem:v16+s15+$0x0], $0xffff  }
0xdc: {  	v19 =	vor.u32 v27, v36;
	v55 =	vor.u32 v61, v36;
	v37 =	vor.u32 v28, v36;
	v34 =	vld.idx.msk [tilespmem:v14+s15+$0x0], $0xffff  }
0xdd: {  	v20 =	vor.u32 v30, v36;
	v35 =	vor.u32 v32, v36;
	v18 =	vor.u32 v62, v36;
	v60 =	vld.idx.msk [tilespmem:v17+s15+$0x0], $0xffff  }
0xde: {  	v21 =	vor.u32 v44, v36;
	v39 =	vor.u32 v29, v36;
	v5 =	vld.idx.msk [tilespmem:v5+s15+$0x0], $0xffff;
	v4 =	vmul.f32 v4, v7  }
0xdf: {  	v17 =	vor.u32 v31, v36;
	v56 =	vld.idx.msk [tilespmem:v43+s15+$0x0], $0xffff;
	v3 =	vmul.f32 v3, v7;
	v6 =	vmul.f32 v6, v7  }
0xe0: {  	v43 =	vimm.f32 $0.0e+00;
	v1 =	vld.idx.msk [tilespmem:v1+s15+$0x0], $0xffff;
	v2 =	vmul.f32 v2, v7;
	v57 =	vmul.f32 v42, v7  }
0xe1: {  	s21 =	simm.s32 $0x2;
	v59 =	vld.idx.msk [tilespmem:v19+s13+$0x0], $0xffff;
	v14 =	vadd.f32 v4, v58;
	v4 =	vmul.f32 v12, v7;
	v12 =	vor.u32 v26, v36  }
0xe2: {  	v38 =	vld.idx.msk [tilespmem:v55+s15+$0x0], $0xffff;
	v15 =	vadd.f32 v3, v58;
	v16 =	vadd.f32 v6, v58;
	v6 =	vmov s21  }
0xe3: {  	v55 =	vld.idx.msk [tilespmem:v21+s15+$0x0], $0xffff;
	v6 =	vand.u32 $0x1F, v6;
	v3 =	vmul.f32 v5, v7;
	v5 =	vmul.f32 v13, v7  }
0xe4: {  	v21 =	vadd.f32 v2, v58;
	v13 =	vmul.f32 v34, v7;
	v34 =	vld.idx.msk [tilespmem:v37+s15+$0x0], $0xffff;
	v37 =	vbroadcast v6, $0x0  }
0xe5: {  	v36 =	vld.idx.msk [tilespmem:v17+s15+$0x0], $0xffff;
	v17 =	vadd.f32 v4, v58;
	v2 =	vmul.f32 v1, v7;
	v33 =	vadd.f32 v5, v58  }
0xe6: {  	v42 =	vld.idx.msk [tilespmem:v19+s14+$0x0], $0xffff;
	v19 =	vadd.f32 v13, v58;
	v13 =	vadd.f32 v57, v58;
	v40 =	vor.u32 v27, v37  }
0xe7: {  	s20 =	simm.s32 $0x3;
	v57 =	vor.u32 v44, v37;
	v41 =	vld.idx.msk [tilespmem:v12+s15+$0x0], $0xffff;
	v12 =	vadd.f32 v3, v58;
	v3 =	vmul.f32 v60, v7  }
.LBB2_4:
0xe8: {  	v6 =	vld.idx.msk [tilespmem:v35+s15+$0x0], $0xffff  }
0xe9: {  	v1 =	vor.u32 v61, v37;
	v61 =	vld.idx.msk [tilespmem:v18+s15+$0x0], $0xffff  }
0xea: {  	v18 =	vor.u32 v62, v37;
	v62 =	vld.idx.msk [tilespmem:v20+s15+$0x0], $0xffff  }
0xeb: {  	v60 =	vor.u32 v28, v37;
	v4 =	vor.u32 v63, v37;
	v7 =	vmov v59;
	v63 =	vld.idx.msk [tilespmem:v39+s15+$0x0], $0xffff  }
0xec: {  	v58 =	vadd.f32 v2, v58;
	v5 =	vmul.f32 v55, v59;
	v59 =	vld.idx.msk [tilespmem:v40+s13+$0x0], $0xffff;
	v42 =	vmul.f32 v42, v7  }
0xed: {  	v43 =	vadd.f32 v3, v43;
	v2 =	vor.u32 v31, v37;
	v55 =	vld.idx.msk [tilespmem:v57+s15+$0x0], $0xffff;
	v3 =	vmul.f32 v38, v7  }
0xee: {  	v35 =	vor.u32 v32, v37;
	v20 =	vor.u32 v30, v37;
	v16 =	vadd.f32 v42, v16;
	v42 =	vld.idx.msk [tilespmem:v40+s14+$0x0], $0xffff  }
0xef: {  	v39 =	vor.u32 v29, v37;
	v15 =	vadd.f32 v3, v15;
	v3 =	vmul.f32 v36, v7;
	v38 =	vld.idx.msk [tilespmem:v1+s15+$0x0], $0xffff  }
0xf0: {  	v36 =	vmul.f32 v56, v7;
	v1 =	vor.u32 v26, v37;
	v37 =	vmul.f32 v34, v7;
	v34 =	vld.idx.msk [tilespmem:v60+s15+$0x0], $0xffff  }
0xf1: {  	p0 =	sne.s32 s20, $0x1F;
	s21 =	smov.u32 s20;
	v6 =	vmul.f32 v6, v7;
	v14 =	vadd.f32 v5, v14;
	v56 =	vmul.f32 v61, v7;
	v61 =	vld [tilespmem:$0x1FDD0]  }
.Ltmp1:
0xf2: {  	v5 =	vmul.f32 v41, v7;
	v41 =	vmov s21;
	v33 =	vadd.f32 v36, v33;
	v36 =	vld.idx.msk [tilespmem:v2+s15+$0x0], $0xffff;
	(pc) =	sbr.rel @p0 .LBB2_4-.Ltmp1, $4  }
0xf3: {  	v41 =	vand.u32 $0x1F, v41;
	v12 =	vadd.f32 v3, v12;
	v2 =	vmul.f32 v63, v7;
	v63 =	vld [tilespmem:$0x1FDE0]  }
0xf4: {  	v3 =	vmul.f32 v62, v7;
	v62 =	vld [tilespmem:$0x1FDF0];
	v21 =	vadd.f32 v37, v21;
	v37 =	vbroadcast v41, $0x0  }
0xf5: {  	v19 =	vadd.f32 v6, v19;
	v13 =	vadd.f32 v56, v13;
	v56 =	vld.idx.msk [tilespmem:v4+s15+$0x0], $0xffff  }
0xf6: {  	s20 =	sadd.s32 $0x1, s20;
	v17 =	vadd.f32 v5, v17;
	v40 =	vor.u32 v27, v37;
	v57 =	vor.u32 v44, v37;
	v41 =	vld.idx.msk [tilespmem:v1+s15+$0x0], $0xffff  }
0xf7: {  	_ =	sdelay $0x3  }
0xf8: {  	v4 =	vld.idx.msk [tilespmem:v35+s15+$0x0], $0xffff  }
0xf9: {  	v5 =	vld.idx.msk [tilespmem:v18+s15+$0x0], $0xffff  }
0xfa: {  	v6 =	vld.idx.msk [tilespmem:v20+s15+$0x0], $0xffff  }
0xfb: {  	v1 =	vor.u32 v61, v37;
	v20 =	vld.idx.msk [tilespmem:v39+s15+$0x0], $0xffff  }
0xfc: {  	v18 =	vor.u32 v28, v37;
	v2 =	vadd.f32 v2, v58;
	v58 =	vmul.f32 v38, v59;
	v38 =	vld.idx.msk [tilespmem:v40+s13+$0x0], $0xffff  }
0xfd: {  	v7 =	vmul.f32 v55, v59;
	v39 =	vor.u32 v26, v37;
	v61 =	vld.idx.msk [tilespmem:v57+s15+$0x0], $0xffff  }
0xfe: {  	v44 =	vld.idx.msk [tilespmem:v40+s14+$0x0], $0xffff;
	v57 =	vor.u32 v32, v37  }
0xff: {  	v9 =	vld [tilespmem:$0x1FE10];
	v7 =	vadd.f32 v7, v14;
	v14 =	vor.u32 v63, v37  }
0x100: {  	v60 =	vor.u32 v62, v37;
	v62 =	vmul.f32 v56, v59;
	v1 =	vld.idx.msk [tilespmem:v1+s15+$0x0], $0xffff  }
0x101: {  	v42 =	vmul.f32 v42, v59;
	v63 =	vor.u32 v31, v37;
	v18 =	vld.idx.msk [tilespmem:v18+s15+$0x0], $0xffff;
	v4 =	vmul.f32 v4, v59  }
0x102: {  	v15 =	vadd.f32 v58, v15;
	v58 =	vor.u32 v30, v37;
	v33 =	vadd.f32 v62, v33;
	v39 =	vld.idx.msk [tilespmem:v39+s15+$0x0], $0xffff  }
0x103: {  	v5 =	vmul.f32 v5, v59;
	v62 =	vld.idx.msk [tilespmem:v57+s15+$0x0], $0xffff;
	v4 =	vadd.f32 v4, v19;
	v19 =	vor.u32 v29, v37  }
0x104: {  	v3 =	vadd.f32 v3, v43;
	v16 =	vadd.f32 v42, v16;
	v20 =	vmul.f32 v20, v59;
	v14 =	vld.idx.msk [tilespmem:v14+s15+$0x0], $0xffff  }
0x105: {  	v6 =	vmul.f32 v6, v59;
	v35 =	vld.idx.msk [tilespmem:v60+s15+$0x0], $0xffff;
	v5 =	vadd.f32 v5, v13;
	v13 =	vmul.f32 v44, v38  }
0x106: {  	v60 =	vld.idx.msk [tilespmem:v63+s15+$0x0], $0xffff;
	v2 =	vadd.f32 v20, v2  }
0x107: {  	v20 =	vld.idx.msk [tilespmem:v58+s15+$0x0], $0xffff;
	v3 =	vadd.f32 v6, v3;
	v6 =	vadd.f32 v13, v16  }
0x108: {  	v13 =	vld.idx.msk [tilespmem:v19+s15+$0x0], $0xffff  }
0x109: {  	[tilespmem:v9+s18+$0x0] =	vst.idx.msk $0xffff, v6;
	v9 =	vld [tilespmem:$0x1FE20];
	_ =	sdelay $0x3  }
0x10a: {  	v61 =	vmul.f32 v61, v38;
	_ =	sdelay $0x1  }
0x10b: {  	v7 =	vadd.f32 v61, v7;
	_ =	sdelay $0x1  }
0x10c: {  	[tilespmem:v9+s18+$0x0] =	vst.idx.msk $0xffff, v7;
	v9 =	vld [tilespmem:$0x1FE30];
	_ =	sdelay $0x3  }
0x10d: {  	v1 =	vmul.f32 v1, v38;
	_ =	sdelay $0x1  }
0x10e: {  	v1 =	vadd.f32 v1, v15;
	_ =	sdelay $0x1  }
0x10f: {  	[tilespmem:v9+s18+$0x0] =	vst.idx.msk $0xffff, v1;
	v9 =	vld [tilespmem:$0x1FE40];
	_ =	sdelay $0x3  }
0x110: {  	v14 =	vmul.f32 v14, v38;
	_ =	sdelay $0x1  }
0x111: {  	v14 =	vadd.f32 v14, v33;
	_ =	sdelay $0x1  }
0x112: {  	[tilespmem:v9+s18+$0x0] =	vst.idx.msk $0xffff, v14;
	v9 =	vld [tilespmem:$0x1FE50];
	_ =	sdelay $0x3  }
0x113: {  	v15 =	vmul.f32 v35, v38;
	_ =	sdelay $0x1  }
0x114: {  	v5 =	vadd.f32 v15, v5;
	_ =	sdelay $0x1  }
0x115: {  	[tilespmem:v9+s18+$0x0] =	vst.idx.msk $0xffff, v5;
	v9 =	vld [tilespmem:$0x1FE60];
	_ =	sdelay $0x1  }
0x116: {  	v34 =	vmul.f32 v34, v59;
	_ =	sdelay $0x1  }
0x117: {  	v21 =	vadd.f32 v34, v21;
	v6 =	vmul.f32 v18, v38;
	_ =	sdelay $0x1  }
0x118: {  	v6 =	vadd.f32 v6, v21;
	_ =	sdelay $0x1  }
0x119: {  	[tilespmem:v9+s18+$0x0] =	vst.idx.msk $0xffff, v6;
	v6 =	vld [tilespmem:$0x1FE70];
	_ =	sdelay $0x1  }
0x11a: {  	v36 =	vmul.f32 v36, v59;
	_ =	sdelay $0x1  }
0x11b: {  	v12 =	vadd.f32 v36, v12;
	v7 =	vmul.f32 v60, v38  }
0x11c: {  	v5 =	vmul.f32 v13, v38  }
0x11d: {  	v7 =	vadd.f32 v7, v12  }
0x11e: {  	v2 =	vadd.f32 v5, v2;
	v5 =	vld [tilespmem:$0x1FE80]  }
0x11f: {  	[tilespmem:v6+s18+$0x0] =	vst.idx.msk $0xffff, v7;
	v7 =	vld [tilespmem:$0x1FE90];
	_ =	sdelay $0x2  }
0x120: {  	v15 =	vmul.f32 v20, v38  }
0x121: {  	v14 =	vmul.f32 v62, v38  }
0x122: {  	v3 =	vadd.f32 v15, v3  }
0x123: {  	v4 =	vadd.f32 v14, v4  }
0x124: {  	[tilespmem:v5+s18+$0x0] =	vst.idx.msk $0xffff, v3  }
0x125: {  	[tilespmem:v7+s18+$0x0] =	vst.idx.msk $0xffff, v4;
	v7 =	vld [tilespmem:$0x1FEA0];
	_ =	sdelay $0x6  }
0x126: {  	s20 =	simm.s32 $0x0;
	v26 =	vld [tilespmem:$0x1FFE0]  }
0x127: {  	v1 =	vmov s20;
	[tilespmem:v7+s18+$0x0] =	vst.idx.msk $0xffff, v2;
	v7 =	vld [tilespmem:$0x1FEB0]  }
0x128: {  	v1 =	vand.u32 $0x1F, v1  }
0x129: {  	v41 =	vmul.f32 v41, v59;
	v1 =	vbroadcast v1, $0x0;
	_ =	sdelay $0x1  }
0x12a: {  	v17 =	vadd.f32 v41, v17;
	v16 =	vmul.f32 v39, v38;
	v6 =	vor.u32 v26, v1  }
0x12b: {  	v3 =	vor.u32 v46, v1  }
0x12c: {  	v5 =	vadd.f32 v16, v17;
	v4 =	vor.u32 v45, v1  }
0x12d: {  	v2 =	vor.u32 v49, v1  }
0x12e: {  	[tilespmem:v7+s18+$0x0] =	vst.idx.msk $0xffff, v5  }
0x12f: {  	v12 =	vor.u32 v54, v1;
	v7 =	vld.idx.msk [tilespmem:v6+s13+$0x0], $0xffff  }
0x130: {  	s21 =	simm.s32 $0x1;
	v14 =	vor.u32 v52, v1;
	v3 =	vld.idx.msk [tilespmem:v3+s15+$0x0], $0xffff  }
0x131: {  	v15 =	vmov s21;
	v16 =	vor.u32 v48, v1;
	v4 =	vld.idx.msk [tilespmem:v4+s15+$0x0], $0xffff  }
0x132: {  	v15 =	vand.u32 $0x1F, v15;
	v13 =	vor.u32 v47, v1;
	v2 =	vld.idx.msk [tilespmem:v2+s15+$0x0], $0xffff  }
0x133: {  	v34 =	vbroadcast v15, $0x0;
	v17 =	vor.u32 v51, v1;
	v6 =	vld.idx.msk [tilespmem:v6+s14+$0x0], $0xffff  }
0x134: {  	v5 =	vor.u32 v50, v1;
	v12 =	vld.idx.msk [tilespmem:v12+s15+$0x0], $0xffff  }
0x135: {  	v20 =	vor.u32 v45, v34;
	v14 =	vld.idx.msk [tilespmem:v14+s15+$0x0], $0xffff  }
0x136: {  	v58 =	vimm.f32 $0.0e+00;
	v35 =	vor.u32 v49, v34;
	v16 =	vld.idx.msk [tilespmem:v16+s15+$0x0], $0xffff  }
0x137: {  	v15 =	vor.u32 v26, v34;
	v21 =	vor.u32 v46, v34;
	v1 =	vor.u32 v53, v1;
	v13 =	vld.idx.msk [tilespmem:v13+s15+$0x0], $0xffff  }
0x138: {  	v18 =	vor.u32 v48, v34;
	v19 =	vor.u32 v51, v34;
	v33 =	vor.u32 v52, v34;
	v55 =	vld.idx.msk [tilespmem:v17+s15+$0x0], $0xffff  }
0x139: {  	v38 =	vor.u32 v47, v34;
	v5 =	vld.idx.msk [tilespmem:v5+s15+$0x0], $0xffff;
	v4 =	vmul.f32 v4, v7;
	v3 =	vmul.f32 v3, v7  }
0x13a: {  	v17 =	vor.u32 v50, v34;
	v42 =	vld.idx.msk [tilespmem:v20+s15+$0x0], $0xffff;
	v6 =	vmul.f32 v6, v7;
	v2 =	vmul.f32 v2, v7  }
0x13b: {  	v20 =	vld.idx.msk [tilespmem:v35+s15+$0x0], $0xffff;
	v35 =	vor.u32 v53, v34;
	v63 =	vmul.f32 v14, v7;
	v16 =	vmul.f32 v16, v7  }
0x13c: {  	s21 =	simm.s32 $0x2;
	v1 =	vld.idx.msk [tilespmem:v1+s15+$0x0], $0xffff;
	v60 =	vadd.f32 v4, v58;
	v4 =	vmul.f32 v12, v7;
	v12 =	vor.u32 v54, v34  }
0x13d: {  	v59 =	vld.idx.msk [tilespmem:v15+s13+$0x0], $0xffff;
	v62 =	vadd.f32 v3, v58;
	v61 =	vadd.f32 v6, v58;
	v6 =	vmov s21  }
0x13e: {  	v37 =	vld.idx.msk [tilespmem:v15+s14+$0x0], $0xffff;
	v14 =	vadd.f32 v2, v58;
	v6 =	vand.u32 $0x1F, v6;
	v3 =	vmul.f32 v5, v7  }
0x13f: {  	v41 =	vld.idx.msk [tilespmem:v38+s15+$0x0], $0xffff;
	v15 =	vadd.f32 v63, v58;
	v5 =	vmul.f32 v13, v7;
	v39 =	vbroadcast v6, $0x0  }
0x140: {  	v28 =	vmovc v32;
	v38 =	vimm.f32 $0.0e+00;
	v34 =	vld.idx.msk [tilespmem:v17+s15+$0x0], $0xffff;
	v16 =	vadd.f32 v16, v58;
	v17 =	vadd.f32 v4, v58  }
0x141: {  	v21 =	vld.idx.msk [tilespmem:v21+s15+$0x0], $0xffff;
	v2 =	vmul.f32 v1, v7;
	v13 =	vadd.f32 v5, v58;
	v36 =	vor.u32 v26, v39  }
0x142: {  	s20 =	simm.s32 $0x3;
	v43 =	vor.u32 v45, v39;
	v40 =	vld.idx.msk [tilespmem:v12+s15+$0x0], $0xffff;
	v12 =	vadd.f32 v3, v58;
	v3 =	vmul.f32 v55, v7  }
.LBB2_6:
0x143: {  	v1 =	vor.u32 v46, v39  }
0x144: {  	p0 =	sne.s32 s20, $0x1F;
	v4 =	vor.u32 v47, v39;
	v5 =	vmul.f32 v42, v59;
	v6 =	vld.idx.msk [tilespmem:v33+s15+$0x0], $0xffff;
	v7 =	vmov v59;
	s21 =	smov.u32 s20;
	s20 =	sadd.s32 $0x1, s20  }
0x145: {  	v55 =	vor.u32 v49, v39;
	v58 =	vadd.f32 v2, v58;
	v56 =	vld.idx.msk [tilespmem:v18+s15+$0x0], $0xffff;
	v18 =	vor.u32 v48, v39  }
0x146: {  	v33 =	vor.u32 v52, v39;
	v38 =	vadd.f32 v3, v38;
	v57 =	vld.idx.msk [tilespmem:v19+s15+$0x0], $0xffff;
	v19 =	vor.u32 v51, v39  }
0x147: {  	v2 =	vor.u32 v50, v39;
	v3 =	vmul.f32 v21, v7;
	v63 =	vld.idx.msk [tilespmem:v35+s15+$0x0], $0xffff;
	v35 =	vor.u32 v53, v39  }
0x148: {  	v37 =	vmul.f32 v37, v7;
	v60 =	vadd.f32 v5, v60;
	v5 =	vmul.f32 v40, v7;
	v59 =	vld.idx.msk [tilespmem:v36+s13+$0x0], $0xffff  }
0x149: {  	v62 =	vadd.f32 v3, v62;
	v3 =	vmul.f32 v34, v7;
	v21 =	vld.idx.msk [tilespmem:v1+s15+$0x0], $0xffff;
	v1 =	vor.u32 v54, v39  }
0x14a: {  	v61 =	vadd.f32 v37, v61;
	v34 =	vmul.f32 v41, v7;
	v39 =	vmul.f32 v20, v7;
	v42 =	vld.idx.msk [tilespmem:v43+s15+$0x0], $0xffff  }
.Ltmp2:
0x14b: {  	v37 =	vmov s21;
	v6 =	vmul.f32 v6, v7;
	v41 =	vmul.f32 v56, v7;
	v20 =	vld.idx.msk [tilespmem:v55+s15+$0x0], $0xffff;
	(pc) =	sbr.rel @p0 .LBB2_6-.Ltmp2, $4  }
0x14c: {  	v40 =	vand.u32 $0x1F, v37;
	v13 =	vadd.f32 v34, v13;
	v14 =	vadd.f32 v39, v14;
	v37 =	vld.idx.msk [tilespmem:v36+s14+$0x0], $0xffff  }
0x14d: {  	v17 =	vadd.f32 v5, v17;
	v39 =	vbroadcast v40, $0x0;
	v15 =	vadd.f32 v6, v15;
	v34 =	vld.idx.msk [tilespmem:v2+s15+$0x0], $0xffff  }
0x14e: {  	v12 =	vadd.f32 v3, v12;
	v16 =	vadd.f32 v41, v16;
	v2 =	vmul.f32 v63, v7;
	v40 =	vld.idx.msk [tilespmem:v1+s15+$0x0], $0xffff  }
0x14f: {  	v3 =	vmul.f32 v57, v7;
	v36 =	vor.u32 v26, v39;
	v43 =	vor.u32 v45, v39;
	v41 =	vld.idx.msk [tilespmem:v4+s15+$0x0], $0xffff  }
0x150: {  	_ =	sdelay $0x3  }
0x151: {  	v4 =	vld.idx.msk [tilespmem:v33+s15+$0x0], $0xffff  }
0x152: {  	v5 =	vld.idx.msk [tilespmem:v18+s15+$0x0], $0xffff  }
0x153: {  	v7 =	vld.idx.msk [tilespmem:v19+s15+$0x0], $0xffff  }
0x154: {  	v1 =	vor.u32 v46, v39;
	v10 =	vld.idx.msk [tilespmem:v35+s15+$0x0], $0xffff  }
0x155: {  	v6 =	vor.u32 v49, v39;
	v55 =	vld.idx.msk [tilespmem:v36+s13+$0x0], $0xffff  }
0x156: {  	v24 =	vor.u32 v50, v39;
	v43 =	vld.idx.msk [tilespmem:v43+s15+$0x0], $0xffff  }
0x157: {  	v2 =	vadd.f32 v2, v58;
	v25 =	vor.u32 v54, v39;
	v58 =	vld.idx.msk [tilespmem:v36+s14+$0x0], $0xffff  }
0x158: {  	v18 =	vor.u32 v47, v39;
	v9 =	vld [tilespmem:$0x1FEE0]  }
0x159: {  	v11 =	vor.u32 v48, v39;
	v1 =	vld.idx.msk [tilespmem:v1+s15+$0x0], $0xffff  }
0x15a: {  	v19 =	vmul.f32 v42, v59;
	v56 =	vor.u32 v51, v39;
	v20 =	vmul.f32 v20, v59;
	v6 =	vld.idx.msk [tilespmem:v6+s15+$0x0], $0xffff  }
0x15b: {  	v57 =	vor.u32 v52, v39;
	v26 =	vor.u32 v53, v39;
	v21 =	vmul.f32 v21, v59;
	v42 =	vld.idx.msk [tilespmem:v24+s15+$0x0], $0xffff  }
0x15c: {  	v3 =	vadd.f32 v3, v38;
	v37 =	vmul.f32 v37, v59;
	v14 =	vadd.f32 v20, v14;
	v20 =	vld.idx.msk [tilespmem:v25+s15+$0x0], $0xffff  }
0x15d: {  	v19 =	vadd.f32 v19, v60;
	v40 =	vmul.f32 v40, v59;
	v4 =	vmul.f32 v4, v59;
	v18 =	vld.idx.msk [tilespmem:v18+s15+$0x0], $0xffff  }
0x15e: {  	v21 =	vadd.f32 v21, v62;
	v34 =	vmul.f32 v34, v59;
	v5 =	vmul.f32 v5, v59;
	v60 =	vld.idx.msk [tilespmem:v11+s15+$0x0], $0xffff  }
0x15f: {  	v4 =	vadd.f32 v4, v15;
	v15 =	vadd.f32 v40, v17;
	v17 =	vmul.f32 v10, v59;
	v10 =	vld [tilespmem:$0x1FEC0]  }
0x160: {  	v37 =	vadd.f32 v37, v61;
	v41 =	vmul.f32 v41, v59;
	v7 =	vmul.f32 v7, v59;
	v24 =	vld [tilespmem:$0x1FED0]  }
0x161: {  	v12 =	vadd.f32 v34, v12;
	v25 =	vld [tilespmem:$0x1FEF0];
	v5 =	vadd.f32 v5, v16;
	v16 =	vmul.f32 v43, v55  }
0x162: {  	v61 =	vld.idx.msk [tilespmem:v57+s15+$0x0], $0xffff;
	v63 =	vor.u32 $0x204, v9;
	v3 =	vadd.f32 v7, v3;
	v7 =	vmul.f32 v58, v55  }
0x163: {  	v2 =	vadd.f32 v17, v2;
	v16 =	vadd.f32 v16, v19;
	v1 =	vmul.f32 v1, v55  }
0x164: {  	v7 =	vadd.f32 v7, v37;
	v17 =	vmul.f32 v20, v55;
	v19 =	vmul.f32 v42, v55  }
0x165: {  	v20 =	vld.idx.msk [tilespmem:v56+s15+$0x0], $0xffff;
	v18 =	vmul.f32 v18, v55;
	v1 =	vadd.f32 v1, v21;
	v21 =	vor.u32 $0x203, v9  }
0x166: {  	v13 =	vadd.f32 v41, v13;
	v6 =	vmul.f32 v6, v55;
	v33 =	vmul.f32 v60, v55  }
0x167: {  	v62 =	vld.idx.msk [tilespmem:v26+s15+$0x0], $0xffff;
	v34 =	vmul.f32 v61, v55;
	v60 =	vor.u32 $0x600, v8;
	[tilespmem:v10+s18+$0x0] =	vst.idx.msk $0xffff, v7;
	v7 =	vor.u32 $0x205, v9  }
0x168: {  	s20 =	simm.s32 $0x0;
	v13 =	vadd.f32 v18, v13;
	v6 =	vadd.f32 v6, v14;
	v14 =	vor.u32 $0x206, v9;
	[tilespmem:v24+s18+$0x0] =	vst.idx.msk $0xffff, v16  }
0x169: {  	v5 =	vadd.f32 v33, v5;
	v16 =	vmov s20;
	[tilespmem:v25+s18+$0x0] =	vst.idx.msk $0xffff, v1;
	v1 =	vor.u32 $0x207, v9  }
0x16a: {  	v18 =	vmul.f32 v20, v55;
	v16 =	vand.u32 $0x1F, v16;
	[tilespmem:v21+s18+$0x0] =	vst.idx.msk $0xffff, v13;
	v13 =	vor.u32 $0x208, v9  }
0x16b: {  	v12 =	vadd.f32 v19, v12;
	v20 =	vbroadcast v16, $0x0;
	[tilespmem:v63+s18+$0x0] =	vst.idx.msk $0xffff, v5;
	v5 =	vor.u32 $0x209, v9  }
0x16c: {  	v19 =	vmul.f32 v62, v55;
	v3 =	vadd.f32 v18, v3;
	[tilespmem:v7+s18+$0x0] =	vst.idx.msk $0xffff, v6;
	v6 =	vor.u32 $0x20A, v9  }
0x16d: {  	v4 =	vadd.f32 v34, v4;
	v7 =	vor.u32 v60, v20;
	[tilespmem:v14+s18+$0x0] =	vst.idx.msk $0xffff, v12  }
0x16e: {  	v61 =	vadd.s32 $0x3D20, v0;
	v2 =	vadd.f32 v19, v2;
	[tilespmem:v1+s18+$0x0] =	vst.idx.msk $0xffff, v3  }
0x16f: {  	v16 =	vadd.s32 $0x3CA0, v0;
	v1 =	vor.u32 v61, v20;
	v3 =	vadd.f32 v17, v15;
	[tilespmem:v13+s18+$0x0] =	vst.idx.msk $0xffff, v4  }
0x170: {  	v26 =	vor.u32 v16, v20;
	v15 =	vadd.s32 $0x3C00, v0;
	[tilespmem:v5+s18+$0x0] =	vst.idx.msk $0xffff, v2  }
0x171: {  	v39 =	vimm.f32 $0.0e+00;
	v30 =	vld [tilespmem:$0x1FF90];
	v62 =	vadd.s32 $0x3C20, v0;
	v2 =	vor.u32 v15, v20;
	[tilespmem:v6+s18+$0x0] =	vst.idx.msk $0xffff, v3  }
0x172: {  	v36 =	vimm.f32 $0.0e+00;
	v12 =	vadd.s32 $0x3C60, v0;
	v3 =	vor.u32 v62, v20;
	v59 =	vld.idx.msk [tilespmem:v7+s13+$0x0], $0xffff  }
0x173: {  	v35 =	vimm.f32 $0.0e+00;
	v63 =	vadd.s32 $0x3C40, v0;
	v19 =	vor.u32 v12, v20;
	v7 =	vld.idx.msk [tilespmem:v7+s14+$0x0], $0xffff  }
0x174: {  	v38 =	vimm.f32 $0.0e+00;
	v13 =	vadd.s32 $0x3C80, v0;
	v4 =	vor.u32 v63, v20;
	v1 =	vld.idx.msk [tilespmem:v1+s15+$0x0], $0xffff  }
0x175: {  	v58 =	vadd.s32 $0x3D00, v0;
	v17 =	vadd.s32 $0x3CC0, v0;
	v21 =	vor.u32 v13, v20;
	v57 =	vld.idx.msk [tilespmem:v26+s15+$0x0], $0xffff  }
0x176: {  	v37 =	vimm.f32 $0.0e+00;
	v18 =	vadd.s32 $0x3CE0, v0;
	v55 =	vor.u32 v17, v20;
	v2 =	vld.idx.msk [tilespmem:v2+s15+$0x0], $0xffff  }
0x177: {  	s21 =	simm.s32 $0x1;
	v34 =	vimm.f32 $0.0e+00;
	v33 =	vimm.f32 $0.0e+00;
	v42 =	vor.u32 v18, v20;
	v6 =	vld.idx.msk [tilespmem:v3+s15+$0x0], $0xffff  }
0x178: {  	v40 =	vor.u32 v58, v20;
	v14 =	vimm.f32 $0.0e+00;
	v5 =	vmov s21;
	v43 =	vld.idx.msk [tilespmem:v19+s15+$0x0], $0xffff  }
0x179: {  	v5 =	vand.u32 $0x1F, v5;
	v20 =	vimm.f32 $0.0e+00;
	v41 =	vld.idx.msk [tilespmem:v4+s15+$0x0], $0xffff;
	v3 =	vmul.f32 v1, v59  }
0x17a: {  	s20 =	simm.s32 $0x2;
	v19 =	vimm.f32 $0.0e+00;
	v56 =	vld.idx.msk [tilespmem:v21+s15+$0x0], $0xffff;
	v21 =	vimm.f32 $0.0e+00;
	v4 =	vmul.f32 v7, v59  }
.LBB2_8:
0x17b: {  	p0 =	sne.s32 s20, $0x1F;
	v1 =	vbroadcast v5, $0x0;
	v2 =	vmul.f32 v2, v59;
	v5 =	vld.idx.msk [tilespmem:v55+s15+$0x0], $0xffff;
	v14 =	vadd.f32 v3, v14  }
0x17c: {  	v3 =	vmul.f32 v6, v59;
	v39 =	vadd.f32 v4, v39;
	v4 =	vld.idx.msk [tilespmem:v42+s15+$0x0], $0xffff  }
0x17d: {  	v6 =	vor.u32 v60, v1;
	v7 =	vor.u32 v15, v1;
	v8 =	vld.idx.msk [tilespmem:v40+s15+$0x0], $0xffff  }
0x17e: {  	v9 =	vor.u32 v62, v1;
	v10 =	vor.u32 v63, v1;
	v11 =	vor.u32 v61, v1  }
0x17f: {  	v22 =	vor.u32 v12, v1;
	v23 =	vor.u32 v13, v1;
	v24 =	vor.u32 v16, v1  }
0x180: {  	v55 =	vor.u32 v17, v1;
	v42 =	vor.u32 v18, v1;
	v40 =	vor.u32 v58, v1  }
0x181: {  	v38 =	vadd.f32 v2, v38;
	v1 =	vmul.f32 v41, v59;
	v2 =	vmul.f32 v43, v59  }
0x182: {  	v37 =	vadd.f32 v3, v37;
	v3 =	vmul.f32 v56, v59;
	v41 =	vmul.f32 v57, v59;
	v25 =	vld.idx.msk [tilespmem:v6+s13+$0x0], $0xffff  }
0x183: {  	v36 =	vadd.f32 v1, v36;
	v1 =	vmul.f32 v5, v59;
	v4 =	vmul.f32 v4, v59;
	v11 =	vld.idx.msk [tilespmem:v11+s15+$0x0], $0xffff  }
0x184: {  	v34 =	vadd.f32 v2, v34;
	v35 =	vadd.f32 v3, v35;
	v3 =	vmul.f32 v8, v59;
	v57 =	vld.idx.msk [tilespmem:v6+s14+$0x0], $0xffff  }
0x185: {  	v19 =	vadd.f32 v41, v19;
	v33 =	vadd.f32 v1, v33;
	v2 =	vld.idx.msk [tilespmem:v7+s15+$0x0], $0xffff  }
.Ltmp3:
0x186: {  	v20 =	vadd.f32 v4, v20;
	v21 =	vadd.f32 v3, v21;
	v6 =	vld.idx.msk [tilespmem:v9+s15+$0x0], $0xffff;
	(pc) =	sbr.rel @p0 .LBB2_8-.Ltmp3, $4  }
0x187: {  	v41 =	vld.idx.msk [tilespmem:v10+s15+$0x0], $0xffff  }
0x188: {  	v59 =	vmov v25;
	v43 =	vld.idx.msk [tilespmem:v22+s15+$0x0], $0xffff  }
0x189: {  	v1 =	vmov s20;
	v3 =	vmul.f32 v11, v59;
	v56 =	vld.idx.msk [tilespmem:v23+s15+$0x0], $0xffff  }
0x18a: {  	s20 =	sadd.s32 $0x1, s20;
	v5 =	vand.u32 $0x1F, v1;
	v4 =	vmul.f32 v57, v59;
	v57 =	vld.idx.msk [tilespmem:v24+s15+$0x0], $0xffff  }
0x18b: {  	_ = 	snop  }
0x18c: {  	v1 =	vbroadcast v5, $0x0;
	_ =	sdelay $0x1  }
0x18d: {  	v5 =	vor.u32 v60, v1  }
0x18e: {  	v8 =	vld.idx.msk [tilespmem:v55+s15+$0x0], $0xffff  }
0x18f: {  	v9 =	vld.idx.msk [tilespmem:v42+s15+$0x0], $0xffff;
	v10 =	vor.u32 v15, v1  }
0x190: {  	v11 =	vld.idx.msk [tilespmem:v40+s15+$0x0], $0xffff;
	v15 =	vor.u32 v62, v1  }
0x191: {  	v2 =	vmul.f32 v2, v59;
	v3 =	vadd.f32 v3, v14;
	v14 =	vor.u32 v63, v1;
	v62 =	vld [tilespmem:$0x1FEE0]  }
0x192: {  	v6 =	vmul.f32 v6, v59;
	v4 =	vadd.f32 v4, v39;
	v23 =	vmul.f32 v41, v59;
	v22 =	vld.idx.msk [tilespmem:v5+s13+$0x0], $0xffff  }
0x193: {  	v7 =	vor.u32 v61, v1;
	v12 =	vor.u32 v12, v1;
	v13 =	vor.u32 v13, v1;
	v5 =	vld.idx.msk [tilespmem:v5+s14+$0x0], $0xffff  }
0x194: {  	v16 =	vor.u32 v16, v1;
	v17 =	vor.u32 v17, v1;
	v18 =	vor.u32 v18, v1;
	v10 =	vld.idx.msk [tilespmem:v10+s15+$0x0], $0xffff  }
0x195: {  	v2 =	vadd.f32 v2, v38;
	v24 =	vmul.f32 v43, v59;
	v6 =	vadd.f32 v6, v37;
	v15 =	vld.idx.msk [tilespmem:v15+s15+$0x0], $0xffff  }
0x196: {  	v1 =	vor.u32 v58, v1;
	v25 =	vmul.f32 v56, v59;
	v23 =	vadd.f32 v23, v36;
	v14 =	vld.idx.msk [tilespmem:v14+s15+$0x0], $0xffff  }
0x197: {  	v61 =	vmul.f32 v57, v59;
	v24 =	vadd.f32 v24, v34;
	v9 =	vmul.f32 v9, v59  }
0x198: {  	v8 =	vmul.f32 v8, v59;
	v25 =	vadd.f32 v25, v35;
	v12 =	vld.idx.msk [tilespmem:v12+s15+$0x0], $0xffff;
	v5 =	vmul.f32 v5, v22  }
0x199: {  	v11 =	vmul.f32 v11, v59;
	v13 =	vld.idx.msk [tilespmem:v13+s15+$0x0], $0xffff;
	v9 =	vadd.f32 v9, v20;
	v20 =	vor.u32 $0x300, v62  }
0x19a: {  	v4 =	vadd.f32 v5, v4;
	v5 =	vmul.f32 v15, v22;
	v15 =	vld.idx.msk [tilespmem:v18+s15+$0x0], $0xffff;
	v18 =	vor.u32 $0x301, v62  }
0x19b: {  	v7 =	vld.idx.msk [tilespmem:v7+s15+$0x0], $0xffff;
	v10 =	vmul.f32 v10, v22;
	v63 =	vmul.f32 v14, v22;
	v14 =	vor.u32 $0x302, v62  }
0x19c: {  	v19 =	vadd.f32 v61, v19;
	v16 =	vld.idx.msk [tilespmem:v16+s15+$0x0], $0xffff;
	v5 =	vadd.f32 v5, v6;
	v6 =	vor.u32 $0x303, v62  }
0x19d: {  	v11 =	vadd.f32 v11, v21;
	v17 =	vld.idx.msk [tilespmem:v17+s15+$0x0], $0xffff;
	v21 =	vor.u32 $0x304, v62;
	v2 =	vadd.f32 v10, v2  }
0x19e: {  	v1 =	vld.idx.msk [tilespmem:v1+s15+$0x0], $0xffff;
	v12 =	vmul.f32 v12, v22;
	[tilespmem:v20+s18+$0x0] =	vst.idx.msk $0xffff, v4;
	v4 =	vor.u32 $0x305, v62  }
0x19f: {  	v13 =	vmul.f32 v13, v22;
	v10 =	vadd.f32 v63, v23;
	[tilespmem:v18+s18+$0x0] =	vst.idx.msk $0xffff, v2  }
0x1a0: {  	v8 =	vadd.f32 v8, v33;
	v12 =	vadd.f32 v12, v24;
	[tilespmem:v14+s18+$0x0] =	vst.idx.msk $0xffff, v5  }
0x1a1: {  	v7 =	vmul.f32 v7, v22;
	v13 =	vadd.f32 v13, v25;
	[tilespmem:v6+s18+$0x0] =	vst.idx.msk $0xffff, v10  }
0x1a2: {  	s20 =	simm.s32 $0x0;
	v16 =	vmul.f32 v16, v22;
	v17 =	vmul.f32 v17, v22;
	v2 =	vor.u32 $0x306, v62;
	[tilespmem:v21+s18+$0x0] =	vst.idx.msk $0xffff, v12  }
0x1a3: {  	v1 =	vmul.f32 v1, v22;
	v5 =	vor.u32 $0x307, v62;
	v14 =	vmov s20;
	[tilespmem:v4+s18+$0x0] =	vst.idx.msk $0xffff, v13;
	v13 =	vld [tilespmem:$0x1FF00]  }
0x1a4: {  	v15 =	vmul.f32 v15, v22;
	v6 =	vor.u32 $0x308, v62;
	v24 =	vand.u32 $0x1F, v14  }
0x1a5: {  	v14 =	vadd.f32 v16, v19;
	v12 =	vor.u32 $0x309, v62;
	v10 =	vbroadcast v24, $0x0  }
0x1a6: {  	v8 =	vadd.f32 v17, v8;
	v63 =	vadd.s32 $0x5080, v0;
	v4 =	vor.u32 $0x30A, v62  }
0x1a7: {  	v61 =	vadd.s32 $0x5120, v0;
	v9 =	vadd.f32 v15, v9;
	[tilespmem:v2+s18+$0x0] =	vst.idx.msk $0xffff, v14;
	v25 =	vor.u32 v63, v10  }
0x1a8: {  	v1 =	vadd.f32 v1, v11;
	[tilespmem:v5+s18+$0x0] =	vst.idx.msk $0xffff, v8;
	v5 =	vor.u32 v61, v10;
	v60 =	vor.u32 $0x800, v13  }
0x1a9: {  	v3 =	vadd.f32 v7, v3;
	[tilespmem:v6+s18+$0x0] =	vst.idx.msk $0xffff, v9;
	v2 =	vor.u32 v60, v10  }
0x1aa: {  	v15 =	vadd.s32 $0x5000, v0;
	[tilespmem:v12+s18+$0x0] =	vst.idx.msk $0xffff, v1  }
0x1ab: {  	v29 =	vld [tilespmem:$0x1FFD0];
	v39 =	vimm.f32 $0.0e+00;
	v62 =	vadd.s32 $0x5020, v0;
	v1 =	vor.u32 v15, v10;
	[tilespmem:v4+s18+$0x0] =	vst.idx.msk $0xffff, v3  }
0x1ac: {  	v58 =	vadd.s32 $0x5100, v0;
	v16 =	vadd.s32 $0x50A0, v0;
	v3 =	vor.u32 v62, v10;
	v56 =	vld.idx.msk [tilespmem:v25+s15+$0x0], $0xffff  }
0x1ad: {  	v38 =	vimm.f32 $0.0e+00;
	v26 =	vor.u32 v16, v10;
	v13 =	vadd.s32 $0x5060, v0;
	v4 =	vld.idx.msk [tilespmem:v5+s15+$0x0], $0xffff  }
0x1ae: {  	v37 =	vimm.f32 $0.0e+00;
	v12 =	vadd.s32 $0x5040, v0;
	v8 =	vor.u32 v13, v10;
	v59 =	vld.idx.msk [tilespmem:v2+s13+$0x0], $0xffff  }
0x1af: {  	v36 =	vimm.f32 $0.0e+00;
	v17 =	vadd.s32 $0x50C0, v0;
	v5 =	vor.u32 v12, v10;
	v7 =	vld.idx.msk [tilespmem:v2+s14+$0x0], $0xffff  }
0x1b0: {  	v34 =	vimm.f32 $0.0e+00;
	v18 =	vadd.s32 $0x50E0, v0;
	v55 =	vor.u32 v17, v10;
	v2 =	vld.idx.msk [tilespmem:v1+s15+$0x0], $0xffff  }
0x1b1: {  	v35 =	vimm.f32 $0.0e+00;
	v33 =	vimm.f32 $0.0e+00;
	v42 =	vor.u32 v18, v10;
	v6 =	vld.idx.msk [tilespmem:v3+s15+$0x0], $0xffff  }
0x1b2: {  	s21 =	simm.s32 $0x1;
	v20 =	vimm.f32 $0.0e+00;
	v19 =	vimm.f32 $0.0e+00;
	v40 =	vor.u32 v58, v10;
	v57 =	vld.idx.msk [tilespmem:v26+s15+$0x0], $0xffff  }
0x1b3: {  	v21 =	vimm.f32 $0.0e+00;
	v1 =	vmov s21;
	v43 =	vld.idx.msk [tilespmem:v8+s15+$0x0], $0xffff;
	v3 =	vmul.f32 v4, v59  }
0x1b4: {  	v32 =	vmovc v28;
	s20 =	simm.s32 $0x2;
	v14 =	vimm.f32 $0.0e+00;
	v41 =	vld.idx.msk [tilespmem:v5+s15+$0x0], $0xffff;
	v5 =	vand.u32 $0x1F, v1;
	v4 =	vmul.f32 v7, v59  }
.LBB2_10:
0x1b5: {  	p0 =	sne.s32 s20, $0x1F;
	v1 =	vbroadcast v5, $0x0;
	v2 =	vmul.f32 v2, v59;
	v5 =	vld.idx.msk [tilespmem:v55+s15+$0x0], $0xffff;
	v14 =	vadd.f32 v3, v14  }
0x1b6: {  	v3 =	vmul.f32 v6, v59;
	v39 =	vadd.f32 v4, v39;
	v4 =	vld.idx.msk [tilespmem:v42+s15+$0x0], $0xffff  }
0x1b7: {  	v6 =	vor.u32 v60, v1;
	v7 =	vor.u32 v15, v1;
	v8 =	vld.idx.msk [tilespmem:v40+s15+$0x0], $0xffff  }
0x1b8: {  	v9 =	vor.u32 v62, v1;
	v10 =	vor.u32 v12, v1;
	v11 =	vor.u32 v61, v1  }
0x1b9: {  	v22 =	vor.u32 v13, v1;
	v23 =	vor.u32 v63, v1;
	v24 =	vor.u32 v16, v1  }
0x1ba: {  	v55 =	vor.u32 v17, v1;
	v42 =	vor.u32 v18, v1;
	v40 =	vor.u32 v58, v1  }
0x1bb: {  	v38 =	vadd.f32 v2, v38;
	v1 =	vmul.f32 v41, v59;
	v2 =	vmul.f32 v43, v59  }
0x1bc: {  	v37 =	vadd.f32 v3, v37;
	v3 =	vmul.f32 v56, v59;
	v41 =	vmul.f32 v57, v59;
	v25 =	vld.idx.msk [tilespmem:v6+s13+$0x0], $0xffff  }
0x1bd: {  	v36 =	vadd.f32 v1, v36;
	v1 =	vmul.f32 v5, v59;
	v4 =	vmul.f32 v4, v59;
	v11 =	vld.idx.msk [tilespmem:v11+s15+$0x0], $0xffff  }
0x1be: {  	v34 =	vadd.f32 v2, v34;
	v35 =	vadd.f32 v3, v35;
	v3 =	vmul.f32 v8, v59;
	v57 =	vld.idx.msk [tilespmem:v6+s14+$0x0], $0xffff  }
0x1bf: {  	v19 =	vadd.f32 v41, v19;
	v33 =	vadd.f32 v1, v33;
	v2 =	vld.idx.msk [tilespmem:v7+s15+$0x0], $0xffff  }
.Ltmp4:
0x1c0: {  	v20 =	vadd.f32 v4, v20;
	v21 =	vadd.f32 v3, v21;
	v6 =	vld.idx.msk [tilespmem:v9+s15+$0x0], $0xffff;
	(pc) =	sbr.rel @p0 .LBB2_10-.Ltmp4, $4  }
0x1c1: {  	v41 =	vld.idx.msk [tilespmem:v10+s15+$0x0], $0xffff  }
0x1c2: {  	v59 =	vmov v25;
	v43 =	vld.idx.msk [tilespmem:v22+s15+$0x0], $0xffff  }
0x1c3: {  	v1 =	vmov s20;
	v3 =	vmul.f32 v11, v59;
	v56 =	vld.idx.msk [tilespmem:v23+s15+$0x0], $0xffff  }
0x1c4: {  	s20 =	sadd.s32 $0x1, s20;
	v5 =	vand.u32 $0x1F, v1;
	v4 =	vmul.f32 v57, v59;
	v57 =	vld.idx.msk [tilespmem:v24+s15+$0x0], $0xffff  }
0x1c5: {  	_ = 	snop  }
0x1c6: {  	v1 =	vbroadcast v5, $0x0;
	_ =	sdelay $0x1  }
0x1c7: {  	v5 =	vor.u32 v60, v1  }
0x1c8: {  	v8 =	vld.idx.msk [tilespmem:v55+s15+$0x0], $0xffff;
	v7 =	vor.u32 v61, v1  }
0x1c9: {  	v9 =	vld.idx.msk [tilespmem:v42+s15+$0x0], $0xffff  }
0x1ca: {  	v11 =	vld.idx.msk [tilespmem:v40+s15+$0x0], $0xffff;
	v10 =	vor.u32 v15, v1  }
0x1cb: {  	v15 =	vor.u32 v62, v1;
	v62 =	vld [tilespmem:$0x1FEE0]  }
0x1cc: {  	v3 =	vadd.f32 v3, v14;
	v12 =	vor.u32 v12, v1;
	v14 =	vld.idx.msk [tilespmem:v5+s13+$0x0], $0xffff  }
0x1cd: {  	v2 =	vmul.f32 v2, v59;
	v6 =	vmul.f32 v6, v59;
	v13 =	vor.u32 v13, v1;
	v7 =	vld.idx.msk [tilespmem:v7+s15+$0x0], $0xffff  }
0x1ce: {  	v4 =	vadd.f32 v4, v39;
	v23 =	vmul.f32 v41, v59;
	v22 =	vor.u32 v63, v1;
	v5 =	vld.idx.msk [tilespmem:v5+s14+$0x0], $0xffff  }
0x1cf: {  	v16 =	vor.u32 v16, v1;
	v17 =	vor.u32 v17, v1;
	v18 =	vor.u32 v18, v1;
	v10 =	vld.idx.msk [tilespmem:v10+s15+$0x0], $0xffff  }
0x1d0: {  	v2 =	vadd.f32 v2, v38;
	v24 =	vmul.f32 v43, v59;
	v6 =	vadd.f32 v6, v37;
	v15 =	vld.idx.msk [tilespmem:v15+s15+$0x0], $0xffff  }
0x1d1: {  	v1 =	vor.u32 v58, v1;
	v25 =	vmul.f32 v56, v59;
	v23 =	vadd.f32 v23, v36;
	v12 =	vld.idx.msk [tilespmem:v12+s15+$0x0], $0xffff  }
0x1d2: {  	v61 =	vmul.f32 v57, v59;
	v24 =	vadd.f32 v24, v34;
	v8 =	vmul.f32 v8, v59;
	v13 =	vld.idx.msk [tilespmem:v13+s15+$0x0], $0xffff  }
0x1d3: {  	v9 =	vmul.f32 v9, v59;
	v25 =	vadd.f32 v25, v35;
	v11 =	vmul.f32 v11, v59;
	v22 =	vld.idx.msk [tilespmem:v22+s15+$0x0], $0xffff  }
0x1d4: {  	v19 =	vadd.f32 v61, v19;
	v8 =	vadd.f32 v8, v33;
	v16 =	vld.idx.msk [tilespmem:v16+s15+$0x0], $0xffff  }
0x1d5: {  	v9 =	vadd.f32 v9, v20;
	v11 =	vadd.f32 v11, v21;
	v17 =	vld.idx.msk [tilespmem:v17+s15+$0x0], $0xffff;
	v5 =	vmul.f32 v5, v14  }
0x1d6: {  	v20 =	vor.u32 $0x400, v62;
	v1 =	vld.idx.msk [tilespmem:v1+s15+$0x0], $0xffff;
	v7 =	vmul.f32 v7, v14;
	v10 =	vmul.f32 v10, v14  }
0x1d7: {  	v4 =	vadd.f32 v5, v4;
	v5 =	vmul.f32 v15, v14;
	v15 =	vld.idx.msk [tilespmem:v18+s15+$0x0], $0xffff;
	v18 =	vor.u32 $0x401, v62  }
0x1d8: {  	v63 =	vmul.f32 v12, v14;
	v12 =	vor.u32 $0x402, v62;
	v13 =	vmul.f32 v13, v14  }
0x1d9: {  	v21 =	vmul.f32 v22, v14;
	v5 =	vadd.f32 v5, v6;
	v6 =	vor.u32 $0x403, v62  }
0x1da: {  	v16 =	vmul.f32 v16, v14;
	v22 =	vor.u32 $0x404, v62;
	v2 =	vadd.f32 v10, v2  }
0x1db: {  	v17 =	vmul.f32 v17, v14;
	v1 =	vmul.f32 v1, v14;
	[tilespmem:v20+s18+$0x0] =	vst.idx.msk $0xffff, v4;
	v4 =	vor.u32 $0x405, v62  }
0x1dc: {  	s20 =	simm.s32 $0x0;
	v10 =	vadd.f32 v63, v23;
	v15 =	vmul.f32 v15, v14;
	[tilespmem:v18+s18+$0x0] =	vst.idx.msk $0xffff, v2;
	v2 =	vor.u32 $0x406, v62;
	v14 =	vld [tilespmem:$0x1FF00]  }
0x1dd: {  	v13 =	vadd.f32 v13, v24;
	[tilespmem:v12+s18+$0x0] =	vst.idx.msk $0xffff, v5;
	v5 =	vor.u32 $0x407, v62;
	v12 =	vmov s20  }
0x1de: {  	v18 =	vadd.f32 v21, v25;
	[tilespmem:v6+s18+$0x0] =	vst.idx.msk $0xffff, v10;
	v6 =	vor.u32 $0x408, v62;
	v24 =	vand.u32 $0x1F, v12  }
0x1df: {  	v12 =	vadd.f32 v16, v19;
	[tilespmem:v22+s18+$0x0] =	vst.idx.msk $0xffff, v13;
	v13 =	vor.u32 $0x409, v62;
	v10 =	vbroadcast v24, $0x0  }
0x1e0: {  	v8 =	vadd.f32 v17, v8;
	v63 =	vadd.s32 $0x6480, v0;
	[tilespmem:v4+s18+$0x0] =	vst.idx.msk $0xffff, v18;
	v4 =	vor.u32 $0x40A, v62  }
0x1e1: {  	v9 =	vadd.f32 v15, v9;
	v60 =	vor.u32 $0xA00, v14;
	[tilespmem:v2+s18+$0x0] =	vst.idx.msk $0xffff, v12;
	v25 =	vor.u32 v63, v10  }
0x1e2: {  	v61 =	vadd.s32 $0x6520, v0;
	v1 =	vadd.f32 v1, v11;
	v2 =	vor.u32 v60, v10;
	[tilespmem:v5+s18+$0x0] =	vst.idx.msk $0xffff, v8  }
0x1e3: {  	v3 =	vadd.f32 v7, v3;
	v5 =	vor.u32 v61, v10;
	[tilespmem:v6+s18+$0x0] =	vst.idx.msk $0xffff, v9  }
0x1e4: {  	v15 =	vadd.s32 $0x6400, v0;
	[tilespmem:v13+s18+$0x0] =	vst.idx.msk $0xffff, v1  }
0x1e5: {  	v39 =	vimm.f32 $0.0e+00;
	v62 =	vadd.s32 $0x6420, v0;
	v1 =	vor.u32 v15, v10;
	[tilespmem:v4+s18+$0x0] =	vst.idx.msk $0xffff, v3  }
0x1e6: {  	v58 =	vadd.s32 $0x6500, v0;
	v16 =	vadd.s32 $0x64A0, v0;
	v3 =	vor.u32 v62, v10;
	v56 =	vld.idx.msk [tilespmem:v25+s15+$0x0], $0xffff  }
0x1e7: {  	v38 =	vimm.f32 $0.0e+00;
	v26 =	vor.u32 v16, v10;
	v13 =	vadd.s32 $0x6460, v0;
	v59 =	vld.idx.msk [tilespmem:v2+s13+$0x0], $0xffff  }
0x1e8: {  	v37 =	vimm.f32 $0.0e+00;
	v12 =	vadd.s32 $0x6440, v0;
	v8 =	vor.u32 v13, v10;
	v4 =	vld.idx.msk [tilespmem:v5+s15+$0x0], $0xffff  }
0x1e9: {  	v36 =	vimm.f32 $0.0e+00;
	v17 =	vadd.s32 $0x64C0, v0;
	v5 =	vor.u32 v12, v10;
	v7 =	vld.idx.msk [tilespmem:v2+s14+$0x0], $0xffff  }
0x1ea: {  	v34 =	vimm.f32 $0.0e+00;
	v18 =	vadd.s32 $0x64E0, v0;
	v55 =	vor.u32 v17, v10;
	v2 =	vld.idx.msk [tilespmem:v1+s15+$0x0], $0xffff  }
0x1eb: {  	v35 =	vimm.f32 $0.0e+00;
	v33 =	vimm.f32 $0.0e+00;
	v42 =	vor.u32 v18, v10;
	v6 =	vld.idx.msk [tilespmem:v3+s15+$0x0], $0xffff  }
0x1ec: {  	s21 =	simm.s32 $0x1;
	v20 =	vimm.f32 $0.0e+00;
	v21 =	vimm.f32 $0.0e+00;
	v40 =	vor.u32 v58, v10;
	v57 =	vld.idx.msk [tilespmem:v26+s15+$0x0], $0xffff  }
0x1ed: {  	v19 =	vimm.f32 $0.0e+00;
	v1 =	vmov s21;
	v43 =	vld.idx.msk [tilespmem:v8+s15+$0x0], $0xffff;
	v3 =	vmul.f32 v4, v59  }
0x1ee: {  	s20 =	simm.s32 $0x2;
	v14 =	vimm.f32 $0.0e+00;
	v41 =	vld.idx.msk [tilespmem:v5+s15+$0x0], $0xffff;
	v5 =	vand.u32 $0x1F, v1;
	v4 =	vmul.f32 v7, v59  }
.LBB2_12:
0x1ef: {  	p0 =	sne.s32 s20, $0x1F;
	v1 =	vbroadcast v5, $0x0;
	v2 =	vmul.f32 v2, v59;
	v5 =	vld.idx.msk [tilespmem:v55+s15+$0x0], $0xffff;
	v14 =	vadd.f32 v3, v14  }
0x1f0: {  	v3 =	vmul.f32 v6, v59;
	v39 =	vadd.f32 v4, v39;
	v4 =	vld.idx.msk [tilespmem:v42+s15+$0x0], $0xffff  }
0x1f1: {  	v6 =	vor.u32 v60, v1;
	v7 =	vor.u32 v15, v1;
	v8 =	vld.idx.msk [tilespmem:v40+s15+$0x0], $0xffff  }
0x1f2: {  	v9 =	vor.u32 v62, v1;
	v10 =	vor.u32 v12, v1;
	v11 =	vor.u32 v61, v1  }
0x1f3: {  	v22 =	vor.u32 v13, v1;
	v23 =	vor.u32 v63, v1;
	v24 =	vor.u32 v16, v1  }
0x1f4: {  	v55 =	vor.u32 v17, v1;
	v42 =	vor.u32 v18, v1;
	v40 =	vor.u32 v58, v1  }
0x1f5: {  	v38 =	vadd.f32 v2, v38;
	v1 =	vmul.f32 v41, v59;
	v2 =	vmul.f32 v43, v59  }
0x1f6: {  	v37 =	vadd.f32 v3, v37;
	v3 =	vmul.f32 v56, v59;
	v41 =	vmul.f32 v57, v59;
	v25 =	vld.idx.msk [tilespmem:v6+s13+$0x0], $0xffff  }
0x1f7: {  	v36 =	vadd.f32 v1, v36;
	v1 =	vmul.f32 v5, v59;
	v4 =	vmul.f32 v4, v59;
	v11 =	vld.idx.msk [tilespmem:v11+s15+$0x0], $0xffff  }
0x1f8: {  	v34 =	vadd.f32 v2, v34;
	v35 =	vadd.f32 v3, v35;
	v3 =	vmul.f32 v8, v59;
	v57 =	vld.idx.msk [tilespmem:v6+s14+$0x0], $0xffff  }
0x1f9: {  	v19 =	vadd.f32 v41, v19;
	v33 =	vadd.f32 v1, v33;
	v2 =	vld.idx.msk [tilespmem:v7+s15+$0x0], $0xffff  }
.Ltmp5:
0x1fa: {  	v20 =	vadd.f32 v4, v20;
	v21 =	vadd.f32 v3, v21;
	v6 =	vld.idx.msk [tilespmem:v9+s15+$0x0], $0xffff;
	(pc) =	sbr.rel @p0 .LBB2_12-.Ltmp5, $4  }
0x1fb: {  	v41 =	vld.idx.msk [tilespmem:v10+s15+$0x0], $0xffff  }
0x1fc: {  	v59 =	vmov v25;
	v43 =	vld.idx.msk [tilespmem:v22+s15+$0x0], $0xffff  }
0x1fd: {  	v1 =	vmov s20;
	v3 =	vmul.f32 v11, v59;
	v56 =	vld.idx.msk [tilespmem:v23+s15+$0x0], $0xffff  }
0x1fe: {  	s20 =	sadd.s32 $0x1, s20;
	v5 =	vand.u32 $0x1F, v1;
	v4 =	vmul.f32 v57, v59;
	v57 =	vld.idx.msk [tilespmem:v24+s15+$0x0], $0xffff  }
0x1ff: {  	_ = 	snop  }
0x200: {  	v1 =	vbroadcast v5, $0x0;
	_ =	sdelay $0x1  }
0x201: {  	v5 =	vor.u32 v60, v1  }
0x202: {  	v8 =	vld.idx.msk [tilespmem:v55+s15+$0x0], $0xffff;
	v7 =	vor.u32 v61, v1  }
0x203: {  	v9 =	vld.idx.msk [tilespmem:v42+s15+$0x0], $0xffff  }
0x204: {  	v11 =	vld.idx.msk [tilespmem:v40+s15+$0x0], $0xffff;
	v10 =	vor.u32 v15, v1  }
0x205: {  	v15 =	vor.u32 v62, v1;
	v62 =	vld [tilespmem:$0x1FEE0]  }
0x206: {  	v3 =	vadd.f32 v3, v14;
	v12 =	vor.u32 v12, v1;
	v14 =	vld.idx.msk [tilespmem:v5+s13+$0x0], $0xffff  }
0x207: {  	v2 =	vmul.f32 v2, v59;
	v6 =	vmul.f32 v6, v59;
	v13 =	vor.u32 v13, v1;
	v7 =	vld.idx.msk [tilespmem:v7+s15+$0x0], $0xffff  }
0x208: {  	v4 =	vadd.f32 v4, v39;
	v23 =	vmul.f32 v41, v59;
	v22 =	vor.u32 v63, v1;
	v5 =	vld.idx.msk [tilespmem:v5+s14+$0x0], $0xffff  }
0x209: {  	v16 =	vor.u32 v16, v1;
	v17 =	vor.u32 v17, v1;
	v18 =	vor.u32 v18, v1;
	v10 =	vld.idx.msk [tilespmem:v10+s15+$0x0], $0xffff  }
0x20a: {  	v2 =	vadd.f32 v2, v38;
	v24 =	vmul.f32 v43, v59;
	v6 =	vadd.f32 v6, v37;
	v15 =	vld.idx.msk [tilespmem:v15+s15+$0x0], $0xffff  }
0x20b: {  	v1 =	vor.u32 v58, v1;
	v25 =	vmul.f32 v56, v59;
	v23 =	vadd.f32 v23, v36;
	v12 =	vld.idx.msk [tilespmem:v12+s15+$0x0], $0xffff  }
0x20c: {  	v61 =	vmul.f32 v57, v59;
	v24 =	vadd.f32 v24, v34;
	v8 =	vmul.f32 v8, v59;
	v13 =	vld.idx.msk [tilespmem:v13+s15+$0x0], $0xffff  }
0x20d: {  	v9 =	vmul.f32 v9, v59;
	v25 =	vadd.f32 v25, v35;
	v11 =	vmul.f32 v11, v59;
	v22 =	vld.idx.msk [tilespmem:v22+s15+$0x0], $0xffff  }
0x20e: {  	v19 =	vadd.f32 v61, v19;
	v8 =	vadd.f32 v8, v33;
	v16 =	vld.idx.msk [tilespmem:v16+s15+$0x0], $0xffff  }
0x20f: {  	v9 =	vadd.f32 v9, v20;
	v11 =	vadd.f32 v11, v21;
	v17 =	vld.idx.msk [tilespmem:v17+s15+$0x0], $0xffff;
	v5 =	vmul.f32 v5, v14  }
0x210: {  	v20 =	vor.u32 $0x500, v62;
	v1 =	vld.idx.msk [tilespmem:v1+s15+$0x0], $0xffff;
	v7 =	vmul.f32 v7, v14;
	v10 =	vmul.f32 v10, v14  }
0x211: {  	v4 =	vadd.f32 v5, v4;
	v5 =	vmul.f32 v15, v14;
	v15 =	vld.idx.msk [tilespmem:v18+s15+$0x0], $0xffff;
	v18 =	vor.u32 $0x501, v62  }
0x212: {  	v63 =	vmul.f32 v12, v14;
	v12 =	vor.u32 $0x502, v62;
	v13 =	vmul.f32 v13, v14  }
0x213: {  	v21 =	vmul.f32 v22, v14;
	v5 =	vadd.f32 v5, v6;
	v6 =	vor.u32 $0x503, v62  }
0x214: {  	v16 =	vmul.f32 v16, v14;
	v22 =	vor.u32 $0x504, v62;
	v2 =	vadd.f32 v10, v2  }
0x215: {  	v17 =	vmul.f32 v17, v14;
	v1 =	vmul.f32 v1, v14;
	[tilespmem:v20+s18+$0x0] =	vst.idx.msk $0xffff, v4;
	v4 =	vor.u32 $0x505, v62  }
0x216: {  	s20 =	simm.s32 $0x0;
	v10 =	vadd.f32 v63, v23;
	v15 =	vmul.f32 v15, v14;
	[tilespmem:v18+s18+$0x0] =	vst.idx.msk $0xffff, v2;
	v2 =	vor.u32 $0x506, v62;
	v14 =	vld [tilespmem:$0x1FF00]  }
0x217: {  	v13 =	vadd.f32 v13, v24;
	[tilespmem:v12+s18+$0x0] =	vst.idx.msk $0xffff, v5;
	v5 =	vor.u32 $0x507, v62;
	v12 =	vmov s20  }
0x218: {  	v18 =	vadd.f32 v21, v25;
	[tilespmem:v6+s18+$0x0] =	vst.idx.msk $0xffff, v10;
	v6 =	vor.u32 $0x508, v62;
	v24 =	vand.u32 $0x1F, v12  }
0x219: {  	v12 =	vadd.f32 v16, v19;
	[tilespmem:v22+s18+$0x0] =	vst.idx.msk $0xffff, v13;
	v13 =	vor.u32 $0x509, v62;
	v10 =	vbroadcast v24, $0x0  }
0x21a: {  	v8 =	vadd.f32 v17, v8;
	v63 =	vadd.s32 $0x7880, v0;
	[tilespmem:v4+s18+$0x0] =	vst.idx.msk $0xffff, v18;
	v4 =	vor.u32 $0x50A, v62  }
0x21b: {  	v9 =	vadd.f32 v15, v9;
	v60 =	vor.u32 $0xC00, v14;
	[tilespmem:v2+s18+$0x0] =	vst.idx.msk $0xffff, v12;
	v25 =	vor.u32 v63, v10  }
0x21c: {  	v61 =	vadd.s32 $0x7920, v0;
	v1 =	vadd.f32 v1, v11;
	v2 =	vor.u32 v60, v10;
	[tilespmem:v5+s18+$0x0] =	vst.idx.msk $0xffff, v8  }
0x21d: {  	v3 =	vadd.f32 v7, v3;
	v5 =	vor.u32 v61, v10;
	[tilespmem:v6+s18+$0x0] =	vst.idx.msk $0xffff, v9  }
0x21e: {  	v15 =	vadd.s32 $0x7800, v0;
	[tilespmem:v13+s18+$0x0] =	vst.idx.msk $0xffff, v1  }
0x21f: {  	v39 =	vimm.f32 $0.0e+00;
	v62 =	vadd.s32 $0x7820, v0;
	v1 =	vor.u32 v15, v10;
	[tilespmem:v4+s18+$0x0] =	vst.idx.msk $0xffff, v3  }
0x220: {  	v58 =	vadd.s32 $0x7900, v0;
	v16 =	vadd.s32 $0x78A0, v0;
	v3 =	vor.u32 v62, v10;
	v56 =	vld.idx.msk [tilespmem:v25+s15+$0x0], $0xffff  }
0x221: {  	v38 =	vimm.f32 $0.0e+00;
	v26 =	vor.u32 v16, v10;
	v13 =	vadd.s32 $0x7860, v0;
	v59 =	vld.idx.msk [tilespmem:v2+s13+$0x0], $0xffff  }
0x222: {  	v37 =	vimm.f32 $0.0e+00;
	v12 =	vadd.s32 $0x7840, v0;
	v8 =	vor.u32 v13, v10;
	v4 =	vld.idx.msk [tilespmem:v5+s15+$0x0], $0xffff  }
0x223: {  	v36 =	vimm.f32 $0.0e+00;
	v17 =	vadd.s32 $0x78C0, v0;
	v5 =	vor.u32 v12, v10;
	v7 =	vld.idx.msk [tilespmem:v2+s14+$0x0], $0xffff  }
0x224: {  	v34 =	vimm.f32 $0.0e+00;
	v18 =	vadd.s32 $0x78E0, v0;
	v55 =	vor.u32 v17, v10;
	v2 =	vld.idx.msk [tilespmem:v1+s15+$0x0], $0xffff  }
0x225: {  	v35 =	vimm.f32 $0.0e+00;
	v33 =	vimm.f32 $0.0e+00;
	v42 =	vor.u32 v18, v10;
	v6 =	vld.idx.msk [tilespmem:v3+s15+$0x0], $0xffff  }
0x226: {  	s21 =	simm.s32 $0x1;
	v20 =	vimm.f32 $0.0e+00;
	v21 =	vimm.f32 $0.0e+00;
	v40 =	vor.u32 v58, v10;
	v57 =	vld.idx.msk [tilespmem:v26+s15+$0x0], $0xffff  }
0x227: {  	v19 =	vimm.f32 $0.0e+00;
	v1 =	vmov s21;
	v43 =	vld.idx.msk [tilespmem:v8+s15+$0x0], $0xffff;
	v3 =	vmul.f32 v4, v59  }
0x228: {  	s20 =	simm.s32 $0x2;
	v14 =	vimm.f32 $0.0e+00;
	v41 =	vld.idx.msk [tilespmem:v5+s15+$0x0], $0xffff;
	v5 =	vand.u32 $0x1F, v1;
	v4 =	vmul.f32 v7, v59  }
.LBB2_14:
0x229: {  	p0 =	sne.s32 s20, $0x1F;
	v1 =	vbroadcast v5, $0x0;
	v2 =	vmul.f32 v2, v59;
	v5 =	vld.idx.msk [tilespmem:v55+s15+$0x0], $0xffff;
	v14 =	vadd.f32 v3, v14  }
0x22a: {  	v3 =	vmul.f32 v6, v59;
	v39 =	vadd.f32 v4, v39;
	v4 =	vld.idx.msk [tilespmem:v42+s15+$0x0], $0xffff  }
0x22b: {  	v6 =	vor.u32 v60, v1;
	v7 =	vor.u32 v15, v1;
	v8 =	vld.idx.msk [tilespmem:v40+s15+$0x0], $0xffff  }
0x22c: {  	v9 =	vor.u32 v62, v1;
	v10 =	vor.u32 v12, v1;
	v11 =	vor.u32 v61, v1  }
0x22d: {  	v22 =	vor.u32 v13, v1;
	v23 =	vor.u32 v63, v1;
	v24 =	vor.u32 v16, v1  }
0x22e: {  	v55 =	vor.u32 v17, v1;
	v42 =	vor.u32 v18, v1;
	v40 =	vor.u32 v58, v1  }
0x22f: {  	v38 =	vadd.f32 v2, v38;
	v1 =	vmul.f32 v41, v59;
	v2 =	vmul.f32 v43, v59  }
0x230: {  	v37 =	vadd.f32 v3, v37;
	v3 =	vmul.f32 v56, v59;
	v41 =	vmul.f32 v57, v59;
	v25 =	vld.idx.msk [tilespmem:v6+s13+$0x0], $0xffff  }
0x231: {  	v36 =	vadd.f32 v1, v36;
	v1 =	vmul.f32 v5, v59;
	v4 =	vmul.f32 v4, v59;
	v11 =	vld.idx.msk [tilespmem:v11+s15+$0x0], $0xffff  }
0x232: {  	v34 =	vadd.f32 v2, v34;
	v35 =	vadd.f32 v3, v35;
	v3 =	vmul.f32 v8, v59;
	v57 =	vld.idx.msk [tilespmem:v6+s14+$0x0], $0xffff  }
0x233: {  	v19 =	vadd.f32 v41, v19;
	v33 =	vadd.f32 v1, v33;
	v2 =	vld.idx.msk [tilespmem:v7+s15+$0x0], $0xffff  }
.Ltmp6:
0x234: {  	v20 =	vadd.f32 v4, v20;
	v21 =	vadd.f32 v3, v21;
	v6 =	vld.idx.msk [tilespmem:v9+s15+$0x0], $0xffff;
	(pc) =	sbr.rel @p0 .LBB2_14-.Ltmp6, $4  }
0x235: {  	v41 =	vld.idx.msk [tilespmem:v10+s15+$0x0], $0xffff  }
0x236: {  	v59 =	vmov v25;
	v43 =	vld.idx.msk [tilespmem:v22+s15+$0x0], $0xffff  }
0x237: {  	v1 =	vmov s20;
	v3 =	vmul.f32 v11, v59;
	v56 =	vld.idx.msk [tilespmem:v23+s15+$0x0], $0xffff  }
0x238: {  	s20 =	sadd.s32 $0x1, s20;
	v5 =	vand.u32 $0x1F, v1;
	v4 =	vmul.f32 v57, v59;
	v57 =	vld.idx.msk [tilespmem:v24+s15+$0x0], $0xffff  }
0x239: {  	_ = 	snop  }
0x23a: {  	v1 =	vbroadcast v5, $0x0;
	_ =	sdelay $0x1  }
0x23b: {  	v5 =	vor.u32 v60, v1  }
0x23c: {  	v8 =	vld.idx.msk [tilespmem:v55+s15+$0x0], $0xffff;
	v7 =	vor.u32 v61, v1  }
0x23d: {  	v9 =	vld.idx.msk [tilespmem:v42+s15+$0x0], $0xffff  }
0x23e: {  	v11 =	vld.idx.msk [tilespmem:v40+s15+$0x0], $0xffff;
	v10 =	vor.u32 v15, v1  }
0x23f: {  	v15 =	vor.u32 v62, v1;
	v62 =	vld [tilespmem:$0x1FEE0]  }
0x240: {  	v3 =	vadd.f32 v3, v14;
	v12 =	vor.u32 v12, v1;
	v14 =	vld.idx.msk [tilespmem:v5+s13+$0x0], $0xffff  }
0x241: {  	v2 =	vmul.f32 v2, v59;
	v6 =	vmul.f32 v6, v59;
	v13 =	vor.u32 v13, v1;
	v7 =	vld.idx.msk [tilespmem:v7+s15+$0x0], $0xffff  }
0x242: {  	v4 =	vadd.f32 v4, v39;
	v23 =	vmul.f32 v41, v59;
	v22 =	vor.u32 v63, v1;
	v5 =	vld.idx.msk [tilespmem:v5+s14+$0x0], $0xffff  }
0x243: {  	v16 =	vor.u32 v16, v1;
	v17 =	vor.u32 v17, v1;
	v18 =	vor.u32 v18, v1;
	v10 =	vld.idx.msk [tilespmem:v10+s15+$0x0], $0xffff  }
0x244: {  	v2 =	vadd.f32 v2, v38;
	v24 =	vmul.f32 v43, v59;
	v6 =	vadd.f32 v6, v37;
	v15 =	vld.idx.msk [tilespmem:v15+s15+$0x0], $0xffff  }
0x245: {  	v1 =	vor.u32 v58, v1;
	v25 =	vmul.f32 v56, v59;
	v23 =	vadd.f32 v23, v36;
	v12 =	vld.idx.msk [tilespmem:v12+s15+$0x0], $0xffff  }
0x246: {  	v61 =	vmul.f32 v57, v59;
	v24 =	vadd.f32 v24, v34;
	v8 =	vmul.f32 v8, v59;
	v13 =	vld.idx.msk [tilespmem:v13+s15+$0x0], $0xffff  }
0x247: {  	v9 =	vmul.f32 v9, v59;
	v25 =	vadd.f32 v25, v35;
	v11 =	vmul.f32 v11, v59;
	v22 =	vld.idx.msk [tilespmem:v22+s15+$0x0], $0xffff  }
0x248: {  	v19 =	vadd.f32 v61, v19;
	v8 =	vadd.f32 v8, v33;
	v16 =	vld.idx.msk [tilespmem:v16+s15+$0x0], $0xffff  }
0x249: {  	v9 =	vadd.f32 v9, v20;
	v11 =	vadd.f32 v11, v21;
	v17 =	vld.idx.msk [tilespmem:v17+s15+$0x0], $0xffff;
	v5 =	vmul.f32 v5, v14  }
0x24a: {  	v20 =	vor.u32 $0x600, v62;
	v1 =	vld.idx.msk [tilespmem:v1+s15+$0x0], $0xffff;
	v7 =	vmul.f32 v7, v14;
	v10 =	vmul.f32 v10, v14  }
0x24b: {  	v4 =	vadd.f32 v5, v4;
	v5 =	vmul.f32 v15, v14;
	v15 =	vld.idx.msk [tilespmem:v18+s15+$0x0], $0xffff;
	v18 =	vor.u32 $0x601, v62  }
0x24c: {  	v63 =	vmul.f32 v12, v14;
	v12 =	vor.u32 $0x602, v62;
	v13 =	vmul.f32 v13, v14  }
0x24d: {  	v21 =	vmul.f32 v22, v14;
	v5 =	vadd.f32 v5, v6;
	v6 =	vor.u32 $0x603, v62  }
0x24e: {  	v16 =	vmul.f32 v16, v14;
	v22 =	vor.u32 $0x604, v62;
	v2 =	vadd.f32 v10, v2  }
0x24f: {  	v17 =	vmul.f32 v17, v14;
	v1 =	vmul.f32 v1, v14;
	[tilespmem:v20+s18+$0x0] =	vst.idx.msk $0xffff, v4;
	v4 =	vor.u32 $0x605, v62  }
0x250: {  	s20 =	simm.s32 $0x0;
	v10 =	vadd.f32 v63, v23;
	v15 =	vmul.f32 v15, v14;
	[tilespmem:v18+s18+$0x0] =	vst.idx.msk $0xffff, v2;
	v2 =	vor.u32 $0x606, v62;
	v14 =	vld [tilespmem:$0x1FF00]  }
0x251: {  	v13 =	vadd.f32 v13, v24;
	[tilespmem:v12+s18+$0x0] =	vst.idx.msk $0xffff, v5;
	v5 =	vor.u32 $0x607, v62;
	v12 =	vmov s20  }
0x252: {  	v18 =	vadd.f32 v21, v25;
	[tilespmem:v6+s18+$0x0] =	vst.idx.msk $0xffff, v10;
	v6 =	vor.u32 $0x608, v62;
	v24 =	vand.u32 $0x1F, v12  }
0x253: {  	v12 =	vadd.f32 v16, v19;
	[tilespmem:v22+s18+$0x0] =	vst.idx.msk $0xffff, v13;
	v13 =	vor.u32 $0x609, v62;
	v10 =	vbroadcast v24, $0x0  }
0x254: {  	v8 =	vadd.f32 v17, v8;
	v16 =	vadd.s32 $0x8CA0, v0;
	[tilespmem:v4+s18+$0x0] =	vst.idx.msk $0xffff, v18;
	v4 =	vor.u32 $0x60A, v62  }
0x255: {  	v9 =	vadd.f32 v15, v9;
	v59 =	vor.u32 $0xE00, v14;
	[tilespmem:v2+s18+$0x0] =	vst.idx.msk $0xffff, v12;
	v26 =	vor.u32 v16, v10  }
0x256: {  	v60 =	vadd.s32 $0x8D20, v0;
	v1 =	vadd.f32 v1, v11;
	v2 =	vor.u32 v59, v10;
	[tilespmem:v5+s18+$0x0] =	vst.idx.msk $0xffff, v8  }
0x257: {  	v3 =	vadd.f32 v7, v3;
	v5 =	vor.u32 v60, v10;
	[tilespmem:v6+s18+$0x0] =	vst.idx.msk $0xffff, v9  }
0x258: {  	v14 =	vadd.s32 $0x8C00, v0;
	[tilespmem:v13+s18+$0x0] =	vst.idx.msk $0xffff, v1  }
0x259: {  	v39 =	vimm.f32 $0.0e+00;
	v61 =	vadd.s32 $0x8C20, v0;
	v1 =	vor.u32 v14, v10;
	[tilespmem:v4+s18+$0x0] =	vst.idx.msk $0xffff, v3  }
0x25a: {  	v38 =	vimm.f32 $0.0e+00;
	v12 =	vadd.s32 $0x8C60, v0;
	v3 =	vor.u32 v61, v10;
	v57 =	vld.idx.msk [tilespmem:v26+s15+$0x0], $0xffff  }
0x25b: {  	v37 =	vimm.f32 $0.0e+00;
	v8 =	vor.u32 v12, v10;
	v13 =	vadd.s32 $0x8C80, v0;
	v58 =	vld.idx.msk [tilespmem:v2+s13+$0x0], $0xffff  }
0x25c: {  	v36 =	vimm.f32 $0.0e+00;
	v62 =	vadd.s32 $0x8C40, v0;
	v25 =	vor.u32 v13, v10;
	v4 =	vld.idx.msk [tilespmem:v5+s15+$0x0], $0xffff  }
0x25d: {  	v34 =	vimm.f32 $0.0e+00;
	v15 =	vadd.s32 $0x8CC0, v0;
	v5 =	vor.u32 v62, v10;
	v7 =	vld.idx.msk [tilespmem:v2+s14+$0x0], $0xffff  }
0x25e: {  	v35 =	vimm.f32 $0.0e+00;
	v17 =	vadd.s32 $0x8CE0, v0;
	v56 =	vor.u32 v15, v10;
	v2 =	vld.idx.msk [tilespmem:v1+s15+$0x0], $0xffff  }
0x25f: {  	v33 =	vimm.f32 $0.0e+00;
	v18 =	vadd.s32 $0x8D00, v0;
	v42 =	vor.u32 v17, v10;
	v6 =	vld.idx.msk [tilespmem:v3+s15+$0x0], $0xffff  }
0x260: {  	s21 =	simm.s32 $0x1;
	v63 =	vimm.f32 $0.0e+00;
	v20 =	vimm.f32 $0.0e+00;
	v40 =	vor.u32 v18, v10;
	v43 =	vld.idx.msk [tilespmem:v8+s15+$0x0], $0xffff  }
0x261: {  	v21 =	vimm.f32 $0.0e+00;
	v1 =	vmov s21;
	v55 =	vld.idx.msk [tilespmem:v25+s15+$0x0], $0xffff;
	v3 =	vmul.f32 v4, v58  }
0x262: {  	s20 =	simm.s32 $0x2;
	v19 =	vimm.f32 $0.0e+00;
	v41 =	vld.idx.msk [tilespmem:v5+s15+$0x0], $0xffff;
	v5 =	vand.u32 $0x1F, v1;
	v4 =	vmul.f32 v7, v58  }
.LBB2_16:
0x263: {  	p0 =	sne.s32 s20, $0x1F;
	v1 =	vbroadcast v5, $0x0;
	v2 =	vmul.f32 v2, v58;
	v5 =	vld.idx.msk [tilespmem:v56+s15+$0x0], $0xffff;
	v63 =	vadd.f32 v3, v63  }
0x264: {  	v3 =	vmul.f32 v6, v58;
	v39 =	vadd.f32 v4, v39;
	v4 =	vld.idx.msk [tilespmem:v42+s15+$0x0], $0xffff  }
0x265: {  	v6 =	vor.u32 v59, v1;
	v7 =	vor.u32 v14, v1;
	v8 =	vld.idx.msk [tilespmem:v40+s15+$0x0], $0xffff  }
0x266: {  	v9 =	vor.u32 v61, v1;
	v10 =	vor.u32 v62, v1;
	v11 =	vor.u32 v60, v1  }
0x267: {  	v22 =	vor.u32 v12, v1;
	v23 =	vor.u32 v13, v1;
	v24 =	vor.u32 v16, v1  }
0x268: {  	v56 =	vor.u32 v15, v1;
	v42 =	vor.u32 v17, v1;
	v40 =	vor.u32 v18, v1  }
0x269: {  	v38 =	vadd.f32 v2, v38;
	v1 =	vmul.f32 v41, v58;
	v2 =	vmul.f32 v43, v58  }
0x26a: {  	v37 =	vadd.f32 v3, v37;
	v3 =	vmul.f32 v55, v58;
	v41 =	vmul.f32 v57, v58;
	v25 =	vld.idx.msk [tilespmem:v6+s13+$0x0], $0xffff  }
0x26b: {  	v36 =	vadd.f32 v1, v36;
	v1 =	vmul.f32 v5, v58;
	v4 =	vmul.f32 v4, v58;
	v11 =	vld.idx.msk [tilespmem:v11+s15+$0x0], $0xffff  }
0x26c: {  	v33 =	vadd.f32 v2, v33;
	v34 =	vadd.f32 v3, v34;
	v3 =	vmul.f32 v8, v58;
	v57 =	vld.idx.msk [tilespmem:v6+s14+$0x0], $0xffff  }
0x26d: {  	v20 =	vadd.f32 v41, v20;
	v35 =	vadd.f32 v1, v35;
	v2 =	vld.idx.msk [tilespmem:v7+s15+$0x0], $0xffff  }
.Ltmp7:
0x26e: {  	v21 =	vadd.f32 v4, v21;
	v19 =	vadd.f32 v3, v19;
	v6 =	vld.idx.msk [tilespmem:v9+s15+$0x0], $0xffff;
	(pc) =	sbr.rel @p0 .LBB2_16-.Ltmp7, $4  }
0x26f: {  	v41 =	vld.idx.msk [tilespmem:v10+s15+$0x0], $0xffff  }
0x270: {  	v58 =	vmov v25;
	v43 =	vld.idx.msk [tilespmem:v22+s15+$0x0], $0xffff  }
0x271: {  	v1 =	vmov s20;
	v3 =	vmul.f32 v11, v58;
	v55 =	vld.idx.msk [tilespmem:v23+s15+$0x0], $0xffff  }
0x272: {  	s20 =	sadd.s32 $0x1, s20;
	v5 =	vand.u32 $0x1F, v1;
	v4 =	vmul.f32 v57, v58;
	v57 =	vld.idx.msk [tilespmem:v24+s15+$0x0], $0xffff  }
0x273: {  	_ = 	snop  }
0x274: {  	v1 =	vbroadcast v5, $0x0;
	_ =	sdelay $0x1  }
0x275: {  	v5 =	vor.u32 v59, v1  }
0x276: {  	v8 =	vld.idx.msk [tilespmem:v56+s15+$0x0], $0xffff;
	v7 =	vor.u32 v60, v1  }
0x277: {  	v9 =	vld.idx.msk [tilespmem:v42+s15+$0x0], $0xffff  }
0x278: {  	v11 =	vld.idx.msk [tilespmem:v40+s15+$0x0], $0xffff;
	v10 =	vor.u32 v14, v1  }
0x279: {  	v2 =	vmul.f32 v2, v58;
	v42 =	vor.u32 v61, v1;
	v56 =	vmul.f32 v57, v58;
	v57 =	vld [tilespmem:$0x1FEE0]  }
0x27a: {  	v3 =	vadd.f32 v3, v63;
	v6 =	vmul.f32 v6, v58;
	v22 =	vor.u32 v62, v1;
	v23 =	vld.idx.msk [tilespmem:v5+s13+$0x0], $0xffff  }
0x27b: {  	v4 =	vadd.f32 v4, v39;
	v44 =	vmul.f32 v41, v58;
	v12 =	vor.u32 v12, v1;
	v7 =	vld.idx.msk [tilespmem:v7+s15+$0x0], $0xffff  }
0x27c: {  	v13 =	vor.u32 v13, v1;
	v16 =	vor.u32 v16, v1;
	v15 =	vor.u32 v15, v1;
	v5 =	vld.idx.msk [tilespmem:v5+s14+$0x0], $0xffff  }
0x27d: {  	v17 =	vor.u32 v17, v1;
	v1 =	vor.u32 v18, v1;
	v24 =	vmul.f32 v43, v58;
	v10 =	vld.idx.msk [tilespmem:v10+s15+$0x0], $0xffff  }
0x27e: {  	v2 =	vadd.f32 v2, v38;
	v6 =	vadd.f32 v6, v37;
	v25 =	vmul.f32 v55, v58;
	v14 =	vld.idx.msk [tilespmem:v42+s15+$0x0], $0xffff  }
0x27f: {  	v18 =	vadd.f32 v44, v36;
	v24 =	vadd.f32 v24, v33;
	v8 =	vmul.f32 v8, v58;
	v22 =	vld.idx.msk [tilespmem:v22+s15+$0x0], $0xffff  }
0x280: {  	v9 =	vmul.f32 v9, v58;
	v25 =	vadd.f32 v25, v34;
	v11 =	vmul.f32 v11, v58;
	v12 =	vld.idx.msk [tilespmem:v12+s15+$0x0], $0xffff  }
0x281: {  	v20 =	vadd.f32 v56, v20;
	v8 =	vadd.f32 v8, v35;
	v13 =	vld.idx.msk [tilespmem:v13+s15+$0x0], $0xffff;
	v58 =	vor.u32 $0x700, v57  }
0x282: {  	v9 =	vadd.f32 v9, v21;
	v16 =	vld.idx.msk [tilespmem:v16+s15+$0x0], $0xffff;
	v21 =	vor.u32 $0x701, v57;
	v5 =	vmul.f32 v5, v23  }
0x283: {  	v11 =	vadd.f32 v11, v19;
	v15 =	vld.idx.msk [tilespmem:v15+s15+$0x0], $0xffff;
	v59 =	vor.u32 $0x702, v57;
	v10 =	vmul.f32 v10, v23  }
0x284: {  	v60 =	vld.idx.msk [tilespmem:v17+s15+$0x0], $0xffff;
	v61 =	vor.u32 $0x703, v57;
	v4 =	vadd.f32 v5, v4;
	v5 =	vmul.f32 v14, v23  }
0x285: {  	v1 =	vld.idx.msk [tilespmem:v1+s15+$0x0], $0xffff;
	v2 =	vadd.f32 v10, v2;
	v10 =	vmul.f32 v22, v23;
	v22 =	vor.u32 $0x704, v57  }
0x286: {  	v12 =	vmul.f32 v12, v23;
	v5 =	vadd.f32 v5, v6;
	[tilespmem:v58+s18+$0x0] =	vst.idx.msk $0xffff, v4;
	v4 =	vor.u32 $0x705, v57  }
0x287: {  	v6 =	vmul.f32 v13, v23;
	v10 =	vadd.f32 v10, v18;
	[tilespmem:v21+s18+$0x0] =	vst.idx.msk $0xffff, v2;
	v2 =	vor.u32 $0x706, v57  }
0x288: {  	v62 =	vmul.f32 v16, v23;
	v12 =	vadd.f32 v12, v24;
	[tilespmem:v59+s18+$0x0] =	vst.idx.msk $0xffff, v5;
	v5 =	vor.u32 $0x707, v57  }
0x289: {  	v15 =	vmul.f32 v15, v23;
	v6 =	vadd.f32 v6, v25;
	[tilespmem:v61+s18+$0x0] =	vst.idx.msk $0xffff, v10;
	v10 =	vor.u32 $0x708, v57  }
0x28a: {  	v63 =	vor.u32 $0x709, v57;
	v14 =	vmul.f32 v60, v23;
	v13 =	vadd.f32 v62, v20;
	[tilespmem:v22+s18+$0x0] =	vst.idx.msk $0xffff, v12  }
0x28b: {  	v1 =	vmul.f32 v1, v23;
	v8 =	vadd.f32 v15, v8;
	[tilespmem:v4+s18+$0x0] =	vst.idx.msk $0xffff, v6;
	v4 =	vor.u32 $0x70A, v57  }
0x28c: {  	v6 =	vmul.f32 v7, v23;
	v7 =	vadd.f32 v14, v9;
	[tilespmem:v2+s18+$0x0] =	vst.idx.msk $0xffff, v13  }
0x28d: {  	v1 =	vadd.f32 v1, v11;
	[tilespmem:v5+s18+$0x0] =	vst.idx.msk $0xffff, v8  }
0x28e: {  	v2 =	vadd.f32 v6, v3;
	[tilespmem:v10+s18+$0x0] =	vst.idx.msk $0xffff, v7  }
0x28f: {  	[tilespmem:v63+s18+$0x0] =	vst.idx.msk $0xffff, v1  }
0x290: {  	[tilespmem:v4+s18+$0x0] =	vst.idx.msk $0xffff, v2  }
0x291: {  	[hbm4b:s8+s2] =	stream.linear.scatter [tilespmem:s18], [sflag:$0x2], $0x800, $0x38;
	[tilespmem:$0xCE00] =	vst v63  }
0x292: {  	_ =	swait.ge [sflag:s10], $0x800  }
0x293: {  	v8 =	vld [tilespmem:$0x1FF00]  }
0x294: {  	v9 =	vld [tilespmem:$0x1FF10]  }
0x295: {  	v10 =	vld [tilespmem:$0x1FF20]  }
0x296: {  	s19 =	sadd.s32 $0x1, s19;
	v11 =	vld [tilespmem:$0x1FF30]  }
0x297: {  	p0 =	sne.s32 s19, s9;
	v22 =	vld [tilespmem:$0x1FF40]  }
.Ltmp8:
0x298: {  	v23 =	vld [tilespmem:$0x1FF50];
	(pc) =	sbr.rel @p0 .LBB2_1-.Ltmp8, $4  }
0x299: {  	v24 =	vld [tilespmem:$0x1FF60]  }
0x29a: {  	v25 =	vld [tilespmem:$0x1FF70]  }
0x29b: {  	[sflag:s10] =	ssyncset.done $0x0;
	v7 =	vld [tilespmem:$0x1FF80]  }
0x29c: {  	v3 =	vld [tilespmem:$0x1FFF0];
	[sflag:s10] =	ssyncadd.s32 $0xFFFFF800  }
0x29d: {  	_ =	sfence.sel $0x180000  }
0x29e: {  	[bflag:$0x0] =	sbarrier.arrive $0xFFFF  }
0x29f: {  	_ =	strace $0x90000047  }
0x2a0: {  	s0 =	stileid.u32;
	[bflag:$0x2] =	sbarrier.arrive $0xFFFF  }
0x2a1: {  	p0 =	sne.s32 s0, $0x0;
	s0 =	rddreg [dreg:$0x4]  }
0x2a2: {  	s0 =	sadd.s32 @!p0 $0x100000, s0  }
0x2a3: {  	[sflag:s0] =	ssyncadd.tile.s32 @!p0 $0x1;
	_ =	shalt  }
.Lfunc_end2:
_tile_overlayer_lowered:
.L_overlay_start_2:
0x2a4: {  	(tag) =	ssettag $0x2  }
0x2a5: {  	s0 =	rddreg [dreg:$0x0];
	s2 =	stileid.u32  }
0x2a6: {  	s1 =	rddreg [dreg:$0x1];
	p0 =	sne.s32 s2, $0x0  }
0x2a7: {  	s3 =	rddreg [dreg:$0x2];
	[bflag:$0x3] =	sbarrier.arrive $0xFFFF;
	s2 =	simm.s32 @!p0 $0x1C02  }
0x2a8: {  	[timem:s3], [sflag:s2] =	dma.local @!p0 [hbm:s0], s1  }
0x2a9: {  	s0 =	simm.s32 @!p0 $0x2  }
0x2aa: {  	_ =	swait.ge @!p0 [sflag:s0], s1  }
0x2ab: {  	s1 =	ssub.s32 @!p0 $0x0, s1;
	[sflag:s0] =	ssyncset.done @!p0 $0x0  }
0x2ac: {  	[sflag:s0] =	ssyncadd.s32 @!p0 s1  }
0x2ad: {  	[bflag:$0x3] =	sbarrier.arrive $0xFFFF  }
0x2ae: {  	_ =	shalt  }

</sc_bundles>
